<compile_context>
chip_gen: v7x
topology: tpu7x:2x2x1
jax: 0.10.2.dev20260603
libtpu: 0.0.44.dev20260713+nightly
codegen_flags: <defaults>
</compile_context>

<pallas_src>
import functools

import jax
import jax.numpy as jnp
from jax import lax
from jax.experimental import pallas as pl
from jax.experimental.pallas import tpu as pltpu
from jax.experimental.pallas import tpu_sc as plsc

B = 16384
L = 20
N = 20
D = 64
VOCAB = 1000000
WIDE = 128
LANES = 16
NC = 2
NS = 16
NW = NC * NS

ROWS_PER_W = B // NW
CHUNK = 8
NCHUNK = ROWS_PER_W // CHUNK
IDX_PER_CHUNK = CHUNK * L
IDX_PER_W = ROWS_PER_W * L
PART = N * LANES
STREAMS = ((0, 128), (128, 32))

TC_BLOCK = 256
DEPAD_ROWS = 8000


def _depad_body(in_ref, out_ref):
    out_ref[:, 0:D] = in_ref[...]


def _depad(table):
    return pl.pallas_call(
        _depad_body,
        grid=(VOCAB // DEPAD_ROWS,),
        in_specs=[pl.BlockSpec((DEPAD_ROWS, D), lambda i: (i, 0))],
        out_specs=pl.BlockSpec((DEPAD_ROWS, WIDE), lambda i: (i, 0)),
        out_shape=jax.ShapeDtypeStruct((VOCAB, WIDE), jnp.float32),
    )(table)


def _cbow_sc_body(cw_hbm, neg_hbm, ctx_hbm, cen_hbm, out_hbm,
                  idx_all_c, idx_all_n, ctx_rows, neg_rows, dot_bufs,
                  sems_c, sems_n, sems_o):
    wid = lax.axis_index("s") * NC + lax.axis_index("c")
    ibase = wid * IDX_PER_W

    pltpu.sync_copy(cw_hbm.at[pl.ds(ibase, IDX_PER_W)], idx_all_c)
    pltpu.sync_copy(neg_hbm.at[pl.ds(ibase, IDX_PER_W)], idx_all_n)

    def gathers(c, p):
        descs = []
        for off, ln in STREAMS:
            src = c * IDX_PER_CHUNK + off
            descs.append(pltpu.make_async_copy(
                ctx_hbm.at[idx_all_c.at[pl.ds(src, ln)]],
                ctx_rows[p].at[pl.ds(off, ln)], sems_c[p]))
            descs.append(pltpu.make_async_copy(
                cen_hbm.at[idx_all_n.at[pl.ds(src, ln)]],
                neg_rows[p].at[pl.ds(off, ln)], sems_n[p]))
        return descs

    def out_desc(c, p):
        row0 = wid * ROWS_PER_W + c * CHUNK
        return pltpu.make_async_copy(
            dot_bufs[p], out_hbm.at[pl.ds(row0 * PART, CHUNK * PART)],
            sems_o[p])

    for p in (0, 1):
        for d in gathers(p, p):
            d.start()

    def pair_body(cc, carry):
        for p in (0, 1):
            c = 2 * cc + p
            for d in gathers(c, p):
                d.wait()

            @pl.when(c >= 2)
            def _():
                out_desc(c, p).wait()

            def row_body(i, carry2):
                base = i * L
                v = []
                for q in range(D // LANES):
                    sl = pl.ds(q * LANES, LANES)
                    acc = ctx_rows[p][base, sl]
                    for j in range(1, L):
                        acc = acc + ctx_rows[p][base + j, sl]
                    v.append(acc)
                for n in range(N):
                    sl = pl.ds(0, LANES)
                    acc = v[0] * neg_rows[p][base + n, sl]
                    for q in range(1, D // LANES):
                        sl = pl.ds(q * LANES, LANES)
                        acc = acc + v[q] * neg_rows[p][base + n, sl]
                    dot_bufs[p][pl.ds(i * PART + n * LANES, LANES)] = acc
                return carry2

            lax.fori_loop(0, CHUNK, row_body, 0)
            out_desc(c, p).start()

            @pl.when(c + 2 < NCHUNK)
            def _():
                for d in gathers(c + 2, p):
                    d.start()
        return carry

    lax.fori_loop(0, NCHUNK // 2, pair_body, 0)

    for p in (0, 1):
        out_desc(NCHUNK - 2 + p, p).wait()


def _reduce_tc_body(part_ref, mask_ref, out_ref):
    j = lax.broadcasted_iota(jnp.int32, (PART, N), 0)
    n = lax.broadcasted_iota(jnp.int32, (PART, N), 1)
    fold = jnp.where(j // LANES == n, 1.0, 0.0).astype(jnp.float32)
    red = jnp.dot(part_ref[...], fold, preferred_element_type=jnp.float32)
    out_ref[...] = red / mask_ref[...]


def kernel(center_words, context_negatives, mask_c, context_table, center_table):
    cw = center_words.astype(jnp.int32).reshape(B * L)
    neg = context_negatives.astype(jnp.int32).reshape(B * N)

    mesh = plsc.VectorSubcoreMesh(core_axis_name="c", subcore_axis_name="s")
    sc_run = functools.partial(
        pl.kernel,
        mesh=mesh,
        out_type=jax.ShapeDtypeStruct((B * PART,), jnp.float32),
        scratch_types=[
            pltpu.VMEM((IDX_PER_W,), jnp.int32),
            pltpu.VMEM((IDX_PER_W,), jnp.int32),
            [pltpu.VMEM((IDX_PER_CHUNK, WIDE), jnp.float32) for _ in range(2)],
            [pltpu.VMEM((IDX_PER_CHUNK, WIDE), jnp.float32) for _ in range(2)],
            [pltpu.VMEM((CHUNK * PART,), jnp.float32) for _ in range(2)],
            [pltpu.SemaphoreType.DMA for _ in range(2)],
            [pltpu.SemaphoreType.DMA for _ in range(2)],
            [pltpu.SemaphoreType.DMA for _ in range(2)],
        ],
        compiler_params=pltpu.CompilerParams(use_tc_tiling_on_sc=True),
    )(_cbow_sc_body)
    part = sc_run(cw, neg, _depad(context_table), _depad(center_table))

    out = pl.pallas_call(
        _reduce_tc_body,
        grid=(B // TC_BLOCK,),
        in_specs=[
            pl.BlockSpec((TC_BLOCK, PART), lambda i: (i, 0)),
            pl.BlockSpec((TC_BLOCK, 1), lambda i: (i, 0)),
        ],
        out_specs=pl.BlockSpec((TC_BLOCK, N), lambda i: (i, 0)),
        out_shape=jax.ShapeDtypeStruct((B, N), jnp.float32),
    )(part.reshape(B, PART), mask_c.reshape(B, 1))
    return out.reshape(B, 1, N)

# --- scband reference (transcript-rebuilt; emitter-appended) ---
"""Pipeline reference for scband-cbowmodel-50173807952712 (READ-ONLY COPY).

The authoritative reference and input builder live on the scoring server;
editing this copy changes nothing except your own understanding.
"""

import jax, jax.numpy as jnp
import numpy as np

VOCAB = 1000000
DIM = 64
B = 16384
L = 20  # context window length
N = 20  # negatives count


def setup_inputs(seed: int = 0) -> dict:
    key = jax.random.key(seed)
    k1, k2, k3, k4 = jax.random.split(key, 4)
    bound = 1.0 / np.sqrt(DIM)
    context_table = jax.random.uniform(k1, (VOCAB, DIM), minval=-bound, maxval=bound, dtype=jnp.float32)
    context_table = context_table.at[0].set(0.0)  # padding_idx=0
    center_table = jax.random.uniform(k2, (VOCAB, DIM), minval=-bound, maxval=bound, dtype=jnp.float32)
    center_table = center_table.at[0].set(0.0)  # padding_idx=0
    center_words = jax.random.randint(k3, (B, L), 0, VOCAB)
    context_negatives = jax.random.randint(k4, (B, N), 0, VOCAB)
    mask_c = jnp.ones((B,), dtype=jnp.float32)
    return {
        "center_words": center_words,
        "context_negatives": context_negatives,
        "mask_c": mask_c,
        "context_table": context_table,
        "center_table": center_table,
    }


def reference(center_words, context_negatives, mask_c, context_table, center_table):
    # v_context = self.context_embeddings(center_words)
    v_context = jnp.take(context_table, center_words, axis=0)  # [B, L, D]
    # torch.sum(v_context, dim=1) / mask_c.unsqueeze(1)
    v_context = jnp.sum(v_context, axis=1) / mask_c[:, None]  # [B, D]
    # u_center = self.center_embeddings(context_negatives)
    u_center = jnp.take(center_table, context_negatives, axis=0)  # [B, N, D]
    # torch.bmm(v_context.unsqueeze(1), u_center.transpose(1, 2)) -> [B, 1, N]
    return jnp.matmul(v_context[:, None, :], jnp.swapaxes(u_center, 1, 2))

if __name__ == "__main__":
    import jax
    _d = setup_inputs()
    print(jax.jit(kernel)(*tuple(_d.values())))

</pallas_src>

<mosaic_0001>
#map = affine_map<(d0, d1) -> (0)>
#map1 = affine_map<(d0, d1) -> (0, 0)>
module attributes {stable_mosaic.version = 14 : i64} {
  func.func @_cbow_sc_body(%arg0: i32, %arg1: i32, %arg2: memref<327680xi32, #tpu.memory_space<hbm>>, %arg3: memref<327680xi32, #tpu.memory_space<hbm>>, %arg4: memref<1000000x128xf32, #tpu.memory_space<hbm>>, %arg5: memref<1000000x128xf32, #tpu.memory_space<hbm>>, %arg6: memref<5242880xf32, #tpu.memory_space<hbm>>, %arg7: memref<10240xi32, #tpu.memory_space<vmem>>, %arg8: memref<10240xi32, #tpu.memory_space<vmem>>, %arg9: memref<160x128xf32, #tpu.memory_space<vmem>>, %arg10: memref<160x128xf32, #tpu.memory_space<vmem>>, %arg11: memref<160x128xf32, #tpu.memory_space<vmem>>, %arg12: memref<160x128xf32, #tpu.memory_space<vmem>>, %arg13: memref<2560xf32, #tpu.memory_space<vmem>>, %arg14: memref<2560xf32, #tpu.memory_space<vmem>>, %arg15: memref<!tpu.dma_semaphore, #tpu.memory_space<semaphore_mem>>, %arg16: memref<!tpu.dma_semaphore, #tpu.memory_space<semaphore_mem>>, %arg17: memref<!tpu.dma_semaphore, #tpu.memory_space<semaphore_mem>>, %arg18: memref<!tpu.dma_semaphore, #tpu.memory_space<semaphore_mem>>, %arg19: memref<!tpu.dma_semaphore, #tpu.memory_space<semaphore_mem>>, %arg20: memref<!tpu.dma_semaphore, #tpu.memory_space<semaphore_mem>>) attributes {dimension_semantics = [#tpu.dimension_semantics<core_parallel>, #tpu.dimension_semantics<subcore_parallel>], iteration_bounds = array<i64: 2, 16>, scalar_prefetch = 0 : i64, scratch_operands = 14 : i64, tpu.core_type = #tpu.core_type<sc_vector_subcore>, window_params = [{transform_indices = #map}, {transform_indices = #map}, {transform_indices = #map1}, {transform_indices = #map1}, {transform_indices = #map}]} {
    %mul3A = arith.constant 2 : i32
    %mul3A_0 = arith.muli %arg1, %mul3A : i32
    %add3A = arith.addi %mul3A_0, %arg0 : i32
    %mul3A_1 = arith.constant 10240 : i32
    %mul3A_2 = arith.muli %add3A, %mul3A_1 : i32
    "tpu.region"() ({
      %run_scoped3A = tpu.sem_alloc : memref<!tpu.dma_semaphore, #tpu.memory_space<semaphore_mem>>
      %dma_start3A_86 = tpu.memref_slice %arg2[%mul3A_2] : memref<327680xi32, #tpu.memory_space<hbm>> -> memref<10240xi32, #tpu.memory_space<hbm>>
      %dma_start3A_87 = tpu.memref_slice %arg2[%mul3A_2] : memref<327680xi32, #tpu.memory_space<hbm>> -> memref<10240xi32, #tpu.memory_space<hbm>>
      tpu.enqueue_dma source(%dma_start3A_87 : memref<10240xi32, #tpu.memory_space<hbm>>) target(%arg7 : memref<10240xi32, #tpu.memory_space<vmem>>) target_semaphore(%run_scoped3A : memref<!tpu.dma_semaphore, #tpu.memory_space<semaphore_mem>>)
      %dma_wait3A_88 = tpu.memref_slice %arg2[%mul3A_2] : memref<327680xi32, #tpu.memory_space<hbm>> -> memref<10240xi32, #tpu.memory_space<hbm>>
      %dma_wait3A_89 = tpu.memref_slice %arg2[%mul3A_2] : memref<327680xi32, #tpu.memory_space<hbm>> -> memref<10240xi32, #tpu.memory_space<hbm>>
      tpu.wait_dma2 semaphore(%run_scoped3A : memref<!tpu.dma_semaphore, #tpu.memory_space<semaphore_mem>>) src(%dma_wait3A_89 : memref<10240xi32, #tpu.memory_space<hbm>>) dst(%arg7 : memref<10240xi32, #tpu.memory_space<vmem>>)
      tpu.yield
    }) : () -> ()
    "tpu.region"() ({
      %run_scoped3A = tpu.sem_alloc : memref<!tpu.dma_semaphore, #tpu.memory_space<semaphore_mem>>
      %dma_start3A_86 = tpu.memref_slice %arg3[%mul3A_2] : memref<327680xi32, #tpu.memory_space<hbm>> -> memref<10240xi32, #tpu.memory_space<hbm>>
      %dma_start3A_87 = tpu.memref_slice %arg3[%mul3A_2] : memref<327680xi32, #tpu.memory_space<hbm>> -> memref<10240xi32, #tpu.memory_space<hbm>>
      tpu.enqueue_dma source(%dma_start3A_87 : memref<10240xi32, #tpu.memory_space<hbm>>) target(%arg8 : memref<10240xi32, #tpu.memory_space<vmem>>) target_semaphore(%run_scoped3A : memref<!tpu.dma_semaphore, #tpu.memory_space<semaphore_mem>>)
      %dma_wait3A_88 = tpu.memref_slice %arg3[%mul3A_2] : memref<327680xi32, #tpu.memory_space<hbm>> -> memref<10240xi32, #tpu.memory_space<hbm>>
      %dma_wait3A_89 = tpu.memref_slice %arg3[%mul3A_2] : memref<327680xi32, #tpu.memory_space<hbm>> -> memref<10240xi32, #tpu.memory_space<hbm>>
      tpu.wait_dma2 semaphore(%run_scoped3A : memref<!tpu.dma_semaphore, #tpu.memory_space<semaphore_mem>>) src(%dma_wait3A_89 : memref<10240xi32, #tpu.memory_space<hbm>>) dst(%arg8 : memref<10240xi32, #tpu.memory_space<vmem>>)
      tpu.yield
    }) : () -> ()
    %dma_start3A = arith.constant 0 : i32
    %dma_start3A_3 = arith.constant 0 : i32
    %dma_start3A_4 = tpu.memref_slice %arg9[%dma_start3A, %dma_start3A_3] : memref<160x128xf32, #tpu.memory_space<vmem>> -> memref<128x128xf32, #tpu.memory_space<vmem>>
    %dma_start3A_5 = arith.constant 0 : i32
    %dma_start3A_6 = tpu.memref_slice %arg7[%dma_start3A_5] : memref<10240xi32, #tpu.memory_space<vmem>> -> memref<128xi32, #tpu.memory_space<vmem>>
    %dma_start3A_7 = arith.constant 0 : i32
    %dma_start3A_8 = arith.constant 0 : i32
    %dma_start3A_9 = tpu.memref_slice %arg4[%dma_start3A_7, %dma_start3A_8] : memref<1000000x128xf32, #tpu.memory_space<hbm>> -> memref<1000000x128xf32, #tpu.memory_space<hbm>>
    tpu.enqueue_indirect_dma source(%dma_start3A_9 : memref<1000000x128xf32, #tpu.memory_space<hbm>>) target(%dma_start3A_4 : memref<128x128xf32, #tpu.memory_space<vmem>>) offsets(%dma_start3A_6 : memref<128xi32, #tpu.memory_space<vmem>>) semaphore(%arg15 : memref<!tpu.dma_semaphore, #tpu.memory_space<semaphore_mem>>)
    %dma_start3A_10 = arith.constant 0 : i32
    %dma_start3A_11 = arith.constant 0 : i32
    %dma_start3A_12 = tpu.memref_slice %arg11[%dma_start3A_10, %dma_start3A_11] : memref<160x128xf32, #tpu.memory_space<vmem>> -> memref<128x128xf32, #tpu.memory_space<vmem>>
    %dma_start3A_13 = arith.constant 0 : i32
    %dma_start3A_14 = tpu.memref_slice %arg8[%dma_start3A_13] : memref<10240xi32, #tpu.memory_space<vmem>> -> memref<128xi32, #tpu.memory_space<vmem>>
    %dma_start3A_15 = arith.constant 0 : i32
    %dma_start3A_16 = arith.constant 0 : i32
    %dma_start3A_17 = tpu.memref_slice %arg5[%dma_start3A_15, %dma_start3A_16] : memref<1000000x128xf32, #tpu.memory_space<hbm>> -> memref<1000000x128xf32, #tpu.memory_space<hbm>>
    tpu.enqueue_indirect_dma source(%dma_start3A_17 : memref<1000000x128xf32, #tpu.memory_space<hbm>>) target(%dma_start3A_12 : memref<128x128xf32, #tpu.memory_space<vmem>>) offsets(%dma_start3A_14 : memref<128xi32, #tpu.memory_space<vmem>>) semaphore(%arg17 : memref<!tpu.dma_semaphore, #tpu.memory_space<semaphore_mem>>)
    %dma_start3A_18 = arith.constant 128 : i32
    %dma_start3A_19 = arith.constant 0 : i32
    %dma_start3A_20 = tpu.memref_slice %arg9[%dma_start3A_18, %dma_start3A_19] : memref<160x128xf32, #tpu.memory_space<vmem>> -> memref<32x128xf32, #tpu.memory_space<vmem>>
    %dma_start3A_21 = arith.constant 128 : i32
    %dma_start3A_22 = tpu.memref_slice %arg7[%dma_start3A_21] : memref<10240xi32, #tpu.memory_space<vmem>> -> memref<32xi32, #tpu.memory_space<vmem>>
    %dma_start3A_23 = arith.constant 0 : i32
    %dma_start3A_24 = arith.constant 0 : i32
    %dma_start3A_25 = tpu.memref_slice %arg4[%dma_start3A_23, %dma_start3A_24] : memref<1000000x128xf32, #tpu.memory_space<hbm>> -> memref<1000000x128xf32, #tpu.memory_space<hbm>>
    tpu.enqueue_indirect_dma source(%dma_start3A_25 : memref<1000000x128xf32, #tpu.memory_space<hbm>>) target(%dma_start3A_20 : memref<32x128xf32, #tpu.memory_space<vmem>>) offsets(%dma_start3A_22 : memref<32xi32, #tpu.memory_space<vmem>>) semaphore(%arg15 : memref<!tpu.dma_semaphore, #tpu.memory_space<semaphore_mem>>)
    %dma_start3A_26 = arith.constant 128 : i32
    %dma_start3A_27 = arith.constant 0 : i32
    %dma_start3A_28 = tpu.memref_slice %arg11[%dma_start3A_26, %dma_start3A_27] : memref<160x128xf32, #tpu.memory_space<vmem>> -> memref<32x128xf32, #tpu.memory_space<vmem>>
    %dma_start3A_29 = arith.constant 128 : i32
    %dma_start3A_30 = tpu.memref_slice %arg8[%dma_start3A_29] : memref<10240xi32, #tpu.memory_space<vmem>> -> memref<32xi32, #tpu.memory_space<vmem>>
    %dma_start3A_31 = arith.constant 0 : i32
    %dma_start3A_32 = arith.constant 0 : i32
    %dma_start3A_33 = tpu.memref_slice %arg5[%dma_start3A_31, %dma_start3A_32] : memref<1000000x128xf32, #tpu.memory_space<hbm>> -> memref<1000000x128xf32, #tpu.memory_space<hbm>>
    tpu.enqueue_indirect_dma source(%dma_start3A_33 : memref<1000000x128xf32, #tpu.memory_space<hbm>>) target(%dma_start3A_28 : memref<32x128xf32, #tpu.memory_space<vmem>>) offsets(%dma_start3A_30 : memref<32xi32, #tpu.memory_space<vmem>>) semaphore(%arg17 : memref<!tpu.dma_semaphore, #tpu.memory_space<semaphore_mem>>)
    %dma_start3A_34 = arith.constant 0 : i32
    %dma_start3A_35 = arith.constant 0 : i32
    %dma_start3A_36 = tpu.memref_slice %arg10[%dma_start3A_34, %dma_start3A_35] : memref<160x128xf32, #tpu.memory_space<vmem>> -> memref<128x128xf32, #tpu.memory_space<vmem>>
    %dma_start3A_37 = arith.constant 160 : i32
    %dma_start3A_38 = tpu.memref_slice %arg7[%dma_start3A_37] : memref<10240xi32, #tpu.memory_space<vmem>> -> memref<128xi32, #tpu.memory_space<vmem>>
    %dma_start3A_39 = arith.constant 0 : i32
    %dma_start3A_40 = arith.constant 0 : i32
    %dma_start3A_41 = tpu.memref_slice %arg4[%dma_start3A_39, %dma_start3A_40] : memref<1000000x128xf32, #tpu.memory_space<hbm>> -> memref<1000000x128xf32, #tpu.memory_space<hbm>>
    tpu.enqueue_indirect_dma source(%dma_start3A_41 : memref<1000000x128xf32, #tpu.memory_space<hbm>>) target(%dma_start3A_36 : memref<128x128xf32, #tpu.memory_space<vmem>>) offsets(%dma_start3A_38 : memref<128xi32, #tpu.memory_space<vmem>>) semaphore(%arg16 : memref<!tpu.dma_semaphore, #tpu.memory_space<semaphore_mem>>)
    %dma_start3A_42 = arith.constant 0 : i32
    %dma_start3A_43 = arith.constant 0 : i32
    %dma_start3A_44 = tpu.memref_slice %arg12[%dma_start3A_42, %dma_start3A_43] : memref<160x128xf32, #tpu.memory_space<vmem>> -> memref<128x128xf32, #tpu.memory_space<vmem>>
    %dma_start3A_45 = arith.constant 160 : i32
    %dma_start3A_46 = tpu.memref_slice %arg8[%dma_start3A_45] : memref<10240xi32, #tpu.memory_space<vmem>> -> memref<128xi32, #tpu.memory_space<vmem>>
    %dma_start3A_47 = arith.constant 0 : i32
    %dma_start3A_48 = arith.constant 0 : i32
    %dma_start3A_49 = tpu.memref_slice %arg5[%dma_start3A_47, %dma_start3A_48] : memref<1000000x128xf32, #tpu.memory_space<hbm>> -> memref<1000000x128xf32, #tpu.memory_space<hbm>>
    tpu.enqueue_indirect_dma source(%dma_start3A_49 : memref<1000000x128xf32, #tpu.memory_space<hbm>>) target(%dma_start3A_44 : memref<128x128xf32, #tpu.memory_space<vmem>>) offsets(%dma_start3A_46 : memref<128xi32, #tpu.memory_space<vmem>>) semaphore(%arg18 : memref<!tpu.dma_semaphore, #tpu.memory_space<semaphore_mem>>)
    %dma_start3A_50 = arith.constant 128 : i32
    %dma_start3A_51 = arith.constant 0 : i32
    %dma_start3A_52 = tpu.memref_slice %arg10[%dma_start3A_50, %dma_start3A_51] : memref<160x128xf32, #tpu.memory_space<vmem>> -> memref<32x128xf32, #tpu.memory_space<vmem>>
    %dma_start3A_53 = arith.constant 288 : i32
    %dma_start3A_54 = tpu.memref_slice %arg7[%dma_start3A_53] : memref<10240xi32, #tpu.memory_space<vmem>> -> memref<32xi32, #tpu.memory_space<vmem>>
    %dma_start3A_55 = arith.constant 0 : i32
    %dma_start3A_56 = arith.constant 0 : i32
    %dma_start3A_57 = tpu.memref_slice %arg4[%dma_start3A_55, %dma_start3A_56] : memref<1000000x128xf32, #tpu.memory_space<hbm>> -> memref<1000000x128xf32, #tpu.memory_space<hbm>>
    tpu.enqueue_indirect_dma source(%dma_start3A_57 : memref<1000000x128xf32, #tpu.memory_space<hbm>>) target(%dma_start3A_52 : memref<32x128xf32, #tpu.memory_space<vmem>>) offsets(%dma_start3A_54 : memref<32xi32, #tpu.memory_space<vmem>>) semaphore(%arg16 : memref<!tpu.dma_semaphore, #tpu.memory_space<semaphore_mem>>)
    %dma_start3A_58 = arith.constant 128 : i32
    %dma_start3A_59 = arith.constant 0 : i32
    %dma_start3A_60 = tpu.memref_slice %arg12[%dma_start3A_58, %dma_start3A_59] : memref<160x128xf32, #tpu.memory_space<vmem>> -> memref<32x128xf32, #tpu.memory_space<vmem>>
    %dma_start3A_61 = arith.constant 288 : i32
    %dma_start3A_62 = tpu.memref_slice %arg8[%dma_start3A_61] : memref<10240xi32, #tpu.memory_space<vmem>> -> memref<32xi32, #tpu.memory_space<vmem>>
    %dma_start3A_63 = arith.constant 0 : i32
    %dma_start3A_64 = arith.constant 0 : i32
    %dma_start3A_65 = tpu.memref_slice %arg5[%dma_start3A_63, %dma_start3A_64] : memref<1000000x128xf32, #tpu.memory_space<hbm>> -> memref<1000000x128xf32, #tpu.memory_space<hbm>>
    tpu.enqueue_indirect_dma source(%dma_start3A_65 : memref<1000000x128xf32, #tpu.memory_space<hbm>>) target(%dma_start3A_60 : memref<32x128xf32, #tpu.memory_space<vmem>>) offsets(%dma_start3A_62 : memref<32xi32, #tpu.memory_space<vmem>>) semaphore(%arg18 : memref<!tpu.dma_semaphore, #tpu.memory_space<semaphore_mem>>)
    %scan3A = arith.constant 0 : i32
    %scan3A_66 = arith.constant 0 : i32
    %scan3A_67 = arith.constant 32 : i32
    %scan3A_68 = arith.addi %scan3A_66, %scan3A_67 : i32
    %scan3A_69 = arith.constant 1 : i32
    scf.for %scan3A_86 = %scan3A_66 to %scan3A_68 step %scan3A_69  : i32 {
      %mul3A_87 = arith.constant 2 : i32
      %mul3A_88 = arith.muli %mul3A_87, %scan3A_86 : i32
      %add3A_89 = arith.constant 0 : i32
      %add3A_90 = arith.addi %mul3A_88, %add3A_89 : i32
      %mul3A_91 = arith.constant 160 : i32
      %mul3A_92 = arith.muli %add3A_90, %mul3A_91 : i32
      %add3A_93 = arith.constant 0 : i32
      %add3A_94 = arith.addi %mul3A_92, %add3A_93 : i32
      %mul3A_95 = arith.constant 160 : i32
      %mul3A_96 = arith.muli %add3A_90, %mul3A_95 : i32
      %add3A_97 = arith.constant 128 : i32
      %add3A_98 = arith.addi %mul3A_96, %add3A_97 : i32
      %dma_wait3A_99 = arith.constant 0 : i32
      %dma_wait3A_100 = arith.constant 0 : i32
      %dma_wait3A_101 = tpu.memref_slice %arg9[%dma_wait3A_99, %dma_wait3A_100] : memref<160x128xf32, #tpu.memory_space<vmem>> -> memref<128x128xf32, #tpu.memory_space<vmem>>
      %dma_wait3A_102 = tpu.memref_slice %arg7[%add3A_94] : memref<10240xi32, #tpu.memory_space<vmem>> -> memref<128xi32, #tpu.memory_space<vmem>>
      %dma_wait3A_103 = arith.constant 0 : i32
      %dma_wait3A_104 = arith.constant 0 : i32
      %dma_wait3A_105 = tpu.memref_slice %arg4[%dma_wait3A_103, %dma_wait3A_104] : memref<1000000x128xf32, #tpu.memory_space<hbm>> -> memref<1000000x128xf32, #tpu.memory_space<hbm>>
      tpu.wait_indirect_dma semaphore(%arg15 : memref<!tpu.dma_semaphore, #tpu.memory_space<semaphore_mem>>) src(%dma_wait3A_105 : memref<1000000x128xf32, #tpu.memory_space<hbm>>) dst(%dma_wait3A_101 : memref<128x128xf32, #tpu.memory_space<vmem>>)
      %dma_wait3A_106 = arith.constant 0 : i32
      %dma_wait3A_107 = arith.constant 0 : i32
      %dma_wait3A_108 = tpu.memref_slice %arg11[%dma_wait3A_106, %dma_wait3A_107] : memref<160x128xf32, #tpu.memory_space<vmem>> -> memref<128x128xf32, #tpu.memory_space<vmem>>
      %dma_wait3A_109 = tpu.memref_slice %arg8[%add3A_94] : memref<10240xi32, #tpu.memory_space<vmem>> -> memref<128xi32, #tpu.memory_space<vmem>>
      %dma_wait3A_110 = arith.constant 0 : i32
      %dma_wait3A_111 = arith.constant 0 : i32
      %dma_wait3A_112 = tpu.memref_slice %arg5[%dma_wait3A_110, %dma_wait3A_111] : memref<1000000x128xf32, #tpu.memory_space<hbm>> -> memref<1000000x128xf32, #tpu.memory_space<hbm>>
      tpu.wait_indirect_dma semaphore(%arg17 : memref<!tpu.dma_semaphore, #tpu.memory_space<semaphore_mem>>) src(%dma_wait3A_112 : memref<1000000x128xf32, #tpu.memory_space<hbm>>) dst(%dma_wait3A_108 : memref<128x128xf32, #tpu.memory_space<vmem>>)
      %dma_wait3A_113 = arith.constant 128 : i32
      %dma_wait3A_114 = arith.constant 0 : i32
      %dma_wait3A_115 = tpu.memref_slice %arg9[%dma_wait3A_113, %dma_wait3A_114] : memref<160x128xf32, #tpu.memory_space<vmem>> -> memref<32x128xf32, #tpu.memory_space<vmem>>
      %dma_wait3A_116 = tpu.memref_slice %arg7[%add3A_98] : memref<10240xi32, #tpu.memory_space<vmem>> -> memref<32xi32, #tpu.memory_space<vmem>>
      %dma_wait3A_117 = arith.constant 0 : i32
      %dma_wait3A_118 = arith.constant 0 : i32
      %dma_wait3A_119 = tpu.memref_slice %arg4[%dma_wait3A_117, %dma_wait3A_118] : memref<1000000x128xf32, #tpu.memory_space<hbm>> -> memref<1000000x128xf32, #tpu.memory_space<hbm>>
      tpu.wait_indirect_dma semaphore(%arg15 : memref<!tpu.dma_semaphore, #tpu.memory_space<semaphore_mem>>) src(%dma_wait3A_119 : memref<1000000x128xf32, #tpu.memory_space<hbm>>) dst(%dma_wait3A_115 : memref<32x128xf32, #tpu.memory_space<vmem>>)
      %dma_wait3A_120 = arith.constant 128 : i32
      %dma_wait3A_121 = arith.constant 0 : i32
      %dma_wait3A_122 = tpu.memref_slice %arg11[%dma_wait3A_120, %dma_wait3A_121] : memref<160x128xf32, #tpu.memory_space<vmem>> -> memref<32x128xf32, #tpu.memory_space<vmem>>
      %dma_wait3A_123 = tpu.memref_slice %arg8[%add3A_98] : memref<10240xi32, #tpu.memory_space<vmem>> -> memref<32xi32, #tpu.memory_space<vmem>>
      %dma_wait3A_124 = arith.constant 0 : i32
      %dma_wait3A_125 = arith.constant 0 : i32
      %dma_wait3A_126 = tpu.memref_slice %arg5[%dma_wait3A_124, %dma_wait3A_125] : memref<1000000x128xf32, #tpu.memory_space<hbm>> -> memref<1000000x128xf32, #tpu.memory_space<hbm>>
      tpu.wait_indirect_dma semaphore(%arg17 : memref<!tpu.dma_semaphore, #tpu.memory_space<semaphore_mem>>) src(%dma_wait3A_126 : memref<1000000x128xf32, #tpu.memory_space<hbm>>) dst(%dma_wait3A_122 : memref<32x128xf32, #tpu.memory_space<vmem>>)
      %ge3A = arith.constant 2 : i32
      %ge3A_127 = arith.cmpi sge, %add3A_90, %ge3A : i32
      %convert_element_type3A = arith.extui %ge3A_127 : i1 to i32
      %cond3A = arith.constant 0 : i32
      %cond3A_128 = arith.cmpi ne, %convert_element_type3A, %cond3A : i32
      scf.if %cond3A_128 {
        %mul3A_217 = arith.constant 512 : i32
        %mul3A_218 = arith.muli %add3A, %mul3A_217 : i32
        %mul3A_219 = arith.constant 8 : i32
        %mul3A_220 = arith.muli %add3A_90, %mul3A_219 : i32
        %add3A_221 = arith.addi %mul3A_218, %mul3A_220 : i32
        %mul3A_222 = arith.constant 320 : i32
        %mul3A_223 = arith.muli %add3A_221, %mul3A_222 : i32
        %dma_wait3A_224 = tpu.memref_slice %arg6[%mul3A_223] : memref<5242880xf32, #tpu.memory_space<hbm>> -> memref<2560xf32, #tpu.memory_space<hbm>>
        %dma_wait3A_225 = tpu.memref_slice %arg6[%mul3A_223] : memref<5242880xf32, #tpu.memory_space<hbm>> -> memref<2560xf32, #tpu.memory_space<hbm>>
        tpu.wait_dma2 semaphore(%arg19 : memref<!tpu.dma_semaphore, #tpu.memory_space<semaphore_mem>>) src(%arg13 : memref<2560xf32, #tpu.memory_space<vmem>>) dst(%dma_wait3A_225 : memref<2560xf32, #tpu.memory_space<hbm>>)
      } else {
      }
      %scan3A_129 = arith.constant 0 : i32
      %scan3A_130 = arith.constant 0 : i32
      %scan3A_131 = arith.constant 8 : i32
      %scan3A_132 = arith.addi %scan3A_130, %scan3A_131 : i32
      %scan3A_133 = arith.constant 1 : i32
      scf.for %scan3A_217 = %scan3A_130 to %scan3A_132 step %scan3A_133  : i32 {
        %mul3A_218 = arith.constant 20 : i32
        %mul3A_219 = arith.muli %scan3A_217, %mul3A_218 : i32
        %get3A = arith.index_cast %mul3A_219 : i32 to index
        %get3A_220 = arith.constant 0 : index
        %get3A_221 = tpu.vector_load %arg9[%get3A, %get3A_220] {strides = array<i32>} : memref<160x128xf32, #tpu.memory_space<vmem>>, vector<1x16xf32>,
        %get3A_222 = vector.shape_cast %get3A_221 : vector<1x16xf32> to vector<16xf32>
        %add3A_223 = arith.constant 1 : i32
        %add3A_224 = arith.addi %mul3A_219, %add3A_223 : i32
        %get3A_225 = arith.index_cast %add3A_224 : i32 to index
        %get3A_226 = arith.constant 0 : index
        %get3A_227 = tpu.vector_load %arg9[%get3A_225, %get3A_226] {strides = array<i32>} : memref<160x128xf32, #tpu.memory_space<vmem>>, vector<1x16xf32>,
        %get3A_228 = vector.shape_cast %get3A_227 : vector<1x16xf32> to vector<16xf32>
        %add3A_229 = arith.addf %get3A_222, %get3A_228 : vector<16xf32>
        %add3A_230 = arith.constant 2 : i32
        %add3A_231 = arith.addi %mul3A_219, %add3A_230 : i32
        %get3A_232 = arith.index_cast %add3A_231 : i32 to index
        %get3A_233 = arith.constant 0 : index
        %get3A_234 = tpu.vector_load %arg9[%get3A_232, %get3A_233] {strides = array<i32>} : memref<160x128xf32, #tpu.memory_space<vmem>>, vector<1x16xf32>,
        %get3A_235 = vector.shape_cast %get3A_234 : vector<1x16xf32> to vector<16xf32>
        %add3A_236 = arith.addf %add3A_229, %get3A_235 : vector<16xf32>
        %add3A_237 = arith.constant 3 : i32
        %add3A_238 = arith.addi %mul3A_219, %add3A_237 : i32
        %get3A_239 = arith.index_cast %add3A_238 : i32 to index
        %get3A_240 = arith.constant 0 : index
        %get3A_241 = tpu.vector_load %arg9[%get3A_239, %get3A_240] {strides = array<i32>} : memref<160x128xf32, #tpu.memory_space<vmem>>, vector<1x16xf32>,
        %get3A_242 = vector.shape_cast %get3A_241 : vector<1x16xf32> to vector<16xf32>
        %add3A_243 = arith.addf %add3A_236, %get3A_242 : vector<16xf32>
        %add3A_244 = arith.constant 4 : i32
        %add3A_245 = arith.addi %mul3A_219, %add3A_244 : i32
        %get3A_246 = arith.index_cast %add3A_245 : i32 to index
        %get3A_247 = arith.constant 0 : index
        %get3A_248 = tpu.vector_load %arg9[%get3A_246, %get3A_247] {strides = array<i32>} : memref<160x128xf32, #tpu.memory_space<vmem>>, vector<1x16xf32>,
        %get3A_249 = vector.shape_cast %get3A_248 : vector<1x16xf32> to vector<16xf32>
        %add3A_250 = arith.addf %add3A_243, %get3A_249 : vector<16xf32>
        %add3A_251 = arith.constant 5 : i32
        %add3A_252 = arith.addi %mul3A_219, %add3A_251 : i32
        %get3A_253 = arith.index_cast %add3A_252 : i32 to index
        %get3A_254 = arith.constant 0 : index
        %get3A_255 = tpu.vector_load %arg9[%get3A_253, %get3A_254] {strides = array<i32>} : memref<160x128xf32, #tpu.memory_space<vmem>>, vector<1x16xf32>,
        %get3A_256 = vector.shape_cast %get3A_255 : vector<1x16xf32> to vector<16xf32>
        %add3A_257 = arith.addf %add3A_250, %get3A_256 : vector<16xf32>
        %add3A_258 = arith.constant 6 : i32
        %add3A_259 = arith.addi %mul3A_219, %add3A_258 : i32
        %get3A_260 = arith.index_cast %add3A_259 : i32 to index
        %get3A_261 = arith.constant 0 : index
        %get3A_262 = tpu.vector_load %arg9[%get3A_260, %get3A_261] {strides = array<i32>} : memref<160x128xf32, #tpu.memory_space<vmem>>, vector<1x16xf32>,
        %get3A_263 = vector.shape_cast %get3A_262 : vector<1x16xf32> to vector<16xf32>
        %add3A_264 = arith.addf %add3A_257, %get3A_263 : vector<16xf32>
        %add3A_265 = arith.constant 7 : i32
        %add3A_266 = arith.addi %mul3A_219, %add3A_265 : i32
        %get3A_267 = arith.index_cast %add3A_266 : i32 to index
        %get3A_268 = arith.constant 0 : index
        %get3A_269 = tpu.vector_load %arg9[%get3A_267, %get3A_268] {strides = array<i32>} : memref<160x128xf32, #tpu.memory_space<vmem>>, vector<1x16xf32>,
        %get3A_270 = vector.shape_cast %get3A_269 : vector<1x16xf32> to vector<16xf32>
        %add3A_271 = arith.addf %add3A_264, %get3A_270 : vector<16xf32>
        %add3A_272 = arith.constant 8 : i32
        %add3A_273 = arith.addi %mul3A_219, %add3A_272 : i32
        %get3A_274 = arith.index_cast %add3A_273 : i32 to index
        %get3A_275 = arith.constant 0 : index
        %get3A_276 = tpu.vector_load %arg9[%get3A_274, %get3A_275] {strides = array<i32>} : memref<160x128xf32, #tpu.memory_space<vmem>>, vector<1x16xf32>,
        %get3A_277 = vector.shape_cast %get3A_276 : vector<1x16xf32> to vector<16xf32>
        %add3A_278 = arith.addf %add3A_271, %get3A_277 : vector<16xf32>
        %add3A_279 = arith.constant 9 : i32
        %add3A_280 = arith.addi %mul3A_219, %add3A_279 : i32
        %get3A_281 = arith.index_cast %add3A_280 : i32 to index
        %get3A_282 = arith.constant 0 : index
        %get3A_283 = tpu.vector_load %arg9[%get3A_281, %get3A_282] {strides = array<i32>} : memref<160x128xf32, #tpu.memory_space<vmem>>, vector<1x16xf32>,
        %get3A_284 = vector.shape_cast %get3A_283 : vector<1x16xf32> to vector<16xf32>
        %add3A_285 = arith.addf %add3A_278, %get3A_284 : vector<16xf32>
        %add3A_286 = arith.constant 10 : i32
        %add3A_287 = arith.addi %mul3A_219, %add3A_286 : i32
        %get3A_288 = arith.index_cast %add3A_287 : i32 to index
        %get3A_289 = arith.constant 0 : index
        %get3A_290 = tpu.vector_load %arg9[%get3A_288, %get3A_289] {strides = array<i32>} : memref<160x128xf32, #tpu.memory_space<vmem>>, vector<1x16xf32>,
        %get3A_291 = vector.shape_cast %get3A_290 : vector<1x16xf32> to vector<16xf32>
        %add3A_292 = arith.addf %add3A_285, %get3A_291 : vector<16xf32>
        %add3A_293 = arith.constant 11 : i32
        %add3A_294 = arith.addi %mul3A_219, %add3A_293 : i32
        %get3A_295 = arith.index_cast %add3A_294 : i32 to index
        %get3A_296 = arith.constant 0 : index
        %get3A_297 = tpu.vector_load %arg9[%get3A_295, %get3A_296] {strides = array<i32>} : memref<160x128xf32, #tpu.memory_space<vmem>>, vector<1x16xf32>,
        %get3A_298 = vector.shape_cast %get3A_297 : vector<1x16xf32> to vector<16xf32>
        %add3A_299 = arith.addf %add3A_292, %get3A_298 : vector<16xf32>
        %add3A_300 = arith.constant 12 : i32
        %add3A_301 = arith.addi %mul3A_219, %add3A_300 : i32
        %get3A_302 = arith.index_cast %add3A_301 : i32 to index
        %get3A_303 = arith.constant 0 : index
        %get3A_304 = tpu.vector_load %arg9[%get3A_302, %get3A_303] {strides = array<i32>} : memref<160x128xf32, #tpu.memory_space<vmem>>, vector<1x16xf32>,
        %get3A_305 = vector.shape_cast %get3A_304 : vector<1x16xf32> to vector<16xf32>
        %add3A_306 = arith.addf %add3A_299, %get3A_305 : vector<16xf32>
        %add3A_307 = arith.constant 13 : i32
        %add3A_308 = arith.addi %mul3A_219, %add3A_307 : i32
        %get3A_309 = arith.index_cast %add3A_308 : i32 to index
        %get3A_310 = arith.constant 0 : index
        %get3A_311 = tpu.vector_load %arg9[%get3A_309, %get3A_310] {strides = array<i32>} : memref<160x128xf32, #tpu.memory_space<vmem>>, vector<1x16xf32>,
        %get3A_312 = vector.shape_cast %get3A_311 : vector<1x16xf32> to vector<16xf32>
        %add3A_313 = arith.addf %add3A_306, %get3A_312 : vector<16xf32>
        %add3A_314 = arith.constant 14 : i32
        %add3A_315 = arith.addi %mul3A_219, %add3A_314 : i32
        %get3A_316 = arith.index_cast %add3A_315 : i32 to index
        %get3A_317 = arith.constant 0 : index
        %get3A_318 = tpu.vector_load %arg9[%get3A_316, %get3A_317] {strides = array<i32>} : memref<160x128xf32, #tpu.memory_space<vmem>>, vector<1x16xf32>,
        %get3A_319 = vector.shape_cast %get3A_318 : vector<1x16xf32> to vector<16xf32>
        %add3A_320 = arith.addf %add3A_313, %get3A_319 : vector<16xf32>
        %add3A_321 = arith.constant 15 : i32
        %add3A_322 = arith.addi %mul3A_219, %add3A_321 : i32
        %get3A_323 = arith.index_cast %add3A_322 : i32 to index
        %get3A_324 = arith.constant 0 : index
        %get3A_325 = tpu.vector_load %arg9[%get3A_323, %get3A_324] {strides = array<i32>} : memref<160x128xf32, #tpu.memory_space<vmem>>, vector<1x16xf32>,
        %get3A_326 = vector.shape_cast %get3A_325 : vector<1x16xf32> to vector<16xf32>
        %add3A_327 = arith.addf %add3A_320, %get3A_326 : vector<16xf32>
        %add3A_328 = arith.constant 16 : i32
        %add3A_329 = arith.addi %mul3A_219, %add3A_328 : i32
        %get3A_330 = arith.index_cast %add3A_329 : i32 to index
        %get3A_331 = arith.constant 0 : index
        %get3A_332 = tpu.vector_load %arg9[%get3A_330, %get3A_331] {strides = array<i32>} : memref<160x128xf32, #tpu.memory_space<vmem>>, vector<1x16xf32>,
        %get3A_333 = vector.shape_cast %get3A_332 : vector<1x16xf32> to vector<16xf32>
        %add3A_334 = arith.addf %add3A_327, %get3A_333 : vector<16xf32>
        %add3A_335 = arith.constant 17 : i32
        %add3A_336 = arith.addi %mul3A_219, %add3A_335 : i32
        %get3A_337 = arith.index_cast %add3A_336 : i32 to index
        %get3A_338 = arith.constant 0 : index
        %get3A_339 = tpu.vector_load %arg9[%get3A_337, %get3A_338] {strides = array<i32>} : memref<160x128xf32, #tpu.memory_space<vmem>>, vector<1x16xf32>,
        %get3A_340 = vector.shape_cast %get3A_339 : vector<1x16xf32> to vector<16xf32>
        %add3A_341 = arith.addf %add3A_334, %get3A_340 : vector<16xf32>
        %add3A_342 = arith.constant 18 : i32
        %add3A_343 = arith.addi %mul3A_219, %add3A_342 : i32
        %get3A_344 = arith.index_cast %add3A_343 : i32 to index
        %get3A_345 = arith.constant 0 : index
        %get3A_346 = tpu.vector_load %arg9[%get3A_344, %get3A_345] {strides = array<i32>} : memref<160x128xf32, #tpu.memory_space<vmem>>, vector<1x16xf32>,
        %get3A_347 = vector.shape_cast %get3A_346 : vector<1x16xf32> to vector<16xf32>
        %add3A_348 = arith.addf %add3A_341, %get3A_347 : vector<16xf32>
        %add3A_349 = arith.constant 19 : i32
        %add3A_350 = arith.addi %mul3A_219, %add3A_349 : i32
        %get3A_351 = arith.index_cast %add3A_350 : i32 to index
        %get3A_352 = arith.constant 0 : index
        %get3A_353 = tpu.vector_load %arg9[%get3A_351, %get3A_352] {strides = array<i32>} : memref<160x128xf32, #tpu.memory_space<vmem>>, vector<1x16xf32>,
        %get3A_354 = vector.shape_cast %get3A_353 : vector<1x16xf32> to vector<16xf32>
        %add3A_355 = arith.addf %add3A_348, %get3A_354 : vector<16xf32>
        %get3A_356 = arith.index_cast %mul3A_219 : i32 to index
        %get3A_357 = arith.constant 16 : index
        %get3A_358 = tpu.vector_load %arg9[%get3A_356, %get3A_357] {strides = array<i32>} : memref<160x128xf32, #tpu.memory_space<vmem>>, vector<1x16xf32>,
        %get3A_359 = vector.shape_cast %get3A_358 : vector<1x16xf32> to vector<16xf32>
        %add3A_360 = arith.constant 1 : i32
        %add3A_361 = arith.addi %mul3A_219, %add3A_360 : i32
        %get3A_362 = arith.index_cast %add3A_361 : i32 to index
        %get3A_363 = arith.constant 16 : index
        %get3A_364 = tpu.vector_load %arg9[%get3A_362, %get3A_363] {strides = array<i32>} : memref<160x128xf32, #tpu.memory_space<vmem>>, vector<1x16xf32>,
        %get3A_365 = vector.shape_cast %get3A_364 : vector<1x16xf32> to vector<16xf32>
        %add3A_366 = arith.addf %get3A_359, %get3A_365 : vector<16xf32>
        %add3A_367 = arith.constant 2 : i32
        %add3A_368 = arith.addi %mul3A_219, %add3A_367 : i32
        %get3A_369 = arith.index_cast %add3A_368 : i32 to index
        %get3A_370 = arith.constant 16 : index
        %get3A_371 = tpu.vector_load %arg9[%get3A_369, %get3A_370] {strides = array<i32>} : memref<160x128xf32, #tpu.memory_space<vmem>>, vector<1x16xf32>,
        %get3A_372 = vector.shape_cast %get3A_371 : vector<1x16xf32> to vector<16xf32>
        %add3A_373 = arith.addf %add3A_366, %get3A_372 : vector<16xf32>
        %add3A_374 = arith.constant 3 : i32
        %add3A_375 = arith.addi %mul3A_219, %add3A_374 : i32
        %get3A_376 = arith.index_cast %add3A_375 : i32 to index
        %get3A_377 = arith.constant 16 : index
        %get3A_378 = tpu.vector_load %arg9[%get3A_376, %get3A_377] {strides = array<i32>} : memref<160x128xf32, #tpu.memory_space<vmem>>, vector<1x16xf32>,
        %get3A_379 = vector.shape_cast %get3A_378 : vector<1x16xf32> to vector<16xf32>
        %add3A_380 = arith.addf %add3A_373, %get3A_379 : vector<16xf32>
        %add3A_381 = arith.constant 4 : i32
        %add3A_382 = arith.addi %mul3A_219, %add3A_381 : i32
        %get3A_383 = arith.index_cast %add3A_382 : i32 to index
        %get3A_384 = arith.constant 16 : index
        %get3A_385 = tpu.vector_load %arg9[%get3A_383, %get3A_384] {strides = array<i32>} : memref<160x128xf32, #tpu.memory_space<vmem>>, vector<1x16xf32>,
        %get3A_386 = vector.shape_cast %get3A_385 : vector<1x16xf32> to vector<16xf32>
        %add3A_387 = arith.addf %add3A_380, %get3A_386 : vector<16xf32>
        %add3A_388 = arith.constant 5 : i32
        %add3A_389 = arith.addi %mul3A_219, %add3A_388 : i32
        %get3A_390 = arith.index_cast %add3A_389 : i32 to index
        %get3A_391 = arith.constant 16 : index
        %get3A_392 = tpu.vector_load %arg9[%get3A_390, %get3A_391] {strides = array<i32>} : memref<160x128xf32, #tpu.memory_space<vmem>>, vector<1x16xf32>,
        %get3A_393 = vector.shape_cast %get3A_392 : vector<1x16xf32> to vector<16xf32>
        %add3A_394 = arith.addf %add3A_387, %get3A_393 : vector<16xf32>
        %add3A_395 = arith.constant 6 : i32
        %add3A_396 = arith.addi %mul3A_219, %add3A_395 : i32
        %get3A_397 = arith.index_cast %add3A_396 : i32 to index
        %get3A_398 = arith.constant 16 : index
        %get3A_399 = tpu.vector_load %arg9[%get3A_397, %get3A_398] {strides = array<i32>} : memref<160x128xf32, #tpu.memory_space<vmem>>, vector<1x16xf32>,
        %get3A_400 = vector.shape_cast %get3A_399 : vector<1x16xf32> to vector<16xf32>
        %add3A_401 = arith.addf %add3A_394, %get3A_400 : vector<16xf32>
        %add3A_402 = arith.constant 7 : i32
        %add3A_403 = arith.addi %mul3A_219, %add3A_402 : i32
        %get3A_404 = arith.index_cast %add3A_403 : i32 to index
        %get3A_405 = arith.constant 16 : index
        %get3A_406 = tpu.vector_load %arg9[%get3A_404, %get3A_405] {strides = array<i32>} : memref<160x128xf32, #tpu.memory_space<vmem>>, vector<1x16xf32>,
        %get3A_407 = vector.shape_cast %get3A_406 : vector<1x16xf32> to vector<16xf32>
        %add3A_408 = arith.addf %add3A_401, %get3A_407 : vector<16xf32>
        %add3A_409 = arith.constant 8 : i32
        %add3A_410 = arith.addi %mul3A_219, %add3A_409 : i32
        %get3A_411 = arith.index_cast %add3A_410 : i32 to index
        %get3A_412 = arith.constant 16 : index
        %get3A_413 = tpu.vector_load %arg9[%get3A_411, %get3A_412] {strides = array<i32>} : memref<160x128xf32, #tpu.memory_space<vmem>>, vector<1x16xf32>,
        %get3A_414 = vector.shape_cast %get3A_413 : vector<1x16xf32> to vector<16xf32>
        %add3A_415 = arith.addf %add3A_408, %get3A_414 : vector<16xf32>
        %add3A_416 = arith.constant 9 : i32
        %add3A_417 = arith.addi %mul3A_219, %add3A_416 : i32
        %get3A_418 = arith.index_cast %add3A_417 : i32 to index
        %get3A_419 = arith.constant 16 : index
        %get3A_420 = tpu.vector_load %arg9[%get3A_418, %get3A_419] {strides = array<i32>} : memref<160x128xf32, #tpu.memory_space<vmem>>, vector<1x16xf32>,
        %get3A_421 = vector.shape_cast %get3A_420 : vector<1x16xf32> to vector<16xf32>
        %add3A_422 = arith.addf %add3A_415, %get3A_421 : vector<16xf32>
        %add3A_423 = arith.constant 10 : i32
        %add3A_424 = arith.addi %mul3A_219, %add3A_423 : i32
        %get3A_425 = arith.index_cast %add3A_424 : i32 to index
        %get3A_426 = arith.constant 16 : index
        %get3A_427 = tpu.vector_load %arg9[%get3A_425, %get3A_426] {strides = array<i32>} : memref<160x128xf32, #tpu.memory_space<vmem>>, vector<1x16xf32>,
        %get3A_428 = vector.shape_cast %get3A_427 : vector<1x16xf32> to vector<16xf32>
        %add3A_429 = arith.addf %add3A_422, %get3A_428 : vector<16xf32>
        %add3A_430 = arith.constant 11 : i32
        %add3A_431 = arith.addi %mul3A_219, %add3A_430 : i32
        %get3A_432 = arith.index_cast %add3A_431 : i32 to index
        %get3A_433 = arith.constant 16 : index
        %get3A_434 = tpu.vector_load %arg9[%get3A_432, %get3A_433] {strides = array<i32>} : memref<160x128xf32, #tpu.memory_space<vmem>>, vector<1x16xf32>,
        %get3A_435 = vector.shape_cast %get3A_434 : vector<1x16xf32> to vector<16xf32>
        %add3A_436 = arith.addf %add3A_429, %get3A_435 : vector<16xf32>
        %add3A_437 = arith.constant 12 : i32
        %add3A_438 = arith.addi %mul3A_219, %add3A_437 : i32
        %get3A_439 = arith.index_cast %add3A_438 : i32 to index
        %get3A_440 = arith.constant 16 : index
        %get3A_441 = tpu.vector_load %arg9[%get3A_439, %get3A_440] {strides = array<i32>} : memref<160x128xf32, #tpu.memory_space<vmem>>, vector<1x16xf32>,
        %get3A_442 = vector.shape_cast %get3A_441 : vector<1x16xf32> to vector<16xf32>
        %add3A_443 = arith.addf %add3A_436, %get3A_442 : vector<16xf32>
        %add3A_444 = arith.constant 13 : i32
        %add3A_445 = arith.addi %mul3A_219, %add3A_444 : i32
        %get3A_446 = arith.index_cast %add3A_445 : i32 to index
        %get3A_447 = arith.constant 16 : index
        %get3A_448 = tpu.vector_load %arg9[%get3A_446, %get3A_447] {strides = array<i32>} : memref<160x128xf32, #tpu.memory_space<vmem>>, vector<1x16xf32>,
        %get3A_449 = vector.shape_cast %get3A_448 : vector<1x16xf32> to vector<16xf32>
        %add3A_450 = arith.addf %add3A_443, %get3A_449 : vector<16xf32>
        %add3A_451 = arith.constant 14 : i32
        %add3A_452 = arith.addi %mul3A_219, %add3A_451 : i32
        %get3A_453 = arith.index_cast %add3A_452 : i32 to index
        %get3A_454 = arith.constant 16 : index
        %get3A_455 = tpu.vector_load %arg9[%get3A_453, %get3A_454] {strides = array<i32>} : memref<160x128xf32, #tpu.memory_space<vmem>>, vector<1x16xf32>,
        %get3A_456 = vector.shape_cast %get3A_455 : vector<1x16xf32> to vector<16xf32>
        %add3A_457 = arith.addf %add3A_450, %get3A_456 : vector<16xf32>
        %add3A_458 = arith.constant 15 : i32
        %add3A_459 = arith.addi %mul3A_219, %add3A_458 : i32
        %get3A_460 = arith.index_cast %add3A_459 : i32 to index
        %get3A_461 = arith.constant 16 : index
        %get3A_462 = tpu.vector_load %arg9[%get3A_460, %get3A_461] {strides = array<i32>} : memref<160x128xf32, #tpu.memory_space<vmem>>, vector<1x16xf32>,
        %get3A_463 = vector.shape_cast %get3A_462 : vector<1x16xf32> to vector<16xf32>
        %add3A_464 = arith.addf %add3A_457, %get3A_463 : vector<16xf32>
        %add3A_465 = arith.constant 16 : i32
        %add3A_466 = arith.addi %mul3A_219, %add3A_465 : i32
        %get3A_467 = arith.index_cast %add3A_466 : i32 to index
        %get3A_468 = arith.constant 16 : index
        %get3A_469 = tpu.vector_load %arg9[%get3A_467, %get3A_468] {strides = array<i32>} : memref<160x128xf32, #tpu.memory_space<vmem>>, vector<1x16xf32>,
        %get3A_470 = vector.shape_cast %get3A_469 : vector<1x16xf32> to vector<16xf32>
        %add3A_471 = arith.addf %add3A_464, %get3A_470 : vector<16xf32>
        %add3A_472 = arith.constant 17 : i32
        %add3A_473 = arith.addi %mul3A_219, %add3A_472 : i32
        %get3A_474 = arith.index_cast %add3A_473 : i32 to index
        %get3A_475 = arith.constant 16 : index
        %get3A_476 = tpu.vector_load %arg9[%get3A_474, %get3A_475] {strides = array<i32>} : memref<160x128xf32, #tpu.memory_space<vmem>>, vector<1x16xf32>,
        %get3A_477 = vector.shape_cast %get3A_476 : vector<1x16xf32> to vector<16xf32>
        %add3A_478 = arith.addf %add3A_471, %get3A_477 : vector<16xf32>
        %add3A_479 = arith.constant 18 : i32
        %add3A_480 = arith.addi %mul3A_219, %add3A_479 : i32
        %get3A_481 = arith.index_cast %add3A_480 : i32 to index
        %get3A_482 = arith.constant 16 : index
        %get3A_483 = tpu.vector_load %arg9[%get3A_481, %get3A_482] {strides = array<i32>} : memref<160x128xf32, #tpu.memory_space<vmem>>, vector<1x16xf32>,
        %get3A_484 = vector.shape_cast %get3A_483 : vector<1x16xf32> to vector<16xf32>
        %add3A_485 = arith.addf %add3A_478, %get3A_484 : vector<16xf32>
        %add3A_486 = arith.constant 19 : i32
        %add3A_487 = arith.addi %mul3A_219, %add3A_486 : i32
        %get3A_488 = arith.index_cast %add3A_487 : i32 to index
        %get3A_489 = arith.constant 16 : index
        %get3A_490 = tpu.vector_load %arg9[%get3A_488, %get3A_489] {strides = array<i32>} : memref<160x128xf32, #tpu.memory_space<vmem>>, vector<1x16xf32>,
        %get3A_491 = vector.shape_cast %get3A_490 : vector<1x16xf32> to vector<16xf32>
        %add3A_492 = arith.addf %add3A_485, %get3A_491 : vector<16xf32>
        %get3A_493 = arith.index_cast %mul3A_219 : i32 to index
        %get3A_494 = arith.constant 32 : index
        %get3A_495 = tpu.vector_load %arg9[%get3A_493, %get3A_494] {strides = array<i32>} : memref<160x128xf32, #tpu.memory_space<vmem>>, vector<1x16xf32>,
        %get3A_496 = vector.shape_cast %get3A_495 : vector<1x16xf32> to vector<16xf32>
        %add3A_497 = arith.constant 1 : i32
        %add3A_498 = arith.addi %mul3A_219, %add3A_497 : i32
        %get3A_499 = arith.index_cast %add3A_498 : i32 to index
        %get3A_500 = arith.constant 32 : index
        %get3A_501 = tpu.vector_load %arg9[%get3A_499, %get3A_500] {strides = array<i32>} : memref<160x128xf32, #tpu.memory_space<vmem>>, vector<1x16xf32>,
        %get3A_502 = vector.shape_cast %get3A_501 : vector<1x16xf32> to vector<16xf32>
        %add3A_503 = arith.addf %get3A_496, %get3A_502 : vector<16xf32>
        %add3A_504 = arith.constant 2 : i32
        %add3A_505 = arith.addi %mul3A_219, %add3A_504 : i32
        %get3A_506 = arith.index_cast %add3A_505 : i32 to index
        %get3A_507 = arith.constant 32 : index
        %get3A_508 = tpu.vector_load %arg9[%get3A_506, %get3A_507] {strides = array<i32>} : memref<160x128xf32, #tpu.memory_space<vmem>>, vector<1x16xf32>,
        %get3A_509 = vector.shape_cast %get3A_508 : vector<1x16xf32> to vector<16xf32>
        %add3A_510 = arith.addf %add3A_503, %get3A_509 : vector<16xf32>
        %add3A_511 = arith.constant 3 : i32
        %add3A_512 = arith.addi %mul3A_219, %add3A_511 : i32
        %get3A_513 = arith.index_cast %add3A_512 : i32 to index
        %get3A_514 = arith.constant 32 : index
        %get3A_515 = tpu.vector_load %arg9[%get3A_513, %get3A_514] {strides = array<i32>} : memref<160x128xf32, #tpu.memory_space<vmem>>, vector<1x16xf32>,
        %get3A_516 = vector.shape_cast %get3A_515 : vector<1x16xf32> to vector<16xf32>
        %add3A_517 = arith.addf %add3A_510, %get3A_516 : vector<16xf32>
        %add3A_518 = arith.constant 4 : i32
        %add3A_519 = arith.addi %mul3A_219, %add3A_518 : i32
        %get3A_520 = arith.index_cast %add3A_519 : i32 to index
        %get3A_521 = arith.constant 32 : index
        %get3A_522 = tpu.vector_load %arg9[%get3A_520, %get3A_521] {strides = array<i32>} : memref<160x128xf32, #tpu.memory_space<vmem>>, vector<1x16xf32>,
        %get3A_523 = vector.shape_cast %get3A_522 : vector<1x16xf32> to vector<16xf32>
        %add3A_524 = arith.addf %add3A_517, %get3A_523 : vector<16xf32>
        %add3A_525 = arith.constant 5 : i32
        %add3A_526 = arith.addi %mul3A_219, %add3A_525 : i32
        %get3A_527 = arith.index_cast %add3A_526 : i32 to index
        %get3A_528 = arith.constant 32 : index
        %get3A_529 = tpu.vector_load %arg9[%get3A_527, %get3A_528] {strides = array<i32>} : memref<160x128xf32, #tpu.memory_space<vmem>>, vector<1x16xf32>,
        %get3A_530 = vector.shape_cast %get3A_529 : vector<1x16xf32> to vector<16xf32>
        %add3A_531 = arith.addf %add3A_524, %get3A_530 : vector<16xf32>
        %add3A_532 = arith.constant 6 : i32
        %add3A_533 = arith.addi %mul3A_219, %add3A_532 : i32
        %get3A_534 = arith.index_cast %add3A_533 : i32 to index
        %get3A_535 = arith.constant 32 : index
        %get3A_536 = tpu.vector_load %arg9[%get3A_534, %get3A_535] {strides = array<i32>} : memref<160x128xf32, #tpu.memory_space<vmem>>, vector<1x16xf32>,
        %get3A_537 = vector.shape_cast %get3A_536 : vector<1x16xf32> to vector<16xf32>
        %add3A_538 = arith.addf %add3A_531, %get3A_537 : vector<16xf32>
        %add3A_539 = arith.constant 7 : i32
        %add3A_540 = arith.addi %mul3A_219, %add3A_539 : i32
        %get3A_541 = arith.index_cast %add3A_540 : i32 to index
        %get3A_542 = arith.constant 32 : index
        %get3A_543 = tpu.vector_load %arg9[%get3A_541, %get3A_542] {strides = array<i32>} : memref<160x128xf32, #tpu.memory_space<vmem>>, vector<1x16xf32>,
        %get3A_544 = vector.shape_cast %get3A_543 : vector<1x16xf32> to vector<16xf32>
        %add3A_545 = arith.addf %add3A_538, %get3A_544 : vector<16xf32>
        %add3A_546 = arith.constant 8 : i32
        %add3A_547 = arith.addi %mul3A_219, %add3A_546 : i32
        %get3A_548 = arith.index_cast %add3A_547 : i32 to index
        %get3A_549 = arith.constant 32 : index
        %get3A_550 = tpu.vector_load %arg9[%get3A_548, %get3A_549] {strides = array<i32>} : memref<160x128xf32, #tpu.memory_space<vmem>>, vector<1x16xf32>,
        %get3A_551 = vector.shape_cast %get3A_550 : vector<1x16xf32> to vector<16xf32>
        %add3A_552 = arith.addf %add3A_545, %get3A_551 : vector<16xf32>
        %add3A_553 = arith.constant 9 : i32
        %add3A_554 = arith.addi %mul3A_219, %add3A_553 : i32
        %get3A_555 = arith.index_cast %add3A_554 : i32 to index
        %get3A_556 = arith.constant 32 : index
        %get3A_557 = tpu.vector_load %arg9[%get3A_555, %get3A_556] {strides = array<i32>} : memref<160x128xf32, #tpu.memory_space<vmem>>, vector<1x16xf32>,
        %get3A_558 = vector.shape_cast %get3A_557 : vector<1x16xf32> to vector<16xf32>
        %add3A_559 = arith.addf %add3A_552, %get3A_558 : vector<16xf32>
        %add3A_560 = arith.constant 10 : i32
        %add3A_561 = arith.addi %mul3A_219, %add3A_560 : i32
        %get3A_562 = arith.index_cast %add3A_561 : i32 to index
        %get3A_563 = arith.constant 32 : index
        %get3A_564 = tpu.vector_load %arg9[%get3A_562, %get3A_563] {strides = array<i32>} : memref<160x128xf32, #tpu.memory_space<vmem>>, vector<1x16xf32>,
        %get3A_565 = vector.shape_cast %get3A_564 : vector<1x16xf32> to vector<16xf32>
        %add3A_566 = arith.addf %add3A_559, %get3A_565 : vector<16xf32>
        %add3A_567 = arith.constant 11 : i32
        %add3A_568 = arith.addi %mul3A_219, %add3A_567 : i32
        %get3A_569 = arith.index_cast %add3A_568 : i32 to index
        %get3A_570 = arith.constant 32 : index
        %get3A_571 = tpu.vector_load %arg9[%get3A_569, %get3A_570] {strides = array<i32>} : memref<160x128xf32, #tpu.memory_space<vmem>>, vector<1x16xf32>,
        %get3A_572 = vector.shape_cast %get3A_571 : vector<1x16xf32> to vector<16xf32>
        %add3A_573 = arith.addf %add3A_566, %get3A_572 : vector<16xf32>
        %add3A_574 = arith.constant 12 : i32
        %add3A_575 = arith.addi %mul3A_219, %add3A_574 : i32
        %get3A_576 = arith.index_cast %add3A_575 : i32 to index
        %get3A_577 = arith.constant 32 : index
        %get3A_578 = tpu.vector_load %arg9[%get3A_576, %get3A_577] {strides = array<i32>} : memref<160x128xf32, #tpu.memory_space<vmem>>, vector<1x16xf32>,
        %get3A_579 = vector.shape_cast %get3A_578 : vector<1x16xf32> to vector<16xf32>
        %add3A_580 = arith.addf %add3A_573, %get3A_579 : vector<16xf32>
        %add3A_581 = arith.constant 13 : i32
        %add3A_582 = arith.addi %mul3A_219, %add3A_581 : i32
        %get3A_583 = arith.index_cast %add3A_582 : i32 to index
        %get3A_584 = arith.constant 32 : index
        %get3A_585 = tpu.vector_load %arg9[%get3A_583, %get3A_584] {strides = array<i32>} : memref<160x128xf32, #tpu.memory_space<vmem>>, vector<1x16xf32>,
        %get3A_586 = vector.shape_cast %get3A_585 : vector<1x16xf32> to vector<16xf32>
        %add3A_587 = arith.addf %add3A_580, %get3A_586 : vector<16xf32>
        %add3A_588 = arith.constant 14 : i32
        %add3A_589 = arith.addi %mul3A_219, %add3A_588 : i32
        %get3A_590 = arith.index_cast %add3A_589 : i32 to index
        %get3A_591 = arith.constant 32 : index
        %get3A_592 = tpu.vector_load %arg9[%get3A_590, %get3A_591] {strides = array<i32>} : memref<160x128xf32, #tpu.memory_space<vmem>>, vector<1x16xf32>,
        %get3A_593 = vector.shape_cast %get3A_592 : vector<1x16xf32> to vector<16xf32>
        %add3A_594 = arith.addf %add3A_587, %get3A_593 : vector<16xf32>
        %add3A_595 = arith.constant 15 : i32
        %add3A_596 = arith.addi %mul3A_219, %add3A_595 : i32
        %get3A_597 = arith.index_cast %add3A_596 : i32 to index
        %get3A_598 = arith.constant 32 : index
        %get3A_599 = tpu.vector_load %arg9[%get3A_597, %get3A_598] {strides = array<i32>} : memref<160x128xf32, #tpu.memory_space<vmem>>, vector<1x16xf32>,
        %get3A_600 = vector.shape_cast %get3A_599 : vector<1x16xf32> to vector<16xf32>
        %add3A_601 = arith.addf %add3A_594, %get3A_600 : vector<16xf32>
        %add3A_602 = arith.constant 16 : i32
        %add3A_603 = arith.addi %mul3A_219, %add3A_602 : i32
        %get3A_604 = arith.index_cast %add3A_603 : i32 to index
        %get3A_605 = arith.constant 32 : index
        %get3A_606 = tpu.vector_load %arg9[%get3A_604, %get3A_605] {strides = array<i32>} : memref<160x128xf32, #tpu.memory_space<vmem>>, vector<1x16xf32>,
        %get3A_607 = vector.shape_cast %get3A_606 : vector<1x16xf32> to vector<16xf32>
        %add3A_608 = arith.addf %add3A_601, %get3A_607 : vector<16xf32>
        %add3A_609 = arith.constant 17 : i32
        %add3A_610 = arith.addi %mul3A_219, %add3A_609 : i32
        %get3A_611 = arith.index_cast %add3A_610 : i32 to index
        %get3A_612 = arith.constant 32 : index
        %get3A_613 = tpu.vector_load %arg9[%get3A_611, %get3A_612] {strides = array<i32>} : memref<160x128xf32, #tpu.memory_space<vmem>>, vector<1x16xf32>,
        %get3A_614 = vector.shape_cast %get3A_613 : vector<1x16xf32> to vector<16xf32>
        %add3A_615 = arith.addf %add3A_608, %get3A_614 : vector<16xf32>
        %add3A_616 = arith.constant 18 : i32
        %add3A_617 = arith.addi %mul3A_219, %add3A_616 : i32
        %get3A_618 = arith.index_cast %add3A_617 : i32 to index
        %get3A_619 = arith.constant 32 : index
        %get3A_620 = tpu.vector_load %arg9[%get3A_618, %get3A_619] {strides = array<i32>} : memref<160x128xf32, #tpu.memory_space<vmem>>, vector<1x16xf32>,
        %get3A_621 = vector.shape_cast %get3A_620 : vector<1x16xf32> to vector<16xf32>
        %add3A_622 = arith.addf %add3A_615, %get3A_621 : vector<16xf32>
        %add3A_623 = arith.constant 19 : i32
        %add3A_624 = arith.addi %mul3A_219, %add3A_623 : i32
        %get3A_625 = arith.index_cast %add3A_624 : i32 to index
        %get3A_626 = arith.constant 32 : index
        %get3A_627 = tpu.vector_load %arg9[%get3A_625, %get3A_626] {strides = array<i32>} : memref<160x128xf32, #tpu.memory_space<vmem>>, vector<1x16xf32>,
        %get3A_628 = vector.shape_cast %get3A_627 : vector<1x16xf32> to vector<16xf32>
        %add3A_629 = arith.addf %add3A_622, %get3A_628 : vector<16xf32>
        %get3A_630 = arith.index_cast %mul3A_219 : i32 to index
        %get3A_631 = arith.constant 48 : index
        %get3A_632 = tpu.vector_load %arg9[%get3A_630, %get3A_631] {strides = array<i32>} : memref<160x128xf32, #tpu.memory_space<vmem>>, vector<1x16xf32>,
        %get3A_633 = vector.shape_cast %get3A_632 : vector<1x16xf32> to vector<16xf32>
        %add3A_634 = arith.constant 1 : i32
        %add3A_635 = arith.addi %mul3A_219, %add3A_634 : i32
        %get3A_636 = arith.index_cast %add3A_635 : i32 to index
        %get3A_637 = arith.constant 48 : index
        %get3A_638 = tpu.vector_load %arg9[%get3A_636, %get3A_637] {strides = array<i32>} : memref<160x128xf32, #tpu.memory_space<vmem>>, vector<1x16xf32>,
        %get3A_639 = vector.shape_cast %get3A_638 : vector<1x16xf32> to vector<16xf32>
        %add3A_640 = arith.addf %get3A_633, %get3A_639 : vector<16xf32>
        %add3A_641 = arith.constant 2 : i32
        %add3A_642 = arith.addi %mul3A_219, %add3A_641 : i32
        %get3A_643 = arith.index_cast %add3A_642 : i32 to index
        %get3A_644 = arith.constant 48 : index
        %get3A_645 = tpu.vector_load %arg9[%get3A_643, %get3A_644] {strides = array<i32>} : memref<160x128xf32, #tpu.memory_space<vmem>>, vector<1x16xf32>,
        %get3A_646 = vector.shape_cast %get3A_645 : vector<1x16xf32> to vector<16xf32>
        %add3A_647 = arith.addf %add3A_640, %get3A_646 : vector<16xf32>
        %add3A_648 = arith.constant 3 : i32
        %add3A_649 = arith.addi %mul3A_219, %add3A_648 : i32
        %get3A_650 = arith.index_cast %add3A_649 : i32 to index
        %get3A_651 = arith.constant 48 : index
        %get3A_652 = tpu.vector_load %arg9[%get3A_650, %get3A_651] {strides = array<i32>} : memref<160x128xf32, #tpu.memory_space<vmem>>, vector<1x16xf32>,
        %get3A_653 = vector.shape_cast %get3A_652 : vector<1x16xf32> to vector<16xf32>
        %add3A_654 = arith.addf %add3A_647, %get3A_653 : vector<16xf32>
        %add3A_655 = arith.constant 4 : i32
        %add3A_656 = arith.addi %mul3A_219, %add3A_655 : i32
        %get3A_657 = arith.index_cast %add3A_656 : i32 to index
        %get3A_658 = arith.constant 48 : index
        %get3A_659 = tpu.vector_load %arg9[%get3A_657, %get3A_658] {strides = array<i32>} : memref<160x128xf32, #tpu.memory_space<vmem>>, vector<1x16xf32>,
        %get3A_660 = vector.shape_cast %get3A_659 : vector<1x16xf32> to vector<16xf32>
        %add3A_661 = arith.addf %add3A_654, %get3A_660 : vector<16xf32>
        %add3A_662 = arith.constant 5 : i32
        %add3A_663 = arith.addi %mul3A_219, %add3A_662 : i32
        %get3A_664 = arith.index_cast %add3A_663 : i32 to index
        %get3A_665 = arith.constant 48 : index
        %get3A_666 = tpu.vector_load %arg9[%get3A_664, %get3A_665] {strides = array<i32>} : memref<160x128xf32, #tpu.memory_space<vmem>>, vector<1x16xf32>,
        %get3A_667 = vector.shape_cast %get3A_666 : vector<1x16xf32> to vector<16xf32>
        %add3A_668 = arith.addf %add3A_661, %get3A_667 : vector<16xf32>
        %add3A_669 = arith.constant 6 : i32
        %add3A_670 = arith.addi %mul3A_219, %add3A_669 : i32
        %get3A_671 = arith.index_cast %add3A_670 : i32 to index
        %get3A_672 = arith.constant 48 : index
        %get3A_673 = tpu.vector_load %arg9[%get3A_671, %get3A_672] {strides = array<i32>} : memref<160x128xf32, #tpu.memory_space<vmem>>, vector<1x16xf32>,
        %get3A_674 = vector.shape_cast %get3A_673 : vector<1x16xf32> to vector<16xf32>
        %add3A_675 = arith.addf %add3A_668, %get3A_674 : vector<16xf32>
        %add3A_676 = arith.constant 7 : i32
        %add3A_677 = arith.addi %mul3A_219, %add3A_676 : i32
        %get3A_678 = arith.index_cast %add3A_677 : i32 to index
        %get3A_679 = arith.constant 48 : index
        %get3A_680 = tpu.vector_load %arg9[%get3A_678, %get3A_679] {strides = array<i32>} : memref<160x128xf32, #tpu.memory_space<vmem>>, vector<1x16xf32>,
        %get3A_681 = vector.shape_cast %get3A_680 : vector<1x16xf32> to vector<16xf32>
        %add3A_682 = arith.addf %add3A_675, %get3A_681 : vector<16xf32>
        %add3A_683 = arith.constant 8 : i32
        %add3A_684 = arith.addi %mul3A_219, %add3A_683 : i32
        %get3A_685 = arith.index_cast %add3A_684 : i32 to index
        %get3A_686 = arith.constant 48 : index
        %get3A_687 = tpu.vector_load %arg9[%get3A_685, %get3A_686] {strides = array<i32>} : memref<160x128xf32, #tpu.memory_space<vmem>>, vector<1x16xf32>,
        %get3A_688 = vector.shape_cast %get3A_687 : vector<1x16xf32> to vector<16xf32>
        %add3A_689 = arith.addf %add3A_682, %get3A_688 : vector<16xf32>
        %add3A_690 = arith.constant 9 : i32
        %add3A_691 = arith.addi %mul3A_219, %add3A_690 : i32
        %get3A_692 = arith.index_cast %add3A_691 : i32 to index
        %get3A_693 = arith.constant 48 : index
        %get3A_694 = tpu.vector_load %arg9[%get3A_692, %get3A_693] {strides = array<i32>} : memref<160x128xf32, #tpu.memory_space<vmem>>, vector<1x16xf32>,
        %get3A_695 = vector.shape_cast %get3A_694 : vector<1x16xf32> to vector<16xf32>
        %add3A_696 = arith.addf %add3A_689, %get3A_695 : vector<16xf32>
        %add3A_697 = arith.constant 10 : i32
        %add3A_698 = arith.addi %mul3A_219, %add3A_697 : i32
        %get3A_699 = arith.index_cast %add3A_698 : i32 to index
        %get3A_700 = arith.constant 48 : index
        %get3A_701 = tpu.vector_load %arg9[%get3A_699, %get3A_700] {strides = array<i32>} : memref<160x128xf32, #tpu.memory_space<vmem>>, vector<1x16xf32>,
        %get3A_702 = vector.shape_cast %get3A_701 : vector<1x16xf32> to vector<16xf32>
        %add3A_703 = arith.addf %add3A_696, %get3A_702 : vector<16xf32>
        %add3A_704 = arith.constant 11 : i32
        %add3A_705 = arith.addi %mul3A_219, %add3A_704 : i32
        %get3A_706 = arith.index_cast %add3A_705 : i32 to index
        %get3A_707 = arith.constant 48 : index
        %get3A_708 = tpu.vector_load %arg9[%get3A_706, %get3A_707] {strides = array<i32>} : memref<160x128xf32, #tpu.memory_space<vmem>>, vector<1x16xf32>,
        %get3A_709 = vector.shape_cast %get3A_708 : vector<1x16xf32> to vector<16xf32>
        %add3A_710 = arith.addf %add3A_703, %get3A_709 : vector<16xf32>
        %add3A_711 = arith.constant 12 : i32
        %add3A_712 = arith.addi %mul3A_219, %add3A_711 : i32
        %get3A_713 = arith.index_cast %add3A_712 : i32 to index
        %get3A_714 = arith.constant 48 : index
        %get3A_715 = tpu.vector_load %arg9[%get3A_713, %get3A_714] {strides = array<i32>} : memref<160x128xf32, #tpu.memory_space<vmem>>, vector<1x16xf32>,
        %get3A_716 = vector.shape_cast %get3A_715 : vector<1x16xf32> to vector<16xf32>
        %add3A_717 = arith.addf %add3A_710, %get3A_716 : vector<16xf32>
        %add3A_718 = arith.constant 13 : i32
        %add3A_719 = arith.addi %mul3A_219, %add3A_718 : i32
        %get3A_720 = arith.index_cast %add3A_719 : i32 to index
        %get3A_721 = arith.constant 48 : index
        %get3A_722 = tpu.vector_load %arg9[%get3A_720, %get3A_721] {strides = array<i32>} : memref<160x128xf32, #tpu.memory_space<vmem>>, vector<1x16xf32>,
        %get3A_723 = vector.shape_cast %get3A_722 : vector<1x16xf32> to vector<16xf32>
        %add3A_724 = arith.addf %add3A_717, %get3A_723 : vector<16xf32>
        %add3A_725 = arith.constant 14 : i32
        %add3A_726 = arith.addi %mul3A_219, %add3A_725 : i32
        %get3A_727 = arith.index_cast %add3A_726 : i32 to index
        %get3A_728 = arith.constant 48 : index
        %get3A_729 = tpu.vector_load %arg9[%get3A_727, %get3A_728] {strides = array<i32>} : memref<160x128xf32, #tpu.memory_space<vmem>>, vector<1x16xf32>,
        %get3A_730 = vector.shape_cast %get3A_729 : vector<1x16xf32> to vector<16xf32>
        %add3A_731 = arith.addf %add3A_724, %get3A_730 : vector<16xf32>
        %add3A_732 = arith.constant 15 : i32
        %add3A_733 = arith.addi %mul3A_219, %add3A_732 : i32
        %get3A_734 = arith.index_cast %add3A_733 : i32 to index
        %get3A_735 = arith.constant 48 : index
        %get3A_736 = tpu.vector_load %arg9[%get3A_734, %get3A_735] {strides = array<i32>} : memref<160x128xf32, #tpu.memory_space<vmem>>, vector<1x16xf32>,
        %get3A_737 = vector.shape_cast %get3A_736 : vector<1x16xf32> to vector<16xf32>
        %add3A_738 = arith.addf %add3A_731, %get3A_737 : vector<16xf32>
        %add3A_739 = arith.constant 16 : i32
        %add3A_740 = arith.addi %mul3A_219, %add3A_739 : i32
        %get3A_741 = arith.index_cast %add3A_740 : i32 to index
        %get3A_742 = arith.constant 48 : index
        %get3A_743 = tpu.vector_load %arg9[%get3A_741, %get3A_742] {strides = array<i32>} : memref<160x128xf32, #tpu.memory_space<vmem>>, vector<1x16xf32>,
        %get3A_744 = vector.shape_cast %get3A_743 : vector<1x16xf32> to vector<16xf32>
        %add3A_745 = arith.addf %add3A_738, %get3A_744 : vector<16xf32>
        %add3A_746 = arith.constant 17 : i32
        %add3A_747 = arith.addi %mul3A_219, %add3A_746 : i32
        %get3A_748 = arith.index_cast %add3A_747 : i32 to index
        %get3A_749 = arith.constant 48 : index
        %get3A_750 = tpu.vector_load %arg9[%get3A_748, %get3A_749] {strides = array<i32>} : memref<160x128xf32, #tpu.memory_space<vmem>>, vector<1x16xf32>,
        %get3A_751 = vector.shape_cast %get3A_750 : vector<1x16xf32> to vector<16xf32>
        %add3A_752 = arith.addf %add3A_745, %get3A_751 : vector<16xf32>
        %add3A_753 = arith.constant 18 : i32
        %add3A_754 = arith.addi %mul3A_219, %add3A_753 : i32
        %get3A_755 = arith.index_cast %add3A_754 : i32 to index
        %get3A_756 = arith.constant 48 : index
        %get3A_757 = tpu.vector_load %arg9[%get3A_755, %get3A_756] {strides = array<i32>} : memref<160x128xf32, #tpu.memory_space<vmem>>, vector<1x16xf32>,
        %get3A_758 = vector.shape_cast %get3A_757 : vector<1x16xf32> to vector<16xf32>
        %add3A_759 = arith.addf %add3A_752, %get3A_758 : vector<16xf32>
        %add3A_760 = arith.constant 19 : i32
        %add3A_761 = arith.addi %mul3A_219, %add3A_760 : i32
        %get3A_762 = arith.index_cast %add3A_761 : i32 to index
        %get3A_763 = arith.constant 48 : index
        %get3A_764 = tpu.vector_load %arg9[%get3A_762, %get3A_763] {strides = array<i32>} : memref<160x128xf32, #tpu.memory_space<vmem>>, vector<1x16xf32>,
        %get3A_765 = vector.shape_cast %get3A_764 : vector<1x16xf32> to vector<16xf32>
        %add3A_766 = arith.addf %add3A_759, %get3A_765 : vector<16xf32>
        %add3A_767 = arith.constant 0 : i32
        %add3A_768 = arith.addi %mul3A_219, %add3A_767 : i32
        %get3A_769 = arith.index_cast %add3A_768 : i32 to index
        %get3A_770 = arith.constant 0 : index
        %get3A_771 = tpu.vector_load %arg11[%get3A_769, %get3A_770] {strides = array<i32>} : memref<160x128xf32, #tpu.memory_space<vmem>>, vector<1x16xf32>,
        %get3A_772 = vector.shape_cast %get3A_771 : vector<1x16xf32> to vector<16xf32>
        %mul3A_773 = arith.mulf %add3A_355, %get3A_772 : vector<16xf32>
        %add3A_774 = arith.constant 0 : i32
        %add3A_775 = arith.addi %mul3A_219, %add3A_774 : i32
        %get3A_776 = arith.index_cast %add3A_775 : i32 to index
        %get3A_777 = arith.constant 16 : index
        %get3A_778 = tpu.vector_load %arg11[%get3A_776, %get3A_777] {strides = array<i32>} : memref<160x128xf32, #tpu.memory_space<vmem>>, vector<1x16xf32>,
        %get3A_779 = vector.shape_cast %get3A_778 : vector<1x16xf32> to vector<16xf32>
        %mul3A_780 = arith.mulf %add3A_492, %get3A_779 : vector<16xf32>
        %add3A_781 = arith.addf %mul3A_773, %mul3A_780 : vector<16xf32>
        %add3A_782 = arith.constant 0 : i32
        %add3A_783 = arith.addi %mul3A_219, %add3A_782 : i32
        %get3A_784 = arith.index_cast %add3A_783 : i32 to index
        %get3A_785 = arith.constant 32 : index
        %get3A_786 = tpu.vector_load %arg11[%get3A_784, %get3A_785] {strides = array<i32>} : memref<160x128xf32, #tpu.memory_space<vmem>>, vector<1x16xf32>,
        %get3A_787 = vector.shape_cast %get3A_786 : vector<1x16xf32> to vector<16xf32>
        %mul3A_788 = arith.mulf %add3A_629, %get3A_787 : vector<16xf32>
        %add3A_789 = arith.addf %add3A_781, %mul3A_788 : vector<16xf32>
        %add3A_790 = arith.constant 0 : i32
        %add3A_791 = arith.addi %mul3A_219, %add3A_790 : i32
        %get3A_792 = arith.index_cast %add3A_791 : i32 to index
        %get3A_793 = arith.constant 48 : index
        %get3A_794 = tpu.vector_load %arg11[%get3A_792, %get3A_793] {strides = array<i32>} : memref<160x128xf32, #tpu.memory_space<vmem>>, vector<1x16xf32>,
        %get3A_795 = vector.shape_cast %get3A_794 : vector<1x16xf32> to vector<16xf32>
        %mul3A_796 = arith.mulf %add3A_766, %get3A_795 : vector<16xf32>
        %add3A_797 = arith.addf %add3A_789, %mul3A_796 : vector<16xf32>
        %mul3A_798 = arith.constant 320 : i32
        %mul3A_799 = arith.muli %scan3A_217, %mul3A_798 : i32
        %add3A_800 = arith.constant 0 : i32
        %add3A_801 = arith.addi %mul3A_799, %add3A_800 : i32
        %swap3A = arith.index_cast %add3A_801 : i32 to index
        %swap3A_802 = tpu.vector_load %arg13[%swap3A] {strides = array<i32>} : memref<2560xf32, #tpu.memory_space<vmem>>, vector<16xf32>,
        %swap3A_803 = vector.shape_cast %swap3A_802 : vector<16xf32> to vector<16xf32>
        %swap3A_804 = vector.shape_cast %add3A_797 : vector<16xf32> to vector<16xf32>
        tpu.vector_store %arg13[%swap3A], %swap3A_804 {strides = array<i32>} : memref<2560xf32, #tpu.memory_space<vmem>>, vector<16xf32>,
        %add3A_805 = arith.constant 1 : i32
        %add3A_806 = arith.addi %mul3A_219, %add3A_805 : i32
        %get3A_807 = arith.index_cast %add3A_806 : i32 to index
        %get3A_808 = arith.constant 0 : index
        %get3A_809 = tpu.vector_load %arg11[%get3A_807, %get3A_808] {strides = array<i32>} : memref<160x128xf32, #tpu.memory_space<vmem>>, vector<1x16xf32>,
        %get3A_810 = vector.shape_cast %get3A_809 : vector<1x16xf32> to vector<16xf32>
        %mul3A_811 = arith.mulf %add3A_355, %get3A_810 : vector<16xf32>
        %add3A_812 = arith.constant 1 : i32
        %add3A_813 = arith.addi %mul3A_219, %add3A_812 : i32
        %get3A_814 = arith.index_cast %add3A_813 : i32 to index
        %get3A_815 = arith.constant 16 : index
        %get3A_816 = tpu.vector_load %arg11[%get3A_814, %get3A_815] {strides = array<i32>} : memref<160x128xf32, #tpu.memory_space<vmem>>, vector<1x16xf32>,
        %get3A_817 = vector.shape_cast %get3A_816 : vector<1x16xf32> to vector<16xf32>
        %mul3A_818 = arith.mulf %add3A_492, %get3A_817 : vector<16xf32>
        %add3A_819 = arith.addf %mul3A_811, %mul3A_818 : vector<16xf32>
        %add3A_820 = arith.constant 1 : i32
        %add3A_821 = arith.addi %mul3A_219, %add3A_820 : i32
        %get3A_822 = arith.index_cast %add3A_821 : i32 to index
        %get3A_823 = arith.constant 32 : index
        %get3A_824 = tpu.vector_load %arg11[%get3A_822, %get3A_823] {strides = array<i32>} : memref<160x128xf32, #tpu.memory_space<vmem>>, vector<1x16xf32>,
        %get3A_825 = vector.shape_cast %get3A_824 : vector<1x16xf32> to vector<16xf32>
        %mul3A_826 = arith.mulf %add3A_629, %get3A_825 : vector<16xf32>
        %add3A_827 = arith.addf %add3A_819, %mul3A_826 : vector<16xf32>
        %add3A_828 = arith.constant 1 : i32
        %add3A_829 = arith.addi %mul3A_219, %add3A_828 : i32
        %get3A_830 = arith.index_cast %add3A_829 : i32 to index
        %get3A_831 = arith.constant 48 : index
        %get3A_832 = tpu.vector_load %arg11[%get3A_830, %get3A_831] {strides = array<i32>} : memref<160x128xf32, #tpu.memory_space<vmem>>, vector<1x16xf32>,
        %get3A_833 = vector.shape_cast %get3A_832 : vector<1x16xf32> to vector<16xf32>
        %mul3A_834 = arith.mulf %add3A_766, %get3A_833 : vector<16xf32>
        %add3A_835 = arith.addf %add3A_827, %mul3A_834 : vector<16xf32>
        %mul3A_836 = arith.constant 320 : i32
        %mul3A_837 = arith.muli %scan3A_217, %mul3A_836 : i32
        %add3A_838 = arith.constant 16 : i32
        %add3A_839 = arith.addi %mul3A_837, %add3A_838 : i32
        %swap3A_840 = arith.index_cast %add3A_839 : i32 to index
        %swap3A_841 = tpu.vector_load %arg13[%swap3A_840] {strides = array<i32>} : memref<2560xf32, #tpu.memory_space<vmem>>, vector<16xf32>,
        %swap3A_842 = vector.shape_cast %swap3A_841 : vector<16xf32> to vector<16xf32>
        %swap3A_843 = vector.shape_cast %add3A_835 : vector<16xf32> to vector<16xf32>
        tpu.vector_store %arg13[%swap3A_840], %swap3A_843 {strides = array<i32>} : memref<2560xf32, #tpu.memory_space<vmem>>, vector<16xf32>,
        %add3A_844 = arith.constant 2 : i32
        %add3A_845 = arith.addi %mul3A_219, %add3A_844 : i32
        %get3A_846 = arith.index_cast %add3A_845 : i32 to index
        %get3A_847 = arith.constant 0 : index
        %get3A_848 = tpu.vector_load %arg11[%get3A_846, %get3A_847] {strides = array<i32>} : memref<160x128xf32, #tpu.memory_space<vmem>>, vector<1x16xf32>,
        %get3A_849 = vector.shape_cast %get3A_848 : vector<1x16xf32> to vector<16xf32>
        %mul3A_850 = arith.mulf %add3A_355, %get3A_849 : vector<16xf32>
        %add3A_851 = arith.constant 2 : i32
        %add3A_852 = arith.addi %mul3A_219, %add3A_851 : i32
        %get3A_853 = arith.index_cast %add3A_852 : i32 to index
        %get3A_854 = arith.constant 16 : index
        %get3A_855 = tpu.vector_load %arg11[%get3A_853, %get3A_854] {strides = array<i32>} : memref<160x128xf32, #tpu.memory_space<vmem>>, vector<1x16xf32>,
        %get3A_856 = vector.shape_cast %get3A_855 : vector<1x16xf32> to vector<16xf32>
        %mul3A_857 = arith.mulf %add3A_492, %get3A_856 : vector<16xf32>
        %add3A_858 = arith.addf %mul3A_850, %mul3A_857 : vector<16xf32>
        %add3A_859 = arith.constant 2 : i32
        %add3A_860 = arith.addi %mul3A_219, %add3A_859 : i32
        %get3A_861 = arith.index_cast %add3A_860 : i32 to index
        %get3A_862 = arith.constant 32 : index
        %get3A_863 = tpu.vector_load %arg11[%get3A_861, %get3A_862] {strides = array<i32>} : memref<160x128xf32, #tpu.memory_space<vmem>>, vector<1x16xf32>,
        %get3A_864 = vector.shape_cast %get3A_863 : vector<1x16xf32> to vector<16xf32>
        %mul3A_865 = arith.mulf %add3A_629, %get3A_864 : vector<16xf32>
        %add3A_866 = arith.addf %add3A_858, %mul3A_865 : vector<16xf32>
        %add3A_867 = arith.constant 2 : i32
        %add3A_868 = arith.addi %mul3A_219, %add3A_867 : i32
        %get3A_869 = arith.index_cast %add3A_868 : i32 to index
        %get3A_870 = arith.constant 48 : index
        %get3A_871 = tpu.vector_load %arg11[%get3A_869, %get3A_870] {strides = array<i32>} : memref<160x128xf32, #tpu.memory_space<vmem>>, vector<1x16xf32>,
        %get3A_872 = vector.shape_cast %get3A_871 : vector<1x16xf32> to vector<16xf32>
        %mul3A_873 = arith.mulf %add3A_766, %get3A_872 : vector<16xf32>
        %add3A_874 = arith.addf %add3A_866, %mul3A_873 : vector<16xf32>
        %mul3A_875 = arith.constant 320 : i32
        %mul3A_876 = arith.muli %scan3A_217, %mul3A_875 : i32
        %add3A_877 = arith.constant 32 : i32
        %add3A_878 = arith.addi %mul3A_876, %add3A_877 : i32
        %swap3A_879 = arith.index_cast %add3A_878 : i32 to index
        %swap3A_880 = tpu.vector_load %arg13[%swap3A_879] {strides = array<i32>} : memref<2560xf32, #tpu.memory_space<vmem>>, vector<16xf32>,
        %swap3A_881 = vector.shape_cast %swap3A_880 : vector<16xf32> to vector<16xf32>
        %swap3A_882 = vector.shape_cast %add3A_874 : vector<16xf32> to vector<16xf32>
        tpu.vector_store %arg13[%swap3A_879], %swap3A_882 {strides = array<i32>} : memref<2560xf32, #tpu.memory_space<vmem>>, vector<16xf32>,
        %add3A_883 = arith.constant 3 : i32
        %add3A_884 = arith.addi %mul3A_219, %add3A_883 : i32
        %get3A_885 = arith.index_cast %add3A_884 : i32 to index
        %get3A_886 = arith.constant 0 : index
        %get3A_887 = tpu.vector_load %arg11[%get3A_885, %get3A_886] {strides = array<i32>} : memref<160x128xf32, #tpu.memory_space<vmem>>, vector<1x16xf32>,
        %get3A_888 = vector.shape_cast %get3A_887 : vector<1x16xf32> to vector<16xf32>
        %mul3A_889 = arith.mulf %add3A_355, %get3A_888 : vector<16xf32>
        %add3A_890 = arith.constant 3 : i32
        %add3A_891 = arith.addi %mul3A_219, %add3A_890 : i32
        %get3A_892 = arith.index_cast %add3A_891 : i32 to index
        %get3A_893 = arith.constant 16 : index
        %get3A_894 = tpu.vector_load %arg11[%get3A_892, %get3A_893] {strides = array<i32>} : memref<160x128xf32, #tpu.memory_space<vmem>>, vector<1x16xf32>,
        %get3A_895 = vector.shape_cast %get3A_894 : vector<1x16xf32> to vector<16xf32>
        %mul3A_896 = arith.mulf %add3A_492, %get3A_895 : vector<16xf32>
        %add3A_897 = arith.addf %mul3A_889, %mul3A_896 : vector<16xf32>
        %add3A_898 = arith.constant 3 : i32
        %add3A_899 = arith.addi %mul3A_219, %add3A_898 : i32
        %get3A_900 = arith.index_cast %add3A_899 : i32 to index
        %get3A_901 = arith.constant 32 : index
        %get3A_902 = tpu.vector_load %arg11[%get3A_900, %get3A_901] {strides = array<i32>} : memref<160x128xf32, #tpu.memory_space<vmem>>, vector<1x16xf32>,
        %get3A_903 = vector.shape_cast %get3A_902 : vector<1x16xf32> to vector<16xf32>
        %mul3A_904 = arith.mulf %add3A_629, %get3A_903 : vector<16xf32>
        %add3A_905 = arith.addf %add3A_897, %mul3A_904 : vector<16xf32>
        %add3A_906 = arith.constant 3 : i32
        %add3A_907 = arith.addi %mul3A_219, %add3A_906 : i32
        %get3A_908 = arith.index_cast %add3A_907 : i32 to index
        %get3A_909 = arith.constant 48 : index
        %get3A_910 = tpu.vector_load %arg11[%get3A_908, %get3A_909] {strides = array<i32>} : memref<160x128xf32, #tpu.memory_space<vmem>>, vector<1x16xf32>,
        %get3A_911 = vector.shape_cast %get3A_910 : vector<1x16xf32> to vector<16xf32>
        %mul3A_912 = arith.mulf %add3A_766, %get3A_911 : vector<16xf32>
        %add3A_913 = arith.addf %add3A_905, %mul3A_912 : vector<16xf32>
        %mul3A_914 = arith.constant 320 : i32
        %mul3A_915 = arith.muli %scan3A_217, %mul3A_914 : i32
        %add3A_916 = arith.constant 48 : i32
        %add3A_917 = arith.addi %mul3A_915, %add3A_916 : i32
        %swap3A_918 = arith.index_cast %add3A_917 : i32 to index
        %swap3A_919 = tpu.vector_load %arg13[%swap3A_918] {strides = array<i32>} : memref<2560xf32, #tpu.memory_space<vmem>>, vector<16xf32>,
        %swap3A_920 = vector.shape_cast %swap3A_919 : vector<16xf32> to vector<16xf32>
        %swap3A_921 = vector.shape_cast %add3A_913 : vector<16xf32> to vector<16xf32>
        tpu.vector_store %arg13[%swap3A_918], %swap3A_921 {strides = array<i32>} : memref<2560xf32, #tpu.memory_space<vmem>>, vector<16xf32>,
        %add3A_922 = arith.constant 4 : i32
        %add3A_923 = arith.addi %mul3A_219, %add3A_922 : i32
        %get3A_924 = arith.index_cast %add3A_923 : i32 to index
        %get3A_925 = arith.constant 0 : index
        %get3A_926 = tpu.vector_load %arg11[%get3A_924, %get3A_925] {strides = array<i32>} : memref<160x128xf32, #tpu.memory_space<vmem>>, vector<1x16xf32>,
        %get3A_927 = vector.shape_cast %get3A_926 : vector<1x16xf32> to vector<16xf32>
        %mul3A_928 = arith.mulf %add3A_355, %get3A_927 : vector<16xf32>
        %add3A_929 = arith.constant 4 : i32
        %add3A_930 = arith.addi %mul3A_219, %add3A_929 : i32
        %get3A_931 = arith.index_cast %add3A_930 : i32 to index
        %get3A_932 = arith.constant 16 : index
        %get3A_933 = tpu.vector_load %arg11[%get3A_931, %get3A_932] {strides = array<i32>} : memref<160x128xf32, #tpu.memory_space<vmem>>, vector<1x16xf32>,
        %get3A_934 = vector.shape_cast %get3A_933 : vector<1x16xf32> to vector<16xf32>
        %mul3A_935 = arith.mulf %add3A_492, %get3A_934 : vector<16xf32>
        %add3A_936 = arith.addf %mul3A_928, %mul3A_935 : vector<16xf32>
        %add3A_937 = arith.constant 4 : i32
        %add3A_938 = arith.addi %mul3A_219, %add3A_937 : i32
        %get3A_939 = arith.index_cast %add3A_938 : i32 to index
        %get3A_940 = arith.constant 32 : index
        %get3A_941 = tpu.vector_load %arg11[%get3A_939, %get3A_940] {strides = array<i32>} : memref<160x128xf32, #tpu.memory_space<vmem>>, vector<1x16xf32>,
        %get3A_942 = vector.shape_cast %get3A_941 : vector<1x16xf32> to vector<16xf32>
        %mul3A_943 = arith.mulf %add3A_629, %get3A_942 : vector<16xf32>
        %add3A_944 = arith.addf %add3A_936, %mul3A_943 : vector<16xf32>
        %add3A_945 = arith.constant 4 : i32
        %add3A_946 = arith.addi %mul3A_219, %add3A_945 : i32
        %get3A_947 = arith.index_cast %add3A_946 : i32 to index
        %get3A_948 = arith.constant 48 : index
        %get3A_949 = tpu.vector_load %arg11[%get3A_947, %get3A_948] {strides = array<i32>} : memref<160x128xf32, #tpu.memory_space<vmem>>, vector<1x16xf32>,
        %get3A_950 = vector.shape_cast %get3A_949 : vector<1x16xf32> to vector<16xf32>
        %mul3A_951 = arith.mulf %add3A_766, %get3A_950 : vector<16xf32>
        %add3A_952 = arith.addf %add3A_944, %mul3A_951 : vector<16xf32>
        %mul3A_953 = arith.constant 320 : i32
        %mul3A_954 = arith.muli %scan3A_217, %mul3A_953 : i32
        %add3A_955 = arith.constant 64 : i32
        %add3A_956 = arith.addi %mul3A_954, %add3A_955 : i32
        %swap3A_957 = arith.index_cast %add3A_956 : i32 to index
        %swap3A_958 = tpu.vector_load %arg13[%swap3A_957] {strides = array<i32>} : memref<2560xf32, #tpu.memory_space<vmem>>, vector<16xf32>,
        %swap3A_959 = vector.shape_cast %swap3A_958 : vector<16xf32> to vector<16xf32>
        %swap3A_960 = vector.shape_cast %add3A_952 : vector<16xf32> to vector<16xf32>
        tpu.vector_store %arg13[%swap3A_957], %swap3A_960 {strides = array<i32>} : memref<2560xf32, #tpu.memory_space<vmem>>, vector<16xf32>,
        %add3A_961 = arith.constant 5 : i32
        %add3A_962 = arith.addi %mul3A_219, %add3A_961 : i32
        %get3A_963 = arith.index_cast %add3A_962 : i32 to index
        %get3A_964 = arith.constant 0 : index
        %get3A_965 = tpu.vector_load %arg11[%get3A_963, %get3A_964] {strides = array<i32>} : memref<160x128xf32, #tpu.memory_space<vmem>>, vector<1x16xf32>,
        %get3A_966 = vector.shape_cast %get3A_965 : vector<1x16xf32> to vector<16xf32>
        %mul3A_967 = arith.mulf %add3A_355, %get3A_966 : vector<16xf32>
        %add3A_968 = arith.constant 5 : i32
        %add3A_969 = arith.addi %mul3A_219, %add3A_968 : i32
        %get3A_970 = arith.index_cast %add3A_969 : i32 to index
        %get3A_971 = arith.constant 16 : index
        %get3A_972 = tpu.vector_load %arg11[%get3A_970, %get3A_971] {strides = array<i32>} : memref<160x128xf32, #tpu.memory_space<vmem>>, vector<1x16xf32>,
        %get3A_973 = vector.shape_cast %get3A_972 : vector<1x16xf32> to vector<16xf32>
        %mul3A_974 = arith.mulf %add3A_492, %get3A_973 : vector<16xf32>
        %add3A_975 = arith.addf %mul3A_967, %mul3A_974 : vector<16xf32>
        %add3A_976 = arith.constant 5 : i32
        %add3A_977 = arith.addi %mul3A_219, %add3A_976 : i32
        %get3A_978 = arith.index_cast %add3A_977 : i32 to index
        %get3A_979 = arith.constant 32 : index
        %get3A_980 = tpu.vector_load %arg11[%get3A_978, %get3A_979] {strides = array<i32>} : memref<160x128xf32, #tpu.memory_space<vmem>>, vector<1x16xf32>,
        %get3A_981 = vector.shape_cast %get3A_980 : vector<1x16xf32> to vector<16xf32>
        %mul3A_982 = arith.mulf %add3A_629, %get3A_981 : vector<16xf32>
        %add3A_983 = arith.addf %add3A_975, %mul3A_982 : vector<16xf32>
        %add3A_984 = arith.constant 5 : i32
        %add3A_985 = arith.addi %mul3A_219, %add3A_984 : i32
        %get3A_986 = arith.index_cast %add3A_985 : i32 to index
        %get3A_987 = arith.constant 48 : index
        %get3A_988 = tpu.vector_load %arg11[%get3A_986, %get3A_987] {strides = array<i32>} : memref<160x128xf32, #tpu.memory_space<vmem>>, vector<1x16xf32>,
        %get3A_989 = vector.shape_cast %get3A_988 : vector<1x16xf32> to vector<16xf32>
        %mul3A_990 = arith.mulf %add3A_766, %get3A_989 : vector<16xf32>
        %add3A_991 = arith.addf %add3A_983, %mul3A_990 : vector<16xf32>
        %mul3A_992 = arith.constant 320 : i32
        %mul3A_993 = arith.muli %scan3A_217, %mul3A_992 : i32
        %add3A_994 = arith.constant 80 : i32
        %add3A_995 = arith.addi %mul3A_993, %add3A_994 : i32
        %swap3A_996 = arith.index_cast %add3A_995 : i32 to index
        %swap3A_997 = tpu.vector_load %arg13[%swap3A_996] {strides = array<i32>} : memref<2560xf32, #tpu.memory_space<vmem>>, vector<16xf32>,
        %swap3A_998 = vector.shape_cast %swap3A_997 : vector<16xf32> to vector<16xf32>
        %swap3A_999 = vector.shape_cast %add3A_991 : vector<16xf32> to vector<16xf32>
        tpu.vector_store %arg13[%swap3A_996], %swap3A_999 {strides = array<i32>} : memref<2560xf32, #tpu.memory_space<vmem>>, vector<16xf32>,
        %add3A_1000 = arith.constant 6 : i32
        %add3A_1001 = arith.addi %mul3A_219, %add3A_1000 : i32
        %get3A_1002 = arith.index_cast %add3A_1001 : i32 to index
        %get3A_1003 = arith.constant 0 : index
        %get3A_1004 = tpu.vector_load %arg11[%get3A_1002, %get3A_1003] {strides = array<i32>} : memref<160x128xf32, #tpu.memory_space<vmem>>, vector<1x16xf32>,
        %get3A_1005 = vector.shape_cast %get3A_1004 : vector<1x16xf32> to vector<16xf32>
        %mul3A_1006 = arith.mulf %add3A_355, %get3A_1005 : vector<16xf32>
        %add3A_1007 = arith.constant 6 : i32
        %add3A_1008 = arith.addi %mul3A_219, %add3A_1007 : i32
        %get3A_1009 = arith.index_cast %add3A_1008 : i32 to index
        %get3A_1010 = arith.constant 16 : index
        %get3A_1011 = tpu.vector_load %arg11[%get3A_1009, %get3A_1010] {strides = array<i32>} : memref<160x128xf32, #tpu.memory_space<vmem>>, vector<1x16xf32>,
        %get3A_1012 = vector.shape_cast %get3A_1011 : vector<1x16xf32> to vector<16xf32>
        %mul3A_1013 = arith.mulf %add3A_492, %get3A_1012 : vector<16xf32>
        %add3A_1014 = arith.addf %mul3A_1006, %mul3A_1013 : vector<16xf32>
        %add3A_1015 = arith.constant 6 : i32
        %add3A_1016 = arith.addi %mul3A_219, %add3A_1015 : i32
        %get3A_1017 = arith.index_cast %add3A_1016 : i32 to index
        %get3A_1018 = arith.constant 32 : index
        %get3A_1019 = tpu.vector_load %arg11[%get3A_1017, %get3A_1018] {strides = array<i32>} : memref<160x128xf32, #tpu.memory_space<vmem>>, vector<1x16xf32>,
        %get3A_1020 = vector.shape_cast %get3A_1019 : vector<1x16xf32> to vector<16xf32>
        %mul3A_1021 = arith.mulf %add3A_629, %get3A_1020 : vector<16xf32>
        %add3A_1022 = arith.addf %add3A_1014, %mul3A_1021 : vector<16xf32>
        %add3A_1023 = arith.constant 6 : i32
        %add3A_1024 = arith.addi %mul3A_219, %add3A_1023 : i32
        %get3A_1025 = arith.index_cast %add3A_1024 : i32 to index
        %get3A_1026 = arith.constant 48 : index
        %get3A_1027 = tpu.vector_load %arg11[%get3A_1025, %get3A_1026] {strides = array<i32>} : memref<160x128xf32, #tpu.memory_space<vmem>>, vector<1x16xf32>,
        %get3A_1028 = vector.shape_cast %get3A_1027 : vector<1x16xf32> to vector<16xf32>
        %mul3A_1029 = arith.mulf %add3A_766, %get3A_1028 : vector<16xf32>
        %add3A_1030 = arith.addf %add3A_1022, %mul3A_1029 : vector<16xf32>
        %mul3A_1031 = arith.constant 320 : i32
        %mul3A_1032 = arith.muli %scan3A_217, %mul3A_1031 : i32
        %add3A_1033 = arith.constant 96 : i32
        %add3A_1034 = arith.addi %mul3A_1032, %add3A_1033 : i32
        %swap3A_1035 = arith.index_cast %add3A_1034 : i32 to index
        %swap3A_1036 = tpu.vector_load %arg13[%swap3A_1035] {strides = array<i32>} : memref<2560xf32, #tpu.memory_space<vmem>>, vector<16xf32>,
        %swap3A_1037 = vector.shape_cast %swap3A_1036 : vector<16xf32> to vector<16xf32>
        %swap3A_1038 = vector.shape_cast %add3A_1030 : vector<16xf32> to vector<16xf32>
        tpu.vector_store %arg13[%swap3A_1035], %swap3A_1038 {strides = array<i32>} : memref<2560xf32, #tpu.memory_space<vmem>>, vector<16xf32>,
        %add3A_1039 = arith.constant 7 : i32
        %add3A_1040 = arith.addi %mul3A_219, %add3A_1039 : i32
        %get3A_1041 = arith.index_cast %add3A_1040 : i32 to index
        %get3A_1042 = arith.constant 0 : index
        %get3A_1043 = tpu.vector_load %arg11[%get3A_1041, %get3A_1042] {strides = array<i32>} : memref<160x128xf32, #tpu.memory_space<vmem>>, vector<1x16xf32>,
        %get3A_1044 = vector.shape_cast %get3A_1043 : vector<1x16xf32> to vector<16xf32>
        %mul3A_1045 = arith.mulf %add3A_355, %get3A_1044 : vector<16xf32>
        %add3A_1046 = arith.constant 7 : i32
        %add3A_1047 = arith.addi %mul3A_219, %add3A_1046 : i32
        %get3A_1048 = arith.index_cast %add3A_1047 : i32 to index
        %get3A_1049 = arith.constant 16 : index
        %get3A_1050 = tpu.vector_load %arg11[%get3A_1048, %get3A_1049] {strides = array<i32>} : memref<160x128xf32, #tpu.memory_space<vmem>>, vector<1x16xf32>,
        %get3A_1051 = vector.shape_cast %get3A_1050 : vector<1x16xf32> to vector<16xf32>
        %mul3A_1052 = arith.mulf %add3A_492, %get3A_1051 : vector<16xf32>
        %add3A_1053 = arith.addf %mul3A_1045, %mul3A_1052 : vector<16xf32>
        %add3A_1054 = arith.constant 7 : i32
        %add3A_1055 = arith.addi %mul3A_219, %add3A_1054 : i32
        %get3A_1056 = arith.index_cast %add3A_1055 : i32 to index
        %get3A_1057 = arith.constant 32 : index
        %get3A_1058 = tpu.vector_load %arg11[%get3A_1056, %get3A_1057] {strides = array<i32>} : memref<160x128xf32, #tpu.memory_space<vmem>>, vector<1x16xf32>,
        %get3A_1059 = vector.shape_cast %get3A_1058 : vector<1x16xf32> to vector<16xf32>
        %mul3A_1060 = arith.mulf %add3A_629, %get3A_1059 : vector<16xf32>
        %add3A_1061 = arith.addf %add3A_1053, %mul3A_1060 : vector<16xf32>
        %add3A_1062 = arith.constant 7 : i32
        %add3A_1063 = arith.addi %mul3A_219, %add3A_1062 : i32
        %get3A_1064 = arith.index_cast %add3A_1063 : i32 to index
        %get3A_1065 = arith.constant 48 : index
        %get3A_1066 = tpu.vector_load %arg11[%get3A_1064, %get3A_1065] {strides = array<i32>} : memref<160x128xf32, #tpu.memory_space<vmem>>, vector<1x16xf32>,
        %get3A_1067 = vector.shape_cast %get3A_1066 : vector<1x16xf32> to vector<16xf32>
        %mul3A_1068 = arith.mulf %add3A_766, %get3A_1067 : vector<16xf32>
        %add3A_1069 = arith.addf %add3A_1061, %mul3A_1068 : vector<16xf32>
        %mul3A_1070 = arith.constant 320 : i32
        %mul3A_1071 = arith.muli %scan3A_217, %mul3A_1070 : i32
        %add3A_1072 = arith.constant 112 : i32
        %add3A_1073 = arith.addi %mul3A_1071, %add3A_1072 : i32
        %swap3A_1074 = arith.index_cast %add3A_1073 : i32 to index
        %swap3A_1075 = tpu.vector_load %arg13[%swap3A_1074] {strides = array<i32>} : memref<2560xf32, #tpu.memory_space<vmem>>, vector<16xf32>,
        %swap3A_1076 = vector.shape_cast %swap3A_1075 : vector<16xf32> to vector<16xf32>
        %swap3A_1077 = vector.shape_cast %add3A_1069 : vector<16xf32> to vector<16xf32>
        tpu.vector_store %arg13[%swap3A_1074], %swap3A_1077 {strides = array<i32>} : memref<2560xf32, #tpu.memory_space<vmem>>, vector<16xf32>,
        %add3A_1078 = arith.constant 8 : i32
        %add3A_1079 = arith.addi %mul3A_219, %add3A_1078 : i32
        %get3A_1080 = arith.index_cast %add3A_1079 : i32 to index
        %get3A_1081 = arith.constant 0 : index
        %get3A_1082 = tpu.vector_load %arg11[%get3A_1080, %get3A_1081] {strides = array<i32>} : memref<160x128xf32, #tpu.memory_space<vmem>>, vector<1x16xf32>,
        %get3A_1083 = vector.shape_cast %get3A_1082 : vector<1x16xf32> to vector<16xf32>
        %mul3A_1084 = arith.mulf %add3A_355, %get3A_1083 : vector<16xf32>
        %add3A_1085 = arith.constant 8 : i32
        %add3A_1086 = arith.addi %mul3A_219, %add3A_1085 : i32
        %get3A_1087 = arith.index_cast %add3A_1086 : i32 to index
        %get3A_1088 = arith.constant 16 : index
        %get3A_1089 = tpu.vector_load %arg11[%get3A_1087, %get3A_1088] {strides = array<i32>} : memref<160x128xf32, #tpu.memory_space<vmem>>, vector<1x16xf32>,
        %get3A_1090 = vector.shape_cast %get3A_1089 : vector<1x16xf32> to vector<16xf32>
        %mul3A_1091 = arith.mulf %add3A_492, %get3A_1090 : vector<16xf32>
        %add3A_1092 = arith.addf %mul3A_1084, %mul3A_1091 : vector<16xf32>
        %add3A_1093 = arith.constant 8 : i32
        %add3A_1094 = arith.addi %mul3A_219, %add3A_1093 : i32
        %get3A_1095 = arith.index_cast %add3A_1094 : i32 to index
        %get3A_1096 = arith.constant 32 : index
        %get3A_1097 = tpu.vector_load %arg11[%get3A_1095, %get3A_1096] {strides = array<i32>} : memref<160x128xf32, #tpu.memory_space<vmem>>, vector<1x16xf32>,
        %get3A_1098 = vector.shape_cast %get3A_1097 : vector<1x16xf32> to vector<16xf32>
        %mul3A_1099 = arith.mulf %add3A_629, %get3A_1098 : vector<16xf32>
        %add3A_1100 = arith.addf %add3A_1092, %mul3A_1099 : vector<16xf32>
        %add3A_1101 = arith.constant 8 : i32
        %add3A_1102 = arith.addi %mul3A_219, %add3A_1101 : i32
        %get3A_1103 = arith.index_cast %add3A_1102 : i32 to index
        %get3A_1104 = arith.constant 48 : index
        %get3A_1105 = tpu.vector_load %arg11[%get3A_1103, %get3A_1104] {strides = array<i32>} : memref<160x128xf32, #tpu.memory_space<vmem>>, vector<1x16xf32>,
        %get3A_1106 = vector.shape_cast %get3A_1105 : vector<1x16xf32> to vector<16xf32>
        %mul3A_1107 = arith.mulf %add3A_766, %get3A_1106 : vector<16xf32>
        %add3A_1108 = arith.addf %add3A_1100, %mul3A_1107 : vector<16xf32>
        %mul3A_1109 = arith.constant 320 : i32
        %mul3A_1110 = arith.muli %scan3A_217, %mul3A_1109 : i32
        %add3A_1111 = arith.constant 128 : i32
        %add3A_1112 = arith.addi %mul3A_1110, %add3A_1111 : i32
        %swap3A_1113 = arith.index_cast %add3A_1112 : i32 to index
        %swap3A_1114 = tpu.vector_load %arg13[%swap3A_1113] {strides = array<i32>} : memref<2560xf32, #tpu.memory_space<vmem>>, vector<16xf32>,
        %swap3A_1115 = vector.shape_cast %swap3A_1114 : vector<16xf32> to vector<16xf32>
        %swap3A_1116 = vector.shape_cast %add3A_1108 : vector<16xf32> to vector<16xf32>
        tpu.vector_store %arg13[%swap3A_1113], %swap3A_1116 {strides = array<i32>} : memref<2560xf32, #tpu.memory_space<vmem>>, vector<16xf32>,
        %add3A_1117 = arith.constant 9 : i32
        %add3A_1118 = arith.addi %mul3A_219, %add3A_1117 : i32
        %get3A_1119 = arith.index_cast %add3A_1118 : i32 to index
        %get3A_1120 = arith.constant 0 : index
        %get3A_1121 = tpu.vector_load %arg11[%get3A_1119, %get3A_1120] {strides = array<i32>} : memref<160x128xf32, #tpu.memory_space<vmem>>, vector<1x16xf32>,
        %get3A_1122 = vector.shape_cast %get3A_1121 : vector<1x16xf32> to vector<16xf32>
        %mul3A_1123 = arith.mulf %add3A_355, %get3A_1122 : vector<16xf32>
        %add3A_1124 = arith.constant 9 : i32
        %add3A_1125 = arith.addi %mul3A_219, %add3A_1124 : i32
        %get3A_1126 = arith.index_cast %add3A_1125 : i32 to index
        %get3A_1127 = arith.constant 16 : index
        %get3A_1128 = tpu.vector_load %arg11[%get3A_1126, %get3A_1127] {strides = array<i32>} : memref<160x128xf32, #tpu.memory_space<vmem>>, vector<1x16xf32>,
        %get3A_1129 = vector.shape_cast %get3A_1128 : vector<1x16xf32> to vector<16xf32>
        %mul3A_1130 = arith.mulf %add3A_492, %get3A_1129 : vector<16xf32>
        %add3A_1131 = arith.addf %mul3A_1123, %mul3A_1130 : vector<16xf32>
        %add3A_1132 = arith.constant 9 : i32
        %add3A_1133 = arith.addi %mul3A_219, %add3A_1132 : i32
        %get3A_1134 = arith.index_cast %add3A_1133 : i32 to index
        %get3A_1135 = arith.constant 32 : index
        %get3A_1136 = tpu.vector_load %arg11[%get3A_1134, %get3A_1135] {strides = array<i32>} : memref<160x128xf32, #tpu.memory_space<vmem>>, vector<1x16xf32>,
        %get3A_1137 = vector.shape_cast %get3A_1136 : vector<1x16xf32> to vector<16xf32>
        %mul3A_1138 = arith.mulf %add3A_629, %get3A_1137 : vector<16xf32>
        %add3A_1139 = arith.addf %add3A_1131, %mul3A_1138 : vector<16xf32>
        %add3A_1140 = arith.constant 9 : i32
        %add3A_1141 = arith.addi %mul3A_219, %add3A_1140 : i32
        %get3A_1142 = arith.index_cast %add3A_1141 : i32 to index
        %get3A_1143 = arith.constant 48 : index
        %get3A_1144 = tpu.vector_load %arg11[%get3A_1142, %get3A_1143] {strides = array<i32>} : memref<160x128xf32, #tpu.memory_space<vmem>>, vector<1x16xf32>,
        %get3A_1145 = vector.shape_cast %get3A_1144 : vector<1x16xf32> to vector<16xf32>
        %mul3A_1146 = arith.mulf %add3A_766, %get3A_1145 : vector<16xf32>
        %add3A_1147 = arith.addf %add3A_1139, %mul3A_1146 : vector<16xf32>
        %mul3A_1148 = arith.constant 320 : i32
        %mul3A_1149 = arith.muli %scan3A_217, %mul3A_1148 : i32
        %add3A_1150 = arith.constant 144 : i32
        %add3A_1151 = arith.addi %mul3A_1149, %add3A_1150 : i32
        %swap3A_1152 = arith.index_cast %add3A_1151 : i32 to index
        %swap3A_1153 = tpu.vector_load %arg13[%swap3A_1152] {strides = array<i32>} : memref<2560xf32, #tpu.memory_space<vmem>>, vector<16xf32>,
        %swap3A_1154 = vector.shape_cast %swap3A_1153 : vector<16xf32> to vector<16xf32>
        %swap3A_1155 = vector.shape_cast %add3A_1147 : vector<16xf32> to vector<16xf32>
        tpu.vector_store %arg13[%swap3A_1152], %swap3A_1155 {strides = array<i32>} : memref<2560xf32, #tpu.memory_space<vmem>>, vector<16xf32>,
        %add3A_1156 = arith.constant 10 : i32
        %add3A_1157 = arith.addi %mul3A_219, %add3A_1156 : i32
        %get3A_1158 = arith.index_cast %add3A_1157 : i32 to index
        %get3A_1159 = arith.constant 0 : index
        %get3A_1160 = tpu.vector_load %arg11[%get3A_1158, %get3A_1159] {strides = array<i32>} : memref<160x128xf32, #tpu.memory_space<vmem>>, vector<1x16xf32>,
        %get3A_1161 = vector.shape_cast %get3A_1160 : vector<1x16xf32> to vector<16xf32>
        %mul3A_1162 = arith.mulf %add3A_355, %get3A_1161 : vector<16xf32>
        %add3A_1163 = arith.constant 10 : i32
        %add3A_1164 = arith.addi %mul3A_219, %add3A_1163 : i32
        %get3A_1165 = arith.index_cast %add3A_1164 : i32 to index
        %get3A_1166 = arith.constant 16 : index
        %get3A_1167 = tpu.vector_load %arg11[%get3A_1165, %get3A_1166] {strides = array<i32>} : memref<160x128xf32, #tpu.memory_space<vmem>>, vector<1x16xf32>,
        %get3A_1168 = vector.shape_cast %get3A_1167 : vector<1x16xf32> to vector<16xf32>
        %mul3A_1169 = arith.mulf %add3A_492, %get3A_1168 : vector<16xf32>
        %add3A_1170 = arith.addf %mul3A_1162, %mul3A_1169 : vector<16xf32>
        %add3A_1171 = arith.constant 10 : i32
        %add3A_1172 = arith.addi %mul3A_219, %add3A_1171 : i32
        %get3A_1173 = arith.index_cast %add3A_1172 : i32 to index
        %get3A_1174 = arith.constant 32 : index
        %get3A_1175 = tpu.vector_load %arg11[%get3A_1173, %get3A_1174] {strides = array<i32>} : memref<160x128xf32, #tpu.memory_space<vmem>>, vector<1x16xf32>,
        %get3A_1176 = vector.shape_cast %get3A_1175 : vector<1x16xf32> to vector<16xf32>
        %mul3A_1177 = arith.mulf %add3A_629, %get3A_1176 : vector<16xf32>
        %add3A_1178 = arith.addf %add3A_1170, %mul3A_1177 : vector<16xf32>
        %add3A_1179 = arith.constant 10 : i32
        %add3A_1180 = arith.addi %mul3A_219, %add3A_1179 : i32
        %get3A_1181 = arith.index_cast %add3A_1180 : i32 to index
        %get3A_1182 = arith.constant 48 : index
        %get3A_1183 = tpu.vector_load %arg11[%get3A_1181, %get3A_1182] {strides = array<i32>} : memref<160x128xf32, #tpu.memory_space<vmem>>, vector<1x16xf32>,
        %get3A_1184 = vector.shape_cast %get3A_1183 : vector<1x16xf32> to vector<16xf32>
        %mul3A_1185 = arith.mulf %add3A_766, %get3A_1184 : vector<16xf32>
        %add3A_1186 = arith.addf %add3A_1178, %mul3A_1185 : vector<16xf32>
        %mul3A_1187 = arith.constant 320 : i32
        %mul3A_1188 = arith.muli %scan3A_217, %mul3A_1187 : i32
        %add3A_1189 = arith.constant 160 : i32
        %add3A_1190 = arith.addi %mul3A_1188, %add3A_1189 : i32
        %swap3A_1191 = arith.index_cast %add3A_1190 : i32 to index
        %swap3A_1192 = tpu.vector_load %arg13[%swap3A_1191] {strides = array<i32>} : memref<2560xf32, #tpu.memory_space<vmem>>, vector<16xf32>,
        %swap3A_1193 = vector.shape_cast %swap3A_1192 : vector<16xf32> to vector<16xf32>
        %swap3A_1194 = vector.shape_cast %add3A_1186 : vector<16xf32> to vector<16xf32>
        tpu.vector_store %arg13[%swap3A_1191], %swap3A_1194 {strides = array<i32>} : memref<2560xf32, #tpu.memory_space<vmem>>, vector<16xf32>,
        %add3A_1195 = arith.constant 11 : i32
        %add3A_1196 = arith.addi %mul3A_219, %add3A_1195 : i32
        %get3A_1197 = arith.index_cast %add3A_1196 : i32 to index
        %get3A_1198 = arith.constant 0 : index
        %get3A_1199 = tpu.vector_load %arg11[%get3A_1197, %get3A_1198] {strides = array<i32>} : memref<160x128xf32, #tpu.memory_space<vmem>>, vector<1x16xf32>,
        %get3A_1200 = vector.shape_cast %get3A_1199 : vector<1x16xf32> to vector<16xf32>
        %mul3A_1201 = arith.mulf %add3A_355, %get3A_1200 : vector<16xf32>
        %add3A_1202 = arith.constant 11 : i32
        %add3A_1203 = arith.addi %mul3A_219, %add3A_1202 : i32
        %get3A_1204 = arith.index_cast %add3A_1203 : i32 to index
        %get3A_1205 = arith.constant 16 : index
        %get3A_1206 = tpu.vector_load %arg11[%get3A_1204, %get3A_1205] {strides = array<i32>} : memref<160x128xf32, #tpu.memory_space<vmem>>, vector<1x16xf32>,
        %get3A_1207 = vector.shape_cast %get3A_1206 : vector<1x16xf32> to vector<16xf32>
        %mul3A_1208 = arith.mulf %add3A_492, %get3A_1207 : vector<16xf32>
        %add3A_1209 = arith.addf %mul3A_1201, %mul3A_1208 : vector<16xf32>
        %add3A_1210 = arith.constant 11 : i32
        %add3A_1211 = arith.addi %mul3A_219, %add3A_1210 : i32
        %get3A_1212 = arith.index_cast %add3A_1211 : i32 to index
        %get3A_1213 = arith.constant 32 : index
        %get3A_1214 = tpu.vector_load %arg11[%get3A_1212, %get3A_1213] {strides = array<i32>} : memref<160x128xf32, #tpu.memory_space<vmem>>, vector<1x16xf32>,
        %get3A_1215 = vector.shape_cast %get3A_1214 : vector<1x16xf32> to vector<16xf32>
        %mul3A_1216 = arith.mulf %add3A_629, %get3A_1215 : vector<16xf32>
        %add3A_1217 = arith.addf %add3A_1209, %mul3A_1216 : vector<16xf32>
        %add3A_1218 = arith.constant 11 : i32
        %add3A_1219 = arith.addi %mul3A_219, %add3A_1218 : i32
        %get3A_1220 = arith.index_cast %add3A_1219 : i32 to index
        %get3A_1221 = arith.constant 48 : index
        %get3A_1222 = tpu.vector_load %arg11[%get3A_1220, %get3A_1221] {strides = array<i32>} : memref<160x128xf32, #tpu.memory_space<vmem>>, vector<1x16xf32>,
        %get3A_1223 = vector.shape_cast %get3A_1222 : vector<1x16xf32> to vector<16xf32>
        %mul3A_1224 = arith.mulf %add3A_766, %get3A_1223 : vector<16xf32>
        %add3A_1225 = arith.addf %add3A_1217, %mul3A_1224 : vector<16xf32>
        %mul3A_1226 = arith.constant 320 : i32
        %mul3A_1227 = arith.muli %scan3A_217, %mul3A_1226 : i32
        %add3A_1228 = arith.constant 176 : i32
        %add3A_1229 = arith.addi %mul3A_1227, %add3A_1228 : i32
        %swap3A_1230 = arith.index_cast %add3A_1229 : i32 to index
        %swap3A_1231 = tpu.vector_load %arg13[%swap3A_1230] {strides = array<i32>} : memref<2560xf32, #tpu.memory_space<vmem>>, vector<16xf32>,
        %swap3A_1232 = vector.shape_cast %swap3A_1231 : vector<16xf32> to vector<16xf32>
        %swap3A_1233 = vector.shape_cast %add3A_1225 : vector<16xf32> to vector<16xf32>
        tpu.vector_store %arg13[%swap3A_1230], %swap3A_1233 {strides = array<i32>} : memref<2560xf32, #tpu.memory_space<vmem>>, vector<16xf32>,
        %add3A_1234 = arith.constant 12 : i32
        %add3A_1235 = arith.addi %mul3A_219, %add3A_1234 : i32
        %get3A_1236 = arith.index_cast %add3A_1235 : i32 to index
        %get3A_1237 = arith.constant 0 : index
        %get3A_1238 = tpu.vector_load %arg11[%get3A_1236, %get3A_1237] {strides = array<i32>} : memref<160x128xf32, #tpu.memory_space<vmem>>, vector<1x16xf32>,
        %get3A_1239 = vector.shape_cast %get3A_1238 : vector<1x16xf32> to vector<16xf32>
        %mul3A_1240 = arith.mulf %add3A_355, %get3A_1239 : vector<16xf32>
        %add3A_1241 = arith.constant 12 : i32
        %add3A_1242 = arith.addi %mul3A_219, %add3A_1241 : i32
        %get3A_1243 = arith.index_cast %add3A_1242 : i32 to index
        %get3A_1244 = arith.constant 16 : index
        %get3A_1245 = tpu.vector_load %arg11[%get3A_1243, %get3A_1244] {strides = array<i32>} : memref<160x128xf32, #tpu.memory_space<vmem>>, vector<1x16xf32>,
        %get3A_1246 = vector.shape_cast %get3A_1245 : vector<1x16xf32> to vector<16xf32>
        %mul3A_1247 = arith.mulf %add3A_492, %get3A_1246 : vector<16xf32>
        %add3A_1248 = arith.addf %mul3A_1240, %mul3A_1247 : vector<16xf32>
        %add3A_1249 = arith.constant 12 : i32
        %add3A_1250 = arith.addi %mul3A_219, %add3A_1249 : i32
        %get3A_1251 = arith.index_cast %add3A_1250 : i32 to index
        %get3A_1252 = arith.constant 32 : index
        %get3A_1253 = tpu.vector_load %arg11[%get3A_1251, %get3A_1252] {strides = array<i32>} : memref<160x128xf32, #tpu.memory_space<vmem>>, vector<1x16xf32>,
        %get3A_1254 = vector.shape_cast %get3A_1253 : vector<1x16xf32> to vector<16xf32>
        %mul3A_1255 = arith.mulf %add3A_629, %get3A_1254 : vector<16xf32>
        %add3A_1256 = arith.addf %add3A_1248, %mul3A_1255 : vector<16xf32>
        %add3A_1257 = arith.constant 12 : i32
        %add3A_1258 = arith.addi %mul3A_219, %add3A_1257 : i32
        %get3A_1259 = arith.index_cast %add3A_1258 : i32 to index
        %get3A_1260 = arith.constant 48 : index
        %get3A_1261 = tpu.vector_load %arg11[%get3A_1259, %get3A_1260] {strides = array<i32>} : memref<160x128xf32, #tpu.memory_space<vmem>>, vector<1x16xf32>,
        %get3A_1262 = vector.shape_cast %get3A_1261 : vector<1x16xf32> to vector<16xf32>
        %mul3A_1263 = arith.mulf %add3A_766, %get3A_1262 : vector<16xf32>
        %add3A_1264 = arith.addf %add3A_1256, %mul3A_1263 : vector<16xf32>
        %mul3A_1265 = arith.constant 320 : i32
        %mul3A_1266 = arith.muli %scan3A_217, %mul3A_1265 : i32
        %add3A_1267 = arith.constant 192 : i32
        %add3A_1268 = arith.addi %mul3A_1266, %add3A_1267 : i32
        %swap3A_1269 = arith.index_cast %add3A_1268 : i32 to index
        %swap3A_1270 = tpu.vector_load %arg13[%swap3A_1269] {strides = array<i32>} : memref<2560xf32, #tpu.memory_space<vmem>>, vector<16xf32>,
        %swap3A_1271 = vector.shape_cast %swap3A_1270 : vector<16xf32> to vector<16xf32>
        %swap3A_1272 = vector.shape_cast %add3A_1264 : vector<16xf32> to vector<16xf32>
        tpu.vector_store %arg13[%swap3A_1269], %swap3A_1272 {strides = array<i32>} : memref<2560xf32, #tpu.memory_space<vmem>>, vector<16xf32>,
        %add3A_1273 = arith.constant 13 : i32
        %add3A_1274 = arith.addi %mul3A_219, %add3A_1273 : i32
        %get3A_1275 = arith.index_cast %add3A_1274 : i32 to index
        %get3A_1276 = arith.constant 0 : index
        %get3A_1277 = tpu.vector_load %arg11[%get3A_1275, %get3A_1276] {strides = array<i32>} : memref<160x128xf32, #tpu.memory_space<vmem>>, vector<1x16xf32>,
        %get3A_1278 = vector.shape_cast %get3A_1277 : vector<1x16xf32> to vector<16xf32>
        %mul3A_1279 = arith.mulf %add3A_355, %get3A_1278 : vector<16xf32>
        %add3A_1280 = arith.constant 13 : i32
        %add3A_1281 = arith.addi %mul3A_219, %add3A_1280 : i32
        %get3A_1282 = arith.index_cast %add3A_1281 : i32 to index
        %get3A_1283 = arith.constant 16 : index
        %get3A_1284 = tpu.vector_load %arg11[%get3A_1282, %get3A_1283] {strides = array<i32>} : memref<160x128xf32, #tpu.memory_space<vmem>>, vector<1x16xf32>,
        %get3A_1285 = vector.shape_cast %get3A_1284 : vector<1x16xf32> to vector<16xf32>
        %mul3A_1286 = arith.mulf %add3A_492, %get3A_1285 : vector<16xf32>
        %add3A_1287 = arith.addf %mul3A_1279, %mul3A_1286 : vector<16xf32>
        %add3A_1288 = arith.constant 13 : i32
        %add3A_1289 = arith.addi %mul3A_219, %add3A_1288 : i32
        %get3A_1290 = arith.index_cast %add3A_1289 : i32 to index
        %get3A_1291 = arith.constant 32 : index
        %get3A_1292 = tpu.vector_load %arg11[%get3A_1290, %get3A_1291] {strides = array<i32>} : memref<160x128xf32, #tpu.memory_space<vmem>>, vector<1x16xf32>,
        %get3A_1293 = vector.shape_cast %get3A_1292 : vector<1x16xf32> to vector<16xf32>
        %mul3A_1294 = arith.mulf %add3A_629, %get3A_1293 : vector<16xf32>
        %add3A_1295 = arith.addf %add3A_1287, %mul3A_1294 : vector<16xf32>
        %add3A_1296 = arith.constant 13 : i32
        %add3A_1297 = arith.addi %mul3A_219, %add3A_1296 : i32
        %get3A_1298 = arith.index_cast %add3A_1297 : i32 to index
        %get3A_1299 = arith.constant 48 : index
        %get3A_1300 = tpu.vector_load %arg11[%get3A_1298, %get3A_1299] {strides = array<i32>} : memref<160x128xf32, #tpu.memory_space<vmem>>, vector<1x16xf32>,
        %get3A_1301 = vector.shape_cast %get3A_1300 : vector<1x16xf32> to vector<16xf32>
        %mul3A_1302 = arith.mulf %add3A_766, %get3A_1301 : vector<16xf32>
        %add3A_1303 = arith.addf %add3A_1295, %mul3A_1302 : vector<16xf32>
        %mul3A_1304 = arith.constant 320 : i32
        %mul3A_1305 = arith.muli %scan3A_217, %mul3A_1304 : i32
        %add3A_1306 = arith.constant 208 : i32
        %add3A_1307 = arith.addi %mul3A_1305, %add3A_1306 : i32
        %swap3A_1308 = arith.index_cast %add3A_1307 : i32 to index
        %swap3A_1309 = tpu.vector_load %arg13[%swap3A_1308] {strides = array<i32>} : memref<2560xf32, #tpu.memory_space<vmem>>, vector<16xf32>,
        %swap3A_1310 = vector.shape_cast %swap3A_1309 : vector<16xf32> to vector<16xf32>
        %swap3A_1311 = vector.shape_cast %add3A_1303 : vector<16xf32> to vector<16xf32>
        tpu.vector_store %arg13[%swap3A_1308], %swap3A_1311 {strides = array<i32>} : memref<2560xf32, #tpu.memory_space<vmem>>, vector<16xf32>,
        %add3A_1312 = arith.constant 14 : i32
        %add3A_1313 = arith.addi %mul3A_219, %add3A_1312 : i32
        %get3A_1314 = arith.index_cast %add3A_1313 : i32 to index
        %get3A_1315 = arith.constant 0 : index
        %get3A_1316 = tpu.vector_load %arg11[%get3A_1314, %get3A_1315] {strides = array<i32>} : memref<160x128xf32, #tpu.memory_space<vmem>>, vector<1x16xf32>,
        %get3A_1317 = vector.shape_cast %get3A_1316 : vector<1x16xf32> to vector<16xf32>
        %mul3A_1318 = arith.mulf %add3A_355, %get3A_1317 : vector<16xf32>
        %add3A_1319 = arith.constant 14 : i32
        %add3A_1320 = arith.addi %mul3A_219, %add3A_1319 : i32
        %get3A_1321 = arith.index_cast %add3A_1320 : i32 to index
        %get3A_1322 = arith.constant 16 : index
        %get3A_1323 = tpu.vector_load %arg11[%get3A_1321, %get3A_1322] {strides = array<i32>} : memref<160x128xf32, #tpu.memory_space<vmem>>, vector<1x16xf32>,
        %get3A_1324 = vector.shape_cast %get3A_1323 : vector<1x16xf32> to vector<16xf32>
        %mul3A_1325 = arith.mulf %add3A_492, %get3A_1324 : vector<16xf32>
        %add3A_1326 = arith.addf %mul3A_1318, %mul3A_1325 : vector<16xf32>
        %add3A_1327 = arith.constant 14 : i32
        %add3A_1328 = arith.addi %mul3A_219, %add3A_1327 : i32
        %get3A_1329 = arith.index_cast %add3A_1328 : i32 to index
        %get3A_1330 = arith.constant 32 : index
        %get3A_1331 = tpu.vector_load %arg11[%get3A_1329, %get3A_1330] {strides = array<i32>} : memref<160x128xf32, #tpu.memory_space<vmem>>, vector<1x16xf32>,
        %get3A_1332 = vector.shape_cast %get3A_1331 : vector<1x16xf32> to vector<16xf32>
        %mul3A_1333 = arith.mulf %add3A_629, %get3A_1332 : vector<16xf32>
        %add3A_1334 = arith.addf %add3A_1326, %mul3A_1333 : vector<16xf32>
        %add3A_1335 = arith.constant 14 : i32
        %add3A_1336 = arith.addi %mul3A_219, %add3A_1335 : i32
        %get3A_1337 = arith.index_cast %add3A_1336 : i32 to index
        %get3A_1338 = arith.constant 48 : index
        %get3A_1339 = tpu.vector_load %arg11[%get3A_1337, %get3A_1338] {strides = array<i32>} : memref<160x128xf32, #tpu.memory_space<vmem>>, vector<1x16xf32>,
        %get3A_1340 = vector.shape_cast %get3A_1339 : vector<1x16xf32> to vector<16xf32>
        %mul3A_1341 = arith.mulf %add3A_766, %get3A_1340 : vector<16xf32>
        %add3A_1342 = arith.addf %add3A_1334, %mul3A_1341 : vector<16xf32>
        %mul3A_1343 = arith.constant 320 : i32
        %mul3A_1344 = arith.muli %scan3A_217, %mul3A_1343 : i32
        %add3A_1345 = arith.constant 224 : i32
        %add3A_1346 = arith.addi %mul3A_1344, %add3A_1345 : i32
        %swap3A_1347 = arith.index_cast %add3A_1346 : i32 to index
        %swap3A_1348 = tpu.vector_load %arg13[%swap3A_1347] {strides = array<i32>} : memref<2560xf32, #tpu.memory_space<vmem>>, vector<16xf32>,
        %swap3A_1349 = vector.shape_cast %swap3A_1348 : vector<16xf32> to vector<16xf32>
        %swap3A_1350 = vector.shape_cast %add3A_1342 : vector<16xf32> to vector<16xf32>
        tpu.vector_store %arg13[%swap3A_1347], %swap3A_1350 {strides = array<i32>} : memref<2560xf32, #tpu.memory_space<vmem>>, vector<16xf32>,
        %add3A_1351 = arith.constant 15 : i32
        %add3A_1352 = arith.addi %mul3A_219, %add3A_1351 : i32
        %get3A_1353 = arith.index_cast %add3A_1352 : i32 to index
        %get3A_1354 = arith.constant 0 : index
        %get3A_1355 = tpu.vector_load %arg11[%get3A_1353, %get3A_1354] {strides = array<i32>} : memref<160x128xf32, #tpu.memory_space<vmem>>, vector<1x16xf32>,
        %get3A_1356 = vector.shape_cast %get3A_1355 : vector<1x16xf32> to vector<16xf32>
        %mul3A_1357 = arith.mulf %add3A_355, %get3A_1356 : vector<16xf32>
        %add3A_1358 = arith.constant 15 : i32
        %add3A_1359 = arith.addi %mul3A_219, %add3A_1358 : i32
        %get3A_1360 = arith.index_cast %add3A_1359 : i32 to index
        %get3A_1361 = arith.constant 16 : index
        %get3A_1362 = tpu.vector_load %arg11[%get3A_1360, %get3A_1361] {strides = array<i32>} : memref<160x128xf32, #tpu.memory_space<vmem>>, vector<1x16xf32>,
        %get3A_1363 = vector.shape_cast %get3A_1362 : vector<1x16xf32> to vector<16xf32>
        %mul3A_1364 = arith.mulf %add3A_492, %get3A_1363 : vector<16xf32>
        %add3A_1365 = arith.addf %mul3A_1357, %mul3A_1364 : vector<16xf32>
        %add3A_1366 = arith.constant 15 : i32
        %add3A_1367 = arith.addi %mul3A_219, %add3A_1366 : i32
        %get3A_1368 = arith.index_cast %add3A_1367 : i32 to index
        %get3A_1369 = arith.constant 32 : index
        %get3A_1370 = tpu.vector_load %arg11[%get3A_1368, %get3A_1369] {strides = array<i32>} : memref<160x128xf32, #tpu.memory_space<vmem>>, vector<1x16xf32>,
        %get3A_1371 = vector.shape_cast %get3A_1370 : vector<1x16xf32> to vector<16xf32>
        %mul3A_1372 = arith.mulf %add3A_629, %get3A_1371 : vector<16xf32>
        %add3A_1373 = arith.addf %add3A_1365, %mul3A_1372 : vector<16xf32>
        %add3A_1374 = arith.constant 15 : i32
        %add3A_1375 = arith.addi %mul3A_219, %add3A_1374 : i32
        %get3A_1376 = arith.index_cast %add3A_1375 : i32 to index
        %get3A_1377 = arith.constant 48 : index
        %get3A_1378 = tpu.vector_load %arg11[%get3A_1376, %get3A_1377] {strides = array<i32>} : memref<160x128xf32, #tpu.memory_space<vmem>>, vector<1x16xf32>,
        %get3A_1379 = vector.shape_cast %get3A_1378 : vector<1x16xf32> to vector<16xf32>
        %mul3A_1380 = arith.mulf %add3A_766, %get3A_1379 : vector<16xf32>
        %add3A_1381 = arith.addf %add3A_1373, %mul3A_1380 : vector<16xf32>
        %mul3A_1382 = arith.constant 320 : i32
        %mul3A_1383 = arith.muli %scan3A_217, %mul3A_1382 : i32
        %add3A_1384 = arith.constant 240 : i32
        %add3A_1385 = arith.addi %mul3A_1383, %add3A_1384 : i32
        %swap3A_1386 = arith.index_cast %add3A_1385 : i32 to index
        %swap3A_1387 = tpu.vector_load %arg13[%swap3A_1386] {strides = array<i32>} : memref<2560xf32, #tpu.memory_space<vmem>>, vector<16xf32>,
        %swap3A_1388 = vector.shape_cast %swap3A_1387 : vector<16xf32> to vector<16xf32>
        %swap3A_1389 = vector.shape_cast %add3A_1381 : vector<16xf32> to vector<16xf32>
        tpu.vector_store %arg13[%swap3A_1386], %swap3A_1389 {strides = array<i32>} : memref<2560xf32, #tpu.memory_space<vmem>>, vector<16xf32>,
        %add3A_1390 = arith.constant 16 : i32
        %add3A_1391 = arith.addi %mul3A_219, %add3A_1390 : i32
        %get3A_1392 = arith.index_cast %add3A_1391 : i32 to index
        %get3A_1393 = arith.constant 0 : index
        %get3A_1394 = tpu.vector_load %arg11[%get3A_1392, %get3A_1393] {strides = array<i32>} : memref<160x128xf32, #tpu.memory_space<vmem>>, vector<1x16xf32>,
        %get3A_1395 = vector.shape_cast %get3A_1394 : vector<1x16xf32> to vector<16xf32>
        %mul3A_1396 = arith.mulf %add3A_355, %get3A_1395 : vector<16xf32>
        %add3A_1397 = arith.constant 16 : i32
        %add3A_1398 = arith.addi %mul3A_219, %add3A_1397 : i32
        %get3A_1399 = arith.index_cast %add3A_1398 : i32 to index
        %get3A_1400 = arith.constant 16 : index
        %get3A_1401 = tpu.vector_load %arg11[%get3A_1399, %get3A_1400] {strides = array<i32>} : memref<160x128xf32, #tpu.memory_space<vmem>>, vector<1x16xf32>,
        %get3A_1402 = vector.shape_cast %get3A_1401 : vector<1x16xf32> to vector<16xf32>
        %mul3A_1403 = arith.mulf %add3A_492, %get3A_1402 : vector<16xf32>
        %add3A_1404 = arith.addf %mul3A_1396, %mul3A_1403 : vector<16xf32>
        %add3A_1405 = arith.constant 16 : i32
        %add3A_1406 = arith.addi %mul3A_219, %add3A_1405 : i32
        %get3A_1407 = arith.index_cast %add3A_1406 : i32 to index
        %get3A_1408 = arith.constant 32 : index
        %get3A_1409 = tpu.vector_load %arg11[%get3A_1407, %get3A_1408] {strides = array<i32>} : memref<160x128xf32, #tpu.memory_space<vmem>>, vector<1x16xf32>,
        %get3A_1410 = vector.shape_cast %get3A_1409 : vector<1x16xf32> to vector<16xf32>
        %mul3A_1411 = arith.mulf %add3A_629, %get3A_1410 : vector<16xf32>
        %add3A_1412 = arith.addf %add3A_1404, %mul3A_1411 : vector<16xf32>
        %add3A_1413 = arith.constant 16 : i32
        %add3A_1414 = arith.addi %mul3A_219, %add3A_1413 : i32
        %get3A_1415 = arith.index_cast %add3A_1414 : i32 to index
        %get3A_1416 = arith.constant 48 : index
        %get3A_1417 = tpu.vector_load %arg11[%get3A_1415, %get3A_1416] {strides = array<i32>} : memref<160x128xf32, #tpu.memory_space<vmem>>, vector<1x16xf32>,
        %get3A_1418 = vector.shape_cast %get3A_1417 : vector<1x16xf32> to vector<16xf32>
        %mul3A_1419 = arith.mulf %add3A_766, %get3A_1418 : vector<16xf32>
        %add3A_1420 = arith.addf %add3A_1412, %mul3A_1419 : vector<16xf32>
        %mul3A_1421 = arith.constant 320 : i32
        %mul3A_1422 = arith.muli %scan3A_217, %mul3A_1421 : i32
        %add3A_1423 = arith.constant 256 : i32
        %add3A_1424 = arith.addi %mul3A_1422, %add3A_1423 : i32
        %swap3A_1425 = arith.index_cast %add3A_1424 : i32 to index
        %swap3A_1426 = tpu.vector_load %arg13[%swap3A_1425] {strides = array<i32>} : memref<2560xf32, #tpu.memory_space<vmem>>, vector<16xf32>,
        %swap3A_1427 = vector.shape_cast %swap3A_1426 : vector<16xf32> to vector<16xf32>
        %swap3A_1428 = vector.shape_cast %add3A_1420 : vector<16xf32> to vector<16xf32>
        tpu.vector_store %arg13[%swap3A_1425], %swap3A_1428 {strides = array<i32>} : memref<2560xf32, #tpu.memory_space<vmem>>, vector<16xf32>,
        %add3A_1429 = arith.constant 17 : i32
        %add3A_1430 = arith.addi %mul3A_219, %add3A_1429 : i32
        %get3A_1431 = arith.index_cast %add3A_1430 : i32 to index
        %get3A_1432 = arith.constant 0 : index
        %get3A_1433 = tpu.vector_load %arg11[%get3A_1431, %get3A_1432] {strides = array<i32>} : memref<160x128xf32, #tpu.memory_space<vmem>>, vector<1x16xf32>,
        %get3A_1434 = vector.shape_cast %get3A_1433 : vector<1x16xf32> to vector<16xf32>
        %mul3A_1435 = arith.mulf %add3A_355, %get3A_1434 : vector<16xf32>
        %add3A_1436 = arith.constant 17 : i32
        %add3A_1437 = arith.addi %mul3A_219, %add3A_1436 : i32
        %get3A_1438 = arith.index_cast %add3A_1437 : i32 to index
        %get3A_1439 = arith.constant 16 : index
        %get3A_1440 = tpu.vector_load %arg11[%get3A_1438, %get3A_1439] {strides = array<i32>} : memref<160x128xf32, #tpu.memory_space<vmem>>, vector<1x16xf32>,
        %get3A_1441 = vector.shape_cast %get3A_1440 : vector<1x16xf32> to vector<16xf32>
        %mul3A_1442 = arith.mulf %add3A_492, %get3A_1441 : vector<16xf32>
        %add3A_1443 = arith.addf %mul3A_1435, %mul3A_1442 : vector<16xf32>
        %add3A_1444 = arith.constant 17 : i32
        %add3A_1445 = arith.addi %mul3A_219, %add3A_1444 : i32
        %get3A_1446 = arith.index_cast %add3A_1445 : i32 to index
        %get3A_1447 = arith.constant 32 : index
        %get3A_1448 = tpu.vector_load %arg11[%get3A_1446, %get3A_1447] {strides = array<i32>} : memref<160x128xf32, #tpu.memory_space<vmem>>, vector<1x16xf32>,
        %get3A_1449 = vector.shape_cast %get3A_1448 : vector<1x16xf32> to vector<16xf32>
        %mul3A_1450 = arith.mulf %add3A_629, %get3A_1449 : vector<16xf32>
        %add3A_1451 = arith.addf %add3A_1443, %mul3A_1450 : vector<16xf32>
        %add3A_1452 = arith.constant 17 : i32
        %add3A_1453 = arith.addi %mul3A_219, %add3A_1452 : i32
        %get3A_1454 = arith.index_cast %add3A_1453 : i32 to index
        %get3A_1455 = arith.constant 48 : index
        %get3A_1456 = tpu.vector_load %arg11[%get3A_1454, %get3A_1455] {strides = array<i32>} : memref<160x128xf32, #tpu.memory_space<vmem>>, vector<1x16xf32>,
        %get3A_1457 = vector.shape_cast %get3A_1456 : vector<1x16xf32> to vector<16xf32>
        %mul3A_1458 = arith.mulf %add3A_766, %get3A_1457 : vector<16xf32>
        %add3A_1459 = arith.addf %add3A_1451, %mul3A_1458 : vector<16xf32>
        %mul3A_1460 = arith.constant 320 : i32
        %mul3A_1461 = arith.muli %scan3A_217, %mul3A_1460 : i32
        %add3A_1462 = arith.constant 272 : i32
        %add3A_1463 = arith.addi %mul3A_1461, %add3A_1462 : i32
        %swap3A_1464 = arith.index_cast %add3A_1463 : i32 to index
        %swap3A_1465 = tpu.vector_load %arg13[%swap3A_1464] {strides = array<i32>} : memref<2560xf32, #tpu.memory_space<vmem>>, vector<16xf32>,
        %swap3A_1466 = vector.shape_cast %swap3A_1465 : vector<16xf32> to vector<16xf32>
        %swap3A_1467 = vector.shape_cast %add3A_1459 : vector<16xf32> to vector<16xf32>
        tpu.vector_store %arg13[%swap3A_1464], %swap3A_1467 {strides = array<i32>} : memref<2560xf32, #tpu.memory_space<vmem>>, vector<16xf32>,
        %add3A_1468 = arith.constant 18 : i32
        %add3A_1469 = arith.addi %mul3A_219, %add3A_1468 : i32
        %get3A_1470 = arith.index_cast %add3A_1469 : i32 to index
        %get3A_1471 = arith.constant 0 : index
        %get3A_1472 = tpu.vector_load %arg11[%get3A_1470, %get3A_1471] {strides = array<i32>} : memref<160x128xf32, #tpu.memory_space<vmem>>, vector<1x16xf32>,
        %get3A_1473 = vector.shape_cast %get3A_1472 : vector<1x16xf32> to vector<16xf32>
        %mul3A_1474 = arith.mulf %add3A_355, %get3A_1473 : vector<16xf32>
        %add3A_1475 = arith.constant 18 : i32
        %add3A_1476 = arith.addi %mul3A_219, %add3A_1475 : i32
        %get3A_1477 = arith.index_cast %add3A_1476 : i32 to index
        %get3A_1478 = arith.constant 16 : index
        %get3A_1479 = tpu.vector_load %arg11[%get3A_1477, %get3A_1478] {strides = array<i32>} : memref<160x128xf32, #tpu.memory_space<vmem>>, vector<1x16xf32>,
        %get3A_1480 = vector.shape_cast %get3A_1479 : vector<1x16xf32> to vector<16xf32>
        %mul3A_1481 = arith.mulf %add3A_492, %get3A_1480 : vector<16xf32>
        %add3A_1482 = arith.addf %mul3A_1474, %mul3A_1481 : vector<16xf32>
        %add3A_1483 = arith.constant 18 : i32
        %add3A_1484 = arith.addi %mul3A_219, %add3A_1483 : i32
        %get3A_1485 = arith.index_cast %add3A_1484 : i32 to index
        %get3A_1486 = arith.constant 32 : index
        %get3A_1487 = tpu.vector_load %arg11[%get3A_1485, %get3A_1486] {strides = array<i32>} : memref<160x128xf32, #tpu.memory_space<vmem>>, vector<1x16xf32>,
        %get3A_1488 = vector.shape_cast %get3A_1487 : vector<1x16xf32> to vector<16xf32>
        %mul3A_1489 = arith.mulf %add3A_629, %get3A_1488 : vector<16xf32>
        %add3A_1490 = arith.addf %add3A_1482, %mul3A_1489 : vector<16xf32>
        %add3A_1491 = arith.constant 18 : i32
        %add3A_1492 = arith.addi %mul3A_219, %add3A_1491 : i32
        %get3A_1493 = arith.index_cast %add3A_1492 : i32 to index
        %get3A_1494 = arith.constant 48 : index
        %get3A_1495 = tpu.vector_load %arg11[%get3A_1493, %get3A_1494] {strides = array<i32>} : memref<160x128xf32, #tpu.memory_space<vmem>>, vector<1x16xf32>,
        %get3A_1496 = vector.shape_cast %get3A_1495 : vector<1x16xf32> to vector<16xf32>
        %mul3A_1497 = arith.mulf %add3A_766, %get3A_1496 : vector<16xf32>
        %add3A_1498 = arith.addf %add3A_1490, %mul3A_1497 : vector<16xf32>
        %mul3A_1499 = arith.constant 320 : i32
        %mul3A_1500 = arith.muli %scan3A_217, %mul3A_1499 : i32
        %add3A_1501 = arith.constant 288 : i32
        %add3A_1502 = arith.addi %mul3A_1500, %add3A_1501 : i32
        %swap3A_1503 = arith.index_cast %add3A_1502 : i32 to index
        %swap3A_1504 = tpu.vector_load %arg13[%swap3A_1503] {strides = array<i32>} : memref<2560xf32, #tpu.memory_space<vmem>>, vector<16xf32>,
        %swap3A_1505 = vector.shape_cast %swap3A_1504 : vector<16xf32> to vector<16xf32>
        %swap3A_1506 = vector.shape_cast %add3A_1498 : vector<16xf32> to vector<16xf32>
        tpu.vector_store %arg13[%swap3A_1503], %swap3A_1506 {strides = array<i32>} : memref<2560xf32, #tpu.memory_space<vmem>>, vector<16xf32>,
        %add3A_1507 = arith.constant 19 : i32
        %add3A_1508 = arith.addi %mul3A_219, %add3A_1507 : i32
        %get3A_1509 = arith.index_cast %add3A_1508 : i32 to index
        %get3A_1510 = arith.constant 0 : index
        %get3A_1511 = tpu.vector_load %arg11[%get3A_1509, %get3A_1510] {strides = array<i32>} : memref<160x128xf32, #tpu.memory_space<vmem>>, vector<1x16xf32>,
        %get3A_1512 = vector.shape_cast %get3A_1511 : vector<1x16xf32> to vector<16xf32>
        %mul3A_1513 = arith.mulf %add3A_355, %get3A_1512 : vector<16xf32>
        %add3A_1514 = arith.constant 19 : i32
        %add3A_1515 = arith.addi %mul3A_219, %add3A_1514 : i32
        %get3A_1516 = arith.index_cast %add3A_1515 : i32 to index
        %get3A_1517 = arith.constant 16 : index
        %get3A_1518 = tpu.vector_load %arg11[%get3A_1516, %get3A_1517] {strides = array<i32>} : memref<160x128xf32, #tpu.memory_space<vmem>>, vector<1x16xf32>,
        %get3A_1519 = vector.shape_cast %get3A_1518 : vector<1x16xf32> to vector<16xf32>
        %mul3A_1520 = arith.mulf %add3A_492, %get3A_1519 : vector<16xf32>
        %add3A_1521 = arith.addf %mul3A_1513, %mul3A_1520 : vector<16xf32>
        %add3A_1522 = arith.constant 19 : i32
        %add3A_1523 = arith.addi %mul3A_219, %add3A_1522 : i32
        %get3A_1524 = arith.index_cast %add3A_1523 : i32 to index
        %get3A_1525 = arith.constant 32 : index
        %get3A_1526 = tpu.vector_load %arg11[%get3A_1524, %get3A_1525] {strides = array<i32>} : memref<160x128xf32, #tpu.memory_space<vmem>>, vector<1x16xf32>,
        %get3A_1527 = vector.shape_cast %get3A_1526 : vector<1x16xf32> to vector<16xf32>
        %mul3A_1528 = arith.mulf %add3A_629, %get3A_1527 : vector<16xf32>
        %add3A_1529 = arith.addf %add3A_1521, %mul3A_1528 : vector<16xf32>
        %add3A_1530 = arith.constant 19 : i32
        %add3A_1531 = arith.addi %mul3A_219, %add3A_1530 : i32
        %get3A_1532 = arith.index_cast %add3A_1531 : i32 to index
        %get3A_1533 = arith.constant 48 : index
        %get3A_1534 = tpu.vector_load %arg11[%get3A_1532, %get3A_1533] {strides = array<i32>} : memref<160x128xf32, #tpu.memory_space<vmem>>, vector<1x16xf32>,
        %get3A_1535 = vector.shape_cast %get3A_1534 : vector<1x16xf32> to vector<16xf32>
        %mul3A_1536 = arith.mulf %add3A_766, %get3A_1535 : vector<16xf32>
        %add3A_1537 = arith.addf %add3A_1529, %mul3A_1536 : vector<16xf32>
        %mul3A_1538 = arith.constant 320 : i32
        %mul3A_1539 = arith.muli %scan3A_217, %mul3A_1538 : i32
        %add3A_1540 = arith.constant 304 : i32
        %add3A_1541 = arith.addi %mul3A_1539, %add3A_1540 : i32
        %swap3A_1542 = arith.index_cast %add3A_1541 : i32 to index
        %swap3A_1543 = tpu.vector_load %arg13[%swap3A_1542] {strides = array<i32>} : memref<2560xf32, #tpu.memory_space<vmem>>, vector<16xf32>,
        %swap3A_1544 = vector.shape_cast %swap3A_1543 : vector<16xf32> to vector<16xf32>
        %swap3A_1545 = vector.shape_cast %add3A_1537 : vector<16xf32> to vector<16xf32>
        tpu.vector_store %arg13[%swap3A_1542], %swap3A_1545 {strides = array<i32>} : memref<2560xf32, #tpu.memory_space<vmem>>, vector<16xf32>,
      }
      %scan3A_134 = arith.constant 8 : i32
      %mul3A_135 = arith.constant 512 : i32
      %mul3A_136 = arith.muli %add3A, %mul3A_135 : i32
      %mul3A_137 = arith.constant 8 : i32
      %mul3A_138 = arith.muli %add3A_90, %mul3A_137 : i32
      %add3A_139 = arith.addi %mul3A_136, %mul3A_138 : i32
      %mul3A_140 = arith.constant 320 : i32
      %mul3A_141 = arith.muli %add3A_139, %mul3A_140 : i32
      %dma_start3A_142 = tpu.memref_slice %arg6[%mul3A_141] : memref<5242880xf32, #tpu.memory_space<hbm>> -> memref<2560xf32, #tpu.memory_space<hbm>>
      %dma_start3A_143 = tpu.memref_slice %arg6[%mul3A_141] : memref<5242880xf32, #tpu.memory_space<hbm>> -> memref<2560xf32, #tpu.memory_space<hbm>>
      tpu.enqueue_dma source(%arg13 : memref<2560xf32, #tpu.memory_space<vmem>>) target(%dma_start3A_143 : memref<2560xf32, #tpu.memory_space<hbm>>) target_semaphore(%arg19 : memref<!tpu.dma_semaphore, #tpu.memory_space<semaphore_mem>>)
      %add3A_144 = arith.constant 2 : i32
      %add3A_145 = arith.addi %add3A_90, %add3A_144 : i32
      %lt3A = arith.constant 64 : i32
      %lt3A_146 = arith.cmpi slt, %add3A_145, %lt3A : i32
      %convert_element_type3A_147 = arith.extui %lt3A_146 : i1 to i32
      %cond3A_148 = arith.constant 0 : i32
      %cond3A_149 = arith.cmpi ne, %convert_element_type3A_147, %cond3A_148 : i32
      scf.if %cond3A_149 {
        %add3A_217 = arith.constant 2 : i32
        %add3A_218 = arith.addi %add3A_90, %add3A_217 : i32
        %mul3A_219 = arith.constant 160 : i32
        %mul3A_220 = arith.muli %add3A_218, %mul3A_219 : i32
        %add3A_221 = arith.constant 0 : i32
        %add3A_222 = arith.addi %mul3A_220, %add3A_221 : i32
        %mul3A_223 = arith.constant 160 : i32
        %mul3A_224 = arith.muli %add3A_218, %mul3A_223 : i32
        %add3A_225 = arith.constant 128 : i32
        %add3A_226 = arith.addi %mul3A_224, %add3A_225 : i32
        %dma_start3A_227 = arith.constant 0 : i32
        %dma_start3A_228 = arith.constant 0 : i32
        %dma_start3A_229 = tpu.memref_slice %arg9[%dma_start3A_227, %dma_start3A_228] : memref<160x128xf32, #tpu.memory_space<vmem>> -> memref<128x128xf32, #tpu.memory_space<vmem>>
        %dma_start3A_230 = tpu.memref_slice %arg7[%add3A_222] : memref<10240xi32, #tpu.memory_space<vmem>> -> memref<128xi32, #tpu.memory_space<vmem>>
        %dma_start3A_231 = arith.constant 0 : i32
        %dma_start3A_232 = arith.constant 0 : i32
        %dma_start3A_233 = tpu.memref_slice %arg4[%dma_start3A_231, %dma_start3A_232] : memref<1000000x128xf32, #tpu.memory_space<hbm>> -> memref<1000000x128xf32, #tpu.memory_space<hbm>>
        tpu.enqueue_indirect_dma source(%dma_start3A_233 : memref<1000000x128xf32, #tpu.memory_space<hbm>>) target(%dma_start3A_229 : memref<128x128xf32, #tpu.memory_space<vmem>>) offsets(%dma_start3A_230 : memref<128xi32, #tpu.memory_space<vmem>>) semaphore(%arg15 : memref<!tpu.dma_semaphore, #tpu.memory_space<semaphore_mem>>)
        %dma_start3A_234 = arith.constant 0 : i32
        %dma_start3A_235 = arith.constant 0 : i32
        %dma_start3A_236 = tpu.memref_slice %arg11[%dma_start3A_234, %dma_start3A_235] : memref<160x128xf32, #tpu.memory_space<vmem>> -> memref<128x128xf32, #tpu.memory_space<vmem>>
        %dma_start3A_237 = tpu.memref_slice %arg8[%add3A_222] : memref<10240xi32, #tpu.memory_space<vmem>> -> memref<128xi32, #tpu.memory_space<vmem>>
        %dma_start3A_238 = arith.constant 0 : i32
        %dma_start3A_239 = arith.constant 0 : i32
        %dma_start3A_240 = tpu.memref_slice %arg5[%dma_start3A_238, %dma_start3A_239] : memref<1000000x128xf32, #tpu.memory_space<hbm>> -> memref<1000000x128xf32, #tpu.memory_space<hbm>>
        tpu.enqueue_indirect_dma source(%dma_start3A_240 : memref<1000000x128xf32, #tpu.memory_space<hbm>>) target(%dma_start3A_236 : memref<128x128xf32, #tpu.memory_space<vmem>>) offsets(%dma_start3A_237 : memref<128xi32, #tpu.memory_space<vmem>>) semaphore(%arg17 : memref<!tpu.dma_semaphore, #tpu.memory_space<semaphore_mem>>)
        %dma_start3A_241 = arith.constant 128 : i32
        %dma_start3A_242 = arith.constant 0 : i32
        %dma_start3A_243 = tpu.memref_slice %arg9[%dma_start3A_241, %dma_start3A_242] : memref<160x128xf32, #tpu.memory_space<vmem>> -> memref<32x128xf32, #tpu.memory_space<vmem>>
        %dma_start3A_244 = tpu.memref_slice %arg7[%add3A_226] : memref<10240xi32, #tpu.memory_space<vmem>> -> memref<32xi32, #tpu.memory_space<vmem>>
        %dma_start3A_245 = arith.constant 0 : i32
        %dma_start3A_246 = arith.constant 0 : i32
        %dma_start3A_247 = tpu.memref_slice %arg4[%dma_start3A_245, %dma_start3A_246] : memref<1000000x128xf32, #tpu.memory_space<hbm>> -> memref<1000000x128xf32, #tpu.memory_space<hbm>>
        tpu.enqueue_indirect_dma source(%dma_start3A_247 : memref<1000000x128xf32, #tpu.memory_space<hbm>>) target(%dma_start3A_243 : memref<32x128xf32, #tpu.memory_space<vmem>>) offsets(%dma_start3A_244 : memref<32xi32, #tpu.memory_space<vmem>>) semaphore(%arg15 : memref<!tpu.dma_semaphore, #tpu.memory_space<semaphore_mem>>)
        %dma_start3A_248 = arith.constant 128 : i32
        %dma_start3A_249 = arith.constant 0 : i32
        %dma_start3A_250 = tpu.memref_slice %arg11[%dma_start3A_248, %dma_start3A_249] : memref<160x128xf32, #tpu.memory_space<vmem>> -> memref<32x128xf32, #tpu.memory_space<vmem>>
        %dma_start3A_251 = tpu.memref_slice %arg8[%add3A_226] : memref<10240xi32, #tpu.memory_space<vmem>> -> memref<32xi32, #tpu.memory_space<vmem>>
        %dma_start3A_252 = arith.constant 0 : i32
        %dma_start3A_253 = arith.constant 0 : i32
        %dma_start3A_254 = tpu.memref_slice %arg5[%dma_start3A_252, %dma_start3A_253] : memref<1000000x128xf32, #tpu.memory_space<hbm>> -> memref<1000000x128xf32, #tpu.memory_space<hbm>>
        tpu.enqueue_indirect_dma source(%dma_start3A_254 : memref<1000000x128xf32, #tpu.memory_space<hbm>>) target(%dma_start3A_250 : memref<32x128xf32, #tpu.memory_space<vmem>>) offsets(%dma_start3A_251 : memref<32xi32, #tpu.memory_space<vmem>>) semaphore(%arg17 : memref<!tpu.dma_semaphore, #tpu.memory_space<semaphore_mem>>)
      } else {
      }
      %mul3A_150 = arith.constant 2 : i32
      %mul3A_151 = arith.muli %mul3A_150, %scan3A_86 : i32
      %add3A_152 = arith.constant 1 : i32
      %add3A_153 = arith.addi %mul3A_151, %add3A_152 : i32
      %mul3A_154 = arith.constant 160 : i32
      %mul3A_155 = arith.muli %add3A_153, %mul3A_154 : i32
      %add3A_156 = arith.constant 0 : i32
      %add3A_157 = arith.addi %mul3A_155, %add3A_156 : i32
      %mul3A_158 = arith.constant 160 : i32
      %mul3A_159 = arith.muli %add3A_153, %mul3A_158 : i32
      %add3A_160 = arith.constant 128 : i32
      %add3A_161 = arith.addi %mul3A_159, %add3A_160 : i32
      %dma_wait3A_162 = arith.constant 0 : i32
      %dma_wait3A_163 = arith.constant 0 : i32
      %dma_wait3A_164 = tpu.memref_slice %arg10[%dma_wait3A_162, %dma_wait3A_163] : memref<160x128xf32, #tpu.memory_space<vmem>> -> memref<128x128xf32, #tpu.memory_space<vmem>>
      %dma_wait3A_165 = tpu.memref_slice %arg7[%add3A_157] : memref<10240xi32, #tpu.memory_space<vmem>> -> memref<128xi32, #tpu.memory_space<vmem>>
      %dma_wait3A_166 = arith.constant 0 : i32
      %dma_wait3A_167 = arith.constant 0 : i32
      %dma_wait3A_168 = tpu.memref_slice %arg4[%dma_wait3A_166, %dma_wait3A_167] : memref<1000000x128xf32, #tpu.memory_space<hbm>> -> memref<1000000x128xf32, #tpu.memory_space<hbm>>
      tpu.wait_indirect_dma semaphore(%arg16 : memref<!tpu.dma_semaphore, #tpu.memory_space<semaphore_mem>>) src(%dma_wait3A_168 : memref<1000000x128xf32, #tpu.memory_space<hbm>>) dst(%dma_wait3A_164 : memref<128x128xf32, #tpu.memory_space<vmem>>)
      %dma_wait3A_169 = arith.constant 0 : i32
      %dma_wait3A_170 = arith.constant 0 : i32
      %dma_wait3A_171 = tpu.memref_slice %arg12[%dma_wait3A_169, %dma_wait3A_170] : memref<160x128xf32, #tpu.memory_space<vmem>> -> memref<128x128xf32, #tpu.memory_space<vmem>>
      %dma_wait3A_172 = tpu.memref_slice %arg8[%add3A_157] : memref<10240xi32, #tpu.memory_space<vmem>> -> memref<128xi32, #tpu.memory_space<vmem>>
      %dma_wait3A_173 = arith.constant 0 : i32
      %dma_wait3A_174 = arith.constant 0 : i32
      %dma_wait3A_175 = tpu.memref_slice %arg5[%dma_wait3A_173, %dma_wait3A_174] : memref<1000000x128xf32, #tpu.memory_space<hbm>> -> memref<1000000x128xf32, #tpu.memory_space<hbm>>
      tpu.wait_indirect_dma semaphore(%arg18 : memref<!tpu.dma_semaphore, #tpu.memory_space<semaphore_mem>>) src(%dma_wait3A_175 : memref<1000000x128xf32, #tpu.memory_space<hbm>>) dst(%dma_wait3A_171 : memref<128x128xf32, #tpu.memory_space<vmem>>)
      %dma_wait3A_176 = arith.constant 128 : i32
      %dma_wait3A_177 = arith.constant 0 : i32
      %dma_wait3A_178 = tpu.memref_slice %arg10[%dma_wait3A_176, %dma_wait3A_177] : memref<160x128xf32, #tpu.memory_space<vmem>> -> memref<32x128xf32, #tpu.memory_space<vmem>>
      %dma_wait3A_179 = tpu.memref_slice %arg7[%add3A_161] : memref<10240xi32, #tpu.memory_space<vmem>> -> memref<32xi32, #tpu.memory_space<vmem>>
      %dma_wait3A_180 = arith.constant 0 : i32
      %dma_wait3A_181 = arith.constant 0 : i32
      %dma_wait3A_182 = tpu.memref_slice %arg4[%dma_wait3A_180, %dma_wait3A_181] : memref<1000000x128xf32, #tpu.memory_space<hbm>> -> memref<1000000x128xf32, #tpu.memory_space<hbm>>
      tpu.wait_indirect_dma semaphore(%arg16 : memref<!tpu.dma_semaphore, #tpu.memory_space<semaphore_mem>>) src(%dma_wait3A_182 : memref<1000000x128xf32, #tpu.memory_space<hbm>>) dst(%dma_wait3A_178 : memref<32x128xf32, #tpu.memory_space<vmem>>)
      %dma_wait3A_183 = arith.constant 128 : i32
      %dma_wait3A_184 = arith.constant 0 : i32
      %dma_wait3A_185 = tpu.memref_slice %arg12[%dma_wait3A_183, %dma_wait3A_184] : memref<160x128xf32, #tpu.memory_space<vmem>> -> memref<32x128xf32, #tpu.memory_space<vmem>>
      %dma_wait3A_186 = tpu.memref_slice %arg8[%add3A_161] : memref<10240xi32, #tpu.memory_space<vmem>> -> memref<32xi32, #tpu.memory_space<vmem>>
      %dma_wait3A_187 = arith.constant 0 : i32
      %dma_wait3A_188 = arith.constant 0 : i32
      %dma_wait3A_189 = tpu.memref_slice %arg5[%dma_wait3A_187, %dma_wait3A_188] : memref<1000000x128xf32, #tpu.memory_space<hbm>> -> memref<1000000x128xf32, #tpu.memory_space<hbm>>
      tpu.wait_indirect_dma semaphore(%arg18 : memref<!tpu.dma_semaphore, #tpu.memory_space<semaphore_mem>>) src(%dma_wait3A_189 : memref<1000000x128xf32, #tpu.memory_space<hbm>>) dst(%dma_wait3A_185 : memref<32x128xf32, #tpu.memory_space<vmem>>)
      %ge3A_190 = arith.constant 2 : i32
      %ge3A_191 = arith.cmpi sge, %add3A_153, %ge3A_190 : i32
      %convert_element_type3A_192 = arith.extui %ge3A_191 : i1 to i32
      %cond3A_193 = arith.constant 0 : i32
      %cond3A_194 = arith.cmpi ne, %convert_element_type3A_192, %cond3A_193 : i32
      scf.if %cond3A_194 {
        %mul3A_217 = arith.constant 512 : i32
        %mul3A_218 = arith.muli %add3A, %mul3A_217 : i32
        %mul3A_219 = arith.constant 8 : i32
        %mul3A_220 = arith.muli %add3A_153, %mul3A_219 : i32
        %add3A_221 = arith.addi %mul3A_218, %mul3A_220 : i32
        %mul3A_222 = arith.constant 320 : i32
        %mul3A_223 = arith.muli %add3A_221, %mul3A_222 : i32
        %dma_wait3A_224 = tpu.memref_slice %arg6[%mul3A_223] : memref<5242880xf32, #tpu.memory_space<hbm>> -> memref<2560xf32, #tpu.memory_space<hbm>>
        %dma_wait3A_225 = tpu.memref_slice %arg6[%mul3A_223] : memref<5242880xf32, #tpu.memory_space<hbm>> -> memref<2560xf32, #tpu.memory_space<hbm>>
        tpu.wait_dma2 semaphore(%arg20 : memref<!tpu.dma_semaphore, #tpu.memory_space<semaphore_mem>>) src(%arg14 : memref<2560xf32, #tpu.memory_space<vmem>>) dst(%dma_wait3A_225 : memref<2560xf32, #tpu.memory_space<hbm>>)
      } else {
      }
      %scan3A_195 = arith.constant 0 : i32
      %scan3A_196 = arith.constant 0 : i32
      %scan3A_197 = arith.constant 8 : i32
      %scan3A_198 = arith.addi %scan3A_196, %scan3A_197 : i32
      %scan3A_199 = arith.constant 1 : i32
      scf.for %scan3A_217 = %scan3A_196 to %scan3A_198 step %scan3A_199  : i32 {
        %mul3A_218 = arith.constant 20 : i32
        %mul3A_219 = arith.muli %scan3A_217, %mul3A_218 : i32
        %get3A = arith.index_cast %mul3A_219 : i32 to index
        %get3A_220 = arith.constant 0 : index
        %get3A_221 = tpu.vector_load %arg10[%get3A, %get3A_220] {strides = array<i32>} : memref<160x128xf32, #tpu.memory_space<vmem>>, vector<1x16xf32>,
        %get3A_222 = vector.shape_cast %get3A_221 : vector<1x16xf32> to vector<16xf32>
        %add3A_223 = arith.constant 1 : i32
        %add3A_224 = arith.addi %mul3A_219, %add3A_223 : i32
        %get3A_225 = arith.index_cast %add3A_224 : i32 to index
        %get3A_226 = arith.constant 0 : index
        %get3A_227 = tpu.vector_load %arg10[%get3A_225, %get3A_226] {strides = array<i32>} : memref<160x128xf32, #tpu.memory_space<vmem>>, vector<1x16xf32>,
        %get3A_228 = vector.shape_cast %get3A_227 : vector<1x16xf32> to vector<16xf32>
        %add3A_229 = arith.addf %get3A_222, %get3A_228 : vector<16xf32>
        %add3A_230 = arith.constant 2 : i32
        %add3A_231 = arith.addi %mul3A_219, %add3A_230 : i32
        %get3A_232 = arith.index_cast %add3A_231 : i32 to index
        %get3A_233 = arith.constant 0 : index
        %get3A_234 = tpu.vector_load %arg10[%get3A_232, %get3A_233] {strides = array<i32>} : memref<160x128xf32, #tpu.memory_space<vmem>>, vector<1x16xf32>,
        %get3A_235 = vector.shape_cast %get3A_234 : vector<1x16xf32> to vector<16xf32>
        %add3A_236 = arith.addf %add3A_229, %get3A_235 : vector<16xf32>
        %add3A_237 = arith.constant 3 : i32
        %add3A_238 = arith.addi %mul3A_219, %add3A_237 : i32
        %get3A_239 = arith.index_cast %add3A_238 : i32 to index
        %get3A_240 = arith.constant 0 : index
        %get3A_241 = tpu.vector_load %arg10[%get3A_239, %get3A_240] {strides = array<i32>} : memref<160x128xf32, #tpu.memory_space<vmem>>, vector<1x16xf32>,
        %get3A_242 = vector.shape_cast %get3A_241 : vector<1x16xf32> to vector<16xf32>
        %add3A_243 = arith.addf %add3A_236, %get3A_242 : vector<16xf32>
        %add3A_244 = arith.constant 4 : i32
        %add3A_245 = arith.addi %mul3A_219, %add3A_244 : i32
        %get3A_246 = arith.index_cast %add3A_245 : i32 to index
        %get3A_247 = arith.constant 0 : index
        %get3A_248 = tpu.vector_load %arg10[%get3A_246, %get3A_247] {strides = array<i32>} : memref<160x128xf32, #tpu.memory_space<vmem>>, vector<1x16xf32>,
        %get3A_249 = vector.shape_cast %get3A_248 : vector<1x16xf32> to vector<16xf32>
        %add3A_250 = arith.addf %add3A_243, %get3A_249 : vector<16xf32>
        %add3A_251 = arith.constant 5 : i32
        %add3A_252 = arith.addi %mul3A_219, %add3A_251 : i32
        %get3A_253 = arith.index_cast %add3A_252 : i32 to index
        %get3A_254 = arith.constant 0 : index
        %get3A_255 = tpu.vector_load %arg10[%get3A_253, %get3A_254] {strides = array<i32>} : memref<160x128xf32, #tpu.memory_space<vmem>>, vector<1x16xf32>,
        %get3A_256 = vector.shape_cast %get3A_255 : vector<1x16xf32> to vector<16xf32>
        %add3A_257 = arith.addf %add3A_250, %get3A_256 : vector<16xf32>
        %add3A_258 = arith.constant 6 : i32
        %add3A_259 = arith.addi %mul3A_219, %add3A_258 : i32
        %get3A_260 = arith.index_cast %add3A_259 : i32 to index
        %get3A_261 = arith.constant 0 : index
        %get3A_262 = tpu.vector_load %arg10[%get3A_260, %get3A_261] {strides = array<i32>} : memref<160x128xf32, #tpu.memory_space<vmem>>, vector<1x16xf32>,
        %get3A_263 = vector.shape_cast %get3A_262 : vector<1x16xf32> to vector<16xf32>
        %add3A_264 = arith.addf %add3A_257, %get3A_263 : vector<16xf32>
        %add3A_265 = arith.constant 7 : i32
        %add3A_266 = arith.addi %mul3A_219, %add3A_265 : i32
        %get3A_267 = arith.index_cast %add3A_266 : i32 to index
        %get3A_268 = arith.constant 0 : index
        %get3A_269 = tpu.vector_load %arg10[%get3A_267, %get3A_268] {strides = array<i32>} : memref<160x128xf32, #tpu.memory_space<vmem>>, vector<1x16xf32>,
        %get3A_270 = vector.shape_cast %get3A_269 : vector<1x16xf32> to vector<16xf32>
        %add3A_271 = arith.addf %add3A_264, %get3A_270 : vector<16xf32>
        %add3A_272 = arith.constant 8 : i32
        %add3A_273 = arith.addi %mul3A_219, %add3A_272 : i32
        %get3A_274 = arith.index_cast %add3A_273 : i32 to index
        %get3A_275 = arith.constant 0 : index
        %get3A_276 = tpu.vector_load %arg10[%get3A_274, %get3A_275] {strides = array<i32>} : memref<160x128xf32, #tpu.memory_space<vmem>>, vector<1x16xf32>,
        %get3A_277 = vector.shape_cast %get3A_276 : vector<1x16xf32> to vector<16xf32>
        %add3A_278 = arith.addf %add3A_271, %get3A_277 : vector<16xf32>
        %add3A_279 = arith.constant 9 : i32
        %add3A_280 = arith.addi %mul3A_219, %add3A_279 : i32
        %get3A_281 = arith.index_cast %add3A_280 : i32 to index
        %get3A_282 = arith.constant 0 : index
        %get3A_283 = tpu.vector_load %arg10[%get3A_281, %get3A_282] {strides = array<i32>} : memref<160x128xf32, #tpu.memory_space<vmem>>, vector<1x16xf32>,
        %get3A_284 = vector.shape_cast %get3A_283 : vector<1x16xf32> to vector<16xf32>
        %add3A_285 = arith.addf %add3A_278, %get3A_284 : vector<16xf32>
        %add3A_286 = arith.constant 10 : i32
        %add3A_287 = arith.addi %mul3A_219, %add3A_286 : i32
        %get3A_288 = arith.index_cast %add3A_287 : i32 to index
        %get3A_289 = arith.constant 0 : index
        %get3A_290 = tpu.vector_load %arg10[%get3A_288, %get3A_289] {strides = array<i32>} : memref<160x128xf32, #tpu.memory_space<vmem>>, vector<1x16xf32>,
        %get3A_291 = vector.shape_cast %get3A_290 : vector<1x16xf32> to vector<16xf32>
        %add3A_292 = arith.addf %add3A_285, %get3A_291 : vector<16xf32>
        %add3A_293 = arith.constant 11 : i32
        %add3A_294 = arith.addi %mul3A_219, %add3A_293 : i32
        %get3A_295 = arith.index_cast %add3A_294 : i32 to index
        %get3A_296 = arith.constant 0 : index
        %get3A_297 = tpu.vector_load %arg10[%get3A_295, %get3A_296] {strides = array<i32>} : memref<160x128xf32, #tpu.memory_space<vmem>>, vector<1x16xf32>,
        %get3A_298 = vector.shape_cast %get3A_297 : vector<1x16xf32> to vector<16xf32>
        %add3A_299 = arith.addf %add3A_292, %get3A_298 : vector<16xf32>
        %add3A_300 = arith.constant 12 : i32
        %add3A_301 = arith.addi %mul3A_219, %add3A_300 : i32
        %get3A_302 = arith.index_cast %add3A_301 : i32 to index
        %get3A_303 = arith.constant 0 : index
        %get3A_304 = tpu.vector_load %arg10[%get3A_302, %get3A_303] {strides = array<i32>} : memref<160x128xf32, #tpu.memory_space<vmem>>, vector<1x16xf32>,
        %get3A_305 = vector.shape_cast %get3A_304 : vector<1x16xf32> to vector<16xf32>
        %add3A_306 = arith.addf %add3A_299, %get3A_305 : vector<16xf32>
        %add3A_307 = arith.constant 13 : i32
        %add3A_308 = arith.addi %mul3A_219, %add3A_307 : i32
        %get3A_309 = arith.index_cast %add3A_308 : i32 to index
        %get3A_310 = arith.constant 0 : index
        %get3A_311 = tpu.vector_load %arg10[%get3A_309, %get3A_310] {strides = array<i32>} : memref<160x128xf32, #tpu.memory_space<vmem>>, vector<1x16xf32>,
        %get3A_312 = vector.shape_cast %get3A_311 : vector<1x16xf32> to vector<16xf32>
        %add3A_313 = arith.addf %add3A_306, %get3A_312 : vector<16xf32>
        %add3A_314 = arith.constant 14 : i32
        %add3A_315 = arith.addi %mul3A_219, %add3A_314 : i32
        %get3A_316 = arith.index_cast %add3A_315 : i32 to index
        %get3A_317 = arith.constant 0 : index
        %get3A_318 = tpu.vector_load %arg10[%get3A_316, %get3A_317] {strides = array<i32>} : memref<160x128xf32, #tpu.memory_space<vmem>>, vector<1x16xf32>,
        %get3A_319 = vector.shape_cast %get3A_318 : vector<1x16xf32> to vector<16xf32>
        %add3A_320 = arith.addf %add3A_313, %get3A_319 : vector<16xf32>
        %add3A_321 = arith.constant 15 : i32
        %add3A_322 = arith.addi %mul3A_219, %add3A_321 : i32
        %get3A_323 = arith.index_cast %add3A_322 : i32 to index
        %get3A_324 = arith.constant 0 : index
        %get3A_325 = tpu.vector_load %arg10[%get3A_323, %get3A_324] {strides = array<i32>} : memref<160x128xf32, #tpu.memory_space<vmem>>, vector<1x16xf32>,
        %get3A_326 = vector.shape_cast %get3A_325 : vector<1x16xf32> to vector<16xf32>
        %add3A_327 = arith.addf %add3A_320, %get3A_326 : vector<16xf32>
        %add3A_328 = arith.constant 16 : i32
        %add3A_329 = arith.addi %mul3A_219, %add3A_328 : i32
        %get3A_330 = arith.index_cast %add3A_329 : i32 to index
        %get3A_331 = arith.constant 0 : index
        %get3A_332 = tpu.vector_load %arg10[%get3A_330, %get3A_331] {strides = array<i32>} : memref<160x128xf32, #tpu.memory_space<vmem>>, vector<1x16xf32>,
        %get3A_333 = vector.shape_cast %get3A_332 : vector<1x16xf32> to vector<16xf32>
        %add3A_334 = arith.addf %add3A_327, %get3A_333 : vector<16xf32>
        %add3A_335 = arith.constant 17 : i32
        %add3A_336 = arith.addi %mul3A_219, %add3A_335 : i32
        %get3A_337 = arith.index_cast %add3A_336 : i32 to index
        %get3A_338 = arith.constant 0 : index
        %get3A_339 = tpu.vector_load %arg10[%get3A_337, %get3A_338] {strides = array<i32>} : memref<160x128xf32, #tpu.memory_space<vmem>>, vector<1x16xf32>,
        %get3A_340 = vector.shape_cast %get3A_339 : vector<1x16xf32> to vector<16xf32>
        %add3A_341 = arith.addf %add3A_334, %get3A_340 : vector<16xf32>
        %add3A_342 = arith.constant 18 : i32
        %add3A_343 = arith.addi %mul3A_219, %add3A_342 : i32
        %get3A_344 = arith.index_cast %add3A_343 : i32 to index
        %get3A_345 = arith.constant 0 : index
        %get3A_346 = tpu.vector_load %arg10[%get3A_344, %get3A_345] {strides = array<i32>} : memref<160x128xf32, #tpu.memory_space<vmem>>, vector<1x16xf32>,
        %get3A_347 = vector.shape_cast %get3A_346 : vector<1x16xf32> to vector<16xf32>
        %add3A_348 = arith.addf %add3A_341, %get3A_347 : vector<16xf32>
        %add3A_349 = arith.constant 19 : i32
        %add3A_350 = arith.addi %mul3A_219, %add3A_349 : i32
        %get3A_351 = arith.index_cast %add3A_350 : i32 to index
        %get3A_352 = arith.constant 0 : index
        %get3A_353 = tpu.vector_load %arg10[%get3A_351, %get3A_352] {strides = array<i32>} : memref<160x128xf32, #tpu.memory_space<vmem>>, vector<1x16xf32>,
        %get3A_354 = vector.shape_cast %get3A_353 : vector<1x16xf32> to vector<16xf32>
        %add3A_355 = arith.addf %add3A_348, %get3A_354 : vector<16xf32>
        %get3A_356 = arith.index_cast %mul3A_219 : i32 to index
        %get3A_357 = arith.constant 16 : index
        %get3A_358 = tpu.vector_load %arg10[%get3A_356, %get3A_357] {strides = array<i32>} : memref<160x128xf32, #tpu.memory_space<vmem>>, vector<1x16xf32>,
        %get3A_359 = vector.shape_cast %get3A_358 : vector<1x16xf32> to vector<16xf32>
        %add3A_360 = arith.constant 1 : i32
        %add3A_361 = arith.addi %mul3A_219, %add3A_360 : i32
        %get3A_362 = arith.index_cast %add3A_361 : i32 to index
        %get3A_363 = arith.constant 16 : index
        %get3A_364 = tpu.vector_load %arg10[%get3A_362, %get3A_363] {strides = array<i32>} : memref<160x128xf32, #tpu.memory_space<vmem>>, vector<1x16xf32>,
        %get3A_365 = vector.shape_cast %get3A_364 : vector<1x16xf32> to vector<16xf32>
        %add3A_366 = arith.addf %get3A_359, %get3A_365 : vector<16xf32>
        %add3A_367 = arith.constant 2 : i32
        %add3A_368 = arith.addi %mul3A_219, %add3A_367 : i32
        %get3A_369 = arith.index_cast %add3A_368 : i32 to index
        %get3A_370 = arith.constant 16 : index
        %get3A_371 = tpu.vector_load %arg10[%get3A_369, %get3A_370] {strides = array<i32>} : memref<160x128xf32, #tpu.memory_space<vmem>>, vector<1x16xf32>,
        %get3A_372 = vector.shape_cast %get3A_371 : vector<1x16xf32> to vector<16xf32>
        %add3A_373 = arith.addf %add3A_366, %get3A_372 : vector<16xf32>
        %add3A_374 = arith.constant 3 : i32
        %add3A_375 = arith.addi %mul3A_219, %add3A_374 : i32
        %get3A_376 = arith.index_cast %add3A_375 : i32 to index
        %get3A_377 = arith.constant 16 : index
        %get3A_378 = tpu.vector_load %arg10[%get3A_376, %get3A_377] {strides = array<i32>} : memref<160x128xf32, #tpu.memory_space<vmem>>, vector<1x16xf32>,
        %get3A_379 = vector.shape_cast %get3A_378 : vector<1x16xf32> to vector<16xf32>
        %add3A_380 = arith.addf %add3A_373, %get3A_379 : vector<16xf32>
        %add3A_381 = arith.constant 4 : i32
        %add3A_382 = arith.addi %mul3A_219, %add3A_381 : i32
        %get3A_383 = arith.index_cast %add3A_382 : i32 to index
        %get3A_384 = arith.constant 16 : index
        %get3A_385 = tpu.vector_load %arg10[%get3A_383, %get3A_384] {strides = array<i32>} : memref<160x128xf32, #tpu.memory_space<vmem>>, vector<1x16xf32>,
        %get3A_386 = vector.shape_cast %get3A_385 : vector<1x16xf32> to vector<16xf32>
        %add3A_387 = arith.addf %add3A_380, %get3A_386 : vector<16xf32>
        %add3A_388 = arith.constant 5 : i32
        %add3A_389 = arith.addi %mul3A_219, %add3A_388 : i32
        %get3A_390 = arith.index_cast %add3A_389 : i32 to index
        %get3A_391 = arith.constant 16 : index
        %get3A_392 = tpu.vector_load %arg10[%get3A_390, %get3A_391] {strides = array<i32>} : memref<160x128xf32, #tpu.memory_space<vmem>>, vector<1x16xf32>,
        %get3A_393 = vector.shape_cast %get3A_392 : vector<1x16xf32> to vector<16xf32>
        %add3A_394 = arith.addf %add3A_387, %get3A_393 : vector<16xf32>
        %add3A_395 = arith.constant 6 : i32
        %add3A_396 = arith.addi %mul3A_219, %add3A_395 : i32
        %get3A_397 = arith.index_cast %add3A_396 : i32 to index
        %get3A_398 = arith.constant 16 : index
        %get3A_399 = tpu.vector_load %arg10[%get3A_397, %get3A_398] {strides = array<i32>} : memref<160x128xf32, #tpu.memory_space<vmem>>, vector<1x16xf32>,
        %get3A_400 = vector.shape_cast %get3A_399 : vector<1x16xf32> to vector<16xf32>
        %add3A_401 = arith.addf %add3A_394, %get3A_400 : vector<16xf32>
        %add3A_402 = arith.constant 7 : i32
        %add3A_403 = arith.addi %mul3A_219, %add3A_402 : i32
        %get3A_404 = arith.index_cast %add3A_403 : i32 to index
        %get3A_405 = arith.constant 16 : index
        %get3A_406 = tpu.vector_load %arg10[%get3A_404, %get3A_405] {strides = array<i32>} : memref<160x128xf32, #tpu.memory_space<vmem>>, vector<1x16xf32>,
        %get3A_407 = vector.shape_cast %get3A_406 : vector<1x16xf32> to vector<16xf32>
        %add3A_408 = arith.addf %add3A_401, %get3A_407 : vector<16xf32>
        %add3A_409 = arith.constant 8 : i32
        %add3A_410 = arith.addi %mul3A_219, %add3A_409 : i32
        %get3A_411 = arith.index_cast %add3A_410 : i32 to index
        %get3A_412 = arith.constant 16 : index
        %get3A_413 = tpu.vector_load %arg10[%get3A_411, %get3A_412] {strides = array<i32>} : memref<160x128xf32, #tpu.memory_space<vmem>>, vector<1x16xf32>,
        %get3A_414 = vector.shape_cast %get3A_413 : vector<1x16xf32> to vector<16xf32>
        %add3A_415 = arith.addf %add3A_408, %get3A_414 : vector<16xf32>
        %add3A_416 = arith.constant 9 : i32
        %add3A_417 = arith.addi %mul3A_219, %add3A_416 : i32
        %get3A_418 = arith.index_cast %add3A_417 : i32 to index
        %get3A_419 = arith.constant 16 : index
        %get3A_420 = tpu.vector_load %arg10[%get3A_418, %get3A_419] {strides = array<i32>} : memref<160x128xf32, #tpu.memory_space<vmem>>, vector<1x16xf32>,
        %get3A_421 = vector.shape_cast %get3A_420 : vector<1x16xf32> to vector<16xf32>
        %add3A_422 = arith.addf %add3A_415, %get3A_421 : vector<16xf32>
        %add3A_423 = arith.constant 10 : i32
        %add3A_424 = arith.addi %mul3A_219, %add3A_423 : i32
        %get3A_425 = arith.index_cast %add3A_424 : i32 to index
        %get3A_426 = arith.constant 16 : index
        %get3A_427 = tpu.vector_load %arg10[%get3A_425, %get3A_426] {strides = array<i32>} : memref<160x128xf32, #tpu.memory_space<vmem>>, vector<1x16xf32>,
        %get3A_428 = vector.shape_cast %get3A_427 : vector<1x16xf32> to vector<16xf32>
        %add3A_429 = arith.addf %add3A_422, %get3A_428 : vector<16xf32>
        %add3A_430 = arith.constant 11 : i32
        %add3A_431 = arith.addi %mul3A_219, %add3A_430 : i32
        %get3A_432 = arith.index_cast %add3A_431 : i32 to index
        %get3A_433 = arith.constant 16 : index
        %get3A_434 = tpu.vector_load %arg10[%get3A_432, %get3A_433] {strides = array<i32>} : memref<160x128xf32, #tpu.memory_space<vmem>>, vector<1x16xf32>,
        %get3A_435 = vector.shape_cast %get3A_434 : vector<1x16xf32> to vector<16xf32>
        %add3A_436 = arith.addf %add3A_429, %get3A_435 : vector<16xf32>
        %add3A_437 = arith.constant 12 : i32
        %add3A_438 = arith.addi %mul3A_219, %add3A_437 : i32
        %get3A_439 = arith.index_cast %add3A_438 : i32 to index
        %get3A_440 = arith.constant 16 : index
        %get3A_441 = tpu.vector_load %arg10[%get3A_439, %get3A_440] {strides = array<i32>} : memref<160x128xf32, #tpu.memory_space<vmem>>, vector<1x16xf32>,
        %get3A_442 = vector.shape_cast %get3A_441 : vector<1x16xf32> to vector<16xf32>
        %add3A_443 = arith.addf %add3A_436, %get3A_442 : vector<16xf32>
        %add3A_444 = arith.constant 13 : i32
        %add3A_445 = arith.addi %mul3A_219, %add3A_444 : i32
        %get3A_446 = arith.index_cast %add3A_445 : i32 to index
        %get3A_447 = arith.constant 16 : index
        %get3A_448 = tpu.vector_load %arg10[%get3A_446, %get3A_447] {strides = array<i32>} : memref<160x128xf32, #tpu.memory_space<vmem>>, vector<1x16xf32>,
        %get3A_449 = vector.shape_cast %get3A_448 : vector<1x16xf32> to vector<16xf32>
        %add3A_450 = arith.addf %add3A_443, %get3A_449 : vector<16xf32>
        %add3A_451 = arith.constant 14 : i32
        %add3A_452 = arith.addi %mul3A_219, %add3A_451 : i32
        %get3A_453 = arith.index_cast %add3A_452 : i32 to index
        %get3A_454 = arith.constant 16 : index
        %get3A_455 = tpu.vector_load %arg10[%get3A_453, %get3A_454] {strides = array<i32>} : memref<160x128xf32, #tpu.memory_space<vmem>>, vector<1x16xf32>,
        %get3A_456 = vector.shape_cast %get3A_455 : vector<1x16xf32> to vector<16xf32>
        %add3A_457 = arith.addf %add3A_450, %get3A_456 : vector<16xf32>
        %add3A_458 = arith.constant 15 : i32
        %add3A_459 = arith.addi %mul3A_219, %add3A_458 : i32
        %get3A_460 = arith.index_cast %add3A_459 : i32 to index
        %get3A_461 = arith.constant 16 : index
        %get3A_462 = tpu.vector_load %arg10[%get3A_460, %get3A_461] {strides = array<i32>} : memref<160x128xf32, #tpu.memory_space<vmem>>, vector<1x16xf32>,
        %get3A_463 = vector.shape_cast %get3A_462 : vector<1x16xf32> to vector<16xf32>
        %add3A_464 = arith.addf %add3A_457, %get3A_463 : vector<16xf32>
        %add3A_465 = arith.constant 16 : i32
        %add3A_466 = arith.addi %mul3A_219, %add3A_465 : i32
        %get3A_467 = arith.index_cast %add3A_466 : i32 to index
        %get3A_468 = arith.constant 16 : index
        %get3A_469 = tpu.vector_load %arg10[%get3A_467, %get3A_468] {strides = array<i32>} : memref<160x128xf32, #tpu.memory_space<vmem>>, vector<1x16xf32>,
        %get3A_470 = vector.shape_cast %get3A_469 : vector<1x16xf32> to vector<16xf32>
        %add3A_471 = arith.addf %add3A_464, %get3A_470 : vector<16xf32>
        %add3A_472 = arith.constant 17 : i32
        %add3A_473 = arith.addi %mul3A_219, %add3A_472 : i32
        %get3A_474 = arith.index_cast %add3A_473 : i32 to index
        %get3A_475 = arith.constant 16 : index
        %get3A_476 = tpu.vector_load %arg10[%get3A_474, %get3A_475] {strides = array<i32>} : memref<160x128xf32, #tpu.memory_space<vmem>>, vector<1x16xf32>,
        %get3A_477 = vector.shape_cast %get3A_476 : vector<1x16xf32> to vector<16xf32>
        %add3A_478 = arith.addf %add3A_471, %get3A_477 : vector<16xf32>
        %add3A_479 = arith.constant 18 : i32
        %add3A_480 = arith.addi %mul3A_219, %add3A_479 : i32
        %get3A_481 = arith.index_cast %add3A_480 : i32 to index
        %get3A_482 = arith.constant 16 : index
        %get3A_483 = tpu.vector_load %arg10[%get3A_481, %get3A_482] {strides = array<i32>} : memref<160x128xf32, #tpu.memory_space<vmem>>, vector<1x16xf32>,
        %get3A_484 = vector.shape_cast %get3A_483 : vector<1x16xf32> to vector<16xf32>
        %add3A_485 = arith.addf %add3A_478, %get3A_484 : vector<16xf32>
        %add3A_486 = arith.constant 19 : i32
        %add3A_487 = arith.addi %mul3A_219, %add3A_486 : i32
        %get3A_488 = arith.index_cast %add3A_487 : i32 to index
        %get3A_489 = arith.constant 16 : index
        %get3A_490 = tpu.vector_load %arg10[%get3A_488, %get3A_489] {strides = array<i32>} : memref<160x128xf32, #tpu.memory_space<vmem>>, vector<1x16xf32>,
        %get3A_491 = vector.shape_cast %get3A_490 : vector<1x16xf32> to vector<16xf32>
        %add3A_492 = arith.addf %add3A_485, %get3A_491 : vector<16xf32>
        %get3A_493 = arith.index_cast %mul3A_219 : i32 to index
        %get3A_494 = arith.constant 32 : index
        %get3A_495 = tpu.vector_load %arg10[%get3A_493, %get3A_494] {strides = array<i32>} : memref<160x128xf32, #tpu.memory_space<vmem>>, vector<1x16xf32>,
        %get3A_496 = vector.shape_cast %get3A_495 : vector<1x16xf32> to vector<16xf32>
        %add3A_497 = arith.constant 1 : i32
        %add3A_498 = arith.addi %mul3A_219, %add3A_497 : i32
        %get3A_499 = arith.index_cast %add3A_498 : i32 to index
        %get3A_500 = arith.constant 32 : index
        %get3A_501 = tpu.vector_load %arg10[%get3A_499, %get3A_500] {strides = array<i32>} : memref<160x128xf32, #tpu.memory_space<vmem>>, vector<1x16xf32>,
        %get3A_502 = vector.shape_cast %get3A_501 : vector<1x16xf32> to vector<16xf32>
        %add3A_503 = arith.addf %get3A_496, %get3A_502 : vector<16xf32>
        %add3A_504 = arith.constant 2 : i32
        %add3A_505 = arith.addi %mul3A_219, %add3A_504 : i32
        %get3A_506 = arith.index_cast %add3A_505 : i32 to index
        %get3A_507 = arith.constant 32 : index
        %get3A_508 = tpu.vector_load %arg10[%get3A_506, %get3A_507] {strides = array<i32>} : memref<160x128xf32, #tpu.memory_space<vmem>>, vector<1x16xf32>,
        %get3A_509 = vector.shape_cast %get3A_508 : vector<1x16xf32> to vector<16xf32>
        %add3A_510 = arith.addf %add3A_503, %get3A_509 : vector<16xf32>
        %add3A_511 = arith.constant 3 : i32
        %add3A_512 = arith.addi %mul3A_219, %add3A_511 : i32
        %get3A_513 = arith.index_cast %add3A_512 : i32 to index
        %get3A_514 = arith.constant 32 : index
        %get3A_515 = tpu.vector_load %arg10[%get3A_513, %get3A_514] {strides = array<i32>} : memref<160x128xf32, #tpu.memory_space<vmem>>, vector<1x16xf32>,
        %get3A_516 = vector.shape_cast %get3A_515 : vector<1x16xf32> to vector<16xf32>
        %add3A_517 = arith.addf %add3A_510, %get3A_516 : vector<16xf32>
        %add3A_518 = arith.constant 4 : i32
        %add3A_519 = arith.addi %mul3A_219, %add3A_518 : i32
        %get3A_520 = arith.index_cast %add3A_519 : i32 to index
        %get3A_521 = arith.constant 32 : index
        %get3A_522 = tpu.vector_load %arg10[%get3A_520, %get3A_521] {strides = array<i32>} : memref<160x128xf32, #tpu.memory_space<vmem>>, vector<1x16xf32>,
        %get3A_523 = vector.shape_cast %get3A_522 : vector<1x16xf32> to vector<16xf32>
        %add3A_524 = arith.addf %add3A_517, %get3A_523 : vector<16xf32>
        %add3A_525 = arith.constant 5 : i32
        %add3A_526 = arith.addi %mul3A_219, %add3A_525 : i32
        %get3A_527 = arith.index_cast %add3A_526 : i32 to index
        %get3A_528 = arith.constant 32 : index
        %get3A_529 = tpu.vector_load %arg10[%get3A_527, %get3A_528] {strides = array<i32>} : memref<160x128xf32, #tpu.memory_space<vmem>>, vector<1x16xf32>,
        %get3A_530 = vector.shape_cast %get3A_529 : vector<1x16xf32> to vector<16xf32>
        %add3A_531 = arith.addf %add3A_524, %get3A_530 : vector<16xf32>
        %add3A_532 = arith.constant 6 : i32
        %add3A_533 = arith.addi %mul3A_219, %add3A_532 : i32
        %get3A_534 = arith.index_cast %add3A_533 : i32 to index
        %get3A_535 = arith.constant 32 : index
        %get3A_536 = tpu.vector_load %arg10[%get3A_534, %get3A_535] {strides = array<i32>} : memref<160x128xf32, #tpu.memory_space<vmem>>, vector<1x16xf32>,
        %get3A_537 = vector.shape_cast %get3A_536 : vector<1x16xf32> to vector<16xf32>
        %add3A_538 = arith.addf %add3A_531, %get3A_537 : vector<16xf32>
        %add3A_539 = arith.constant 7 : i32
        %add3A_540 = arith.addi %mul3A_219, %add3A_539 : i32
        %get3A_541 = arith.index_cast %add3A_540 : i32 to index
        %get3A_542 = arith.constant 32 : index
        %get3A_543 = tpu.vector_load %arg10[%get3A_541, %get3A_542] {strides = array<i32>} : memref<160x128xf32, #tpu.memory_space<vmem>>, vector<1x16xf32>,
        %get3A_544 = vector.shape_cast %get3A_543 : vector<1x16xf32> to vector<16xf32>
        %add3A_545 = arith.addf %add3A_538, %get3A_544 : vector<16xf32>
        %add3A_546 = arith.constant 8 : i32
        %add3A_547 = arith.addi %mul3A_219, %add3A_546 : i32
        %get3A_548 = arith.index_cast %add3A_547 : i32 to index
        %get3A_549 = arith.constant 32 : index
        %get3A_550 = tpu.vector_load %arg10[%get3A_548, %get3A_549] {strides = array<i32>} : memref<160x128xf32, #tpu.memory_space<vmem>>, vector<1x16xf32>,
        %get3A_551 = vector.shape_cast %get3A_550 : vector<1x16xf32> to vector<16xf32>
        %add3A_552 = arith.addf %add3A_545, %get3A_551 : vector<16xf32>
        %add3A_553 = arith.constant 9 : i32
        %add3A_554 = arith.addi %mul3A_219, %add3A_553 : i32
        %get3A_555 = arith.index_cast %add3A_554 : i32 to index
        %get3A_556 = arith.constant 32 : index
        %get3A_557 = tpu.vector_load %arg10[%get3A_555, %get3A_556] {strides = array<i32>} : memref<160x128xf32, #tpu.memory_space<vmem>>, vector<1x16xf32>,
        %get3A_558 = vector.shape_cast %get3A_557 : vector<1x16xf32> to vector<16xf32>
        %add3A_559 = arith.addf %add3A_552, %get3A_558 : vector<16xf32>
        %add3A_560 = arith.constant 10 : i32
        %add3A_561 = arith.addi %mul3A_219, %add3A_560 : i32
        %get3A_562 = arith.index_cast %add3A_561 : i32 to index
        %get3A_563 = arith.constant 32 : index
        %get3A_564 = tpu.vector_load %arg10[%get3A_562, %get3A_563] {strides = array<i32>} : memref<160x128xf32, #tpu.memory_space<vmem>>, vector<1x16xf32>,
        %get3A_565 = vector.shape_cast %get3A_564 : vector<1x16xf32> to vector<16xf32>
        %add3A_566 = arith.addf %add3A_559, %get3A_565 : vector<16xf32>
        %add3A_567 = arith.constant 11 : i32
        %add3A_568 = arith.addi %mul3A_219, %add3A_567 : i32
        %get3A_569 = arith.index_cast %add3A_568 : i32 to index
        %get3A_570 = arith.constant 32 : index
        %get3A_571 = tpu.vector_load %arg10[%get3A_569, %get3A_570] {strides = array<i32>} : memref<160x128xf32, #tpu.memory_space<vmem>>, vector<1x16xf32>,
        %get3A_572 = vector.shape_cast %get3A_571 : vector<1x16xf32> to vector<16xf32>
        %add3A_573 = arith.addf %add3A_566, %get3A_572 : vector<16xf32>
        %add3A_574 = arith.constant 12 : i32
        %add3A_575 = arith.addi %mul3A_219, %add3A_574 : i32
        %get3A_576 = arith.index_cast %add3A_575 : i32 to index
        %get3A_577 = arith.constant 32 : index
        %get3A_578 = tpu.vector_load %arg10[%get3A_576, %get3A_577] {strides = array<i32>} : memref<160x128xf32, #tpu.memory_space<vmem>>, vector<1x16xf32>,
        %get3A_579 = vector.shape_cast %get3A_578 : vector<1x16xf32> to vector<16xf32>
        %add3A_580 = arith.addf %add3A_573, %get3A_579 : vector<16xf32>
        %add3A_581 = arith.constant 13 : i32
        %add3A_582 = arith.addi %mul3A_219, %add3A_581 : i32
        %get3A_583 = arith.index_cast %add3A_582 : i32 to index
        %get3A_584 = arith.constant 32 : index
        %get3A_585 = tpu.vector_load %arg10[%get3A_583, %get3A_584] {strides = array<i32>} : memref<160x128xf32, #tpu.memory_space<vmem>>, vector<1x16xf32>,
        %get3A_586 = vector.shape_cast %get3A_585 : vector<1x16xf32> to vector<16xf32>
        %add3A_587 = arith.addf %add3A_580, %get3A_586 : vector<16xf32>
        %add3A_588 = arith.constant 14 : i32
        %add3A_589 = arith.addi %mul3A_219, %add3A_588 : i32
        %get3A_590 = arith.index_cast %add3A_589 : i32 to index
        %get3A_591 = arith.constant 32 : index
        %get3A_592 = tpu.vector_load %arg10[%get3A_590, %get3A_591] {strides = array<i32>} : memref<160x128xf32, #tpu.memory_space<vmem>>, vector<1x16xf32>,
        %get3A_593 = vector.shape_cast %get3A_592 : vector<1x16xf32> to vector<16xf32>
        %add3A_594 = arith.addf %add3A_587, %get3A_593 : vector<16xf32>
        %add3A_595 = arith.constant 15 : i32
        %add3A_596 = arith.addi %mul3A_219, %add3A_595 : i32
        %get3A_597 = arith.index_cast %add3A_596 : i32 to index
        %get3A_598 = arith.constant 32 : index
        %get3A_599 = tpu.vector_load %arg10[%get3A_597, %get3A_598] {strides = array<i32>} : memref<160x128xf32, #tpu.memory_space<vmem>>, vector<1x16xf32>,
        %get3A_600 = vector.shape_cast %get3A_599 : vector<1x16xf32> to vector<16xf32>
        %add3A_601 = arith.addf %add3A_594, %get3A_600 : vector<16xf32>
        %add3A_602 = arith.constant 16 : i32
        %add3A_603 = arith.addi %mul3A_219, %add3A_602 : i32
        %get3A_604 = arith.index_cast %add3A_603 : i32 to index
        %get3A_605 = arith.constant 32 : index
        %get3A_606 = tpu.vector_load %arg10[%get3A_604, %get3A_605] {strides = array<i32>} : memref<160x128xf32, #tpu.memory_space<vmem>>, vector<1x16xf32>,
        %get3A_607 = vector.shape_cast %get3A_606 : vector<1x16xf32> to vector<16xf32>
        %add3A_608 = arith.addf %add3A_601, %get3A_607 : vector<16xf32>
        %add3A_609 = arith.constant 17 : i32
        %add3A_610 = arith.addi %mul3A_219, %add3A_609 : i32
        %get3A_611 = arith.index_cast %add3A_610 : i32 to index
        %get3A_612 = arith.constant 32 : index
        %get3A_613 = tpu.vector_load %arg10[%get3A_611, %get3A_612] {strides = array<i32>} : memref<160x128xf32, #tpu.memory_space<vmem>>, vector<1x16xf32>,
        %get3A_614 = vector.shape_cast %get3A_613 : vector<1x16xf32> to vector<16xf32>
        %add3A_615 = arith.addf %add3A_608, %get3A_614 : vector<16xf32>
        %add3A_616 = arith.constant 18 : i32
        %add3A_617 = arith.addi %mul3A_219, %add3A_616 : i32
        %get3A_618 = arith.index_cast %add3A_617 : i32 to index
        %get3A_619 = arith.constant 32 : index
        %get3A_620 = tpu.vector_load %arg10[%get3A_618, %get3A_619] {strides = array<i32>} : memref<160x128xf32, #tpu.memory_space<vmem>>, vector<1x16xf32>,
        %get3A_621 = vector.shape_cast %get3A_620 : vector<1x16xf32> to vector<16xf32>
        %add3A_622 = arith.addf %add3A_615, %get3A_621 : vector<16xf32>
        %add3A_623 = arith.constant 19 : i32
        %add3A_624 = arith.addi %mul3A_219, %add3A_623 : i32
        %get3A_625 = arith.index_cast %add3A_624 : i32 to index
        %get3A_626 = arith.constant 32 : index
        %get3A_627 = tpu.vector_load %arg10[%get3A_625, %get3A_626] {strides = array<i32>} : memref<160x128xf32, #tpu.memory_space<vmem>>, vector<1x16xf32>,
        %get3A_628 = vector.shape_cast %get3A_627 : vector<1x16xf32> to vector<16xf32>
        %add3A_629 = arith.addf %add3A_622, %get3A_628 : vector<16xf32>
        %get3A_630 = arith.index_cast %mul3A_219 : i32 to index
        %get3A_631 = arith.constant 48 : index
        %get3A_632 = tpu.vector_load %arg10[%get3A_630, %get3A_631] {strides = array<i32>} : memref<160x128xf32, #tpu.memory_space<vmem>>, vector<1x16xf32>,
        %get3A_633 = vector.shape_cast %get3A_632 : vector<1x16xf32> to vector<16xf32>
        %add3A_634 = arith.constant 1 : i32
        %add3A_635 = arith.addi %mul3A_219, %add3A_634 : i32
        %get3A_636 = arith.index_cast %add3A_635 : i32 to index
        %get3A_637 = arith.constant 48 : index
        %get3A_638 = tpu.vector_load %arg10[%get3A_636, %get3A_637] {strides = array<i32>} : memref<160x128xf32, #tpu.memory_space<vmem>>, vector<1x16xf32>,
        %get3A_639 = vector.shape_cast %get3A_638 : vector<1x16xf32> to vector<16xf32>
        %add3A_640 = arith.addf %get3A_633, %get3A_639 : vector<16xf32>
        %add3A_641 = arith.constant 2 : i32
        %add3A_642 = arith.addi %mul3A_219, %add3A_641 : i32
        %get3A_643 = arith.index_cast %add3A_642 : i32 to index
        %get3A_644 = arith.constant 48 : index
        %get3A_645 = tpu.vector_load %arg10[%get3A_643, %get3A_644] {strides = array<i32>} : memref<160x128xf32, #tpu.memory_space<vmem>>, vector<1x16xf32>,
        %get3A_646 = vector.shape_cast %get3A_645 : vector<1x16xf32> to vector<16xf32>
        %add3A_647 = arith.addf %add3A_640, %get3A_646 : vector<16xf32>
        %add3A_648 = arith.constant 3 : i32
        %add3A_649 = arith.addi %mul3A_219, %add3A_648 : i32
        %get3A_650 = arith.index_cast %add3A_649 : i32 to index
        %get3A_651 = arith.constant 48 : index
        %get3A_652 = tpu.vector_load %arg10[%get3A_650, %get3A_651] {strides = array<i32>} : memref<160x128xf32, #tpu.memory_space<vmem>>, vector<1x16xf32>,
        %get3A_653 = vector.shape_cast %get3A_652 : vector<1x16xf32> to vector<16xf32>
        %add3A_654 = arith.addf %add3A_647, %get3A_653 : vector<16xf32>
        %add3A_655 = arith.constant 4 : i32
        %add3A_656 = arith.addi %mul3A_219, %add3A_655 : i32
        %get3A_657 = arith.index_cast %add3A_656 : i32 to index
        %get3A_658 = arith.constant 48 : index
        %get3A_659 = tpu.vector_load %arg10[%get3A_657, %get3A_658] {strides = array<i32>} : memref<160x128xf32, #tpu.memory_space<vmem>>, vector<1x16xf32>,
        %get3A_660 = vector.shape_cast %get3A_659 : vector<1x16xf32> to vector<16xf32>
        %add3A_661 = arith.addf %add3A_654, %get3A_660 : vector<16xf32>
        %add3A_662 = arith.constant 5 : i32
        %add3A_663 = arith.addi %mul3A_219, %add3A_662 : i32
        %get3A_664 = arith.index_cast %add3A_663 : i32 to index
        %get3A_665 = arith.constant 48 : index
        %get3A_666 = tpu.vector_load %arg10[%get3A_664, %get3A_665] {strides = array<i32>} : memref<160x128xf32, #tpu.memory_space<vmem>>, vector<1x16xf32>,
        %get3A_667 = vector.shape_cast %get3A_666 : vector<1x16xf32> to vector<16xf32>
        %add3A_668 = arith.addf %add3A_661, %get3A_667 : vector<16xf32>
        %add3A_669 = arith.constant 6 : i32
        %add3A_670 = arith.addi %mul3A_219, %add3A_669 : i32
        %get3A_671 = arith.index_cast %add3A_670 : i32 to index
        %get3A_672 = arith.constant 48 : index
        %get3A_673 = tpu.vector_load %arg10[%get3A_671, %get3A_672] {strides = array<i32>} : memref<160x128xf32, #tpu.memory_space<vmem>>, vector<1x16xf32>,
        %get3A_674 = vector.shape_cast %get3A_673 : vector<1x16xf32> to vector<16xf32>
        %add3A_675 = arith.addf %add3A_668, %get3A_674 : vector<16xf32>
        %add3A_676 = arith.constant 7 : i32
        %add3A_677 = arith.addi %mul3A_219, %add3A_676 : i32
        %get3A_678 = arith.index_cast %add3A_677 : i32 to index
        %get3A_679 = arith.constant 48 : index
        %get3A_680 = tpu.vector_load %arg10[%get3A_678, %get3A_679] {strides = array<i32>} : memref<160x128xf32, #tpu.memory_space<vmem>>, vector<1x16xf32>,
        %get3A_681 = vector.shape_cast %get3A_680 : vector<1x16xf32> to vector<16xf32>
        %add3A_682 = arith.addf %add3A_675, %get3A_681 : vector<16xf32>
        %add3A_683 = arith.constant 8 : i32
        %add3A_684 = arith.addi %mul3A_219, %add3A_683 : i32
        %get3A_685 = arith.index_cast %add3A_684 : i32 to index
        %get3A_686 = arith.constant 48 : index
        %get3A_687 = tpu.vector_load %arg10[%get3A_685, %get3A_686] {strides = array<i32>} : memref<160x128xf32, #tpu.memory_space<vmem>>, vector<1x16xf32>,
        %get3A_688 = vector.shape_cast %get3A_687 : vector<1x16xf32> to vector<16xf32>
        %add3A_689 = arith.addf %add3A_682, %get3A_688 : vector<16xf32>
        %add3A_690 = arith.constant 9 : i32
        %add3A_691 = arith.addi %mul3A_219, %add3A_690 : i32
        %get3A_692 = arith.index_cast %add3A_691 : i32 to index
        %get3A_693 = arith.constant 48 : index
        %get3A_694 = tpu.vector_load %arg10[%get3A_692, %get3A_693] {strides = array<i32>} : memref<160x128xf32, #tpu.memory_space<vmem>>, vector<1x16xf32>,
        %get3A_695 = vector.shape_cast %get3A_694 : vector<1x16xf32> to vector<16xf32>
        %add3A_696 = arith.addf %add3A_689, %get3A_695 : vector<16xf32>
        %add3A_697 = arith.constant 10 : i32
        %add3A_698 = arith.addi %mul3A_219, %add3A_697 : i32
        %get3A_699 = arith.index_cast %add3A_698 : i32 to index
        %get3A_700 = arith.constant 48 : index
        %get3A_701 = tpu.vector_load %arg10[%get3A_699, %get3A_700] {strides = array<i32>} : memref<160x128xf32, #tpu.memory_space<vmem>>, vector<1x16xf32>,
        %get3A_702 = vector.shape_cast %get3A_701 : vector<1x16xf32> to vector<16xf32>
        %add3A_703 = arith.addf %add3A_696, %get3A_702 : vector<16xf32>
        %add3A_704 = arith.constant 11 : i32
        %add3A_705 = arith.addi %mul3A_219, %add3A_704 : i32
        %get3A_706 = arith.index_cast %add3A_705 : i32 to index
        %get3A_707 = arith.constant 48 : index
        %get3A_708 = tpu.vector_load %arg10[%get3A_706, %get3A_707] {strides = array<i32>} : memref<160x128xf32, #tpu.memory_space<vmem>>, vector<1x16xf32>,
        %get3A_709 = vector.shape_cast %get3A_708 : vector<1x16xf32> to vector<16xf32>
        %add3A_710 = arith.addf %add3A_703, %get3A_709 : vector<16xf32>
        %add3A_711 = arith.constant 12 : i32
        %add3A_712 = arith.addi %mul3A_219, %add3A_711 : i32
        %get3A_713 = arith.index_cast %add3A_712 : i32 to index
        %get3A_714 = arith.constant 48 : index
        %get3A_715 = tpu.vector_load %arg10[%get3A_713, %get3A_714] {strides = array<i32>} : memref<160x128xf32, #tpu.memory_space<vmem>>, vector<1x16xf32>,
        %get3A_716 = vector.shape_cast %get3A_715 : vector<1x16xf32> to vector<16xf32>
        %add3A_717 = arith.addf %add3A_710, %get3A_716 : vector<16xf32>
        %add3A_718 = arith.constant 13 : i32
        %add3A_719 = arith.addi %mul3A_219, %add3A_718 : i32
        %get3A_720 = arith.index_cast %add3A_719 : i32 to index
        %get3A_721 = arith.constant 48 : index
        %get3A_722 = tpu.vector_load %arg10[%get3A_720, %get3A_721] {strides = array<i32>} : memref<160x128xf32, #tpu.memory_space<vmem>>, vector<1x16xf32>,
        %get3A_723 = vector.shape_cast %get3A_722 : vector<1x16xf32> to vector<16xf32>
        %add3A_724 = arith.addf %add3A_717, %get3A_723 : vector<16xf32>
        %add3A_725 = arith.constant 14 : i32
        %add3A_726 = arith.addi %mul3A_219, %add3A_725 : i32
        %get3A_727 = arith.index_cast %add3A_726 : i32 to index
        %get3A_728 = arith.constant 48 : index
        %get3A_729 = tpu.vector_load %arg10[%get3A_727, %get3A_728] {strides = array<i32>} : memref<160x128xf32, #tpu.memory_space<vmem>>, vector<1x16xf32>,
        %get3A_730 = vector.shape_cast %get3A_729 : vector<1x16xf32> to vector<16xf32>
        %add3A_731 = arith.addf %add3A_724, %get3A_730 : vector<16xf32>
        %add3A_732 = arith.constant 15 : i32
        %add3A_733 = arith.addi %mul3A_219, %add3A_732 : i32
        %get3A_734 = arith.index_cast %add3A_733 : i32 to index
        %get3A_735 = arith.constant 48 : index
        %get3A_736 = tpu.vector_load %arg10[%get3A_734, %get3A_735] {strides = array<i32>} : memref<160x128xf32, #tpu.memory_space<vmem>>, vector<1x16xf32>,
        %get3A_737 = vector.shape_cast %get3A_736 : vector<1x16xf32> to vector<16xf32>
        %add3A_738 = arith.addf %add3A_731, %get3A_737 : vector<16xf32>
        %add3A_739 = arith.constant 16 : i32
        %add3A_740 = arith.addi %mul3A_219, %add3A_739 : i32
        %get3A_741 = arith.index_cast %add3A_740 : i32 to index
        %get3A_742 = arith.constant 48 : index
        %get3A_743 = tpu.vector_load %arg10[%get3A_741, %get3A_742] {strides = array<i32>} : memref<160x128xf32, #tpu.memory_space<vmem>>, vector<1x16xf32>,
        %get3A_744 = vector.shape_cast %get3A_743 : vector<1x16xf32> to vector<16xf32>
        %add3A_745 = arith.addf %add3A_738, %get3A_744 : vector<16xf32>
        %add3A_746 = arith.constant 17 : i32
        %add3A_747 = arith.addi %mul3A_219, %add3A_746 : i32
        %get3A_748 = arith.index_cast %add3A_747 : i32 to index
        %get3A_749 = arith.constant 48 : index
        %get3A_750 = tpu.vector_load %arg10[%get3A_748, %get3A_749] {strides = array<i32>} : memref<160x128xf32, #tpu.memory_space<vmem>>, vector<1x16xf32>,
        %get3A_751 = vector.shape_cast %get3A_750 : vector<1x16xf32> to vector<16xf32>
        %add3A_752 = arith.addf %add3A_745, %get3A_751 : vector<16xf32>
        %add3A_753 = arith.constant 18 : i32
        %add3A_754 = arith.addi %mul3A_219, %add3A_753 : i32
        %get3A_755 = arith.index_cast %add3A_754 : i32 to index
        %get3A_756 = arith.constant 48 : index
        %get3A_757 = tpu.vector_load %arg10[%get3A_755, %get3A_756] {strides = array<i32>} : memref<160x128xf32, #tpu.memory_space<vmem>>, vector<1x16xf32>,
        %get3A_758 = vector.shape_cast %get3A_757 : vector<1x16xf32> to vector<16xf32>
        %add3A_759 = arith.addf %add3A_752, %get3A_758 : vector<16xf32>
        %add3A_760 = arith.constant 19 : i32
        %add3A_761 = arith.addi %mul3A_219, %add3A_760 : i32
        %get3A_762 = arith.index_cast %add3A_761 : i32 to index
        %get3A_763 = arith.constant 48 : index
        %get3A_764 = tpu.vector_load %arg10[%get3A_762, %get3A_763] {strides = array<i32>} : memref<160x128xf32, #tpu.memory_space<vmem>>, vector<1x16xf32>,
        %get3A_765 = vector.shape_cast %get3A_764 : vector<1x16xf32> to vector<16xf32>
        %add3A_766 = arith.addf %add3A_759, %get3A_765 : vector<16xf32>
        %add3A_767 = arith.constant 0 : i32
        %add3A_768 = arith.addi %mul3A_219, %add3A_767 : i32
        %get3A_769 = arith.index_cast %add3A_768 : i32 to index
        %get3A_770 = arith.constant 0 : index
        %get3A_771 = tpu.vector_load %arg12[%get3A_769, %get3A_770] {strides = array<i32>} : memref<160x128xf32, #tpu.memory_space<vmem>>, vector<1x16xf32>,
        %get3A_772 = vector.shape_cast %get3A_771 : vector<1x16xf32> to vector<16xf32>
        %mul3A_773 = arith.mulf %add3A_355, %get3A_772 : vector<16xf32>
        %add3A_774 = arith.constant 0 : i32
        %add3A_775 = arith.addi %mul3A_219, %add3A_774 : i32
        %get3A_776 = arith.index_cast %add3A_775 : i32 to index
        %get3A_777 = arith.constant 16 : index
        %get3A_778 = tpu.vector_load %arg12[%get3A_776, %get3A_777] {strides = array<i32>} : memref<160x128xf32, #tpu.memory_space<vmem>>, vector<1x16xf32>,
        %get3A_779 = vector.shape_cast %get3A_778 : vector<1x16xf32> to vector<16xf32>
        %mul3A_780 = arith.mulf %add3A_492, %get3A_779 : vector<16xf32>
        %add3A_781 = arith.addf %mul3A_773, %mul3A_780 : vector<16xf32>
        %add3A_782 = arith.constant 0 : i32
        %add3A_783 = arith.addi %mul3A_219, %add3A_782 : i32
        %get3A_784 = arith.index_cast %add3A_783 : i32 to index
        %get3A_785 = arith.constant 32 : index
        %get3A_786 = tpu.vector_load %arg12[%get3A_784, %get3A_785] {strides = array<i32>} : memref<160x128xf32, #tpu.memory_space<vmem>>, vector<1x16xf32>,
        %get3A_787 = vector.shape_cast %get3A_786 : vector<1x16xf32> to vector<16xf32>
        %mul3A_788 = arith.mulf %add3A_629, %get3A_787 : vector<16xf32>
        %add3A_789 = arith.addf %add3A_781, %mul3A_788 : vector<16xf32>
        %add3A_790 = arith.constant 0 : i32
        %add3A_791 = arith.addi %mul3A_219, %add3A_790 : i32
        %get3A_792 = arith.index_cast %add3A_791 : i32 to index
        %get3A_793 = arith.constant 48 : index
        %get3A_794 = tpu.vector_load %arg12[%get3A_792, %get3A_793] {strides = array<i32>} : memref<160x128xf32, #tpu.memory_space<vmem>>, vector<1x16xf32>,
        %get3A_795 = vector.shape_cast %get3A_794 : vector<1x16xf32> to vector<16xf32>
        %mul3A_796 = arith.mulf %add3A_766, %get3A_795 : vector<16xf32>
        %add3A_797 = arith.addf %add3A_789, %mul3A_796 : vector<16xf32>
        %mul3A_798 = arith.constant 320 : i32
        %mul3A_799 = arith.muli %scan3A_217, %mul3A_798 : i32
        %add3A_800 = arith.constant 0 : i32
        %add3A_801 = arith.addi %mul3A_799, %add3A_800 : i32
        %swap3A = arith.index_cast %add3A_801 : i32 to index
        %swap3A_802 = tpu.vector_load %arg14[%swap3A] {strides = array<i32>} : memref<2560xf32, #tpu.memory_space<vmem>>, vector<16xf32>,
        %swap3A_803 = vector.shape_cast %swap3A_802 : vector<16xf32> to vector<16xf32>
        %swap3A_804 = vector.shape_cast %add3A_797 : vector<16xf32> to vector<16xf32>
        tpu.vector_store %arg14[%swap3A], %swap3A_804 {strides = array<i32>} : memref<2560xf32, #tpu.memory_space<vmem>>, vector<16xf32>,
        %add3A_805 = arith.constant 1 : i32
        %add3A_806 = arith.addi %mul3A_219, %add3A_805 : i32
        %get3A_807 = arith.index_cast %add3A_806 : i32 to index
        %get3A_808 = arith.constant 0 : index
        %get3A_809 = tpu.vector_load %arg12[%get3A_807, %get3A_808] {strides = array<i32>} : memref<160x128xf32, #tpu.memory_space<vmem>>, vector<1x16xf32>,
        %get3A_810 = vector.shape_cast %get3A_809 : vector<1x16xf32> to vector<16xf32>
        %mul3A_811 = arith.mulf %add3A_355, %get3A_810 : vector<16xf32>
        %add3A_812 = arith.constant 1 : i32
        %add3A_813 = arith.addi %mul3A_219, %add3A_812 : i32
        %get3A_814 = arith.index_cast %add3A_813 : i32 to index
        %get3A_815 = arith.constant 16 : index
        %get3A_816 = tpu.vector_load %arg12[%get3A_814, %get3A_815] {strides = array<i32>} : memref<160x128xf32, #tpu.memory_space<vmem>>, vector<1x16xf32>,
        %get3A_817 = vector.shape_cast %get3A_816 : vector<1x16xf32> to vector<16xf32>
        %mul3A_818 = arith.mulf %add3A_492, %get3A_817 : vector<16xf32>
        %add3A_819 = arith.addf %mul3A_811, %mul3A_818 : vector<16xf32>
        %add3A_820 = arith.constant 1 : i32
        %add3A_821 = arith.addi %mul3A_219, %add3A_820 : i32
        %get3A_822 = arith.index_cast %add3A_821 : i32 to index
        %get3A_823 = arith.constant 32 : index
        %get3A_824 = tpu.vector_load %arg12[%get3A_822, %get3A_823] {strides = array<i32>} : memref<160x128xf32, #tpu.memory_space<vmem>>, vector<1x16xf32>,
        %get3A_825 = vector.shape_cast %get3A_824 : vector<1x16xf32> to vector<16xf32>
        %mul3A_826 = arith.mulf %add3A_629, %get3A_825 : vector<16xf32>
        %add3A_827 = arith.addf %add3A_819, %mul3A_826 : vector<16xf32>
        %add3A_828 = arith.constant 1 : i32
        %add3A_829 = arith.addi %mul3A_219, %add3A_828 : i32
        %get3A_830 = arith.index_cast %add3A_829 : i32 to index
        %get3A_831 = arith.constant 48 : index
        %get3A_832 = tpu.vector_load %arg12[%get3A_830, %get3A_831] {strides = array<i32>} : memref<160x128xf32, #tpu.memory_space<vmem>>, vector<1x16xf32>,
        %get3A_833 = vector.shape_cast %get3A_832 : vector<1x16xf32> to vector<16xf32>
        %mul3A_834 = arith.mulf %add3A_766, %get3A_833 : vector<16xf32>
        %add3A_835 = arith.addf %add3A_827, %mul3A_834 : vector<16xf32>
        %mul3A_836 = arith.constant 320 : i32
        %mul3A_837 = arith.muli %scan3A_217, %mul3A_836 : i32
        %add3A_838 = arith.constant 16 : i32
        %add3A_839 = arith.addi %mul3A_837, %add3A_838 : i32
        %swap3A_840 = arith.index_cast %add3A_839 : i32 to index
        %swap3A_841 = tpu.vector_load %arg14[%swap3A_840] {strides = array<i32>} : memref<2560xf32, #tpu.memory_space<vmem>>, vector<16xf32>,
        %swap3A_842 = vector.shape_cast %swap3A_841 : vector<16xf32> to vector<16xf32>
        %swap3A_843 = vector.shape_cast %add3A_835 : vector<16xf32> to vector<16xf32>
        tpu.vector_store %arg14[%swap3A_840], %swap3A_843 {strides = array<i32>} : memref<2560xf32, #tpu.memory_space<vmem>>, vector<16xf32>,
        %add3A_844 = arith.constant 2 : i32
        %add3A_845 = arith.addi %mul3A_219, %add3A_844 : i32
        %get3A_846 = arith.index_cast %add3A_845 : i32 to index
        %get3A_847 = arith.constant 0 : index
        %get3A_848 = tpu.vector_load %arg12[%get3A_846, %get3A_847] {strides = array<i32>} : memref<160x128xf32, #tpu.memory_space<vmem>>, vector<1x16xf32>,
        %get3A_849 = vector.shape_cast %get3A_848 : vector<1x16xf32> to vector<16xf32>
        %mul3A_850 = arith.mulf %add3A_355, %get3A_849 : vector<16xf32>
        %add3A_851 = arith.constant 2 : i32
        %add3A_852 = arith.addi %mul3A_219, %add3A_851 : i32
        %get3A_853 = arith.index_cast %add3A_852 : i32 to index
        %get3A_854 = arith.constant 16 : index
        %get3A_855 = tpu.vector_load %arg12[%get3A_853, %get3A_854] {strides = array<i32>} : memref<160x128xf32, #tpu.memory_space<vmem>>, vector<1x16xf32>,
        %get3A_856 = vector.shape_cast %get3A_855 : vector<1x16xf32> to vector<16xf32>
        %mul3A_857 = arith.mulf %add3A_492, %get3A_856 : vector<16xf32>
        %add3A_858 = arith.addf %mul3A_850, %mul3A_857 : vector<16xf32>
        %add3A_859 = arith.constant 2 : i32
        %add3A_860 = arith.addi %mul3A_219, %add3A_859 : i32
        %get3A_861 = arith.index_cast %add3A_860 : i32 to index
        %get3A_862 = arith.constant 32 : index
        %get3A_863 = tpu.vector_load %arg12[%get3A_861, %get3A_862] {strides = array<i32>} : memref<160x128xf32, #tpu.memory_space<vmem>>, vector<1x16xf32>,
        %get3A_864 = vector.shape_cast %get3A_863 : vector<1x16xf32> to vector<16xf32>
        %mul3A_865 = arith.mulf %add3A_629, %get3A_864 : vector<16xf32>
        %add3A_866 = arith.addf %add3A_858, %mul3A_865 : vector<16xf32>
        %add3A_867 = arith.constant 2 : i32
        %add3A_868 = arith.addi %mul3A_219, %add3A_867 : i32
        %get3A_869 = arith.index_cast %add3A_868 : i32 to index
        %get3A_870 = arith.constant 48 : index
        %get3A_871 = tpu.vector_load %arg12[%get3A_869, %get3A_870] {strides = array<i32>} : memref<160x128xf32, #tpu.memory_space<vmem>>, vector<1x16xf32>,
        %get3A_872 = vector.shape_cast %get3A_871 : vector<1x16xf32> to vector<16xf32>
        %mul3A_873 = arith.mulf %add3A_766, %get3A_872 : vector<16xf32>
        %add3A_874 = arith.addf %add3A_866, %mul3A_873 : vector<16xf32>
        %mul3A_875 = arith.constant 320 : i32
        %mul3A_876 = arith.muli %scan3A_217, %mul3A_875 : i32
        %add3A_877 = arith.constant 32 : i32
        %add3A_878 = arith.addi %mul3A_876, %add3A_877 : i32
        %swap3A_879 = arith.index_cast %add3A_878 : i32 to index
        %swap3A_880 = tpu.vector_load %arg14[%swap3A_879] {strides = array<i32>} : memref<2560xf32, #tpu.memory_space<vmem>>, vector<16xf32>,
        %swap3A_881 = vector.shape_cast %swap3A_880 : vector<16xf32> to vector<16xf32>
        %swap3A_882 = vector.shape_cast %add3A_874 : vector<16xf32> to vector<16xf32>
        tpu.vector_store %arg14[%swap3A_879], %swap3A_882 {strides = array<i32>} : memref<2560xf32, #tpu.memory_space<vmem>>, vector<16xf32>,
        %add3A_883 = arith.constant 3 : i32
        %add3A_884 = arith.addi %mul3A_219, %add3A_883 : i32
        %get3A_885 = arith.index_cast %add3A_884 : i32 to index
        %get3A_886 = arith.constant 0 : index
        %get3A_887 = tpu.vector_load %arg12[%get3A_885, %get3A_886] {strides = array<i32>} : memref<160x128xf32, #tpu.memory_space<vmem>>, vector<1x16xf32>,
        %get3A_888 = vector.shape_cast %get3A_887 : vector<1x16xf32> to vector<16xf32>
        %mul3A_889 = arith.mulf %add3A_355, %get3A_888 : vector<16xf32>
        %add3A_890 = arith.constant 3 : i32
        %add3A_891 = arith.addi %mul3A_219, %add3A_890 : i32
        %get3A_892 = arith.index_cast %add3A_891 : i32 to index
        %get3A_893 = arith.constant 16 : index
        %get3A_894 = tpu.vector_load %arg12[%get3A_892, %get3A_893] {strides = array<i32>} : memref<160x128xf32, #tpu.memory_space<vmem>>, vector<1x16xf32>,
        %get3A_895 = vector.shape_cast %get3A_894 : vector<1x16xf32> to vector<16xf32>
        %mul3A_896 = arith.mulf %add3A_492, %get3A_895 : vector<16xf32>
        %add3A_897 = arith.addf %mul3A_889, %mul3A_896 : vector<16xf32>
        %add3A_898 = arith.constant 3 : i32
        %add3A_899 = arith.addi %mul3A_219, %add3A_898 : i32
        %get3A_900 = arith.index_cast %add3A_899 : i32 to index
        %get3A_901 = arith.constant 32 : index
        %get3A_902 = tpu.vector_load %arg12[%get3A_900, %get3A_901] {strides = array<i32>} : memref<160x128xf32, #tpu.memory_space<vmem>>, vector<1x16xf32>,
        %get3A_903 = vector.shape_cast %get3A_902 : vector<1x16xf32> to vector<16xf32>
        %mul3A_904 = arith.mulf %add3A_629, %get3A_903 : vector<16xf32>
        %add3A_905 = arith.addf %add3A_897, %mul3A_904 : vector<16xf32>
        %add3A_906 = arith.constant 3 : i32
        %add3A_907 = arith.addi %mul3A_219, %add3A_906 : i32
        %get3A_908 = arith.index_cast %add3A_907 : i32 to index
        %get3A_909 = arith.constant 48 : index
        %get3A_910 = tpu.vector_load %arg12[%get3A_908, %get3A_909] {strides = array<i32>} : memref<160x128xf32, #tpu.memory_space<vmem>>, vector<1x16xf32>,
        %get3A_911 = vector.shape_cast %get3A_910 : vector<1x16xf32> to vector<16xf32>
        %mul3A_912 = arith.mulf %add3A_766, %get3A_911 : vector<16xf32>
        %add3A_913 = arith.addf %add3A_905, %mul3A_912 : vector<16xf32>
        %mul3A_914 = arith.constant 320 : i32
        %mul3A_915 = arith.muli %scan3A_217, %mul3A_914 : i32
        %add3A_916 = arith.constant 48 : i32
        %add3A_917 = arith.addi %mul3A_915, %add3A_916 : i32
        %swap3A_918 = arith.index_cast %add3A_917 : i32 to index
        %swap3A_919 = tpu.vector_load %arg14[%swap3A_918] {strides = array<i32>} : memref<2560xf32, #tpu.memory_space<vmem>>, vector<16xf32>,
        %swap3A_920 = vector.shape_cast %swap3A_919 : vector<16xf32> to vector<16xf32>
        %swap3A_921 = vector.shape_cast %add3A_913 : vector<16xf32> to vector<16xf32>
        tpu.vector_store %arg14[%swap3A_918], %swap3A_921 {strides = array<i32>} : memref<2560xf32, #tpu.memory_space<vmem>>, vector<16xf32>,
        %add3A_922 = arith.constant 4 : i32
        %add3A_923 = arith.addi %mul3A_219, %add3A_922 : i32
        %get3A_924 = arith.index_cast %add3A_923 : i32 to index
        %get3A_925 = arith.constant 0 : index
        %get3A_926 = tpu.vector_load %arg12[%get3A_924, %get3A_925] {strides = array<i32>} : memref<160x128xf32, #tpu.memory_space<vmem>>, vector<1x16xf32>,
        %get3A_927 = vector.shape_cast %get3A_926 : vector<1x16xf32> to vector<16xf32>
        %mul3A_928 = arith.mulf %add3A_355, %get3A_927 : vector<16xf32>
        %add3A_929 = arith.constant 4 : i32
        %add3A_930 = arith.addi %mul3A_219, %add3A_929 : i32
        %get3A_931 = arith.index_cast %add3A_930 : i32 to index
        %get3A_932 = arith.constant 16 : index
        %get3A_933 = tpu.vector_load %arg12[%get3A_931, %get3A_932] {strides = array<i32>} : memref<160x128xf32, #tpu.memory_space<vmem>>, vector<1x16xf32>,
        %get3A_934 = vector.shape_cast %get3A_933 : vector<1x16xf32> to vector<16xf32>
        %mul3A_935 = arith.mulf %add3A_492, %get3A_934 : vector<16xf32>
        %add3A_936 = arith.addf %mul3A_928, %mul3A_935 : vector<16xf32>
        %add3A_937 = arith.constant 4 : i32
        %add3A_938 = arith.addi %mul3A_219, %add3A_937 : i32
        %get3A_939 = arith.index_cast %add3A_938 : i32 to index
        %get3A_940 = arith.constant 32 : index
        %get3A_941 = tpu.vector_load %arg12[%get3A_939, %get3A_940] {strides = array<i32>} : memref<160x128xf32, #tpu.memory_space<vmem>>, vector<1x16xf32>,
        %get3A_942 = vector.shape_cast %get3A_941 : vector<1x16xf32> to vector<16xf32>
        %mul3A_943 = arith.mulf %add3A_629, %get3A_942 : vector<16xf32>
        %add3A_944 = arith.addf %add3A_936, %mul3A_943 : vector<16xf32>
        %add3A_945 = arith.constant 4 : i32
        %add3A_946 = arith.addi %mul3A_219, %add3A_945 : i32
        %get3A_947 = arith.index_cast %add3A_946 : i32 to index
        %get3A_948 = arith.constant 48 : index
        %get3A_949 = tpu.vector_load %arg12[%get3A_947, %get3A_948] {strides = array<i32>} : memref<160x128xf32, #tpu.memory_space<vmem>>, vector<1x16xf32>,
        %get3A_950 = vector.shape_cast %get3A_949 : vector<1x16xf32> to vector<16xf32>
        %mul3A_951 = arith.mulf %add3A_766, %get3A_950 : vector<16xf32>
        %add3A_952 = arith.addf %add3A_944, %mul3A_951 : vector<16xf32>
        %mul3A_953 = arith.constant 320 : i32
        %mul3A_954 = arith.muli %scan3A_217, %mul3A_953 : i32
        %add3A_955 = arith.constant 64 : i32
        %add3A_956 = arith.addi %mul3A_954, %add3A_955 : i32
        %swap3A_957 = arith.index_cast %add3A_956 : i32 to index
        %swap3A_958 = tpu.vector_load %arg14[%swap3A_957] {strides = array<i32>} : memref<2560xf32, #tpu.memory_space<vmem>>, vector<16xf32>,
        %swap3A_959 = vector.shape_cast %swap3A_958 : vector<16xf32> to vector<16xf32>
        %swap3A_960 = vector.shape_cast %add3A_952 : vector<16xf32> to vector<16xf32>
        tpu.vector_store %arg14[%swap3A_957], %swap3A_960 {strides = array<i32>} : memref<2560xf32, #tpu.memory_space<vmem>>, vector<16xf32>,
        %add3A_961 = arith.constant 5 : i32
        %add3A_962 = arith.addi %mul3A_219, %add3A_961 : i32
        %get3A_963 = arith.index_cast %add3A_962 : i32 to index
        %get3A_964 = arith.constant 0 : index
        %get3A_965 = tpu.vector_load %arg12[%get3A_963, %get3A_964] {strides = array<i32>} : memref<160x128xf32, #tpu.memory_space<vmem>>, vector<1x16xf32>,
        %get3A_966 = vector.shape_cast %get3A_965 : vector<1x16xf32> to vector<16xf32>
        %mul3A_967 = arith.mulf %add3A_355, %get3A_966 : vector<16xf32>
        %add3A_968 = arith.constant 5 : i32
        %add3A_969 = arith.addi %mul3A_219, %add3A_968 : i32
        %get3A_970 = arith.index_cast %add3A_969 : i32 to index
        %get3A_971 = arith.constant 16 : index
        %get3A_972 = tpu.vector_load %arg12[%get3A_970, %get3A_971] {strides = array<i32>} : memref<160x128xf32, #tpu.memory_space<vmem>>, vector<1x16xf32>,
        %get3A_973 = vector.shape_cast %get3A_972 : vector<1x16xf32> to vector<16xf32>
        %mul3A_974 = arith.mulf %add3A_492, %get3A_973 : vector<16xf32>
        %add3A_975 = arith.addf %mul3A_967, %mul3A_974 : vector<16xf32>
        %add3A_976 = arith.constant 5 : i32
        %add3A_977 = arith.addi %mul3A_219, %add3A_976 : i32
        %get3A_978 = arith.index_cast %add3A_977 : i32 to index
        %get3A_979 = arith.constant 32 : index
        %get3A_980 = tpu.vector_load %arg12[%get3A_978, %get3A_979] {strides = array<i32>} : memref<160x128xf32, #tpu.memory_space<vmem>>, vector<1x16xf32>,
        %get3A_981 = vector.shape_cast %get3A_980 : vector<1x16xf32> to vector<16xf32>
        %mul3A_982 = arith.mulf %add3A_629, %get3A_981 : vector<16xf32>
        %add3A_983 = arith.addf %add3A_975, %mul3A_982 : vector<16xf32>
        %add3A_984 = arith.constant 5 : i32
        %add3A_985 = arith.addi %mul3A_219, %add3A_984 : i32
        %get3A_986 = arith.index_cast %add3A_985 : i32 to index
        %get3A_987 = arith.constant 48 : index
        %get3A_988 = tpu.vector_load %arg12[%get3A_986, %get3A_987] {strides = array<i32>} : memref<160x128xf32, #tpu.memory_space<vmem>>, vector<1x16xf32>,
        %get3A_989 = vector.shape_cast %get3A_988 : vector<1x16xf32> to vector<16xf32>
        %mul3A_990 = arith.mulf %add3A_766, %get3A_989 : vector<16xf32>
        %add3A_991 = arith.addf %add3A_983, %mul3A_990 : vector<16xf32>
        %mul3A_992 = arith.constant 320 : i32
        %mul3A_993 = arith.muli %scan3A_217, %mul3A_992 : i32
        %add3A_994 = arith.constant 80 : i32
        %add3A_995 = arith.addi %mul3A_993, %add3A_994 : i32
        %swap3A_996 = arith.index_cast %add3A_995 : i32 to index
        %swap3A_997 = tpu.vector_load %arg14[%swap3A_996] {strides = array<i32>} : memref<2560xf32, #tpu.memory_space<vmem>>, vector<16xf32>,
        %swap3A_998 = vector.shape_cast %swap3A_997 : vector<16xf32> to vector<16xf32>
        %swap3A_999 = vector.shape_cast %add3A_991 : vector<16xf32> to vector<16xf32>
        tpu.vector_store %arg14[%swap3A_996], %swap3A_999 {strides = array<i32>} : memref<2560xf32, #tpu.memory_space<vmem>>, vector<16xf32>,
        %add3A_1000 = arith.constant 6 : i32
        %add3A_1001 = arith.addi %mul3A_219, %add3A_1000 : i32
        %get3A_1002 = arith.index_cast %add3A_1001 : i32 to index
        %get3A_1003 = arith.constant 0 : index
        %get3A_1004 = tpu.vector_load %arg12[%get3A_1002, %get3A_1003] {strides = array<i32>} : memref<160x128xf32, #tpu.memory_space<vmem>>, vector<1x16xf32>,
        %get3A_1005 = vector.shape_cast %get3A_1004 : vector<1x16xf32> to vector<16xf32>
        %mul3A_1006 = arith.mulf %add3A_355, %get3A_1005 : vector<16xf32>
        %add3A_1007 = arith.constant 6 : i32
        %add3A_1008 = arith.addi %mul3A_219, %add3A_1007 : i32
        %get3A_1009 = arith.index_cast %add3A_1008 : i32 to index
        %get3A_1010 = arith.constant 16 : index
        %get3A_1011 = tpu.vector_load %arg12[%get3A_1009, %get3A_1010] {strides = array<i32>} : memref<160x128xf32, #tpu.memory_space<vmem>>, vector<1x16xf32>,
        %get3A_1012 = vector.shape_cast %get3A_1011 : vector<1x16xf32> to vector<16xf32>
        %mul3A_1013 = arith.mulf %add3A_492, %get3A_1012 : vector<16xf32>
        %add3A_1014 = arith.addf %mul3A_1006, %mul3A_1013 : vector<16xf32>
        %add3A_1015 = arith.constant 6 : i32
        %add3A_1016 = arith.addi %mul3A_219, %add3A_1015 : i32
        %get3A_1017 = arith.index_cast %add3A_1016 : i32 to index
        %get3A_1018 = arith.constant 32 : index
        %get3A_1019 = tpu.vector_load %arg12[%get3A_1017, %get3A_1018] {strides = array<i32>} : memref<160x128xf32, #tpu.memory_space<vmem>>, vector<1x16xf32>,
        %get3A_1020 = vector.shape_cast %get3A_1019 : vector<1x16xf32> to vector<16xf32>
        %mul3A_1021 = arith.mulf %add3A_629, %get3A_1020 : vector<16xf32>
        %add3A_1022 = arith.addf %add3A_1014, %mul3A_1021 : vector<16xf32>
        %add3A_1023 = arith.constant 6 : i32
        %add3A_1024 = arith.addi %mul3A_219, %add3A_1023 : i32
        %get3A_1025 = arith.index_cast %add3A_1024 : i32 to index
        %get3A_1026 = arith.constant 48 : index
        %get3A_1027 = tpu.vector_load %arg12[%get3A_1025, %get3A_1026] {strides = array<i32>} : memref<160x128xf32, #tpu.memory_space<vmem>>, vector<1x16xf32>,
        %get3A_1028 = vector.shape_cast %get3A_1027 : vector<1x16xf32> to vector<16xf32>
        %mul3A_1029 = arith.mulf %add3A_766, %get3A_1028 : vector<16xf32>
        %add3A_1030 = arith.addf %add3A_1022, %mul3A_1029 : vector<16xf32>
        %mul3A_1031 = arith.constant 320 : i32
        %mul3A_1032 = arith.muli %scan3A_217, %mul3A_1031 : i32
        %add3A_1033 = arith.constant 96 : i32
        %add3A_1034 = arith.addi %mul3A_1032, %add3A_1033 : i32
        %swap3A_1035 = arith.index_cast %add3A_1034 : i32 to index
        %swap3A_1036 = tpu.vector_load %arg14[%swap3A_1035] {strides = array<i32>} : memref<2560xf32, #tpu.memory_space<vmem>>, vector<16xf32>,
        %swap3A_1037 = vector.shape_cast %swap3A_1036 : vector<16xf32> to vector<16xf32>
        %swap3A_1038 = vector.shape_cast %add3A_1030 : vector<16xf32> to vector<16xf32>
        tpu.vector_store %arg14[%swap3A_1035], %swap3A_1038 {strides = array<i32>} : memref<2560xf32, #tpu.memory_space<vmem>>, vector<16xf32>,
        %add3A_1039 = arith.constant 7 : i32
        %add3A_1040 = arith.addi %mul3A_219, %add3A_1039 : i32
        %get3A_1041 = arith.index_cast %add3A_1040 : i32 to index
        %get3A_1042 = arith.constant 0 : index
        %get3A_1043 = tpu.vector_load %arg12[%get3A_1041, %get3A_1042] {strides = array<i32>} : memref<160x128xf32, #tpu.memory_space<vmem>>, vector<1x16xf32>,
        %get3A_1044 = vector.shape_cast %get3A_1043 : vector<1x16xf32> to vector<16xf32>
        %mul3A_1045 = arith.mulf %add3A_355, %get3A_1044 : vector<16xf32>
        %add3A_1046 = arith.constant 7 : i32
        %add3A_1047 = arith.addi %mul3A_219, %add3A_1046 : i32
        %get3A_1048 = arith.index_cast %add3A_1047 : i32 to index
        %get3A_1049 = arith.constant 16 : index
        %get3A_1050 = tpu.vector_load %arg12[%get3A_1048, %get3A_1049] {strides = array<i32>} : memref<160x128xf32, #tpu.memory_space<vmem>>, vector<1x16xf32>,
        %get3A_1051 = vector.shape_cast %get3A_1050 : vector<1x16xf32> to vector<16xf32>
        %mul3A_1052 = arith.mulf %add3A_492, %get3A_1051 : vector<16xf32>
        %add3A_1053 = arith.addf %mul3A_1045, %mul3A_1052 : vector<16xf32>
        %add3A_1054 = arith.constant 7 : i32
        %add3A_1055 = arith.addi %mul3A_219, %add3A_1054 : i32
        %get3A_1056 = arith.index_cast %add3A_1055 : i32 to index
        %get3A_1057 = arith.constant 32 : index
        %get3A_1058 = tpu.vector_load %arg12[%get3A_1056, %get3A_1057] {strides = array<i32>} : memref<160x128xf32, #tpu.memory_space<vmem>>, vector<1x16xf32>,
        %get3A_1059 = vector.shape_cast %get3A_1058 : vector<1x16xf32> to vector<16xf32>
        %mul3A_1060 = arith.mulf %add3A_629, %get3A_1059 : vector<16xf32>
        %add3A_1061 = arith.addf %add3A_1053, %mul3A_1060 : vector<16xf32>
        %add3A_1062 = arith.constant 7 : i32
        %add3A_1063 = arith.addi %mul3A_219, %add3A_1062 : i32
        %get3A_1064 = arith.index_cast %add3A_1063 : i32 to index
        %get3A_1065 = arith.constant 48 : index
        %get3A_1066 = tpu.vector_load %arg12[%get3A_1064, %get3A_1065] {strides = array<i32>} : memref<160x128xf32, #tpu.memory_space<vmem>>, vector<1x16xf32>,
        %get3A_1067 = vector.shape_cast %get3A_1066 : vector<1x16xf32> to vector<16xf32>
        %mul3A_1068 = arith.mulf %add3A_766, %get3A_1067 : vector<16xf32>
        %add3A_1069 = arith.addf %add3A_1061, %mul3A_1068 : vector<16xf32>
        %mul3A_1070 = arith.constant 320 : i32
        %mul3A_1071 = arith.muli %scan3A_217, %mul3A_1070 : i32
        %add3A_1072 = arith.constant 112 : i32
        %add3A_1073 = arith.addi %mul3A_1071, %add3A_1072 : i32
        %swap3A_1074 = arith.index_cast %add3A_1073 : i32 to index
        %swap3A_1075 = tpu.vector_load %arg14[%swap3A_1074] {strides = array<i32>} : memref<2560xf32, #tpu.memory_space<vmem>>, vector<16xf32>,
        %swap3A_1076 = vector.shape_cast %swap3A_1075 : vector<16xf32> to vector<16xf32>
        %swap3A_1077 = vector.shape_cast %add3A_1069 : vector<16xf32> to vector<16xf32>
        tpu.vector_store %arg14[%swap3A_1074], %swap3A_1077 {strides = array<i32>} : memref<2560xf32, #tpu.memory_space<vmem>>, vector<16xf32>,
        %add3A_1078 = arith.constant 8 : i32
        %add3A_1079 = arith.addi %mul3A_219, %add3A_1078 : i32
        %get3A_1080 = arith.index_cast %add3A_1079 : i32 to index
        %get3A_1081 = arith.constant 0 : index
        %get3A_1082 = tpu.vector_load %arg12[%get3A_1080, %get3A_1081] {strides = array<i32>} : memref<160x128xf32, #tpu.memory_space<vmem>>, vector<1x16xf32>,
        %get3A_1083 = vector.shape_cast %get3A_1082 : vector<1x16xf32> to vector<16xf32>
        %mul3A_1084 = arith.mulf %add3A_355, %get3A_1083 : vector<16xf32>
        %add3A_1085 = arith.constant 8 : i32
        %add3A_1086 = arith.addi %mul3A_219, %add3A_1085 : i32
        %get3A_1087 = arith.index_cast %add3A_1086 : i32 to index
        %get3A_1088 = arith.constant 16 : index
        %get3A_1089 = tpu.vector_load %arg12[%get3A_1087, %get3A_1088] {strides = array<i32>} : memref<160x128xf32, #tpu.memory_space<vmem>>, vector<1x16xf32>,
        %get3A_1090 = vector.shape_cast %get3A_1089 : vector<1x16xf32> to vector<16xf32>
        %mul3A_1091 = arith.mulf %add3A_492, %get3A_1090 : vector<16xf32>
        %add3A_1092 = arith.addf %mul3A_1084, %mul3A_1091 : vector<16xf32>
        %add3A_1093 = arith.constant 8 : i32
        %add3A_1094 = arith.addi %mul3A_219, %add3A_1093 : i32
        %get3A_1095 = arith.index_cast %add3A_1094 : i32 to index
        %get3A_1096 = arith.constant 32 : index
        %get3A_1097 = tpu.vector_load %arg12[%get3A_1095, %get3A_1096] {strides = array<i32>} : memref<160x128xf32, #tpu.memory_space<vmem>>, vector<1x16xf32>,
        %get3A_1098 = vector.shape_cast %get3A_1097 : vector<1x16xf32> to vector<16xf32>
        %mul3A_1099 = arith.mulf %add3A_629, %get3A_1098 : vector<16xf32>
        %add3A_1100 = arith.addf %add3A_1092, %mul3A_1099 : vector<16xf32>
        %add3A_1101 = arith.constant 8 : i32
        %add3A_1102 = arith.addi %mul3A_219, %add3A_1101 : i32
        %get3A_1103 = arith.index_cast %add3A_1102 : i32 to index
        %get3A_1104 = arith.constant 48 : index
        %get3A_1105 = tpu.vector_load %arg12[%get3A_1103, %get3A_1104] {strides = array<i32>} : memref<160x128xf32, #tpu.memory_space<vmem>>, vector<1x16xf32>,
        %get3A_1106 = vector.shape_cast %get3A_1105 : vector<1x16xf32> to vector<16xf32>
        %mul3A_1107 = arith.mulf %add3A_766, %get3A_1106 : vector<16xf32>
        %add3A_1108 = arith.addf %add3A_1100, %mul3A_1107 : vector<16xf32>
        %mul3A_1109 = arith.constant 320 : i32
        %mul3A_1110 = arith.muli %scan3A_217, %mul3A_1109 : i32
        %add3A_1111 = arith.constant 128 : i32
        %add3A_1112 = arith.addi %mul3A_1110, %add3A_1111 : i32
        %swap3A_1113 = arith.index_cast %add3A_1112 : i32 to index
        %swap3A_1114 = tpu.vector_load %arg14[%swap3A_1113] {strides = array<i32>} : memref<2560xf32, #tpu.memory_space<vmem>>, vector<16xf32>,
        %swap3A_1115 = vector.shape_cast %swap3A_1114 : vector<16xf32> to vector<16xf32>
        %swap3A_1116 = vector.shape_cast %add3A_1108 : vector<16xf32> to vector<16xf32>
        tpu.vector_store %arg14[%swap3A_1113], %swap3A_1116 {strides = array<i32>} : memref<2560xf32, #tpu.memory_space<vmem>>, vector<16xf32>,
        %add3A_1117 = arith.constant 9 : i32
        %add3A_1118 = arith.addi %mul3A_219, %add3A_1117 : i32
        %get3A_1119 = arith.index_cast %add3A_1118 : i32 to index
        %get3A_1120 = arith.constant 0 : index
        %get3A_1121 = tpu.vector_load %arg12[%get3A_1119, %get3A_1120] {strides = array<i32>} : memref<160x128xf32, #tpu.memory_space<vmem>>, vector<1x16xf32>,
        %get3A_1122 = vector.shape_cast %get3A_1121 : vector<1x16xf32> to vector<16xf32>
        %mul3A_1123 = arith.mulf %add3A_355, %get3A_1122 : vector<16xf32>
        %add3A_1124 = arith.constant 9 : i32
        %add3A_1125 = arith.addi %mul3A_219, %add3A_1124 : i32
        %get3A_1126 = arith.index_cast %add3A_1125 : i32 to index
        %get3A_1127 = arith.constant 16 : index
        %get3A_1128 = tpu.vector_load %arg12[%get3A_1126, %get3A_1127] {strides = array<i32>} : memref<160x128xf32, #tpu.memory_space<vmem>>, vector<1x16xf32>,
        %get3A_1129 = vector.shape_cast %get3A_1128 : vector<1x16xf32> to vector<16xf32>
        %mul3A_1130 = arith.mulf %add3A_492, %get3A_1129 : vector<16xf32>
        %add3A_1131 = arith.addf %mul3A_1123, %mul3A_1130 : vector<16xf32>
        %add3A_1132 = arith.constant 9 : i32
        %add3A_1133 = arith.addi %mul3A_219, %add3A_1132 : i32
        %get3A_1134 = arith.index_cast %add3A_1133 : i32 to index
        %get3A_1135 = arith.constant 32 : index
        %get3A_1136 = tpu.vector_load %arg12[%get3A_1134, %get3A_1135] {strides = array<i32>} : memref<160x128xf32, #tpu.memory_space<vmem>>, vector<1x16xf32>,
        %get3A_1137 = vector.shape_cast %get3A_1136 : vector<1x16xf32> to vector<16xf32>
        %mul3A_1138 = arith.mulf %add3A_629, %get3A_1137 : vector<16xf32>
        %add3A_1139 = arith.addf %add3A_1131, %mul3A_1138 : vector<16xf32>
        %add3A_1140 = arith.constant 9 : i32
        %add3A_1141 = arith.addi %mul3A_219, %add3A_1140 : i32
        %get3A_1142 = arith.index_cast %add3A_1141 : i32 to index
        %get3A_1143 = arith.constant 48 : index
        %get3A_1144 = tpu.vector_load %arg12[%get3A_1142, %get3A_1143] {strides = array<i32>} : memref<160x128xf32, #tpu.memory_space<vmem>>, vector<1x16xf32>,
        %get3A_1145 = vector.shape_cast %get3A_1144 : vector<1x16xf32> to vector<16xf32>
        %mul3A_1146 = arith.mulf %add3A_766, %get3A_1145 : vector<16xf32>
        %add3A_1147 = arith.addf %add3A_1139, %mul3A_1146 : vector<16xf32>
        %mul3A_1148 = arith.constant 320 : i32
        %mul3A_1149 = arith.muli %scan3A_217, %mul3A_1148 : i32
        %add3A_1150 = arith.constant 144 : i32
        %add3A_1151 = arith.addi %mul3A_1149, %add3A_1150 : i32
        %swap3A_1152 = arith.index_cast %add3A_1151 : i32 to index
        %swap3A_1153 = tpu.vector_load %arg14[%swap3A_1152] {strides = array<i32>} : memref<2560xf32, #tpu.memory_space<vmem>>, vector<16xf32>,
        %swap3A_1154 = vector.shape_cast %swap3A_1153 : vector<16xf32> to vector<16xf32>
        %swap3A_1155 = vector.shape_cast %add3A_1147 : vector<16xf32> to vector<16xf32>
        tpu.vector_store %arg14[%swap3A_1152], %swap3A_1155 {strides = array<i32>} : memref<2560xf32, #tpu.memory_space<vmem>>, vector<16xf32>,
        %add3A_1156 = arith.constant 10 : i32
        %add3A_1157 = arith.addi %mul3A_219, %add3A_1156 : i32
        %get3A_1158 = arith.index_cast %add3A_1157 : i32 to index
        %get3A_1159 = arith.constant 0 : index
        %get3A_1160 = tpu.vector_load %arg12[%get3A_1158, %get3A_1159] {strides = array<i32>} : memref<160x128xf32, #tpu.memory_space<vmem>>, vector<1x16xf32>,
        %get3A_1161 = vector.shape_cast %get3A_1160 : vector<1x16xf32> to vector<16xf32>
        %mul3A_1162 = arith.mulf %add3A_355, %get3A_1161 : vector<16xf32>
        %add3A_1163 = arith.constant 10 : i32
        %add3A_1164 = arith.addi %mul3A_219, %add3A_1163 : i32
        %get3A_1165 = arith.index_cast %add3A_1164 : i32 to index
        %get3A_1166 = arith.constant 16 : index
        %get3A_1167 = tpu.vector_load %arg12[%get3A_1165, %get3A_1166] {strides = array<i32>} : memref<160x128xf32, #tpu.memory_space<vmem>>, vector<1x16xf32>,
        %get3A_1168 = vector.shape_cast %get3A_1167 : vector<1x16xf32> to vector<16xf32>
        %mul3A_1169 = arith.mulf %add3A_492, %get3A_1168 : vector<16xf32>
        %add3A_1170 = arith.addf %mul3A_1162, %mul3A_1169 : vector<16xf32>
        %add3A_1171 = arith.constant 10 : i32
        %add3A_1172 = arith.addi %mul3A_219, %add3A_1171 : i32
        %get3A_1173 = arith.index_cast %add3A_1172 : i32 to index
        %get3A_1174 = arith.constant 32 : index
        %get3A_1175 = tpu.vector_load %arg12[%get3A_1173, %get3A_1174] {strides = array<i32>} : memref<160x128xf32, #tpu.memory_space<vmem>>, vector<1x16xf32>,
        %get3A_1176 = vector.shape_cast %get3A_1175 : vector<1x16xf32> to vector<16xf32>
        %mul3A_1177 = arith.mulf %add3A_629, %get3A_1176 : vector<16xf32>
        %add3A_1178 = arith.addf %add3A_1170, %mul3A_1177 : vector<16xf32>
        %add3A_1179 = arith.constant 10 : i32
        %add3A_1180 = arith.addi %mul3A_219, %add3A_1179 : i32
        %get3A_1181 = arith.index_cast %add3A_1180 : i32 to index
        %get3A_1182 = arith.constant 48 : index
        %get3A_1183 = tpu.vector_load %arg12[%get3A_1181, %get3A_1182] {strides = array<i32>} : memref<160x128xf32, #tpu.memory_space<vmem>>, vector<1x16xf32>,
        %get3A_1184 = vector.shape_cast %get3A_1183 : vector<1x16xf32> to vector<16xf32>
        %mul3A_1185 = arith.mulf %add3A_766, %get3A_1184 : vector<16xf32>
        %add3A_1186 = arith.addf %add3A_1178, %mul3A_1185 : vector<16xf32>
        %mul3A_1187 = arith.constant 320 : i32
        %mul3A_1188 = arith.muli %scan3A_217, %mul3A_1187 : i32
        %add3A_1189 = arith.constant 160 : i32
        %add3A_1190 = arith.addi %mul3A_1188, %add3A_1189 : i32
        %swap3A_1191 = arith.index_cast %add3A_1190 : i32 to index
        %swap3A_1192 = tpu.vector_load %arg14[%swap3A_1191] {strides = array<i32>} : memref<2560xf32, #tpu.memory_space<vmem>>, vector<16xf32>,
        %swap3A_1193 = vector.shape_cast %swap3A_1192 : vector<16xf32> to vector<16xf32>
        %swap3A_1194 = vector.shape_cast %add3A_1186 : vector<16xf32> to vector<16xf32>
        tpu.vector_store %arg14[%swap3A_1191], %swap3A_1194 {strides = array<i32>} : memref<2560xf32, #tpu.memory_space<vmem>>, vector<16xf32>,
        %add3A_1195 = arith.constant 11 : i32
        %add3A_1196 = arith.addi %mul3A_219, %add3A_1195 : i32
        %get3A_1197 = arith.index_cast %add3A_1196 : i32 to index
        %get3A_1198 = arith.constant 0 : index
        %get3A_1199 = tpu.vector_load %arg12[%get3A_1197, %get3A_1198] {strides = array<i32>} : memref<160x128xf32, #tpu.memory_space<vmem>>, vector<1x16xf32>,
        %get3A_1200 = vector.shape_cast %get3A_1199 : vector<1x16xf32> to vector<16xf32>
        %mul3A_1201 = arith.mulf %add3A_355, %get3A_1200 : vector<16xf32>
        %add3A_1202 = arith.constant 11 : i32
        %add3A_1203 = arith.addi %mul3A_219, %add3A_1202 : i32
        %get3A_1204 = arith.index_cast %add3A_1203 : i32 to index
        %get3A_1205 = arith.constant 16 : index
        %get3A_1206 = tpu.vector_load %arg12[%get3A_1204, %get3A_1205] {strides = array<i32>} : memref<160x128xf32, #tpu.memory_space<vmem>>, vector<1x16xf32>,
        %get3A_1207 = vector.shape_cast %get3A_1206 : vector<1x16xf32> to vector<16xf32>
        %mul3A_1208 = arith.mulf %add3A_492, %get3A_1207 : vector<16xf32>
        %add3A_1209 = arith.addf %mul3A_1201, %mul3A_1208 : vector<16xf32>
        %add3A_1210 = arith.constant 11 : i32
        %add3A_1211 = arith.addi %mul3A_219, %add3A_1210 : i32
        %get3A_1212 = arith.index_cast %add3A_1211 : i32 to index
        %get3A_1213 = arith.constant 32 : index
        %get3A_1214 = tpu.vector_load %arg12[%get3A_1212, %get3A_1213] {strides = array<i32>} : memref<160x128xf32, #tpu.memory_space<vmem>>, vector<1x16xf32>,
        %get3A_1215 = vector.shape_cast %get3A_1214 : vector<1x16xf32> to vector<16xf32>
        %mul3A_1216 = arith.mulf %add3A_629, %get3A_1215 : vector<16xf32>
        %add3A_1217 = arith.addf %add3A_1209, %mul3A_1216 : vector<16xf32>
        %add3A_1218 = arith.constant 11 : i32
        %add3A_1219 = arith.addi %mul3A_219, %add3A_1218 : i32
        %get3A_1220 = arith.index_cast %add3A_1219 : i32 to index
        %get3A_1221 = arith.constant 48 : index
        %get3A_1222 = tpu.vector_load %arg12[%get3A_1220, %get3A_1221] {strides = array<i32>} : memref<160x128xf32, #tpu.memory_space<vmem>>, vector<1x16xf32>,
        %get3A_1223 = vector.shape_cast %get3A_1222 : vector<1x16xf32> to vector<16xf32>
        %mul3A_1224 = arith.mulf %add3A_766, %get3A_1223 : vector<16xf32>
        %add3A_1225 = arith.addf %add3A_1217, %mul3A_1224 : vector<16xf32>
        %mul3A_1226 = arith.constant 320 : i32
        %mul3A_1227 = arith.muli %scan3A_217, %mul3A_1226 : i32
        %add3A_1228 = arith.constant 176 : i32
        %add3A_1229 = arith.addi %mul3A_1227, %add3A_1228 : i32
        %swap3A_1230 = arith.index_cast %add3A_1229 : i32 to index
        %swap3A_1231 = tpu.vector_load %arg14[%swap3A_1230] {strides = array<i32>} : memref<2560xf32, #tpu.memory_space<vmem>>, vector<16xf32>,
        %swap3A_1232 = vector.shape_cast %swap3A_1231 : vector<16xf32> to vector<16xf32>
        %swap3A_1233 = vector.shape_cast %add3A_1225 : vector<16xf32> to vector<16xf32>
        tpu.vector_store %arg14[%swap3A_1230], %swap3A_1233 {strides = array<i32>} : memref<2560xf32, #tpu.memory_space<vmem>>, vector<16xf32>,
        %add3A_1234 = arith.constant 12 : i32
        %add3A_1235 = arith.addi %mul3A_219, %add3A_1234 : i32
        %get3A_1236 = arith.index_cast %add3A_1235 : i32 to index
        %get3A_1237 = arith.constant 0 : index
        %get3A_1238 = tpu.vector_load %arg12[%get3A_1236, %get3A_1237] {strides = array<i32>} : memref<160x128xf32, #tpu.memory_space<vmem>>, vector<1x16xf32>,
        %get3A_1239 = vector.shape_cast %get3A_1238 : vector<1x16xf32> to vector<16xf32>
        %mul3A_1240 = arith.mulf %add3A_355, %get3A_1239 : vector<16xf32>
        %add3A_1241 = arith.constant 12 : i32
        %add3A_1242 = arith.addi %mul3A_219, %add3A_1241 : i32
        %get3A_1243 = arith.index_cast %add3A_1242 : i32 to index
        %get3A_1244 = arith.constant 16 : index
        %get3A_1245 = tpu.vector_load %arg12[%get3A_1243, %get3A_1244] {strides = array<i32>} : memref<160x128xf32, #tpu.memory_space<vmem>>, vector<1x16xf32>,
        %get3A_1246 = vector.shape_cast %get3A_1245 : vector<1x16xf32> to vector<16xf32>
        %mul3A_1247 = arith.mulf %add3A_492, %get3A_1246 : vector<16xf32>
        %add3A_1248 = arith.addf %mul3A_1240, %mul3A_1247 : vector<16xf32>
        %add3A_1249 = arith.constant 12 : i32
        %add3A_1250 = arith.addi %mul3A_219, %add3A_1249 : i32
        %get3A_1251 = arith.index_cast %add3A_1250 : i32 to index
        %get3A_1252 = arith.constant 32 : index
        %get3A_1253 = tpu.vector_load %arg12[%get3A_1251, %get3A_1252] {strides = array<i32>} : memref<160x128xf32, #tpu.memory_space<vmem>>, vector<1x16xf32>,
        %get3A_1254 = vector.shape_cast %get3A_1253 : vector<1x16xf32> to vector<16xf32>
        %mul3A_1255 = arith.mulf %add3A_629, %get3A_1254 : vector<16xf32>
        %add3A_1256 = arith.addf %add3A_1248, %mul3A_1255 : vector<16xf32>
        %add3A_1257 = arith.constant 12 : i32
        %add3A_1258 = arith.addi %mul3A_219, %add3A_1257 : i32
        %get3A_1259 = arith.index_cast %add3A_1258 : i32 to index
        %get3A_1260 = arith.constant 48 : index
        %get3A_1261 = tpu.vector_load %arg12[%get3A_1259, %get3A_1260] {strides = array<i32>} : memref<160x128xf32, #tpu.memory_space<vmem>>, vector<1x16xf32>,
        %get3A_1262 = vector.shape_cast %get3A_1261 : vector<1x16xf32> to vector<16xf32>
        %mul3A_1263 = arith.mulf %add3A_766, %get3A_1262 : vector<16xf32>
        %add3A_1264 = arith.addf %add3A_1256, %mul3A_1263 : vector<16xf32>
        %mul3A_1265 = arith.constant 320 : i32
        %mul3A_1266 = arith.muli %scan3A_217, %mul3A_1265 : i32
        %add3A_1267 = arith.constant 192 : i32
        %add3A_1268 = arith.addi %mul3A_1266, %add3A_1267 : i32
        %swap3A_1269 = arith.index_cast %add3A_1268 : i32 to index
        %swap3A_1270 = tpu.vector_load %arg14[%swap3A_1269] {strides = array<i32>} : memref<2560xf32, #tpu.memory_space<vmem>>, vector<16xf32>,
        %swap3A_1271 = vector.shape_cast %swap3A_1270 : vector<16xf32> to vector<16xf32>
        %swap3A_1272 = vector.shape_cast %add3A_1264 : vector<16xf32> to vector<16xf32>
        tpu.vector_store %arg14[%swap3A_1269], %swap3A_1272 {strides = array<i32>} : memref<2560xf32, #tpu.memory_space<vmem>>, vector<16xf32>,
        %add3A_1273 = arith.constant 13 : i32
        %add3A_1274 = arith.addi %mul3A_219, %add3A_1273 : i32
        %get3A_1275 = arith.index_cast %add3A_1274 : i32 to index
        %get3A_1276 = arith.constant 0 : index
        %get3A_1277 = tpu.vector_load %arg12[%get3A_1275, %get3A_1276] {strides = array<i32>} : memref<160x128xf32, #tpu.memory_space<vmem>>, vector<1x16xf32>,
        %get3A_1278 = vector.shape_cast %get3A_1277 : vector<1x16xf32> to vector<16xf32>
        %mul3A_1279 = arith.mulf %add3A_355, %get3A_1278 : vector<16xf32>
        %add3A_1280 = arith.constant 13 : i32
        %add3A_1281 = arith.addi %mul3A_219, %add3A_1280 : i32
        %get3A_1282 = arith.index_cast %add3A_1281 : i32 to index
        %get3A_1283 = arith.constant 16 : index
        %get3A_1284 = tpu.vector_load %arg12[%get3A_1282, %get3A_1283] {strides = array<i32>} : memref<160x128xf32, #tpu.memory_space<vmem>>, vector<1x16xf32>,
        %get3A_1285 = vector.shape_cast %get3A_1284 : vector<1x16xf32> to vector<16xf32>
        %mul3A_1286 = arith.mulf %add3A_492, %get3A_1285 : vector<16xf32>
        %add3A_1287 = arith.addf %mul3A_1279, %mul3A_1286 : vector<16xf32>
        %add3A_1288 = arith.constant 13 : i32
        %add3A_1289 = arith.addi %mul3A_219, %add3A_1288 : i32
        %get3A_1290 = arith.index_cast %add3A_1289 : i32 to index
        %get3A_1291 = arith.constant 32 : index
        %get3A_1292 = tpu.vector_load %arg12[%get3A_1290, %get3A_1291] {strides = array<i32>} : memref<160x128xf32, #tpu.memory_space<vmem>>, vector<1x16xf32>,
        %get3A_1293 = vector.shape_cast %get3A_1292 : vector<1x16xf32> to vector<16xf32>
        %mul3A_1294 = arith.mulf %add3A_629, %get3A_1293 : vector<16xf32>
        %add3A_1295 = arith.addf %add3A_1287, %mul3A_1294 : vector<16xf32>
        %add3A_1296 = arith.constant 13 : i32
        %add3A_1297 = arith.addi %mul3A_219, %add3A_1296 : i32
        %get3A_1298 = arith.index_cast %add3A_1297 : i32 to index
        %get3A_1299 = arith.constant 48 : index
        %get3A_1300 = tpu.vector_load %arg12[%get3A_1298, %get3A_1299] {strides = array<i32>} : memref<160x128xf32, #tpu.memory_space<vmem>>, vector<1x16xf32>,
        %get3A_1301 = vector.shape_cast %get3A_1300 : vector<1x16xf32> to vector<16xf32>
        %mul3A_1302 = arith.mulf %add3A_766, %get3A_1301 : vector<16xf32>
        %add3A_1303 = arith.addf %add3A_1295, %mul3A_1302 : vector<16xf32>
        %mul3A_1304 = arith.constant 320 : i32
        %mul3A_1305 = arith.muli %scan3A_217, %mul3A_1304 : i32
        %add3A_1306 = arith.constant 208 : i32
        %add3A_1307 = arith.addi %mul3A_1305, %add3A_1306 : i32
        %swap3A_1308 = arith.index_cast %add3A_1307 : i32 to index
        %swap3A_1309 = tpu.vector_load %arg14[%swap3A_1308] {strides = array<i32>} : memref<2560xf32, #tpu.memory_space<vmem>>, vector<16xf32>,
        %swap3A_1310 = vector.shape_cast %swap3A_1309 : vector<16xf32> to vector<16xf32>
        %swap3A_1311 = vector.shape_cast %add3A_1303 : vector<16xf32> to vector<16xf32>
        tpu.vector_store %arg14[%swap3A_1308], %swap3A_1311 {strides = array<i32>} : memref<2560xf32, #tpu.memory_space<vmem>>, vector<16xf32>,
        %add3A_1312 = arith.constant 14 : i32
        %add3A_1313 = arith.addi %mul3A_219, %add3A_1312 : i32
        %get3A_1314 = arith.index_cast %add3A_1313 : i32 to index
        %get3A_1315 = arith.constant 0 : index
        %get3A_1316 = tpu.vector_load %arg12[%get3A_1314, %get3A_1315] {strides = array<i32>} : memref<160x128xf32, #tpu.memory_space<vmem>>, vector<1x16xf32>,
        %get3A_1317 = vector.shape_cast %get3A_1316 : vector<1x16xf32> to vector<16xf32>
        %mul3A_1318 = arith.mulf %add3A_355, %get3A_1317 : vector<16xf32>
        %add3A_1319 = arith.constant 14 : i32
        %add3A_1320 = arith.addi %mul3A_219, %add3A_1319 : i32
        %get3A_1321 = arith.index_cast %add3A_1320 : i32 to index
        %get3A_1322 = arith.constant 16 : index
        %get3A_1323 = tpu.vector_load %arg12[%get3A_1321, %get3A_1322] {strides = array<i32>} : memref<160x128xf32, #tpu.memory_space<vmem>>, vector<1x16xf32>,
        %get3A_1324 = vector.shape_cast %get3A_1323 : vector<1x16xf32> to vector<16xf32>
        %mul3A_1325 = arith.mulf %add3A_492, %get3A_1324 : vector<16xf32>
        %add3A_1326 = arith.addf %mul3A_1318, %mul3A_1325 : vector<16xf32>
        %add3A_1327 = arith.constant 14 : i32
        %add3A_1328 = arith.addi %mul3A_219, %add3A_1327 : i32
        %get3A_1329 = arith.index_cast %add3A_1328 : i32 to index
        %get3A_1330 = arith.constant 32 : index
        %get3A_1331 = tpu.vector_load %arg12[%get3A_1329, %get3A_1330] {strides = array<i32>} : memref<160x128xf32, #tpu.memory_space<vmem>>, vector<1x16xf32>,
        %get3A_1332 = vector.shape_cast %get3A_1331 : vector<1x16xf32> to vector<16xf32>
        %mul3A_1333 = arith.mulf %add3A_629, %get3A_1332 : vector<16xf32>
        %add3A_1334 = arith.addf %add3A_1326, %mul3A_1333 : vector<16xf32>
        %add3A_1335 = arith.constant 14 : i32
        %add3A_1336 = arith.addi %mul3A_219, %add3A_1335 : i32
        %get3A_1337 = arith.index_cast %add3A_1336 : i32 to index
        %get3A_1338 = arith.constant 48 : index
        %get3A_1339 = tpu.vector_load %arg12[%get3A_1337, %get3A_1338] {strides = array<i32>} : memref<160x128xf32, #tpu.memory_space<vmem>>, vector<1x16xf32>,
        %get3A_1340 = vector.shape_cast %get3A_1339 : vector<1x16xf32> to vector<16xf32>
        %mul3A_1341 = arith.mulf %add3A_766, %get3A_1340 : vector<16xf32>
        %add3A_1342 = arith.addf %add3A_1334, %mul3A_1341 : vector<16xf32>
        %mul3A_1343 = arith.constant 320 : i32
        %mul3A_1344 = arith.muli %scan3A_217, %mul3A_1343 : i32
        %add3A_1345 = arith.constant 224 : i32
        %add3A_1346 = arith.addi %mul3A_1344, %add3A_1345 : i32
        %swap3A_1347 = arith.index_cast %add3A_1346 : i32 to index
        %swap3A_1348 = tpu.vector_load %arg14[%swap3A_1347] {strides = array<i32>} : memref<2560xf32, #tpu.memory_space<vmem>>, vector<16xf32>,
        %swap3A_1349 = vector.shape_cast %swap3A_1348 : vector<16xf32> to vector<16xf32>
        %swap3A_1350 = vector.shape_cast %add3A_1342 : vector<16xf32> to vector<16xf32>
        tpu.vector_store %arg14[%swap3A_1347], %swap3A_1350 {strides = array<i32>} : memref<2560xf32, #tpu.memory_space<vmem>>, vector<16xf32>,
        %add3A_1351 = arith.constant 15 : i32
        %add3A_1352 = arith.addi %mul3A_219, %add3A_1351 : i32
        %get3A_1353 = arith.index_cast %add3A_1352 : i32 to index
        %get3A_1354 = arith.constant 0 : index
        %get3A_1355 = tpu.vector_load %arg12[%get3A_1353, %get3A_1354] {strides = array<i32>} : memref<160x128xf32, #tpu.memory_space<vmem>>, vector<1x16xf32>,
        %get3A_1356 = vector.shape_cast %get3A_1355 : vector<1x16xf32> to vector<16xf32>
        %mul3A_1357 = arith.mulf %add3A_355, %get3A_1356 : vector<16xf32>
        %add3A_1358 = arith.constant 15 : i32
        %add3A_1359 = arith.addi %mul3A_219, %add3A_1358 : i32
        %get3A_1360 = arith.index_cast %add3A_1359 : i32 to index
        %get3A_1361 = arith.constant 16 : index
        %get3A_1362 = tpu.vector_load %arg12[%get3A_1360, %get3A_1361] {strides = array<i32>} : memref<160x128xf32, #tpu.memory_space<vmem>>, vector<1x16xf32>,
        %get3A_1363 = vector.shape_cast %get3A_1362 : vector<1x16xf32> to vector<16xf32>
        %mul3A_1364 = arith.mulf %add3A_492, %get3A_1363 : vector<16xf32>
        %add3A_1365 = arith.addf %mul3A_1357, %mul3A_1364 : vector<16xf32>
        %add3A_1366 = arith.constant 15 : i32
        %add3A_1367 = arith.addi %mul3A_219, %add3A_1366 : i32
        %get3A_1368 = arith.index_cast %add3A_1367 : i32 to index
        %get3A_1369 = arith.constant 32 : index
        %get3A_1370 = tpu.vector_load %arg12[%get3A_1368, %get3A_1369] {strides = array<i32>} : memref<160x128xf32, #tpu.memory_space<vmem>>, vector<1x16xf32>,
        %get3A_1371 = vector.shape_cast %get3A_1370 : vector<1x16xf32> to vector<16xf32>
        %mul3A_1372 = arith.mulf %add3A_629, %get3A_1371 : vector<16xf32>
        %add3A_1373 = arith.addf %add3A_1365, %mul3A_1372 : vector<16xf32>
        %add3A_1374 = arith.constant 15 : i32
        %add3A_1375 = arith.addi %mul3A_219, %add3A_1374 : i32
        %get3A_1376 = arith.index_cast %add3A_1375 : i32 to index
        %get3A_1377 = arith.constant 48 : index
        %get3A_1378 = tpu.vector_load %arg12[%get3A_1376, %get3A_1377] {strides = array<i32>} : memref<160x128xf32, #tpu.memory_space<vmem>>, vector<1x16xf32>,
        %get3A_1379 = vector.shape_cast %get3A_1378 : vector<1x16xf32> to vector<16xf32>
        %mul3A_1380 = arith.mulf %add3A_766, %get3A_1379 : vector<16xf32>
        %add3A_1381 = arith.addf %add3A_1373, %mul3A_1380 : vector<16xf32>
        %mul3A_1382 = arith.constant 320 : i32
        %mul3A_1383 = arith.muli %scan3A_217, %mul3A_1382 : i32
        %add3A_1384 = arith.constant 240 : i32
        %add3A_1385 = arith.addi %mul3A_1383, %add3A_1384 : i32
        %swap3A_1386 = arith.index_cast %add3A_1385 : i32 to index
        %swap3A_1387 = tpu.vector_load %arg14[%swap3A_1386] {strides = array<i32>} : memref<2560xf32, #tpu.memory_space<vmem>>, vector<16xf32>,
        %swap3A_1388 = vector.shape_cast %swap3A_1387 : vector<16xf32> to vector<16xf32>
        %swap3A_1389 = vector.shape_cast %add3A_1381 : vector<16xf32> to vector<16xf32>
        tpu.vector_store %arg14[%swap3A_1386], %swap3A_1389 {strides = array<i32>} : memref<2560xf32, #tpu.memory_space<vmem>>, vector<16xf32>,
        %add3A_1390 = arith.constant 16 : i32
        %add3A_1391 = arith.addi %mul3A_219, %add3A_1390 : i32
        %get3A_1392 = arith.index_cast %add3A_1391 : i32 to index
        %get3A_1393 = arith.constant 0 : index
        %get3A_1394 = tpu.vector_load %arg12[%get3A_1392, %get3A_1393] {strides = array<i32>} : memref<160x128xf32, #tpu.memory_space<vmem>>, vector<1x16xf32>,
        %get3A_1395 = vector.shape_cast %get3A_1394 : vector<1x16xf32> to vector<16xf32>
        %mul3A_1396 = arith.mulf %add3A_355, %get3A_1395 : vector<16xf32>
        %add3A_1397 = arith.constant 16 : i32
        %add3A_1398 = arith.addi %mul3A_219, %add3A_1397 : i32
        %get3A_1399 = arith.index_cast %add3A_1398 : i32 to index
        %get3A_1400 = arith.constant 16 : index
        %get3A_1401 = tpu.vector_load %arg12[%get3A_1399, %get3A_1400] {strides = array<i32>} : memref<160x128xf32, #tpu.memory_space<vmem>>, vector<1x16xf32>,
        %get3A_1402 = vector.shape_cast %get3A_1401 : vector<1x16xf32> to vector<16xf32>
        %mul3A_1403 = arith.mulf %add3A_492, %get3A_1402 : vector<16xf32>
        %add3A_1404 = arith.addf %mul3A_1396, %mul3A_1403 : vector<16xf32>
        %add3A_1405 = arith.constant 16 : i32
        %add3A_1406 = arith.addi %mul3A_219, %add3A_1405 : i32
        %get3A_1407 = arith.index_cast %add3A_1406 : i32 to index
        %get3A_1408 = arith.constant 32 : index
        %get3A_1409 = tpu.vector_load %arg12[%get3A_1407, %get3A_1408] {strides = array<i32>} : memref<160x128xf32, #tpu.memory_space<vmem>>, vector<1x16xf32>,
        %get3A_1410 = vector.shape_cast %get3A_1409 : vector<1x16xf32> to vector<16xf32>
        %mul3A_1411 = arith.mulf %add3A_629, %get3A_1410 : vector<16xf32>
        %add3A_1412 = arith.addf %add3A_1404, %mul3A_1411 : vector<16xf32>
        %add3A_1413 = arith.constant 16 : i32
        %add3A_1414 = arith.addi %mul3A_219, %add3A_1413 : i32
        %get3A_1415 = arith.index_cast %add3A_1414 : i32 to index
        %get3A_1416 = arith.constant 48 : index
        %get3A_1417 = tpu.vector_load %arg12[%get3A_1415, %get3A_1416] {strides = array<i32>} : memref<160x128xf32, #tpu.memory_space<vmem>>, vector<1x16xf32>,
        %get3A_1418 = vector.shape_cast %get3A_1417 : vector<1x16xf32> to vector<16xf32>
        %mul3A_1419 = arith.mulf %add3A_766, %get3A_1418 : vector<16xf32>
        %add3A_1420 = arith.addf %add3A_1412, %mul3A_1419 : vector<16xf32>
        %mul3A_1421 = arith.constant 320 : i32
        %mul3A_1422 = arith.muli %scan3A_217, %mul3A_1421 : i32
        %add3A_1423 = arith.constant 256 : i32
        %add3A_1424 = arith.addi %mul3A_1422, %add3A_1423 : i32
        %swap3A_1425 = arith.index_cast %add3A_1424 : i32 to index
        %swap3A_1426 = tpu.vector_load %arg14[%swap3A_1425] {strides = array<i32>} : memref<2560xf32, #tpu.memory_space<vmem>>, vector<16xf32>,
        %swap3A_1427 = vector.shape_cast %swap3A_1426 : vector<16xf32> to vector<16xf32>
        %swap3A_1428 = vector.shape_cast %add3A_1420 : vector<16xf32> to vector<16xf32>
        tpu.vector_store %arg14[%swap3A_1425], %swap3A_1428 {strides = array<i32>} : memref<2560xf32, #tpu.memory_space<vmem>>, vector<16xf32>,
        %add3A_1429 = arith.constant 17 : i32
        %add3A_1430 = arith.addi %mul3A_219, %add3A_1429 : i32
        %get3A_1431 = arith.index_cast %add3A_1430 : i32 to index
        %get3A_1432 = arith.constant 0 : index
        %get3A_1433 = tpu.vector_load %arg12[%get3A_1431, %get3A_1432] {strides = array<i32>} : memref<160x128xf32, #tpu.memory_space<vmem>>, vector<1x16xf32>,
        %get3A_1434 = vector.shape_cast %get3A_1433 : vector<1x16xf32> to vector<16xf32>
        %mul3A_1435 = arith.mulf %add3A_355, %get3A_1434 : vector<16xf32>
        %add3A_1436 = arith.constant 17 : i32
        %add3A_1437 = arith.addi %mul3A_219, %add3A_1436 : i32
        %get3A_1438 = arith.index_cast %add3A_1437 : i32 to index
        %get3A_1439 = arith.constant 16 : index
        %get3A_1440 = tpu.vector_load %arg12[%get3A_1438, %get3A_1439] {strides = array<i32>} : memref<160x128xf32, #tpu.memory_space<vmem>>, vector<1x16xf32>,
        %get3A_1441 = vector.shape_cast %get3A_1440 : vector<1x16xf32> to vector<16xf32>
        %mul3A_1442 = arith.mulf %add3A_492, %get3A_1441 : vector<16xf32>
        %add3A_1443 = arith.addf %mul3A_1435, %mul3A_1442 : vector<16xf32>
        %add3A_1444 = arith.constant 17 : i32
        %add3A_1445 = arith.addi %mul3A_219, %add3A_1444 : i32
        %get3A_1446 = arith.index_cast %add3A_1445 : i32 to index
        %get3A_1447 = arith.constant 32 : index
        %get3A_1448 = tpu.vector_load %arg12[%get3A_1446, %get3A_1447] {strides = array<i32>} : memref<160x128xf32, #tpu.memory_space<vmem>>, vector<1x16xf32>,
        %get3A_1449 = vector.shape_cast %get3A_1448 : vector<1x16xf32> to vector<16xf32>
        %mul3A_1450 = arith.mulf %add3A_629, %get3A_1449 : vector<16xf32>
        %add3A_1451 = arith.addf %add3A_1443, %mul3A_1450 : vector<16xf32>
        %add3A_1452 = arith.constant 17 : i32
        %add3A_1453 = arith.addi %mul3A_219, %add3A_1452 : i32
        %get3A_1454 = arith.index_cast %add3A_1453 : i32 to index
        %get3A_1455 = arith.constant 48 : index
        %get3A_1456 = tpu.vector_load %arg12[%get3A_1454, %get3A_1455] {strides = array<i32>} : memref<160x128xf32, #tpu.memory_space<vmem>>, vector<1x16xf32>,
        %get3A_1457 = vector.shape_cast %get3A_1456 : vector<1x16xf32> to vector<16xf32>
        %mul3A_1458 = arith.mulf %add3A_766, %get3A_1457 : vector<16xf32>
        %add3A_1459 = arith.addf %add3A_1451, %mul3A_1458 : vector<16xf32>
        %mul3A_1460 = arith.constant 320 : i32
        %mul3A_1461 = arith.muli %scan3A_217, %mul3A_1460 : i32
        %add3A_1462 = arith.constant 272 : i32
        %add3A_1463 = arith.addi %mul3A_1461, %add3A_1462 : i32
        %swap3A_1464 = arith.index_cast %add3A_1463 : i32 to index
        %swap3A_1465 = tpu.vector_load %arg14[%swap3A_1464] {strides = array<i32>} : memref<2560xf32, #tpu.memory_space<vmem>>, vector<16xf32>,
        %swap3A_1466 = vector.shape_cast %swap3A_1465 : vector<16xf32> to vector<16xf32>
        %swap3A_1467 = vector.shape_cast %add3A_1459 : vector<16xf32> to vector<16xf32>
        tpu.vector_store %arg14[%swap3A_1464], %swap3A_1467 {strides = array<i32>} : memref<2560xf32, #tpu.memory_space<vmem>>, vector<16xf32>,
        %add3A_1468 = arith.constant 18 : i32
        %add3A_1469 = arith.addi %mul3A_219, %add3A_1468 : i32
        %get3A_1470 = arith.index_cast %add3A_1469 : i32 to index
        %get3A_1471 = arith.constant 0 : index
        %get3A_1472 = tpu.vector_load %arg12[%get3A_1470, %get3A_1471] {strides = array<i32>} : memref<160x128xf32, #tpu.memory_space<vmem>>, vector<1x16xf32>,
        %get3A_1473 = vector.shape_cast %get3A_1472 : vector<1x16xf32> to vector<16xf32>
        %mul3A_1474 = arith.mulf %add3A_355, %get3A_1473 : vector<16xf32>
        %add3A_1475 = arith.constant 18 : i32
        %add3A_1476 = arith.addi %mul3A_219, %add3A_1475 : i32
        %get3A_1477 = arith.index_cast %add3A_1476 : i32 to index
        %get3A_1478 = arith.constant 16 : index
        %get3A_1479 = tpu.vector_load %arg12[%get3A_1477, %get3A_1478] {strides = array<i32>} : memref<160x128xf32, #tpu.memory_space<vmem>>, vector<1x16xf32>,
        %get3A_1480 = vector.shape_cast %get3A_1479 : vector<1x16xf32> to vector<16xf32>
        %mul3A_1481 = arith.mulf %add3A_492, %get3A_1480 : vector<16xf32>
        %add3A_1482 = arith.addf %mul3A_1474, %mul3A_1481 : vector<16xf32>
        %add3A_1483 = arith.constant 18 : i32
        %add3A_1484 = arith.addi %mul3A_219, %add3A_1483 : i32
        %get3A_1485 = arith.index_cast %add3A_1484 : i32 to index
        %get3A_1486 = arith.constant 32 : index
        %get3A_1487 = tpu.vector_load %arg12[%get3A_1485, %get3A_1486] {strides = array<i32>} : memref<160x128xf32, #tpu.memory_space<vmem>>, vector<1x16xf32>,
        %get3A_1488 = vector.shape_cast %get3A_1487 : vector<1x16xf32> to vector<16xf32>
        %mul3A_1489 = arith.mulf %add3A_629, %get3A_1488 : vector<16xf32>
        %add3A_1490 = arith.addf %add3A_1482, %mul3A_1489 : vector<16xf32>
        %add3A_1491 = arith.constant 18 : i32
        %add3A_1492 = arith.addi %mul3A_219, %add3A_1491 : i32
        %get3A_1493 = arith.index_cast %add3A_1492 : i32 to index
        %get3A_1494 = arith.constant 48 : index
        %get3A_1495 = tpu.vector_load %arg12[%get3A_1493, %get3A_1494] {strides = array<i32>} : memref<160x128xf32, #tpu.memory_space<vmem>>, vector<1x16xf32>,
        %get3A_1496 = vector.shape_cast %get3A_1495 : vector<1x16xf32> to vector<16xf32>
        %mul3A_1497 = arith.mulf %add3A_766, %get3A_1496 : vector<16xf32>
        %add3A_1498 = arith.addf %add3A_1490, %mul3A_1497 : vector<16xf32>
        %mul3A_1499 = arith.constant 320 : i32
        %mul3A_1500 = arith.muli %scan3A_217, %mul3A_1499 : i32
        %add3A_1501 = arith.constant 288 : i32
        %add3A_1502 = arith.addi %mul3A_1500, %add3A_1501 : i32
        %swap3A_1503 = arith.index_cast %add3A_1502 : i32 to index
        %swap3A_1504 = tpu.vector_load %arg14[%swap3A_1503] {strides = array<i32>} : memref<2560xf32, #tpu.memory_space<vmem>>, vector<16xf32>,
        %swap3A_1505 = vector.shape_cast %swap3A_1504 : vector<16xf32> to vector<16xf32>
        %swap3A_1506 = vector.shape_cast %add3A_1498 : vector<16xf32> to vector<16xf32>
        tpu.vector_store %arg14[%swap3A_1503], %swap3A_1506 {strides = array<i32>} : memref<2560xf32, #tpu.memory_space<vmem>>, vector<16xf32>,
        %add3A_1507 = arith.constant 19 : i32
        %add3A_1508 = arith.addi %mul3A_219, %add3A_1507 : i32
        %get3A_1509 = arith.index_cast %add3A_1508 : i32 to index
        %get3A_1510 = arith.constant 0 : index
        %get3A_1511 = tpu.vector_load %arg12[%get3A_1509, %get3A_1510] {strides = array<i32>} : memref<160x128xf32, #tpu.memory_space<vmem>>, vector<1x16xf32>,
        %get3A_1512 = vector.shape_cast %get3A_1511 : vector<1x16xf32> to vector<16xf32>
        %mul3A_1513 = arith.mulf %add3A_355, %get3A_1512 : vector<16xf32>
        %add3A_1514 = arith.constant 19 : i32
        %add3A_1515 = arith.addi %mul3A_219, %add3A_1514 : i32
        %get3A_1516 = arith.index_cast %add3A_1515 : i32 to index
        %get3A_1517 = arith.constant 16 : index
        %get3A_1518 = tpu.vector_load %arg12[%get3A_1516, %get3A_1517] {strides = array<i32>} : memref<160x128xf32, #tpu.memory_space<vmem>>, vector<1x16xf32>,
        %get3A_1519 = vector.shape_cast %get3A_1518 : vector<1x16xf32> to vector<16xf32>
        %mul3A_1520 = arith.mulf %add3A_492, %get3A_1519 : vector<16xf32>
        %add3A_1521 = arith.addf %mul3A_1513, %mul3A_1520 : vector<16xf32>
        %add3A_1522 = arith.constant 19 : i32
        %add3A_1523 = arith.addi %mul3A_219, %add3A_1522 : i32
        %get3A_1524 = arith.index_cast %add3A_1523 : i32 to index
        %get3A_1525 = arith.constant 32 : index
        %get3A_1526 = tpu.vector_load %arg12[%get3A_1524, %get3A_1525] {strides = array<i32>} : memref<160x128xf32, #tpu.memory_space<vmem>>, vector<1x16xf32>,
        %get3A_1527 = vector.shape_cast %get3A_1526 : vector<1x16xf32> to vector<16xf32>
        %mul3A_1528 = arith.mulf %add3A_629, %get3A_1527 : vector<16xf32>
        %add3A_1529 = arith.addf %add3A_1521, %mul3A_1528 : vector<16xf32>
        %add3A_1530 = arith.constant 19 : i32
        %add3A_1531 = arith.addi %mul3A_219, %add3A_1530 : i32
        %get3A_1532 = arith.index_cast %add3A_1531 : i32 to index
        %get3A_1533 = arith.constant 48 : index
        %get3A_1534 = tpu.vector_load %arg12[%get3A_1532, %get3A_1533] {strides = array<i32>} : memref<160x128xf32, #tpu.memory_space<vmem>>, vector<1x16xf32>,
        %get3A_1535 = vector.shape_cast %get3A_1534 : vector<1x16xf32> to vector<16xf32>
        %mul3A_1536 = arith.mulf %add3A_766, %get3A_1535 : vector<16xf32>
        %add3A_1537 = arith.addf %add3A_1529, %mul3A_1536 : vector<16xf32>
        %mul3A_1538 = arith.constant 320 : i32
        %mul3A_1539 = arith.muli %scan3A_217, %mul3A_1538 : i32
        %add3A_1540 = arith.constant 304 : i32
        %add3A_1541 = arith.addi %mul3A_1539, %add3A_1540 : i32
        %swap3A_1542 = arith.index_cast %add3A_1541 : i32 to index
        %swap3A_1543 = tpu.vector_load %arg14[%swap3A_1542] {strides = array<i32>} : memref<2560xf32, #tpu.memory_space<vmem>>, vector<16xf32>,
        %swap3A_1544 = vector.shape_cast %swap3A_1543 : vector<16xf32> to vector<16xf32>
        %swap3A_1545 = vector.shape_cast %add3A_1537 : vector<16xf32> to vector<16xf32>
        tpu.vector_store %arg14[%swap3A_1542], %swap3A_1545 {strides = array<i32>} : memref<2560xf32, #tpu.memory_space<vmem>>, vector<16xf32>,
      }
      %scan3A_200 = arith.constant 8 : i32
      %mul3A_201 = arith.constant 512 : i32
      %mul3A_202 = arith.muli %add3A, %mul3A_201 : i32
      %mul3A_203 = arith.constant 8 : i32
      %mul3A_204 = arith.muli %add3A_153, %mul3A_203 : i32
      %add3A_205 = arith.addi %mul3A_202, %mul3A_204 : i32
      %mul3A_206 = arith.constant 320 : i32
      %mul3A_207 = arith.muli %add3A_205, %mul3A_206 : i32
      %dma_start3A_208 = tpu.memref_slice %arg6[%mul3A_207] : memref<5242880xf32, #tpu.memory_space<hbm>> -> memref<2560xf32, #tpu.memory_space<hbm>>
      %dma_start3A_209 = tpu.memref_slice %arg6[%mul3A_207] : memref<5242880xf32, #tpu.memory_space<hbm>> -> memref<2560xf32, #tpu.memory_space<hbm>>
      tpu.enqueue_dma source(%arg14 : memref<2560xf32, #tpu.memory_space<vmem>>) target(%dma_start3A_209 : memref<2560xf32, #tpu.memory_space<hbm>>) target_semaphore(%arg20 : memref<!tpu.dma_semaphore, #tpu.memory_space<semaphore_mem>>)
      %add3A_210 = arith.constant 2 : i32
      %add3A_211 = arith.addi %add3A_153, %add3A_210 : i32
      %lt3A_212 = arith.constant 64 : i32
      %lt3A_213 = arith.cmpi slt, %add3A_211, %lt3A_212 : i32
      %convert_element_type3A_214 = arith.extui %lt3A_213 : i1 to i32
      %cond3A_215 = arith.constant 0 : i32
      %cond3A_216 = arith.cmpi ne, %convert_element_type3A_214, %cond3A_215 : i32
      scf.if %cond3A_216 {
        %add3A_217 = arith.constant 2 : i32
        %add3A_218 = arith.addi %add3A_153, %add3A_217 : i32
        %mul3A_219 = arith.constant 160 : i32
        %mul3A_220 = arith.muli %add3A_218, %mul3A_219 : i32
        %add3A_221 = arith.constant 0 : i32
        %add3A_222 = arith.addi %mul3A_220, %add3A_221 : i32
        %mul3A_223 = arith.constant 160 : i32
        %mul3A_224 = arith.muli %add3A_218, %mul3A_223 : i32
        %add3A_225 = arith.constant 128 : i32
        %add3A_226 = arith.addi %mul3A_224, %add3A_225 : i32
        %dma_start3A_227 = arith.constant 0 : i32
        %dma_start3A_228 = arith.constant 0 : i32
        %dma_start3A_229 = tpu.memref_slice %arg10[%dma_start3A_227, %dma_start3A_228] : memref<160x128xf32, #tpu.memory_space<vmem>> -> memref<128x128xf32, #tpu.memory_space<vmem>>
        %dma_start3A_230 = tpu.memref_slice %arg7[%add3A_222] : memref<10240xi32, #tpu.memory_space<vmem>> -> memref<128xi32, #tpu.memory_space<vmem>>
        %dma_start3A_231 = arith.constant 0 : i32
        %dma_start3A_232 = arith.constant 0 : i32
        %dma_start3A_233 = tpu.memref_slice %arg4[%dma_start3A_231, %dma_start3A_232] : memref<1000000x128xf32, #tpu.memory_space<hbm>> -> memref<1000000x128xf32, #tpu.memory_space<hbm>>
        tpu.enqueue_indirect_dma source(%dma_start3A_233 : memref<1000000x128xf32, #tpu.memory_space<hbm>>) target(%dma_start3A_229 : memref<128x128xf32, #tpu.memory_space<vmem>>) offsets(%dma_start3A_230 : memref<128xi32, #tpu.memory_space<vmem>>) semaphore(%arg16 : memref<!tpu.dma_semaphore, #tpu.memory_space<semaphore_mem>>)
        %dma_start3A_234 = arith.constant 0 : i32
        %dma_start3A_235 = arith.constant 0 : i32
        %dma_start3A_236 = tpu.memref_slice %arg12[%dma_start3A_234, %dma_start3A_235] : memref<160x128xf32, #tpu.memory_space<vmem>> -> memref<128x128xf32, #tpu.memory_space<vmem>>
        %dma_start3A_237 = tpu.memref_slice %arg8[%add3A_222] : memref<10240xi32, #tpu.memory_space<vmem>> -> memref<128xi32, #tpu.memory_space<vmem>>
        %dma_start3A_238 = arith.constant 0 : i32
        %dma_start3A_239 = arith.constant 0 : i32
        %dma_start3A_240 = tpu.memref_slice %arg5[%dma_start3A_238, %dma_start3A_239] : memref<1000000x128xf32, #tpu.memory_space<hbm>> -> memref<1000000x128xf32, #tpu.memory_space<hbm>>
        tpu.enqueue_indirect_dma source(%dma_start3A_240 : memref<1000000x128xf32, #tpu.memory_space<hbm>>) target(%dma_start3A_236 : memref<128x128xf32, #tpu.memory_space<vmem>>) offsets(%dma_start3A_237 : memref<128xi32, #tpu.memory_space<vmem>>) semaphore(%arg18 : memref<!tpu.dma_semaphore, #tpu.memory_space<semaphore_mem>>)
        %dma_start3A_241 = arith.constant 128 : i32
        %dma_start3A_242 = arith.constant 0 : i32
        %dma_start3A_243 = tpu.memref_slice %arg10[%dma_start3A_241, %dma_start3A_242] : memref<160x128xf32, #tpu.memory_space<vmem>> -> memref<32x128xf32, #tpu.memory_space<vmem>>
        %dma_start3A_244 = tpu.memref_slice %arg7[%add3A_226] : memref<10240xi32, #tpu.memory_space<vmem>> -> memref<32xi32, #tpu.memory_space<vmem>>
        %dma_start3A_245 = arith.constant 0 : i32
        %dma_start3A_246 = arith.constant 0 : i32
        %dma_start3A_247 = tpu.memref_slice %arg4[%dma_start3A_245, %dma_start3A_246] : memref<1000000x128xf32, #tpu.memory_space<hbm>> -> memref<1000000x128xf32, #tpu.memory_space<hbm>>
        tpu.enqueue_indirect_dma source(%dma_start3A_247 : memref<1000000x128xf32, #tpu.memory_space<hbm>>) target(%dma_start3A_243 : memref<32x128xf32, #tpu.memory_space<vmem>>) offsets(%dma_start3A_244 : memref<32xi32, #tpu.memory_space<vmem>>) semaphore(%arg16 : memref<!tpu.dma_semaphore, #tpu.memory_space<semaphore_mem>>)
        %dma_start3A_248 = arith.constant 128 : i32
        %dma_start3A_249 = arith.constant 0 : i32
        %dma_start3A_250 = tpu.memref_slice %arg12[%dma_start3A_248, %dma_start3A_249] : memref<160x128xf32, #tpu.memory_space<vmem>> -> memref<32x128xf32, #tpu.memory_space<vmem>>
        %dma_start3A_251 = tpu.memref_slice %arg8[%add3A_226] : memref<10240xi32, #tpu.memory_space<vmem>> -> memref<32xi32, #tpu.memory_space<vmem>>
        %dma_start3A_252 = arith.constant 0 : i32
        %dma_start3A_253 = arith.constant 0 : i32
        %dma_start3A_254 = tpu.memref_slice %arg5[%dma_start3A_252, %dma_start3A_253] : memref<1000000x128xf32, #tpu.memory_space<hbm>> -> memref<1000000x128xf32, #tpu.memory_space<hbm>>
        tpu.enqueue_indirect_dma source(%dma_start3A_254 : memref<1000000x128xf32, #tpu.memory_space<hbm>>) target(%dma_start3A_250 : memref<32x128xf32, #tpu.memory_space<vmem>>) offsets(%dma_start3A_251 : memref<32xi32, #tpu.memory_space<vmem>>) semaphore(%arg18 : memref<!tpu.dma_semaphore, #tpu.memory_space<semaphore_mem>>)
      } else {
      }
    }
    %scan3A_70 = arith.constant 32 : i32
    %mul3A_71 = arith.constant 512 : i32
    %mul3A_72 = arith.muli %add3A, %mul3A_71 : i32
    %add3A_73 = arith.constant 496 : i32
    %add3A_74 = arith.addi %mul3A_72, %add3A_73 : i32
    %mul3A_75 = arith.constant 320 : i32
    %mul3A_76 = arith.muli %add3A_74, %mul3A_75 : i32
    %dma_wait3A = tpu.memref_slice %arg6[%mul3A_76] : memref<5242880xf32, #tpu.memory_space<hbm>> -> memref<2560xf32, #tpu.memory_space<hbm>>
    %dma_wait3A_77 = tpu.memref_slice %arg6[%mul3A_76] : memref<5242880xf32, #tpu.memory_space<hbm>> -> memref<2560xf32, #tpu.memory_space<hbm>>
    tpu.wait_dma2 semaphore(%arg19 : memref<!tpu.dma_semaphore, #tpu.memory_space<semaphore_mem>>) src(%arg13 : memref<2560xf32, #tpu.memory_space<vmem>>) dst(%dma_wait3A_77 : memref<2560xf32, #tpu.memory_space<hbm>>)
    %mul3A_78 = arith.constant 512 : i32
    %mul3A_79 = arith.muli %add3A, %mul3A_78 : i32
    %add3A_80 = arith.constant 504 : i32
    %add3A_81 = arith.addi %mul3A_79, %add3A_80 : i32
    %mul3A_82 = arith.constant 320 : i32
    %mul3A_83 = arith.muli %add3A_81, %mul3A_82 : i32
    %dma_wait3A_84 = tpu.memref_slice %arg6[%mul3A_83] : memref<5242880xf32, #tpu.memory_space<hbm>> -> memref<2560xf32, #tpu.memory_space<hbm>>
    %dma_wait3A_85 = tpu.memref_slice %arg6[%mul3A_83] : memref<5242880xf32, #tpu.memory_space<hbm>> -> memref<2560xf32, #tpu.memory_space<hbm>>
    tpu.wait_dma2 semaphore(%arg20 : memref<!tpu.dma_semaphore, #tpu.memory_space<semaphore_mem>>) src(%arg14 : memref<2560xf32, #tpu.memory_space<vmem>>) dst(%dma_wait3A_85 : memref<2560xf32, #tpu.memory_space<hbm>>)
    return
  }
}

module attributes {stable_mosaic.version = 14 : i64} {
  func.func @_depad_body(%arg0: i32, %arg1: memref<8000x64xf32, #tpu.memory_space<vmem>>, %arg2: memref<8000x128xf32, #tpu.memory_space<vmem>>) attributes {dimension_semantics = [#tpu.dimension_semantics<arbitrary>], iteration_bounds = array<i64: 125>, scalar_prefetch = 0 : i64, scratch_operands = 0 : i64, tpu.core_type = #tpu.core_type<tc>, window_params = [{transform_indices = @transform_0, window_bounds = array<i64: 8000, 64>}, {transform_indices = @transform_1, window_bounds = array<i64: 8000, 128>}]} {
    %get3A = arith.constant 0 : index
    %get3A_0 = arith.constant 0 : index
    %get3A_1 = vector.load %arg1[%get3A, %get3A_0] : memref<8000x64xf32, #tpu.memory_space<vmem>>, vector<8000x64xf32>
    %swap3A = arith.constant 0 : index
    %swap3A_2 = arith.constant 0 : index
    %swap3A_3 = vector.load %arg2[%swap3A, %swap3A_2] : memref<8000x128xf32, #tpu.memory_space<vmem>>, vector<8000x64xf32>
    tpu.vector_store %arg2[%swap3A, %swap3A_2], %get3A_1 {strides = array<i32>} : memref<8000x128xf32, #tpu.memory_space<vmem>>, vector<8000x64xf32>,
    return
  }
  func.func @transform_0(%arg0: i32) -> (i32, i32) {
    %c0_i32 = arith.constant 0 : i32
    %c0_i32_0 = arith.constant 0 : i32
    return %arg0, %c0_i32 : i32, i32
  }
  func.func @transform_1(%arg0: i32) -> (i32, i32) {
    %c0_i32 = arith.constant 0 : i32
    %c0_i32_0 = arith.constant 0 : i32
    return %arg0, %c0_i32 : i32, i32
  }
}

module attributes {stable_mosaic.version = 14 : i64} {
  func.func @_reduce_tc_body(%arg0: i32, %arg1: memref<256x320xf32, #tpu.memory_space<vmem>>, %arg2: memref<256x1xf32, #tpu.memory_space<vmem>>, %arg3: memref<256x20xf32, #tpu.memory_space<vmem>>) attributes {dimension_semantics = [#tpu.dimension_semantics<arbitrary>], iteration_bounds = array<i64: 64>, scalar_prefetch = 0 : i64, scratch_operands = 0 : i64, tpu.core_type = #tpu.core_type<tc>, window_params = [{transform_indices = @transform_0, window_bounds = array<i64: 256, 320>}, {transform_indices = @transform_1, window_bounds = array<i64: 256, 1>}, {transform_indices = @transform_2, window_bounds = array<i64: 256, 20>}]} {
    %iota3A = tpu.iota {dimensions = array<i32: 0>} : vector<320x20xi32>
    %iota3A_0 = tpu.iota {dimensions = array<i32: 1>} : vector<320x20xi32>
    %jit3A = arith.constant 16 : i32
    %div3A = vector.broadcast %jit3A : i32 to vector<320x20xi32>
    %div3A_1 = arith.divsi %iota3A, %div3A : vector<320x20xi32>
    %sign3A = arith.constant 0 : i32
    %sign3A_2 = vector.broadcast %sign3A : i32 to vector<320x20xi32>
    %sign3A_3 = arith.cmpi sgt, %iota3A, %sign3A_2 : vector<320x20xi32>
    %sign3A_4 = arith.extui %sign3A_3 : vector<320x20xi1> to vector<320x20xi32>
    %sign3A_5 = arith.constant 0 : i32
    %sign3A_6 = vector.broadcast %sign3A_5 : i32 to vector<320x20xi32>
    %sign3A_7 = arith.cmpi slt, %iota3A, %sign3A_6 : vector<320x20xi32>
    %sign3A_8 = arith.extui %sign3A_7 : vector<320x20xi1> to vector<320x20xi32>
    %sign3A_9 = arith.subi %sign3A_4, %sign3A_8 : vector<320x20xi32>
    %sign3A_10 = arith.constant 0 : i32
    %sign3A_11 = arith.cmpi sgt, %jit3A, %sign3A_10 : i32
    %sign3A_12 = arith.extui %sign3A_11 : i1 to i32
    %sign3A_13 = arith.constant 0 : i32
    %sign3A_14 = arith.cmpi slt, %jit3A, %sign3A_13 : i32
    %sign3A_15 = arith.extui %sign3A_14 : i1 to i32
    %sign3A_16 = arith.subi %sign3A_12, %sign3A_15 : i32
    %ne3A = vector.broadcast %sign3A_16 : i32 to vector<320x20xi32>
    %ne3A_17 = arith.cmpi ne, %sign3A_9, %ne3A : vector<320x20xi32>
    %rem3A = vector.broadcast %jit3A : i32 to vector<320x20xi32>
    %rem3A_18 = arith.remsi %iota3A, %rem3A : vector<320x20xi32>
    %ne3A_19 = arith.constant 0 : i32
    %ne3A_20 = vector.broadcast %ne3A_19 : i32 to vector<320x20xi32>
    %ne3A_21 = arith.cmpi ne, %rem3A_18, %ne3A_20 : vector<320x20xi32>
    %and3A = arith.andi %ne3A_17, %ne3A_21 : vector<320x20xi1>
    %sub3A = arith.constant 1 : i32
    %sub3A_22 = vector.broadcast %sub3A : i32 to vector<320x20xi32>
    %sub3A_23 = arith.subi %div3A_1, %sub3A_22 : vector<320x20xi32>
    %select_n3A = arith.select %and3A, %sub3A_23, %div3A_1 : vector<320x20xi1>, vector<320x20xi32>
    %eq3A = arith.cmpi eq, %select_n3A, %iota3A_0 : vector<320x20xi32>
    %jit3A_24 = arith.constant 1.000000e+00 : f32
    %jit3A_25 = arith.constant 0.000000e+00 : f32
    %broadcast_in_dim3A = vector.broadcast %jit3A_24 : f32 to vector<320x20xf32>
    %broadcast_in_dim3A_26 = vector.broadcast %jit3A_25 : f32 to vector<320x20xf32>
    %select_n3A_27 = arith.select %eq3A, %broadcast_in_dim3A, %broadcast_in_dim3A_26 : vector<320x20xi1>, vector<320x20xf32>
    %get3A = arith.constant 0 : index
    %get3A_28 = arith.constant 0 : index
    %get3A_29 = vector.load %arg1[%get3A, %get3A_28] : memref<256x320xf32, #tpu.memory_space<vmem>>, vector<256x320xf32>
    %dot_general3A = arith.constant dense<0.000000e+00> : vector<256x20xf32>
    %dot_general3A_30 = tpu.matmul %get3A_29, %select_n3A_27, %dot_general3A {dimension_numbers = #tpu.dot_dimension_numbers<[1], [0], [0], [1], [0, 0, 1, 1], [], []>, transpose_lhs_hint = false} : vector<256x320xf32>, vector<320x20xf32>, vector<256x20xf32> -> vector<256x20xf32>
    %get3A_31 = arith.constant 0 : index
    %get3A_32 = arith.constant 0 : index
    %get3A_33 = vector.load %arg2[%get3A_31, %get3A_32] : memref<256x1xf32, #tpu.memory_space<vmem>>, vector<256x1xf32>
    %div3A_34 = vector.broadcast %get3A_33 : vector<256x1xf32> to vector<256x20xf32>
    %div3A_35 = arith.divf %dot_general3A_30, %div3A_34 : vector<256x20xf32>
    %swap3A = arith.constant 0 : index
    %swap3A_36 = arith.constant 0 : index
    %swap3A_37 = vector.load %arg3[%swap3A, %swap3A_36] : memref<256x20xf32, #tpu.memory_space<vmem>>, vector<256x20xf32>
    tpu.vector_store %arg3[%swap3A, %swap3A_36], %div3A_35 {strides = array<i32>} : memref<256x20xf32, #tpu.memory_space<vmem>>, vector<256x20xf32>,
    return
  }
  func.func @transform_0(%arg0: i32) -> (i32, i32) {
    %c0_i32 = arith.constant 0 : i32
    %c0_i32_0 = arith.constant 0 : i32
    return %arg0, %c0_i32 : i32, i32
  }
  func.func @transform_1(%arg0: i32) -> (i32, i32) {
    %c0_i32 = arith.constant 0 : i32
    %c0_i32_0 = arith.constant 0 : i32
    return %arg0, %c0_i32 : i32, i32
  }
  func.func @transform_2(%arg0: i32) -> (i32, i32) {
    %c0_i32 = arith.constant 0 : i32
    %c0_i32_0 = arith.constant 0 : i32
    return %arg0, %c0_i32 : i32, i32
  }
}

</mosaic_0001>

<sc_bundles>
// kernel: kernel.6.cloned.1.call-start
scs
__scs_entry_jumppad:
0x0: {  	(pc) =	sbr.rel $0x88, $3  }
0x1: {  	(tag) =	ssettag $0x0;
	lr =	simm.s32 $0x1  }
0x2: {  	[smem:$0x3F9C] =	sst lr;
	_ =	strace $0xD0000000  }
0x3: {  	_ = 	snop  }
0x4: {  	_ = 	snop  }
0x5: {  	_ = 	snop  }
0x6: {  	_ = 	snop  }
0x7: {  	_ = 	snop  }
__scs_overlays_trampoline_lowered:
0x8: {  	[smem:$0x3FAB] =	sst s0  }
0x9: {  	[smem:$0x3FAC] =	sst s1  }
0xa: {  	[smem:$0x3FAD] =	sst s2  }
0xb: {  	[smem:$0x3FAE] =	sst s3  }
0xc: {  	[smem:$0x3FAF] =	sst s4  }
0xd: {  	[smem:$0x3FB0] =	sst s5  }
0xe: {  	[smem:$0x3FB1] =	sst s6  }
0xf: {  	[smem:$0x3FB2] =	sst s7  }
0x10: {  	[smem:$0x3FB3] =	sst s8  }
0x11: {  	[smem:$0x3FB4] =	sst s9;
	s0 =	simm.s32 @!p0 $0x0  }
0x12: {  	s1 =	sld [smem:$0x3F9A];
	s0 =	simm.s32 @p0 $0x1  }
0x13: {  	[smem:$0x3FB5] =	sst s0;
	s0 =	simm.s32 @!p1 $0x0  }
0x14: {  	s2 =	sld [smem:$0x3F99];
	s0 =	simm.s32 @p1 $0x1  }
0x15: {  	[smem:$0x3FB6] =	sst s0;
	s0 =	simm.s32 @!p2 $0x0  }
0x16: {  	s3 =	sld [smem:$0x3FDB];
	s0 =	simm.s32 @p2 $0x1  }
0x17: {  	s4 =	simm.s32 $0x1BF5;
	[smem:$0x3FB8] =	sst s0  }
0x18: {  	s0 =	sld [smem:$0x3F9B];
	_ =	swait.ge [sflag:s4], $0x0  }
0x19: {  	s7 =	sld [smem:$0x3F9C]  }
0x1a: {  	s8 =	sadd.s32 $0xFFFFE003, lr  }
0x1b: {  	s9 =	sadd.s32 $0xFFFFFEF7, lr;
	s5 =	simm.s32 $0xFFFFFFFF;
	p2 =	slt.u32 s8, $0xFFFFF086  }
0x1c: {  	p1 =	slt.u32 s9, $0xF7A;
	s5 =	simm.s32 @!p2 $0x0  }
0x1d: {  	s5 =	simm.s32 @p1 $0x1;
	p0 =	seq.s32 s7, s2  }
0x1e: {  	s7 =	smul.u32 @!p0 $0xF7A, s2;
	p2 =	seq.s32 @!p0 s5, $0x0  }
0x1f: {  	s9 =	smul.u32 $0xF7A, s1;
	s8 =	simm.s32 @!p0 $0x1BF5;
	p2 =	por !p2, p0  }
0x20: {  	[sflag:s8] =	ssyncset.s32 @!p0 $0xFFFFF086;
	s6 =	sadd.s32 @!p0 s3, s7;
	s7 =	simm.s32 @!p0 $0x108  }
0x21: {  	s3 =	sadd.s32 s3, s9;
	s6 =	sadd.s32 @!p0 $0x88, s6;
	s7 =	simm.s32 @p2 $0x1082  }
0x22: {  	[simem:s7], [sflag:s8] =	dma.local @!p0 [hbm:s6], $0xF7A  }
0x23: {  	s9 =	sor.u32 $0xD0000000, s2;
	s6 =	simm.s32 $0x108;
	_ =	swait.ge @!p0 [sflag:s8], $0x0  }
0x24: {  	s3 =	sadd.s32 $0x88, s3;
	s6 =	simm.s32 @!p1 $0x1082;
	[sflag:s4] =	ssyncset.s32 $0xFFFFF086  }
0x25: {  	[simem:s6], [sflag:s4] =	dma.local [hbm:s3], $0xF7A  }
0x26: {  	[smem:$0x3F9C] =	sst s1;
	(tag) =	ssettag s2;
	_ =	strace s9  }
0x27: {  	s1 =	sld [smem:$0x3FAC]  }
0x28: {  	s2 =	sld [smem:$0x3FAD]  }
0x29: {  	s4 =	sld [smem:$0x3FAF]  }
0x2a: {  	p0 =	seq.s32 s5, $0x0;
	s5 =	sld [smem:$0x3FB0]  }
0x2b: {  	s6 =	sld [smem:$0x3FB1]  }
0x2c: {  	s7 =	sld [smem:$0x3FB2]  }
0x2d: {  	s3 =	simm.s32 $0x108;
	s8 =	sld [smem:$0x3FB3]  }
0x2e: {  	s3 =	simm.s32 @!p0 $0x1082;
	s9 =	sld [smem:$0x3FB4]  }
0x2f: {  	lr =	sadd.s32 s0, s3;
	s0 =	sld [smem:$0x3FAB]  }
0x30: {  	s3 =	sld [smem:$0x3FAE]  }
0x31: {  	[smem:$0x3FB7] =	sst s10  }
0x32: {  	s10 =	sld [smem:$0x3FB5];
	_ =	sdelay $0x3  }
0x33: {  	p0 =	seq.s32 s10, $0x1;
	s10 =	sld [smem:$0x3FB7];
	_ =	sdelay $0x3  }
0x34: {  	[smem:$0x3FB7] =	sst s10  }
0x35: {  	s10 =	sld [smem:$0x3FB6];
	_ =	sdelay $0x3  }
0x36: {  	p1 =	seq.s32 s10, $0x1;
	s10 =	sld [smem:$0x3FB7];
	_ =	sdelay $0x3  }
0x37: {  	[smem:$0x3FB7] =	sst s10  }
0x38: {  	s10 =	sld [smem:$0x3FB8]  }
0x39: {  	_ = 	snop;
	(pc) =	sbr.ind lr, $3  }
0x3a: {  	_ = 	snop  }
0x3b: {  	_ = 	snop  }
0x3c: {  	p2 =	seq.s32 s10, $0x1;
	s10 =	sld [smem:$0x3FB7]  }
0x3d: {  	_ =	shalt  }
0x3e: {  	_ =	shalt  }
0x3f: {  	_ =	shalt  }
0x40: {  	_ =	shalt  }
0x41: {  	_ =	shalt  }
0x42: {  	_ =	shalt  }
0x43: {  	_ =	shalt  }
0x44: {  	_ =	shalt  }
0x45: {  	_ =	shalt  }
0x46: {  	_ =	shalt  }
0x47: {  	_ =	shalt  }
0x48: {  	_ =	shalt  }
0x49: {  	_ =	shalt  }
0x4a: {  	_ =	shalt  }
0x4b: {  	_ =	shalt  }
0x4c: {  	_ =	shalt  }
0x4d: {  	_ =	shalt  }
0x4e: {  	_ =	shalt  }
0x4f: {  	_ =	shalt  }
0x50: {  	_ =	shalt  }
0x51: {  	_ =	shalt  }
0x52: {  	_ =	shalt  }
0x53: {  	_ =	shalt  }
0x54: {  	_ =	shalt  }
0x55: {  	_ =	shalt  }
0x56: {  	_ =	shalt  }
0x57: {  	_ =	shalt  }
0x58: {  	_ =	shalt  }
0x59: {  	_ =	shalt  }
0x5a: {  	_ =	shalt  }
0x5b: {  	_ =	shalt  }
0x5c: {  	_ =	shalt  }
0x5d: {  	_ =	shalt  }
0x5e: {  	_ =	shalt  }
0x5f: {  	_ =	shalt  }
0x60: {  	_ =	shalt  }
0x61: {  	_ =	shalt  }
0x62: {  	_ =	shalt  }
0x63: {  	_ =	shalt  }
0x64: {  	_ =	shalt  }
0x65: {  	_ =	shalt  }
0x66: {  	_ =	shalt  }
0x67: {  	_ =	shalt  }
0x68: {  	_ =	shalt  }
0x69: {  	_ =	shalt  }
0x6a: {  	_ =	shalt  }
0x6b: {  	_ =	shalt  }
0x6c: {  	_ =	shalt  }
0x6d: {  	_ =	shalt  }
0x6e: {  	_ =	shalt  }
0x6f: {  	_ =	shalt  }
0x70: {  	_ =	shalt  }
0x71: {  	_ =	shalt  }
0x72: {  	_ =	shalt  }
0x73: {  	_ =	shalt  }
0x74: {  	_ =	shalt  }
0x75: {  	_ =	shalt  }
0x76: {  	_ =	shalt  }
0x77: {  	_ =	shalt  }
0x78: {  	_ =	shalt  }
0x79: {  	_ =	shalt  }
0x7a: {  	_ =	shalt  }
0x7b: {  	_ =	shalt  }
0x7c: {  	_ =	shalt  }
0x7d: {  	_ =	shalt  }
0x7e: {  	_ =	shalt  }
0x7f: {  	_ =	shalt  }
0x80: {  	_ =	shalt  }
0x81: {  	_ =	shalt  }
0x82: {  	_ =	shalt  }
0x83: {  	_ =	shalt  }
0x84: {  	_ =	shalt  }
0x85: {  	_ =	shalt  }
0x86: {  	_ =	shalt  }
0x87: {  	_ =	shalt  }
.Lfunc_end0:
.L_simem_size_0:
called_computation_lowered:
.L_overlay_start_0:
0x88: {  	s2 =	sld [smem:$0x3FD9]  }
0x89: {  	s3 =	sld [smem:$0x3FFE];
	_ =	sdelay $0x1  }
0x8a: {  	s1 =	srdreg.scid  }
0x8b: {  	s0 =	sand.u32 $0x1, s1  }
0x8c: {  	s17 =	sshll.u32 s0, $0xA;
	s2 =	sadd.s32 s3, s2  }
0x8d: {  	s2 =	sadd.s32 s2, s17  }
0x8e: {  	[smem:$0x3FC3] =	sst s2  }
0x8f: {  	_ = 	snop  }
0x90: {  	s2 =	sld [smem:$0x3FD0];
	(tm) =	ssettm $0x1  }
0x91: {  	s18 =	sld [smem:$0x3FFB];
	_ =	sdelay $0x3  }
0x92: {  	_ =	strace s18  }
0x93: {  	s3 =	sld [smem:$0x3FFC];
	_ =	sdelay $0x3  }
0x94: {  	_ =	strace s3  }
0x95: {  	s3 =	sld [smem:$0x3FFD];
	_ =	sdelay $0x3  }
0x96: {  	_ =	strace s3  }
0x97: {  	_ =	strace $0x8FFFFFFF  }
0x98: {  	s19 =	sld [smem:$0x3FDB];
	_ =	sdelay $0x1  }
0x99: {  	s4 =	simm.s32 $_scs_section_size  }
0x9a: {  	s5 =	simm.s32 $_size__tile_overlayer_lowered;
	s6 =	simm.s32 $_tile_overlayer_lowered  }
0x9b: {  	s22 =	simm.s32 $0x1BFF;
	s21 =	sshll.u32 s6, $0x1;
	s3 =	sadd.s32 s4, s19  }
0x9c: {  	s7 =	simm.s32 $0x0;
	s20 =	sshll.u32 s5, $0x1;
	s5 =	sadd.s32 s21, s3  }
0x9d: {  	[timem:s7], [sflag:s22] =	dma.local [hbm:s5], s20  }
0x9e: {  	_ =	swait.ge [sflag:s22], s20  }
0x9f: {  	s4 =	ssub.s32 $0x0, s20;
	[sflag:s22] =	ssyncset.done $0x0  }
0xa0: {  	[sflag:s22] =	ssyncadd.s32 s4;
	_ =	sdelay $0x1  }
0xa1: {  	s23 =	simm.s32 $0x1B8B  }
0xa2: {  	_ =	swait.ge [sflag:s23], $0x1  }
0xa3: {  	[sflag:s23] =	ssyncset.done $0x0  }
0xa4: {  	s25 =	simm.s32 $0x1B8E;
	s24 =	sld [smem:$0x3FFE];
	[sflag:s23] =	ssyncadd.s32 $0xFFFFFFFF  }
0xa5: {  	s26 =	simm.s32 $execute0_lowered;
	[smem:$0x3FD2] =	sst s25  }
0xa6: {  	s5 =	sshll.u32 s26, $0x1;
	_ =	strace $0x80000046;
	[dreg:$0x1] =	wrdreg $0xFFFFFFFF  }
0xa7: {  	s28 =	simm.s32 $_size_execute0_lowered;
	s3 =	sadd.s32 s3, s5;
	[dreg:$0x0] =	wrdreg $0x0  }
0xa8: {  	s5 =	sshll.u32 s28, $0x1;
	[dreg:$0x2] =	wrdreg s3  }
0xa9: {  	[dreg:$0x3] =	wrdreg s5  }
0xaa: {  	[dreg:$0x4] =	wrdreg $0xC0  }
0xab: {  	_ =	task [dreg:s7], $0x5FFFF  }
0xac: {  	[dreg:$0x1] =	wrdreg $0xFFFFFFFF  }
0xad: {  	[dreg:$0x0] =	wrdreg $0x60  }
0xae: {  	[dreg:$0x2] =	wrdreg s2  }
0xaf: {  	[dreg:$0x3] =	wrdreg s24  }
0xb0: {  	[dreg:$0x4] =	wrdreg $0x9  }
0xb1: {  	_ =	task.clear_ibuf [dreg:s7], $0x5FFFF;
	_ =	strace $0x90000046  }
0xb2: {  	s29 =	simm.s32 $0x9;
	_ =	strace $0x80000048  }
0xb3: {  	_ =	swait.ge [sflag:s29], $0x1  }
0xb4: {  	[sflag:s29] =	ssyncadd.s32 $0xFFFFFFFF  }
0xb5: {  	_ =	strace $0x90000048  }
0xb6: {  	_ =	sfence  }
0xb7: {  	s30 =	sld [smem:$0x0];
	_ =	sdelay $0x2  }
0xb8: {  	s31 =	sshll.u32 s1, $0xD;
	s1 =	sshrl.u32 s1, $0x2  }
0xb9: {  	s3 =	sand.u32 $0x4000, s31;
	s1 =	sadd.s32 s1, s30  }
0xba: {  	s0 =	sor.u32 s3, s0;
	s1 =	sshll.u32 s1, $0x11  }
0xbb: {  	s0 =	sor.u32 s1, s0  }
0xbc: {  	s0 =	sadd.s32 $0x8F2B, s0  }
0xbd: {  	[sflag:s0] =	ssyncadd.remote.s32 $0x1  }
0xbe: {  	_ =	sfence.sel $0xFFFF  }
0xbf: {  	[dreg:$0x0] =	wrdreg $0xFFFFFFFF;
	(pc) =	sbr.abs _section_cstart, $3  }
0xc0: {  	[dreg:$0x1] =	wrdreg $0xFFFFFFFF  }
0xc1: {  	_ =	task.clear_ibuf [dreg:s7], $0x2FFFF;
	_ =	strace $0x9FFFFFFF  }
0xc2: {  	(tm) =	ssettm $0x7FFFFFFF  }
0xc3: {  	_ =	shalt  }
tec
execute0_lowered:
.L_overlay_start_1:
0x0: {  	(tag) =	ssettag $0x1  }
0x1: {  	s0 =	rddreg [dreg:$0x0];
	s1 =	srdreg.scid  }
0x2: {  	s2 =	stileid.u32;
	s5 =	rddreg [dreg:$0x1];
	s10 =	simm.s32 $0x7  }
0x3: {  	s12 =	simm.s32 $0x80;
	s15 =	simm.s32 $0x20;
	s20 =	simm.s32 $0xA000  }
0x4: {  	s22 =	simm.s32 $0x14000;
	s24 =	simm.s32 $0xE000;
	s28 =	simm.s32 $0x1  }
0x5: {  	s29 =	simm.s32 $0x3;
	s30 =	simm.s32 $0x19000;
	s31 =	simm.s32 $0x2  }
0x6: {  	s13 =	simm.s32 $0x5;
	s14 =	simm.s32 $0x6;
	s16 =	simm.s32 $0x0  }
0x7: {  	s1 =	sand.u32 $0x1, s1;
	s3 =	sshll.u32 s2, $0x1;
	s2 =	simm.s32 $0x0  }
0x8: {  	s4 =	sadd.s32 $0x1E85200, s5;
	s6 =	sor.u32 s1, s3;
	[smem:$0x7FF] =	sst s2  }
0x9: {  	s1 =	ssub.s32 $0x2, s1;
	s3 =	sadd.s32 $0xF42E00, s5;
	s7 =	smul.u32 $0x500, s6  }
.Ltmp0:
0xa: {  	_ =	strace $0x80000047;
	s9 =	sshrl.u32 s1, $0x1;
	(pc) =	sbr.rel .LBB2_1-.Ltmp0, $4  }
0xb: {  	s1 =	ssub.s32 s1, s9;
	s8 =	sadd.s32 s7, s5;
	s5 =	sadd.s32 $0xAA00, s5  }
0xc: {  	s0 =	sadd.s32 s0, s7;
	s9 =	smax.u32 s1, $0x1;
	s1 =	simm.s32 $0x4  }
0xd: {  	[dreg:$0x3] =	wrdreg s0;
	s26 =	sadd.s32 $0xA00, s8;
	s8 =	sshll.u32 s6, $0x9  }
0xe: {  	s0 =	simm.s32 $0x19A00;
	[dreg:$0x4] =	wrdreg s26;
	s26 =	simm.s32 $0x18000  }
.LBB2_8:
0xf: {  	s16 =	sadd.s32 $0x1, s16  }
0x10: {  	_ =	swait.ge [sflag:s13], $0xA00;
	p0 =	sne.s32 s16, s9  }
.Ltmp1:
0x11: {  	[sflag:s13] =	ssyncset.done $0x0;
	(pc) =	sbr.rel @!p0 .LBB2_9-.Ltmp1, $4  }
0x12: {  	[sflag:s13] =	ssyncadd.s32 $0xFFFFF600  }
0x13: {  	_ =	swait.ge [sflag:s14], $0xA00  }
0x14: {  	[sflag:s14] =	ssyncset.done $0x0  }
0x15: {  	[sflag:s14] =	ssyncadd.s32 $0xFFFFF600  }
.LBB2_1:
0x16: {  	s6 =	rddreg [dreg:$0x3]  }
0x17: {  	[tilespmem:s2], [sflag:$0x7] =	stream.linear.gather [hbm4b:s6+s2], $0x2800, $0x38;
	[tilespmem:$0x1A400] =	vst v63  }
0x18: {  	_ =	swait.ge [sflag:s10], $0x2800  }
0x19: {  	[sflag:s10] =	ssyncset.done $0x0  }
0x1a: {  	s7 =	simm.s32 $0x2800;
	s21 =	rddreg [dreg:$0x4];
	[sflag:s10] =	ssyncadd.s32 $0xFFFFD800  }
0x1b: {  	[tilespmem:s7], [sflag:$0x7] =	stream.linear.gather [hbm4b:s21+s2], $0x2800, $0x38;
	[tilespmem:$0x1A400] =	vst v63  }
0x1c: {  	_ =	swait.ge [sflag:s10], $0x2800  }
0x1d: {  	[sflag:s10] =	ssyncset.done $0x0  }
0x1e: {  	s23 =	simm.s32 $0x5000;
	[sflag:s10] =	ssyncadd.s32 $0xFFFFD800  }
0x1f: {  	[tilespmem:s23], [sflag:$0x1] =	stream.indirect.gather [hbm4b:s3+s12], $0x80, s2, s12, $0xb8;
	[tilespmem:$0x1A400] =	vst v63  }
0x20: {  	s25 =	simm.s32 $0xF000  }
0x21: {  	[tilespmem:s25], [sflag:$0x3] =	stream.indirect.gather [hbm4b:s4+s12], $0x80, s7, s12, $0xb8;
	[tilespmem:$0x1A400] =	vst v63  }
0x22: {  	s11 =	simm.s32 $0x9000  }
0x23: {  	[tilespmem:s11], [sflag:$0x1] =	stream.indirect.gather [hbm4b:s3+s15], $0x80, s12, s15, $0xb8;
	[tilespmem:$0x1A400] =	vst v63  }
0x24: {  	s17 =	simm.s32 $0x2880;
	s18 =	simm.s32 $0x13000  }
0x25: {  	[tilespmem:s18], [sflag:$0x3] =	stream.indirect.gather [hbm4b:s4+s15], $0x80, s17, s15, $0xb8;
	[tilespmem:$0x1A400] =	vst v63  }
0x26: {  	s19 =	simm.s32 $0xA0  }
0x27: {  	[tilespmem:s20], [sflag:$0x2] =	stream.indirect.gather [hbm4b:s3+s12], $0x80, s19, s12, $0xb8;
	[tilespmem:$0x1A400] =	vst v63  }
0x28: {  	s21 =	simm.s32 $0x28A0  }
0x29: {  	[tilespmem:s22], [sflag:$0x4] =	stream.indirect.gather [hbm4b:s4+s12], $0x80, s21, s12, $0xb8;
	[tilespmem:$0x1A400] =	vst v63  }
0x2a: {  	s23 =	simm.s32 $0x120  }
0x2b: {  	[tilespmem:s24], [sflag:$0x2] =	stream.indirect.gather [hbm4b:s3+s15], $0x80, s23, s15, $0xb8;
	[tilespmem:$0x1A400] =	vst v63  }
0x2c: {  	s25 =	simm.s32 $0x2920;
	s17 =	simm.s32 $0x0  }
0x2d: {  	[tilespmem:s26], [sflag:$0x4] =	stream.indirect.gather [hbm4b:s4+s15], $0x80, s25, s15, $0xb8;
	[tilespmem:$0x1A400] =	vst v63  }
.LBB2_2:
0x2e: {  	_ =	swait.ge [sflag:s28], $0x4000  }
0x2f: {  	[sflag:s28] =	ssyncset.done $0x0  }
0x30: {  	[sflag:s28] =	ssyncadd.s32 $0xFFFFC000  }
0x31: {  	_ =	swait.ge [sflag:s29], $0x4000  }
0x32: {  	[sflag:s29] =	ssyncset.done $0x0  }
0x33: {  	[sflag:s29] =	ssyncadd.s32 $0xFFFFC000  }
0x34: {  	_ =	swait.ge [sflag:s28], $0x1000  }
0x35: {  	[sflag:s28] =	ssyncset.done $0x0  }
0x36: {  	[sflag:s28] =	ssyncadd.s32 $0xFFFFF000  }
0x37: {  	_ =	swait.ge [sflag:s29], $0x1000  }
0x38: {  	p0 =	seq.s32 s17, $0x0;
	[sflag:s29] =	ssyncset.done $0x0  }
0x39: {  	s6 =	simm.s32 @!p0 $0x5;
	[sflag:s29] =	ssyncadd.s32 $0xFFFFF000  }
0x3a: {  	_ =	swait.ge @!p0 [sflag:s6], $0xA00  }
0x3b: {  	[sflag:s6] =	ssyncset.done @!p0 $0x0  }
0x3c: {  	s18 =	simm.s32 $0xF500;
	[sflag:s6] =	ssyncadd.s32 @!p0 $0xFFFFF600  }
0x3d: {  	v3 =	vld [tilespmem:s18+$0xFFFFFB10]  }
0x3e: {  	s19 =	simm.s32 $0x5500;
	v4 =	vld [tilespmem:s18+$0xFFFFFB00]  }
0x3f: {  	v0 =	vld [tilespmem:s19+$0x420]  }
0x40: {  	v2 =	vld [tilespmem:s19+$0x3A0]  }
0x41: {  	v6 =	vld [tilespmem:s19+$0x320]  }
0x42: {  	v1 =	vld [tilespmem:s19+$0x3B0]  }
0x43: {  	v8 =	vld [tilespmem:s19+$0x2A0]  }
0x44: {  	v5 =	vld [tilespmem:s19+$0x330]  }
0x45: {  	v9 =	vld [tilespmem:s19+$0x220]  }
0x46: {  	v7 =	vld [tilespmem:s19+$0x2B0]  }
0x47: {  	v10 =	vld [tilespmem:s19+$0x1A0]  }
0x48: {  	v11 =	vld [tilespmem:s19+$0x230]  }
0x49: {  	v12 =	vld [tilespmem:s19+$0xFFFFFFB0]  }
0x4a: {  	v13 =	vld [tilespmem:s19+$0x120]  }
0x4b: {  	v14 =	vld [tilespmem:s19+$0x1B0]  }
0x4c: {  	v15 =	vld [tilespmem:s19+$0x20]  }
0x4d: {  	v16 =	vld [tilespmem:s19+$0xFFFFFFA0]  }
0x4e: {  	v17 =	vld [tilespmem:s19+$0xA0]  }
0x4f: {  	v18 =	vld [tilespmem:s19+$0x130]  }
0x50: {  	v19 =	vld [tilespmem:s19+$0xFFFFFF20]  }
0x51: {  	v20 =	vld [tilespmem:s19+$0xB0]  }
0x52: {  	v21 =	vld [tilespmem:s19+$0x30]  }
0x53: {  	v22 =	vld [tilespmem:s19+$0xFFFFFE30]  }
0x54: {  	v23 =	vld [tilespmem:s19+$0xFFFFFEA0]  }
0x55: {  	v24 =	vld [tilespmem:s19+$0xFFFFFF30]  }
0x56: {  	v25 =	vld [tilespmem:s19+$0xFFFFFEB0]  }
0x57: {  	v26 =	vld [tilespmem:s19+$0xFFFFFE20]  }
0x58: {  	v27 =	vld [tilespmem:s19+$0xFFFFFDA0]  }
0x59: {  	v28 =	vld [tilespmem:s19+$0xFFFFFDB0]  }
0x5a: {  	v29 =	vld [tilespmem:s19+$0xFFFFFCA0]  }
0x5b: {  	v30 =	vld [tilespmem:s19+$0xFFFFFD30]  }
0x5c: {  	v31 =	vld [tilespmem:s19+$0xFFFFFCB0]  }
0x5d: {  	v32 =	vld [tilespmem:s19+$0xFFFFFC30]  }
0x5e: {  	v33 =	vld [tilespmem:s19+$0xFFFFFBB0]  }
0x5f: {  	v34 =	vld [tilespmem:s19+$0xFFFFFB30]  }
0x60: {  	v35 =	vld [tilespmem:s19+$0xFFFFFD20]  }
0x61: {  	v36 =	vld [tilespmem:s19+$0xFFFFFC20]  }
0x62: {  	v37 =	vld [tilespmem:s19+$0xFFFFFBA0]  }
0x63: {  	v38 =	vld [tilespmem:s19+$0xFFFFFB20]  }
0x64: {  	v39 =	vld [tilespmem:s19+$0xFFFFFB00]  }
0x65: {  	v40 =	vld [tilespmem:s19+$0xFFFFFB90]  }
0x66: {  	v41 =	vld [tilespmem:s19+$0xFFFFFB10]  }
0x67: {  	v42 =	vld [tilespmem:s19+$0xFFFFFB80]  }
0x68: {  	v43 =	vld [tilespmem:s19+$0xFFFFFC10]  }
0x69: {  	v44 =	vld [tilespmem:s19+$0xFFFFFC00]  }
0x6a: {  	v45 =	vld [tilespmem:s19+$0xFFFFFC90]  }
0x6b: {  	v46 =	vld [tilespmem:s19+$0xFFFFFC80]  }
0x6c: {  	v60 =	vld [tilespmem:s19+$0xFFFFFD10];
	v40 =	vadd.f32 v40, v41;
	v39 =	vadd.f32 v42, v39  }
0x6d: {  	v61 =	vld [tilespmem:s19+$0xFFFFFD00];
	v37 =	vadd.f32 v37, v38  }
0x6e: {  	v62 =	vld [tilespmem:s19+$0xFFFFFD90];
	v40 =	vadd.f32 v43, v40;
	v39 =	vadd.f32 v44, v39  }
0x6f: {  	v33 =	vadd.f32 v33, v34;
	v63 =	vadd.f32 v36, v37;
	v44 =	vld [tilespmem:s19+$0xFFFFFD80]  }
0x70: {  	v47 =	vld [tilespmem:s19+$0xFFFFFE10];
	v45 =	vadd.f32 v45, v40;
	v39 =	vadd.f32 v46, v39  }
0x71: {  	v48 =	vld [tilespmem:s19+$0xFFFFFE00];
	v32 =	vadd.f32 v32, v33;
	v29 =	vadd.f32 v29, v63  }
0x72: {  	v51 =	vld [tilespmem:s19+$0xFFFFFE90];
	v49 =	vadd.f32 v60, v45;
	v50 =	vadd.f32 v61, v39  }
0x73: {  	v52 =	vld [tilespmem:s19+$0xFFFFFE80];
	v31 =	vadd.f32 v31, v32;
	v29 =	vadd.f32 v35, v29  }
0x74: {  	v54 =	vld [tilespmem:s19+$0xFFFFFF10];
	v34 =	vadd.f32 v62, v49;
	v53 =	vadd.f32 v44, v50  }
0x75: {  	v55 =	vld [tilespmem:s19+$0xFFFFFF00];
	v30 =	vadd.f32 v30, v31;
	v27 =	vadd.f32 v27, v29  }
0x76: {  	v57 =	vld [tilespmem:s19+$0xFFFFFF90];
	v56 =	vadd.f32 v47, v34;
	v33 =	vadd.f32 v48, v53  }
0x77: {  	v58 =	vld [tilespmem:s19+$0xFFFFFF80];
	v28 =	vadd.f32 v28, v30;
	v26 =	vadd.f32 v26, v27  }
0x78: {  	v61 =	vld [tilespmem:s19+$0x10];
	v59 =	vadd.f32 v51, v56;
	v60 =	vadd.f32 v52, v33  }
0x79: {  	v62 =	vld [tilespmem:s19+$0x0];
	v22 =	vadd.f32 v22, v28;
	v23 =	vadd.f32 v23, v26  }
0x7a: {  	v35 =	vld [tilespmem:s19+$0x80];
	v63 =	vadd.f32 v54, v59;
	v29 =	vadd.f32 v55, v60  }
0x7b: {  	v33 =	vld [tilespmem:s19+$0x90];
	v22 =	vadd.f32 v25, v22;
	v19 =	vadd.f32 v19, v23  }
0x7c: {  	v38 =	vld [tilespmem:s19+$0x100];
	v36 =	vadd.f32 v57, v63;
	v27 =	vadd.f32 v58, v29  }
0x7d: {  	v37 =	vld [tilespmem:s19+$0x110];
	v22 =	vadd.f32 v24, v22;
	v16 =	vadd.f32 v16, v19  }
0x7e: {  	v41 =	vld [tilespmem:s19+$0x190];
	v39 =	vadd.f32 v61, v36;
	v40 =	vadd.f32 v62, v27  }
0x7f: {  	v42 =	vld [tilespmem:s19+$0x180];
	v12 =	vadd.f32 v12, v22;
	v15 =	vadd.f32 v15, v16  }
0x80: {  	v45 =	vld [tilespmem:s19+$0x200];
	v43 =	vadd.f32 v33, v39;
	v23 =	vadd.f32 v35, v40  }
0x81: {  	v44 =	vld [tilespmem:s19+$0x210];
	v12 =	vadd.f32 v21, v12;
	v15 =	vadd.f32 v17, v15  }
0x82: {  	v47 =	vld [tilespmem:s19+$0x290];
	v46 =	vadd.f32 v37, v43;
	v19 =	vadd.f32 v38, v23  }
0x83: {  	v48 =	vld [tilespmem:s19+$0x280];
	v12 =	vadd.f32 v20, v12;
	v13 =	vadd.f32 v13, v15  }
0x84: {  	v50 =	vld [tilespmem:s19+$0x310];
	v49 =	vadd.f32 v41, v46;
	v16 =	vadd.f32 v42, v19  }
0x85: {  	v51 =	vld [tilespmem:s19+$0x300];
	v12 =	vadd.f32 v18, v12;
	v10 =	vadd.f32 v10, v13  }
0x86: {  	v53 =	vld [tilespmem:s19+$0x390];
	v52 =	vadd.f32 v44, v49;
	v16 =	vadd.f32 v45, v16  }
0x87: {  	v54 =	vld [tilespmem:s19+$0x380];
	v12 =	vadd.f32 v14, v12;
	v9 =	vadd.f32 v9, v10  }
0x88: {  	v56 =	vld [tilespmem:s19+$0x410];
	v55 =	vadd.f32 v47, v52;
	v15 =	vadd.f32 v48, v16  }
0x89: {  	v57 =	vld [tilespmem:s19+$0x400];
	v11 =	vadd.f32 v11, v12;
	v8 =	vadd.f32 v8, v9  }
0x8a: {  	v59 =	vld [tilespmem:s19+$0x490];
	v58 =	vadd.f32 v50, v55;
	v13 =	vadd.f32 v51, v15  }
0x8b: {  	v7 =	vadd.f32 v7, v11;
	v6 =	vadd.f32 v6, v8;
	v8 =	vld [tilespmem:s19+$0x480]  }
0x8c: {  	v61 =	vld [tilespmem:s19+$0x430];
	v60 =	vadd.f32 v53, v58;
	v10 =	vadd.f32 v54, v13  }
0x8d: {  	v5 =	vadd.f32 v5, v7;
	v2 =	vadd.f32 v2, v6;
	v6 =	vld [tilespmem:s19+$0x4A0]  }
0x8e: {  	v63 =	vld [tilespmem:s19+$0x4B0];
	v7 =	vadd.f32 v56, v60;
	v9 =	vadd.f32 v57, v10  }
0x8f: {  	v62 =	vld [tilespmem:s18+$0xFFFFFB20];
	v5 =	vadd.f32 v1, v5;
	v2 =	vadd.f32 v0, v2  }
0x90: {  	v1 =	vadd.f32 v8, v9;
	v0 =	vadd.f32 v59, v7  }
0x91: {  	v5 =	vadd.f32 v61, v5;
	v7 =	vld [tilespmem:s18+$0xFFFFFB30]  }
0x92: {  	v2 =	vadd.f32 v6, v2;
	v4 =	vmul.f32 v4, v1;
	v6 =	vmul.f32 v3, v0;
	_ =	sdelay $0x1  }
0x93: {  	v3 =	vadd.f32 v63, v5;
	v5 =	vmul.f32 v62, v2;
	v4 =	vadd.f32 v6, v4;
	_ =	sdelay $0x1  }
0x94: {  	v4 =	vadd.f32 v5, v4;
	v5 =	vmul.f32 v7, v3;
	_ =	sdelay $0x1  }
0x95: {  	v4 =	vadd.f32 v5, v4  }
0x96: {  	s21 =	simm.s32 $0x190A0  }
0x97: {  	[tilespmem:s21+$0xFFFFFF60] =	vst v4  }
0x98: {  	v4 =	vld [tilespmem:s18+$0xFFFFFB80]  }
0x99: {  	v5 =	vld [tilespmem:s18+$0xFFFFFB90];
	_ =	sdelay $0x1  }
0x9a: {  	v6 =	vld [tilespmem:s18+$0xFFFFFBA0];
	_ =	sdelay $0x1  }
0x9b: {  	v7 =	vld [tilespmem:s18+$0xFFFFFBB0]  }
0x9c: {  	v4 =	vmul.f32 v4, v1;
	v5 =	vmul.f32 v5, v0;
	_ =	sdelay $0x1  }
0x9d: {  	v6 =	vmul.f32 v6, v2;
	v4 =	vadd.f32 v5, v4;
	_ =	sdelay $0x1  }
0x9e: {  	v5 =	vmul.f32 v7, v3;
	v4 =	vadd.f32 v6, v4;
	_ =	sdelay $0x1  }
0x9f: {  	v4 =	vadd.f32 v5, v4;
	_ =	sdelay $0x1  }
0xa0: {  	[tilespmem:s21+$0xFFFFFF70] =	vst v4  }
0xa1: {  	v4 =	vld [tilespmem:s18+$0xFFFFFC00]  }
0xa2: {  	v5 =	vld [tilespmem:s18+$0xFFFFFC10];
	_ =	sdelay $0x1  }
0xa3: {  	v6 =	vld [tilespmem:s18+$0xFFFFFC20];
	_ =	sdelay $0x1  }
0xa4: {  	v7 =	vld [tilespmem:s18+$0xFFFFFC30]  }
0xa5: {  	v4 =	vmul.f32 v4, v1;
	v5 =	vmul.f32 v5, v0;
	_ =	sdelay $0x1  }
0xa6: {  	v6 =	vmul.f32 v6, v2;
	v4 =	vadd.f32 v5, v4;
	_ =	sdelay $0x1  }
0xa7: {  	v5 =	vmul.f32 v7, v3;
	v4 =	vadd.f32 v6, v4;
	_ =	sdelay $0x1  }
0xa8: {  	v4 =	vadd.f32 v5, v4;
	_ =	sdelay $0x1  }
0xa9: {  	[tilespmem:s21+$0xFFFFFF80] =	vst v4  }
0xaa: {  	v4 =	vld [tilespmem:s18+$0xFFFFFC80]  }
0xab: {  	v5 =	vld [tilespmem:s18+$0xFFFFFC90];
	_ =	sdelay $0x1  }
0xac: {  	v6 =	vld [tilespmem:s18+$0xFFFFFCA0];
	_ =	sdelay $0x1  }
0xad: {  	v7 =	vld [tilespmem:s18+$0xFFFFFCB0]  }
0xae: {  	v4 =	vmul.f32 v4, v1;
	v5 =	vmul.f32 v5, v0;
	_ =	sdelay $0x1  }
0xaf: {  	v4 =	vadd.f32 v5, v4;
	v5 =	vmul.f32 v6, v2;
	_ =	sdelay $0x1  }
0xb0: {  	v4 =	vadd.f32 v5, v4;
	v5 =	vmul.f32 v7, v3;
	_ =	sdelay $0x1  }
0xb1: {  	v4 =	vadd.f32 v5, v4;
	_ =	sdelay $0x1  }
0xb2: {  	[tilespmem:s21+$0xFFFFFF90] =	vst v4  }
0xb3: {  	v4 =	vld [tilespmem:s18+$0xFFFFFD00]  }
0xb4: {  	v5 =	vld [tilespmem:s18+$0xFFFFFD10];
	_ =	sdelay $0x1  }
0xb5: {  	v6 =	vld [tilespmem:s18+$0xFFFFFD20];
	_ =	sdelay $0x1  }
0xb6: {  	v7 =	vld [tilespmem:s18+$0xFFFFFD30]  }
0xb7: {  	v4 =	vmul.f32 v4, v1;
	v5 =	vmul.f32 v5, v0;
	_ =	sdelay $0x1  }
0xb8: {  	v4 =	vadd.f32 v5, v4;
	v5 =	vmul.f32 v6, v2;
	_ =	sdelay $0x1  }
0xb9: {  	v4 =	vadd.f32 v5, v4;
	v5 =	vmul.f32 v7, v3;
	_ =	sdelay $0x1  }
0xba: {  	v4 =	vadd.f32 v5, v4;
	_ =	sdelay $0x1  }
0xbb: {  	[tilespmem:s21+$0xFFFFFFA0] =	vst v4  }
0xbc: {  	v4 =	vld [tilespmem:s18+$0xFFFFFD80]  }
0xbd: {  	v5 =	vld [tilespmem:s18+$0xFFFFFD90];
	_ =	sdelay $0x1  }
0xbe: {  	v6 =	vld [tilespmem:s18+$0xFFFFFDA0];
	_ =	sdelay $0x1  }
0xbf: {  	v7 =	vld [tilespmem:s18+$0xFFFFFDB0]  }
0xc0: {  	v4 =	vmul.f32 v4, v1;
	v5 =	vmul.f32 v5, v0;
	_ =	sdelay $0x1  }
0xc1: {  	v6 =	vmul.f32 v6, v2;
	v4 =	vadd.f32 v5, v4;
	_ =	sdelay $0x1  }
0xc2: {  	v5 =	vmul.f32 v7, v3;
	v4 =	vadd.f32 v6, v4;
	_ =	sdelay $0x1  }
0xc3: {  	v4 =	vadd.f32 v5, v4;
	_ =	sdelay $0x1  }
0xc4: {  	[tilespmem:s21+$0xFFFFFFB0] =	vst v4  }
0xc5: {  	v4 =	vld [tilespmem:s18+$0xFFFFFE00]  }
0xc6: {  	v5 =	vld [tilespmem:s18+$0xFFFFFE10];
	_ =	sdelay $0x1  }
0xc7: {  	v6 =	vld [tilespmem:s18+$0xFFFFFE20];
	_ =	sdelay $0x1  }
0xc8: {  	v7 =	vld [tilespmem:s18+$0xFFFFFE30]  }
0xc9: {  	v4 =	vmul.f32 v4, v1;
	v5 =	vmul.f32 v5, v0;
	_ =	sdelay $0x1  }
0xca: {  	v4 =	vadd.f32 v5, v4;
	v5 =	vmul.f32 v6, v2;
	_ =	sdelay $0x1  }
0xcb: {  	v6 =	vmul.f32 v7, v3;
	v4 =	vadd.f32 v5, v4;
	_ =	sdelay $0x1  }
0xcc: {  	v4 =	vadd.f32 v6, v4;
	_ =	sdelay $0x1  }
0xcd: {  	[tilespmem:s21+$0xFFFFFFC0] =	vst v4  }
0xce: {  	v4 =	vld [tilespmem:s18+$0xFFFFFE80]  }
0xcf: {  	v5 =	vld [tilespmem:s18+$0xFFFFFE90];
	_ =	sdelay $0x1  }
0xd0: {  	v6 =	vld [tilespmem:s18+$0xFFFFFEA0];
	_ =	sdelay $0x1  }
0xd1: {  	v7 =	vld [tilespmem:s18+$0xFFFFFEB0]  }
0xd2: {  	v4 =	vmul.f32 v4, v1;
	v5 =	vmul.f32 v5, v0;
	_ =	sdelay $0x1  }
0xd3: {  	v4 =	vadd.f32 v5, v4;
	v5 =	vmul.f32 v6, v2;
	_ =	sdelay $0x1  }
0xd4: {  	v4 =	vadd.f32 v5, v4;
	v5 =	vmul.f32 v7, v3;
	_ =	sdelay $0x1  }
0xd5: {  	v4 =	vadd.f32 v5, v4;
	_ =	sdelay $0x1  }
0xd6: {  	[tilespmem:s21+$0xFFFFFFD0] =	vst v4  }
0xd7: {  	v4 =	vld [tilespmem:s18+$0xFFFFFF00]  }
0xd8: {  	v5 =	vld [tilespmem:s18+$0xFFFFFF10];
	_ =	sdelay $0x1  }
0xd9: {  	v6 =	vld [tilespmem:s18+$0xFFFFFF20];
	_ =	sdelay $0x1  }
0xda: {  	v7 =	vld [tilespmem:s18+$0xFFFFFF30]  }
0xdb: {  	v4 =	vmul.f32 v4, v1;
	v5 =	vmul.f32 v5, v0;
	_ =	sdelay $0x1  }
0xdc: {  	v4 =	vadd.f32 v5, v4;
	v5 =	vmul.f32 v6, v2;
	_ =	sdelay $0x1  }
0xdd: {  	v4 =	vadd.f32 v5, v4;
	v5 =	vmul.f32 v7, v3;
	_ =	sdelay $0x1  }
0xde: {  	s25 =	simm.s32 $0x0;
	v4 =	vadd.f32 v5, v4  }
0xdf: {  	s6 =	sand.u32 $0xFC0, s25  }
0xe0: {  	[tilespmem:s6+$0x19080] =	vst v4  }
0xe1: {  	v4 =	vld [tilespmem:s18+$0xFFFFFF80]  }
0xe2: {  	v5 =	vld [tilespmem:s18+$0xFFFFFF90];
	_ =	sdelay $0x1  }
0xe3: {  	v6 =	vld [tilespmem:s18+$0xFFFFFFA0];
	_ =	sdelay $0x1  }
0xe4: {  	v7 =	vld [tilespmem:s18+$0xFFFFFFB0]  }
0xe5: {  	v4 =	vmul.f32 v4, v1;
	v5 =	vmul.f32 v5, v0;
	_ =	sdelay $0x1  }
0xe6: {  	v4 =	vadd.f32 v5, v4;
	v5 =	vmul.f32 v6, v2;
	_ =	sdelay $0x1  }
0xe7: {  	v4 =	vadd.f32 v5, v4;
	v5 =	vmul.f32 v7, v3;
	_ =	sdelay $0x1  }
0xe8: {  	v4 =	vadd.f32 v5, v4;
	_ =	sdelay $0x1  }
0xe9: {  	[tilespmem:s21+$0xFFFFFFF0] =	vst v4  }
0xea: {  	v4 =	vld [tilespmem:s18+$0x0]  }
0xeb: {  	v5 =	vld [tilespmem:s18+$0x10];
	_ =	sdelay $0x1  }
0xec: {  	v6 =	vld [tilespmem:s18+$0x20];
	_ =	sdelay $0x1  }
0xed: {  	v7 =	vld [tilespmem:s18+$0x30]  }
0xee: {  	v4 =	vmul.f32 v4, v1;
	v5 =	vmul.f32 v5, v0;
	_ =	sdelay $0x1  }
0xef: {  	v4 =	vadd.f32 v5, v4;
	v5 =	vmul.f32 v6, v2;
	_ =	sdelay $0x1  }
0xf0: {  	v4 =	vadd.f32 v5, v4;
	v5 =	vmul.f32 v7, v3;
	_ =	sdelay $0x1  }
0xf1: {  	v4 =	vadd.f32 v5, v4;
	_ =	sdelay $0x1  }
0xf2: {  	[tilespmem:s21+$0x0] =	vst v4  }
0xf3: {  	v4 =	vld [tilespmem:s18+$0x80]  }
0xf4: {  	v5 =	vld [tilespmem:s18+$0x90];
	_ =	sdelay $0x1  }
0xf5: {  	v6 =	vld [tilespmem:s18+$0xA0];
	_ =	sdelay $0x1  }
0xf6: {  	v7 =	vld [tilespmem:s18+$0xB0]  }
0xf7: {  	v4 =	vmul.f32 v4, v1;
	v5 =	vmul.f32 v5, v0;
	_ =	sdelay $0x1  }
0xf8: {  	v4 =	vadd.f32 v5, v4;
	v5 =	vmul.f32 v6, v2;
	_ =	sdelay $0x1  }
0xf9: {  	v4 =	vadd.f32 v5, v4;
	v5 =	vmul.f32 v7, v3;
	_ =	sdelay $0x1  }
0xfa: {  	v4 =	vadd.f32 v5, v4;
	_ =	sdelay $0x1  }
0xfb: {  	[tilespmem:s21+$0x10] =	vst v4  }
0xfc: {  	v4 =	vld [tilespmem:s18+$0x100]  }
0xfd: {  	v5 =	vld [tilespmem:s18+$0x110];
	_ =	sdelay $0x1  }
0xfe: {  	v6 =	vld [tilespmem:s18+$0x120];
	_ =	sdelay $0x1  }
0xff: {  	v7 =	vld [tilespmem:s18+$0x130]  }
0x100: {  	v4 =	vmul.f32 v4, v1;
	v5 =	vmul.f32 v5, v0;
	_ =	sdelay $0x1  }
0x101: {  	v4 =	vadd.f32 v5, v4;
	v5 =	vmul.f32 v6, v2;
	_ =	sdelay $0x1  }
0x102: {  	v4 =	vadd.f32 v5, v4;
	v5 =	vmul.f32 v7, v3;
	_ =	sdelay $0x1  }
0x103: {  	v4 =	vadd.f32 v5, v4;
	_ =	sdelay $0x1  }
0x104: {  	[tilespmem:s21+$0x20] =	vst v4  }
0x105: {  	v4 =	vld [tilespmem:s18+$0x180]  }
0x106: {  	v5 =	vld [tilespmem:s18+$0x190];
	_ =	sdelay $0x1  }
0x107: {  	v6 =	vld [tilespmem:s18+$0x1A0];
	_ =	sdelay $0x1  }
0x108: {  	v7 =	vld [tilespmem:s18+$0x1B0]  }
0x109: {  	v4 =	vmul.f32 v4, v1;
	v5 =	vmul.f32 v5, v0;
	_ =	sdelay $0x1  }
0x10a: {  	v4 =	vadd.f32 v5, v4;
	v5 =	vmul.f32 v6, v2;
	_ =	sdelay $0x1  }
0x10b: {  	v4 =	vadd.f32 v5, v4;
	v5 =	vmul.f32 v7, v3;
	_ =	sdelay $0x1  }
0x10c: {  	v4 =	vadd.f32 v5, v4;
	_ =	sdelay $0x1  }
0x10d: {  	[tilespmem:s21+$0x30] =	vst v4  }
0x10e: {  	v4 =	vld [tilespmem:s18+$0x200]  }
0x10f: {  	v5 =	vld [tilespmem:s18+$0x210];
	_ =	sdelay $0x1  }
0x110: {  	v6 =	vld [tilespmem:s18+$0x220];
	_ =	sdelay $0x1  }
0x111: {  	v7 =	vld [tilespmem:s18+$0x230]  }
0x112: {  	v4 =	vmul.f32 v4, v1;
	v5 =	vmul.f32 v5, v0;
	_ =	sdelay $0x1  }
0x113: {  	v4 =	vadd.f32 v5, v4;
	v5 =	vmul.f32 v6, v2;
	_ =	sdelay $0x1  }
0x114: {  	v4 =	vadd.f32 v5, v4;
	v5 =	vmul.f32 v7, v3;
	_ =	sdelay $0x1  }
0x115: {  	v4 =	vadd.f32 v5, v4;
	_ =	sdelay $0x1  }
0x116: {  	[tilespmem:s21+$0x40] =	vst v4  }
0x117: {  	v4 =	vld [tilespmem:s18+$0x280]  }
0x118: {  	v5 =	vld [tilespmem:s18+$0x290];
	_ =	sdelay $0x1  }
0x119: {  	v6 =	vld [tilespmem:s18+$0x2A0];
	_ =	sdelay $0x1  }
0x11a: {  	v7 =	vld [tilespmem:s18+$0x2B0]  }
0x11b: {  	v4 =	vmul.f32 v4, v1;
	v5 =	vmul.f32 v5, v0;
	_ =	sdelay $0x1  }
0x11c: {  	v4 =	vadd.f32 v5, v4;
	v5 =	vmul.f32 v6, v2;
	_ =	sdelay $0x1  }
0x11d: {  	v4 =	vadd.f32 v5, v4;
	v5 =	vmul.f32 v7, v3;
	_ =	sdelay $0x1  }
0x11e: {  	v4 =	vadd.f32 v5, v4;
	_ =	sdelay $0x1  }
0x11f: {  	[tilespmem:s21+$0x50] =	vst v4  }
0x120: {  	v4 =	vld [tilespmem:s18+$0x300]  }
0x121: {  	v5 =	vld [tilespmem:s18+$0x310];
	_ =	sdelay $0x1  }
0x122: {  	v6 =	vld [tilespmem:s18+$0x320];
	_ =	sdelay $0x1  }
0x123: {  	v7 =	vld [tilespmem:s18+$0x330]  }
0x124: {  	v4 =	vmul.f32 v4, v1;
	v5 =	vmul.f32 v5, v0;
	_ =	sdelay $0x1  }
0x125: {  	v4 =	vadd.f32 v5, v4;
	v5 =	vmul.f32 v6, v2;
	_ =	sdelay $0x1  }
0x126: {  	v4 =	vadd.f32 v5, v4;
	v5 =	vmul.f32 v7, v3;
	_ =	sdelay $0x1  }
0x127: {  	v4 =	vadd.f32 v5, v4;
	_ =	sdelay $0x1  }
0x128: {  	[tilespmem:s6+$0x19100] =	vst v4  }
0x129: {  	v4 =	vld [tilespmem:s18+$0x380]  }
0x12a: {  	v5 =	vld [tilespmem:s18+$0x390];
	_ =	sdelay $0x1  }
0x12b: {  	v6 =	vld [tilespmem:s18+$0x3A0];
	_ =	sdelay $0x1  }
0x12c: {  	v7 =	vld [tilespmem:s18+$0x3B0]  }
0x12d: {  	v4 =	vmul.f32 v4, v1;
	v5 =	vmul.f32 v5, v0;
	_ =	sdelay $0x1  }
0x12e: {  	v4 =	vadd.f32 v5, v4;
	v5 =	vmul.f32 v6, v2;
	_ =	sdelay $0x1  }
0x12f: {  	v4 =	vadd.f32 v5, v4;
	v5 =	vmul.f32 v7, v3;
	_ =	sdelay $0x1  }
0x130: {  	v4 =	vadd.f32 v5, v4;
	_ =	sdelay $0x1  }
0x131: {  	[tilespmem:s21+$0x70] =	vst v4  }
0x132: {  	v4 =	vld [tilespmem:s18+$0x400]  }
0x133: {  	v5 =	vld [tilespmem:s18+$0x410]  }
0x134: {  	v8 =	vld [tilespmem:s18+$0x420];
	_ =	sdelay $0x2  }
0x135: {  	v6 =	vmul.f32 v4, v1;
	v4 =	vld [tilespmem:s18+$0x430]  }
0x136: {  	v7 =	vmul.f32 v5, v0  }
0x137: {  	s11 =	simm.s32 $0x140;
	s23 =	simm.s32 $0x190A0;
	s25 =	simm.s32 $0xF500;
	v5 =	vmul.f32 v8, v2  }
.LBB2_3:
0x138: {  	v6 =	vadd.f32 v7, v6;
	s19 =	sadd.s32 $0xA00, s19;
	s18 =	sadd.s32 $0xA00, s18;
	s21 =	sadd.s32 $0x140, s21  }
0x139: {  	p1 =	sne.s32 s11, $0x8C0;
	s6 =	smov.u32 s11;
	s11 =	sadd.s32 $0x140, s11  }
0x13a: {  	v4 =	vmul.f32 v4, v3;
	v5 =	vadd.f32 v5, v6;
	_ =	sdelay $0x1  }
0x13b: {  	v4 =	vadd.f32 v4, v5;
	_ =	sdelay $0x1  }
0x13c: {  	[tilespmem:s23+$0x80] =	vst v4  }
0x13d: {  	v4 =	vld [tilespmem:s25+$0x480]  }
0x13e: {  	v5 =	vld [tilespmem:s25+$0x490]  }
0x13f: {  	v6 =	vld [tilespmem:s25+$0x4A0]  }
0x140: {  	v7 =	vld [tilespmem:s25+$0x4B0];
	s25 =	smov.u32 s18;
	_ =	sdelay $0x1  }
0x141: {  	v1 =	vmul.f32 v4, v1  }
0x142: {  	v0 =	vmul.f32 v5, v0  }
0x143: {  	v2 =	vmul.f32 v6, v2  }
0x144: {  	v0 =	vadd.f32 v0, v1  }
0x145: {  	v1 =	vmul.f32 v7, v3  }
0x146: {  	v0 =	vadd.f32 v2, v0;
	_ =	sdelay $0x1  }
0x147: {  	v0 =	vadd.f32 v1, v0;
	_ =	sdelay $0x1  }
0x148: {  	[tilespmem:s23+$0x90] =	vst v0;
	s23 =	smov.u32 s21  }
0x149: {  	v3 =	vld [tilespmem:s18+$0xFFFFFB10]  }
0x14a: {  	v4 =	vld [tilespmem:s18+$0xFFFFFB00]  }
0x14b: {  	v0 =	vld [tilespmem:s19+$0x420]  }
0x14c: {  	v1 =	vld [tilespmem:s19+$0x3A0]  }
0x14d: {  	v2 =	vld [tilespmem:s19+$0x320]  }
0x14e: {  	v5 =	vld [tilespmem:s19+$0x3B0]  }
0x14f: {  	v6 =	vld [tilespmem:s19+$0x2A0]  }
0x150: {  	v7 =	vld [tilespmem:s19+$0x330]  }
0x151: {  	v8 =	vld [tilespmem:s19+$0x220]  }
0x152: {  	v9 =	vld [tilespmem:s19+$0x2B0]  }
0x153: {  	v10 =	vld [tilespmem:s19+$0x1A0]  }
0x154: {  	v11 =	vld [tilespmem:s19+$0x230]  }
0x155: {  	v16 =	vld [tilespmem:s19+$0xFFFFFFB0]  }
0x156: {  	v12 =	vld [tilespmem:s19+$0x120]  }
0x157: {  	v13 =	vld [tilespmem:s19+$0x1B0]  }
0x158: {  	v15 =	vld [tilespmem:s19+$0x20]  }
0x159: {  	v17 =	vld [tilespmem:s19+$0xFFFFFFA0]  }
0x15a: {  	v14 =	vld [tilespmem:s19+$0xA0]  }
0x15b: {  	v18 =	vld [tilespmem:s19+$0x130]  }
0x15c: {  	v19 =	vld [tilespmem:s19+$0xFFFFFF20]  }
0x15d: {  	v20 =	vld [tilespmem:s19+$0xB0]  }
0x15e: {  	v21 =	vld [tilespmem:s19+$0x30]  }
0x15f: {  	v22 =	vld [tilespmem:s19+$0xFFFFFE30]  }
0x160: {  	v23 =	vld [tilespmem:s19+$0xFFFFFEA0]  }
0x161: {  	v24 =	vld [tilespmem:s19+$0xFFFFFF30]  }
0x162: {  	v25 =	vld [tilespmem:s19+$0xFFFFFEB0]  }
0x163: {  	v26 =	vld [tilespmem:s19+$0xFFFFFE20]  }
0x164: {  	v27 =	vld [tilespmem:s19+$0xFFFFFDA0]  }
0x165: {  	v28 =	vld [tilespmem:s19+$0xFFFFFDB0]  }
0x166: {  	v29 =	vld [tilespmem:s19+$0xFFFFFCA0]  }
0x167: {  	v30 =	vld [tilespmem:s19+$0xFFFFFD30]  }
0x168: {  	v31 =	vld [tilespmem:s19+$0xFFFFFCB0]  }
0x169: {  	v32 =	vld [tilespmem:s19+$0xFFFFFC30]  }
0x16a: {  	v33 =	vld [tilespmem:s19+$0xFFFFFBB0]  }
0x16b: {  	v34 =	vld [tilespmem:s19+$0xFFFFFB30]  }
0x16c: {  	v35 =	vld [tilespmem:s19+$0xFFFFFD20]  }
0x16d: {  	v36 =	vld [tilespmem:s19+$0xFFFFFC20]  }
0x16e: {  	v37 =	vld [tilespmem:s19+$0xFFFFFBA0]  }
0x16f: {  	v38 =	vld [tilespmem:s19+$0xFFFFFB20]  }
0x170: {  	v39 =	vld [tilespmem:s19+$0xFFFFFB00];
	v33 =	vadd.f32 v33, v34  }
0x171: {  	v34 =	vld [tilespmem:s19+$0xFFFFFB90]  }
0x172: {  	v40 =	vld [tilespmem:s19+$0xFFFFFB10];
	v32 =	vadd.f32 v32, v33  }
0x173: {  	v33 =	vld [tilespmem:s19+$0xFFFFFB80]  }
0x174: {  	v41 =	vld [tilespmem:s19+$0xFFFFFC10];
	v37 =	vadd.f32 v37, v38;
	v31 =	vadd.f32 v31, v32  }
0x175: {  	v32 =	vld [tilespmem:s19+$0xFFFFFC00]  }
0x176: {  	v38 =	vld [tilespmem:s19+$0xFFFFFC90];
	v36 =	vadd.f32 v36, v37;
	v30 =	vadd.f32 v30, v31  }
0x177: {  	v31 =	vld [tilespmem:s19+$0xFFFFFC80];
	v34 =	vadd.f32 v34, v40  }
0x178: {  	v33 =	vadd.f32 v33, v39;
	v37 =	vld [tilespmem:s19+$0xFFFFFD10];
	v29 =	vadd.f32 v29, v36  }
0x179: {  	v28 =	vadd.f32 v28, v30;
	v36 =	vld [tilespmem:s19+$0xFFFFFD00];
	v34 =	vadd.f32 v41, v34  }
0x17a: {  	v30 =	vadd.f32 v32, v33;
	v32 =	vld [tilespmem:s19+$0xFFFFFD90];
	v29 =	vadd.f32 v35, v29  }
0x17b: {  	v22 =	vadd.f32 v22, v28;
	v33 =	vld [tilespmem:s19+$0xFFFFFD80];
	v34 =	vadd.f32 v38, v34  }
0x17c: {  	v28 =	vadd.f32 v31, v30;
	v30 =	vld [tilespmem:s19+$0xFFFFFE10];
	v27 =	vadd.f32 v27, v29  }
0x17d: {  	v22 =	vadd.f32 v25, v22;
	v29 =	vld [tilespmem:s19+$0xFFFFFE00];
	v31 =	vadd.f32 v37, v34  }
0x17e: {  	v25 =	vadd.f32 v36, v28;
	v28 =	vld [tilespmem:s19+$0xFFFFFE90];
	v26 =	vadd.f32 v26, v27  }
0x17f: {  	v22 =	vadd.f32 v24, v22;
	v27 =	vld [tilespmem:s19+$0xFFFFFE80];
	v31 =	vadd.f32 v32, v31  }
0x180: {  	v24 =	vadd.f32 v33, v25;
	v25 =	vld [tilespmem:s19+$0xFFFFFF10];
	v23 =	vadd.f32 v23, v26  }
0x181: {  	v16 =	vadd.f32 v16, v22;
	v26 =	vld [tilespmem:s19+$0xFFFFFF00];
	v30 =	vadd.f32 v30, v31  }
0x182: {  	v22 =	vadd.f32 v29, v24;
	v24 =	vld [tilespmem:s19+$0xFFFFFF90];
	v19 =	vadd.f32 v19, v23  }
0x183: {  	v16 =	vadd.f32 v21, v16;
	v23 =	vld [tilespmem:s19+$0xFFFFFF80];
	v28 =	vadd.f32 v28, v30  }
0x184: {  	v21 =	vadd.f32 v27, v22;
	v22 =	vld [tilespmem:s19+$0x10];
	v17 =	vadd.f32 v17, v19  }
0x185: {  	v16 =	vadd.f32 v20, v16;
	v19 =	vld [tilespmem:s19+$0x0];
	v25 =	vadd.f32 v25, v28  }
0x186: {  	v20 =	vadd.f32 v26, v21;
	v21 =	vld [tilespmem:s19+$0x90];
	v15 =	vadd.f32 v15, v17  }
0x187: {  	v16 =	vadd.f32 v18, v16;
	v17 =	vld [tilespmem:s19+$0x80];
	v24 =	vadd.f32 v24, v25  }
0x188: {  	v18 =	vadd.f32 v23, v20;
	v20 =	vld [tilespmem:s19+$0x110];
	v14 =	vadd.f32 v14, v15  }
0x189: {  	v13 =	vadd.f32 v13, v16;
	v15 =	vld [tilespmem:s19+$0x100];
	v22 =	vadd.f32 v22, v24  }
0x18a: {  	v16 =	vadd.f32 v19, v18;
	v18 =	vld [tilespmem:s19+$0x190];
	v12 =	vadd.f32 v12, v14  }
0x18b: {  	v11 =	vadd.f32 v11, v13;
	v14 =	vld [tilespmem:s19+$0x180];
	v19 =	vadd.f32 v21, v22  }
0x18c: {  	v13 =	vadd.f32 v17, v16;
	v16 =	vld [tilespmem:s19+$0x210];
	v10 =	vadd.f32 v10, v12  }
0x18d: {  	v9 =	vadd.f32 v9, v11;
	v12 =	vld [tilespmem:s19+$0x200];
	v17 =	vadd.f32 v20, v19  }
0x18e: {  	v11 =	vadd.f32 v15, v13;
	v13 =	vld [tilespmem:s19+$0x290];
	v8 =	vadd.f32 v8, v10  }
0x18f: {  	v7 =	vadd.f32 v7, v9;
	v10 =	vld [tilespmem:s19+$0x280];
	v15 =	vadd.f32 v18, v17  }
0x190: {  	v9 =	vadd.f32 v14, v11;
	v11 =	vld [tilespmem:s19+$0x310];
	v6 =	vadd.f32 v6, v8  }
0x191: {  	v5 =	vadd.f32 v5, v7;
	v8 =	vld [tilespmem:s19+$0x300];
	v14 =	vadd.f32 v16, v15  }
0x192: {  	v7 =	vadd.f32 v12, v9;
	v9 =	vld [tilespmem:s19+$0x390];
	v2 =	vadd.f32 v2, v6  }
0x193: {  	v6 =	vld [tilespmem:s19+$0x380];
	v12 =	vadd.f32 v13, v14  }
0x194: {  	v7 =	vadd.f32 v10, v7;
	v10 =	vld [tilespmem:s19+$0x410];
	v1 =	vadd.f32 v1, v2  }
0x195: {  	v2 =	vld [tilespmem:s19+$0x400];
	v11 =	vadd.f32 v11, v12  }
0x196: {  	v7 =	vadd.f32 v8, v7;
	v8 =	vld [tilespmem:s19+$0x490];
	v12 =	vadd.f32 v0, v1  }
0x197: {  	v0 =	vld [tilespmem:s19+$0x480];
	v1 =	vadd.f32 v9, v11  }
0x198: {  	v6 =	vadd.f32 v6, v7;
	v7 =	vld [tilespmem:s19+$0x430]  }
0x199: {  	v9 =	vadd.f32 v10, v1;
	v10 =	vld [tilespmem:s19+$0x4A0]  }
0x19a: {  	v1 =	vadd.f32 v2, v6;
	v6 =	vld [tilespmem:s18+$0xFFFFFB20]  }
0x19b: {  	v11 =	vld [tilespmem:s19+$0x4B0]  }
0x19c: {  	v1 =	vadd.f32 v0, v1;
	v0 =	vadd.f32 v8, v9  }
0x19d: {  	v5 =	vadd.f32 v7, v5;
	v7 =	vld [tilespmem:s18+$0xFFFFFB30]  }
0x19e: {  	v2 =	vadd.f32 v10, v12;
	v4 =	vmul.f32 v4, v1;
	v8 =	vmul.f32 v3, v0;
	_ =	sdelay $0x1  }
0x19f: {  	v3 =	vadd.f32 v11, v5;
	v4 =	vadd.f32 v8, v4;
	v5 =	vmul.f32 v6, v2;
	_ =	sdelay $0x1  }
0x1a0: {  	v4 =	vadd.f32 v5, v4;
	v5 =	vmul.f32 v7, v3;
	_ =	sdelay $0x1  }
0x1a1: {  	v4 =	vadd.f32 v5, v4;
	_ =	sdelay $0x1  }
0x1a2: {  	[tilespmem:s21+$0xFFFFFF60] =	vst v4  }
0x1a3: {  	v4 =	vld [tilespmem:s18+$0xFFFFFB80]  }
0x1a4: {  	v5 =	vld [tilespmem:s18+$0xFFFFFB90]  }
0x1a5: {  	v6 =	vld [tilespmem:s18+$0xFFFFFBA0];
	_ =	sdelay $0x1  }
0x1a6: {  	v7 =	vld [tilespmem:s18+$0xFFFFFBB0]  }
0x1a7: {  	v4 =	vmul.f32 v4, v1  }
0x1a8: {  	v5 =	vmul.f32 v5, v0  }
0x1a9: {  	v6 =	vmul.f32 v6, v2  }
0x1aa: {  	v4 =	vadd.f32 v5, v4  }
0x1ab: {  	v5 =	vmul.f32 v7, v3  }
0x1ac: {  	v4 =	vadd.f32 v6, v4;
	_ =	sdelay $0x1  }
0x1ad: {  	v4 =	vadd.f32 v5, v4;
	_ =	sdelay $0x1  }
0x1ae: {  	[tilespmem:s21+$0xFFFFFF70] =	vst v4  }
0x1af: {  	v4 =	vld [tilespmem:s18+$0xFFFFFC20]  }
0x1b0: {  	v5 =	vld [tilespmem:s18+$0xFFFFFC00]  }
0x1b1: {  	v6 =	vld [tilespmem:s18+$0xFFFFFC10];
	_ =	sdelay $0x3  }
0x1b2: {  	v4 =	vmul.f32 v4, v2;
	v5 =	vmul.f32 v5, v1;
	v7 =	vld [tilespmem:s18+$0xFFFFFC30]  }
0x1b3: {  	v6 =	vmul.f32 v6, v0;
	_ =	sdelay $0x1  }
0x1b4: {  	v5 =	vadd.f32 v6, v5;
	_ =	sdelay $0x1  }
0x1b5: {  	v4 =	vadd.f32 v4, v5;
	v5 =	vmul.f32 v7, v3;
	_ =	sdelay $0x1  }
0x1b6: {  	v4 =	vadd.f32 v5, v4;
	_ =	sdelay $0x1  }
0x1b7: {  	[tilespmem:s21+$0xFFFFFF80] =	vst v4  }
0x1b8: {  	v4 =	vld [tilespmem:s18+$0xFFFFFC80]  }
0x1b9: {  	v5 =	vld [tilespmem:s18+$0xFFFFFC90];
	_ =	sdelay $0x1  }
0x1ba: {  	v6 =	vld [tilespmem:s18+$0xFFFFFCA0];
	_ =	sdelay $0x1  }
0x1bb: {  	v4 =	vmul.f32 v4, v1;
	v7 =	vld [tilespmem:s18+$0xFFFFFCB0]  }
0x1bc: {  	v5 =	vmul.f32 v5, v0;
	_ =	sdelay $0x1  }
0x1bd: {  	v4 =	vadd.f32 v5, v4;
	v5 =	vmul.f32 v6, v2;
	_ =	sdelay $0x1  }
0x1be: {  	v4 =	vadd.f32 v5, v4;
	v5 =	vmul.f32 v7, v3;
	_ =	sdelay $0x1  }
0x1bf: {  	v4 =	vadd.f32 v5, v4;
	_ =	sdelay $0x1  }
0x1c0: {  	[tilespmem:s21+$0xFFFFFF90] =	vst v4  }
0x1c1: {  	v4 =	vld [tilespmem:s18+$0xFFFFFD00]  }
0x1c2: {  	v5 =	vld [tilespmem:s18+$0xFFFFFD10]  }
0x1c3: {  	v6 =	vld [tilespmem:s18+$0xFFFFFD20]  }
0x1c4: {  	v7 =	vld [tilespmem:s18+$0xFFFFFD30];
	_ =	sdelay $0x1  }
0x1c5: {  	v4 =	vmul.f32 v4, v1  }
0x1c6: {  	v5 =	vmul.f32 v5, v0;
	_ =	sdelay $0x1  }
0x1c7: {  	v4 =	vadd.f32 v5, v4;
	v5 =	vmul.f32 v6, v2;
	_ =	sdelay $0x1  }
0x1c8: {  	v4 =	vadd.f32 v5, v4;
	v5 =	vmul.f32 v7, v3;
	_ =	sdelay $0x1  }
0x1c9: {  	v4 =	vadd.f32 v5, v4;
	_ =	sdelay $0x1  }
0x1ca: {  	[tilespmem:s21+$0xFFFFFFA0] =	vst v4  }
0x1cb: {  	v4 =	vld [tilespmem:s18+$0xFFFFFD80]  }
0x1cc: {  	v5 =	vld [tilespmem:s18+$0xFFFFFD90]  }
0x1cd: {  	v6 =	vld [tilespmem:s18+$0xFFFFFDA0]  }
0x1ce: {  	v7 =	vld [tilespmem:s18+$0xFFFFFDB0];
	_ =	sdelay $0x1  }
0x1cf: {  	v4 =	vmul.f32 v4, v1  }
0x1d0: {  	v5 =	vmul.f32 v5, v0  }
0x1d1: {  	v6 =	vmul.f32 v6, v2  }
0x1d2: {  	v4 =	vadd.f32 v5, v4  }
0x1d3: {  	v5 =	vmul.f32 v7, v3  }
0x1d4: {  	v4 =	vadd.f32 v6, v4;
	_ =	sdelay $0x1  }
0x1d5: {  	v4 =	vadd.f32 v5, v4;
	_ =	sdelay $0x1  }
0x1d6: {  	[tilespmem:s21+$0xFFFFFFB0] =	vst v4  }
0x1d7: {  	v4 =	vld [tilespmem:s18+$0xFFFFFE30]  }
0x1d8: {  	v5 =	vld [tilespmem:s18+$0xFFFFFE00]  }
0x1d9: {  	v6 =	vld [tilespmem:s18+$0xFFFFFE10]  }
0x1da: {  	v7 =	vld [tilespmem:s18+$0xFFFFFE20];
	_ =	sdelay $0x1  }
0x1db: {  	v4 =	vmul.f32 v4, v3  }
0x1dc: {  	v5 =	vmul.f32 v5, v1  }
0x1dd: {  	v6 =	vmul.f32 v6, v0;
	_ =	sdelay $0x1  }
0x1de: {  	v5 =	vadd.f32 v6, v5;
	v6 =	vmul.f32 v7, v2;
	_ =	sdelay $0x1  }
0x1df: {  	v5 =	vadd.f32 v6, v5;
	_ =	sdelay $0x1  }
0x1e0: {  	v4 =	vadd.f32 v4, v5;
	_ =	sdelay $0x1  }
0x1e1: {  	[tilespmem:s21+$0xFFFFFFC0] =	vst v4  }
0x1e2: {  	v4 =	vld [tilespmem:s18+$0xFFFFFE80]  }
0x1e3: {  	v5 =	vld [tilespmem:s18+$0xFFFFFE90]  }
0x1e4: {  	v6 =	vld [tilespmem:s18+$0xFFFFFEA0]  }
0x1e5: {  	v7 =	vld [tilespmem:s18+$0xFFFFFEB0];
	_ =	sdelay $0x1  }
0x1e6: {  	v4 =	vmul.f32 v4, v1  }
0x1e7: {  	v5 =	vmul.f32 v5, v0;
	_ =	sdelay $0x1  }
0x1e8: {  	v4 =	vadd.f32 v5, v4;
	v5 =	vmul.f32 v6, v2;
	_ =	sdelay $0x1  }
0x1e9: {  	v4 =	vadd.f32 v5, v4;
	v5 =	vmul.f32 v7, v3;
	_ =	sdelay $0x1  }
0x1ea: {  	v4 =	vadd.f32 v5, v4;
	_ =	sdelay $0x1  }
0x1eb: {  	[tilespmem:s21+$0xFFFFFFD0] =	vst v4  }
0x1ec: {  	v4 =	vld [tilespmem:s18+$0xFFFFFF00]  }
0x1ed: {  	v5 =	vld [tilespmem:s18+$0xFFFFFF10]  }
0x1ee: {  	v6 =	vld [tilespmem:s18+$0xFFFFFF20]  }
0x1ef: {  	v7 =	vld [tilespmem:s18+$0xFFFFFF30];
	_ =	sdelay $0x1  }
0x1f0: {  	v4 =	vmul.f32 v4, v1  }
0x1f1: {  	v5 =	vmul.f32 v5, v0;
	_ =	sdelay $0x1  }
0x1f2: {  	v4 =	vadd.f32 v5, v4;
	v5 =	vmul.f32 v6, v2;
	_ =	sdelay $0x1  }
0x1f3: {  	v4 =	vadd.f32 v5, v4;
	v5 =	vmul.f32 v7, v3;
	_ =	sdelay $0x1  }
0x1f4: {  	v4 =	vadd.f32 v5, v4  }
0x1f5: {  	s6 =	sand.u32 $0xFC0, s6  }
0x1f6: {  	[tilespmem:s6+$0x19080] =	vst v4  }
0x1f7: {  	v4 =	vld [tilespmem:s18+$0xFFFFFF80]  }
0x1f8: {  	v5 =	vld [tilespmem:s18+$0xFFFFFF90]  }
0x1f9: {  	v6 =	vld [tilespmem:s18+$0xFFFFFFA0]  }
0x1fa: {  	v7 =	vld [tilespmem:s18+$0xFFFFFFB0];
	_ =	sdelay $0x1  }
0x1fb: {  	v4 =	vmul.f32 v4, v1  }
0x1fc: {  	v5 =	vmul.f32 v5, v0;
	_ =	sdelay $0x1  }
0x1fd: {  	v4 =	vadd.f32 v5, v4;
	v5 =	vmul.f32 v6, v2;
	_ =	sdelay $0x1  }
0x1fe: {  	v4 =	vadd.f32 v5, v4;
	v5 =	vmul.f32 v7, v3;
	_ =	sdelay $0x1  }
0x1ff: {  	v4 =	vadd.f32 v5, v4;
	_ =	sdelay $0x1  }
0x200: {  	[tilespmem:s21+$0xFFFFFFF0] =	vst v4  }
0x201: {  	v4 =	vld [tilespmem:s18+$0x0]  }
0x202: {  	v5 =	vld [tilespmem:s18+$0x10]  }
0x203: {  	v6 =	vld [tilespmem:s18+$0x20]  }
0x204: {  	v7 =	vld [tilespmem:s18+$0x30];
	_ =	sdelay $0x1  }
0x205: {  	v4 =	vmul.f32 v4, v1  }
0x206: {  	v5 =	vmul.f32 v5, v0;
	_ =	sdelay $0x1  }
0x207: {  	v4 =	vadd.f32 v5, v4;
	v5 =	vmul.f32 v6, v2;
	_ =	sdelay $0x1  }
0x208: {  	v4 =	vadd.f32 v5, v4;
	v5 =	vmul.f32 v7, v3;
	_ =	sdelay $0x1  }
0x209: {  	v4 =	vadd.f32 v5, v4;
	_ =	sdelay $0x1  }
0x20a: {  	[tilespmem:s21+$0x0] =	vst v4  }
0x20b: {  	v4 =	vld [tilespmem:s18+$0x80]  }
0x20c: {  	v5 =	vld [tilespmem:s18+$0x90]  }
0x20d: {  	v6 =	vld [tilespmem:s18+$0xA0]  }
0x20e: {  	v7 =	vld [tilespmem:s18+$0xB0];
	_ =	sdelay $0x1  }
0x20f: {  	v4 =	vmul.f32 v4, v1  }
0x210: {  	v5 =	vmul.f32 v5, v0;
	_ =	sdelay $0x1  }
0x211: {  	v4 =	vadd.f32 v5, v4;
	v5 =	vmul.f32 v6, v2;
	_ =	sdelay $0x1  }
0x212: {  	v4 =	vadd.f32 v5, v4;
	v5 =	vmul.f32 v7, v3;
	_ =	sdelay $0x1  }
0x213: {  	v4 =	vadd.f32 v5, v4;
	_ =	sdelay $0x1  }
0x214: {  	[tilespmem:s21+$0x10] =	vst v4  }
0x215: {  	v4 =	vld [tilespmem:s18+$0x100]  }
0x216: {  	v5 =	vld [tilespmem:s18+$0x110]  }
0x217: {  	v6 =	vld [tilespmem:s18+$0x120]  }
0x218: {  	v7 =	vld [tilespmem:s18+$0x130];
	_ =	sdelay $0x1  }
0x219: {  	v4 =	vmul.f32 v4, v1  }
0x21a: {  	v5 =	vmul.f32 v5, v0;
	_ =	sdelay $0x1  }
0x21b: {  	v4 =	vadd.f32 v5, v4;
	v5 =	vmul.f32 v6, v2;
	_ =	sdelay $0x1  }
0x21c: {  	v4 =	vadd.f32 v5, v4;
	v5 =	vmul.f32 v7, v3;
	_ =	sdelay $0x1  }
0x21d: {  	v4 =	vadd.f32 v5, v4;
	_ =	sdelay $0x1  }
0x21e: {  	[tilespmem:s21+$0x20] =	vst v4  }
0x21f: {  	v4 =	vld [tilespmem:s18+$0x180]  }
0x220: {  	v5 =	vld [tilespmem:s18+$0x190]  }
0x221: {  	v6 =	vld [tilespmem:s18+$0x1A0]  }
0x222: {  	v7 =	vld [tilespmem:s18+$0x1B0];
	_ =	sdelay $0x1  }
0x223: {  	v4 =	vmul.f32 v4, v1  }
0x224: {  	v5 =	vmul.f32 v5, v0;
	_ =	sdelay $0x1  }
0x225: {  	v4 =	vadd.f32 v5, v4;
	v5 =	vmul.f32 v6, v2;
	_ =	sdelay $0x1  }
0x226: {  	v4 =	vadd.f32 v5, v4;
	v5 =	vmul.f32 v7, v3;
	_ =	sdelay $0x1  }
0x227: {  	v4 =	vadd.f32 v5, v4;
	_ =	sdelay $0x1  }
0x228: {  	[tilespmem:s21+$0x30] =	vst v4  }
0x229: {  	v4 =	vld [tilespmem:s18+$0x200]  }
0x22a: {  	v5 =	vld [tilespmem:s18+$0x210]  }
0x22b: {  	v6 =	vld [tilespmem:s18+$0x220]  }
0x22c: {  	v7 =	vld [tilespmem:s18+$0x230];
	_ =	sdelay $0x1  }
0x22d: {  	v4 =	vmul.f32 v4, v1  }
0x22e: {  	v5 =	vmul.f32 v5, v0;
	_ =	sdelay $0x1  }
0x22f: {  	v4 =	vadd.f32 v5, v4;
	v5 =	vmul.f32 v6, v2;
	_ =	sdelay $0x1  }
0x230: {  	v4 =	vadd.f32 v5, v4;
	v5 =	vmul.f32 v7, v3;
	_ =	sdelay $0x1  }
0x231: {  	v4 =	vadd.f32 v5, v4;
	_ =	sdelay $0x1  }
0x232: {  	[tilespmem:s21+$0x40] =	vst v4  }
0x233: {  	v4 =	vld [tilespmem:s18+$0x280]  }
0x234: {  	v5 =	vld [tilespmem:s18+$0x290]  }
0x235: {  	v6 =	vld [tilespmem:s18+$0x2A0]  }
0x236: {  	v7 =	vld [tilespmem:s18+$0x2B0];
	_ =	sdelay $0x1  }
0x237: {  	v4 =	vmul.f32 v4, v1  }
0x238: {  	v5 =	vmul.f32 v5, v0;
	_ =	sdelay $0x1  }
0x239: {  	v4 =	vadd.f32 v5, v4;
	v5 =	vmul.f32 v6, v2;
	_ =	sdelay $0x1  }
0x23a: {  	v4 =	vadd.f32 v5, v4;
	v5 =	vmul.f32 v7, v3;
	_ =	sdelay $0x1  }
0x23b: {  	v4 =	vadd.f32 v5, v4;
	_ =	sdelay $0x1  }
0x23c: {  	[tilespmem:s21+$0x50] =	vst v4  }
0x23d: {  	v4 =	vld [tilespmem:s18+$0x300]  }
0x23e: {  	v5 =	vld [tilespmem:s18+$0x310]  }
0x23f: {  	v6 =	vld [tilespmem:s18+$0x320]  }
0x240: {  	v7 =	vld [tilespmem:s18+$0x330];
	_ =	sdelay $0x1  }
0x241: {  	v4 =	vmul.f32 v4, v1  }
0x242: {  	v5 =	vmul.f32 v5, v0;
	_ =	sdelay $0x1  }
0x243: {  	v4 =	vadd.f32 v5, v4;
	v5 =	vmul.f32 v6, v2;
	_ =	sdelay $0x1  }
0x244: {  	v4 =	vadd.f32 v5, v4;
	v5 =	vmul.f32 v7, v3;
	_ =	sdelay $0x1  }
0x245: {  	v4 =	vadd.f32 v5, v4;
	_ =	sdelay $0x1  }
0x246: {  	[tilespmem:s6+$0x19100] =	vst v4  }
0x247: {  	v4 =	vld [tilespmem:s18+$0x380]  }
0x248: {  	v5 =	vld [tilespmem:s18+$0x390]  }
0x249: {  	v6 =	vld [tilespmem:s18+$0x3A0]  }
0x24a: {  	v7 =	vld [tilespmem:s18+$0x3B0];
	_ =	sdelay $0x1  }
0x24b: {  	v4 =	vmul.f32 v4, v1  }
0x24c: {  	v5 =	vmul.f32 v5, v0;
	_ =	sdelay $0x1  }
0x24d: {  	v4 =	vadd.f32 v5, v4;
	v5 =	vmul.f32 v6, v2;
	_ =	sdelay $0x1  }
0x24e: {  	v4 =	vadd.f32 v5, v4;
	v5 =	vmul.f32 v7, v3;
	_ =	sdelay $0x1  }
0x24f: {  	v4 =	vadd.f32 v5, v4;
	_ =	sdelay $0x1  }
0x250: {  	[tilespmem:s21+$0x70] =	vst v4  }
0x251: {  	v5 =	vld [tilespmem:s18+$0x400]  }
0x252: {  	v7 =	vld [tilespmem:s18+$0x410]  }
0x253: {  	v8 =	vld [tilespmem:s18+$0x420]  }
.Ltmp2:
0x254: {  	v4 =	vld [tilespmem:s18+$0x430];
	(pc) =	sbr.rel @p1 .LBB2_3-.Ltmp2, $4  }
0x255: {  	_ = 	snop  }
0x256: {  	v6 =	vmul.f32 v5, v1  }
0x257: {  	v7 =	vmul.f32 v7, v0  }
0x258: {  	v5 =	vmul.f32 v8, v2  }
0x259: {  	v6 =	vadd.f32 v7, v6;
	_ =	sdelay $0x1  }
0x25a: {  	v4 =	vmul.f32 v4, v3;
	v5 =	vadd.f32 v5, v6;
	_ =	sdelay $0x1  }
0x25b: {  	v4 =	vadd.f32 v4, v5;
	_ =	sdelay $0x1  }
0x25c: {  	[tilespmem:s23+$0x80] =	vst v4  }
0x25d: {  	v4 =	vld [tilespmem:s25+$0x480]  }
0x25e: {  	v5 =	vld [tilespmem:s25+$0x490];
	_ =	sdelay $0x1  }
0x25f: {  	v6 =	vld [tilespmem:s25+$0x4A0];
	_ =	sdelay $0x1  }
0x260: {  	v7 =	vld [tilespmem:s25+$0x4B0]  }
0x261: {  	v1 =	vmul.f32 v4, v1;
	v0 =	vmul.f32 v5, v0;
	_ =	sdelay $0x1  }
0x262: {  	v2 =	vmul.f32 v6, v2;
	v0 =	vadd.f32 v0, v1;
	_ =	sdelay $0x1  }
0x263: {  	s18 =	sshll.u32 s17, $0x4;
	v1 =	vmul.f32 v7, v3;
	v0 =	vadd.f32 v2, v0  }
0x264: {  	s6 =	sadd.s32 s8, s18  }
0x265: {  	s6 =	smul.u32 $0x28, s6;
	v0 =	vadd.f32 v1, v0  }
0x266: {  	p1 =	seq.s32 s17, $0x1F  }
0x267: {  	s7 =	smul.u32 @!p1 $0x140, s17;
	s6 =	sadd.s32 s5, s6;
	[tilespmem:s23+$0x90] =	vst v0  }
0x268: {  	[hbm4b:s6+s2] =	stream.linear.scatter [tilespmem:s30], [sflag:$0x5], $0xA00, $0x38;
	[tilespmem:$0x1A400] =	vst v63  }
0x269: {  	s11 =	simm.s32 @!p1 $0x80;
	s19 =	simm.s32 @!p1 $0x5000;
	s6 =	sadd.s32 @!p1 $0x140, s7  }
0x26a: {  	[tilespmem:s19], [sflag:$0x1] =	stream.indirect.gather @!p1 [hbm4b:s3+s11], $0x80, s6, s11, $0xb8;
	[tilespmem:$0x1A400] =	vst v63  }
0x26b: {  	s6 =	sadd.s32 @!p1 $0x2940, s7;
	s19 =	simm.s32 @!p1 $0xF000  }
0x26c: {  	[tilespmem:s19], [sflag:$0x3] =	stream.indirect.gather @!p1 [hbm4b:s4+s11], $0x80, s6, s11, $0xb8;
	[tilespmem:$0x1A400] =	vst v63  }
0x26d: {  	s6 =	sadd.s32 @!p1 $0x1C0, s7;
	s11 =	simm.s32 @!p1 $0x20;
	s19 =	simm.s32 @!p1 $0x9000  }
0x26e: {  	[tilespmem:s19], [sflag:$0x1] =	stream.indirect.gather @!p1 [hbm4b:s3+s11], $0x80, s6, s11, $0xb8;
	[tilespmem:$0x1A400] =	vst v63  }
0x26f: {  	s6 =	sadd.s32 @!p1 $0x29C0, s7;
	s7 =	simm.s32 @!p1 $0x13000  }
0x270: {  	[tilespmem:s7], [sflag:$0x3] =	stream.indirect.gather @!p1 [hbm4b:s4+s11], $0x80, s6, s11, $0xb8;
	[tilespmem:$0x1A400] =	vst v63  }
0x271: {  	_ =	swait.ge [sflag:s31], $0x4000  }
0x272: {  	[sflag:s31] =	ssyncset.done $0x0  }
0x273: {  	[sflag:s31] =	ssyncadd.s32 $0xFFFFC000  }
0x274: {  	_ =	swait.ge [sflag:s1], $0x4000  }
0x275: {  	[sflag:s1] =	ssyncset.done $0x0  }
0x276: {  	[sflag:s1] =	ssyncadd.s32 $0xFFFFC000  }
0x277: {  	_ =	swait.ge [sflag:s31], $0x1000  }
0x278: {  	[sflag:s31] =	ssyncset.done $0x0  }
0x279: {  	[sflag:s31] =	ssyncadd.s32 $0xFFFFF000  }
0x27a: {  	_ =	swait.ge [sflag:s1], $0x1000  }
0x27b: {  	[sflag:s1] =	ssyncset.done $0x0  }
0x27c: {  	s6 =	simm.s32 @!p0 $0x6;
	[sflag:s1] =	ssyncadd.s32 $0xFFFFF000  }
0x27d: {  	_ =	swait.ge @!p0 [sflag:s6], $0xA00  }
0x27e: {  	[sflag:s6] =	ssyncset.done @!p0 $0x0  }
0x27f: {  	s19 =	simm.s32 $0x14500;
	[sflag:s6] =	ssyncadd.s32 @!p0 $0xFFFFF600  }
0x280: {  	v3 =	vld [tilespmem:s19+$0xFFFFFB10]  }
0x281: {  	s21 =	simm.s32 $0xA500;
	v4 =	vld [tilespmem:s19+$0xFFFFFB00]  }
0x282: {  	v0 =	vld [tilespmem:s21+$0x420]  }
0x283: {  	v2 =	vld [tilespmem:s21+$0x3A0]  }
0x284: {  	v6 =	vld [tilespmem:s21+$0x320]  }
0x285: {  	v1 =	vld [tilespmem:s21+$0x3B0]  }
0x286: {  	v8 =	vld [tilespmem:s21+$0x2A0]  }
0x287: {  	v5 =	vld [tilespmem:s21+$0x330]  }
0x288: {  	v9 =	vld [tilespmem:s21+$0x220]  }
0x289: {  	v7 =	vld [tilespmem:s21+$0x2B0]  }
0x28a: {  	v10 =	vld [tilespmem:s21+$0x1A0]  }
0x28b: {  	v11 =	vld [tilespmem:s21+$0x230]  }
0x28c: {  	v12 =	vld [tilespmem:s21+$0xFFFFFFB0]  }
0x28d: {  	v13 =	vld [tilespmem:s21+$0x120]  }
0x28e: {  	v14 =	vld [tilespmem:s21+$0x1B0]  }
0x28f: {  	v15 =	vld [tilespmem:s21+$0x20]  }
0x290: {  	v16 =	vld [tilespmem:s21+$0xFFFFFFA0]  }
0x291: {  	v17 =	vld [tilespmem:s21+$0xA0]  }
0x292: {  	v18 =	vld [tilespmem:s21+$0x130]  }
0x293: {  	v19 =	vld [tilespmem:s21+$0xFFFFFF20]  }
0x294: {  	v20 =	vld [tilespmem:s21+$0xB0]  }
0x295: {  	v21 =	vld [tilespmem:s21+$0x30]  }
0x296: {  	v22 =	vld [tilespmem:s21+$0xFFFFFE30]  }
0x297: {  	v23 =	vld [tilespmem:s21+$0xFFFFFEA0]  }
0x298: {  	v24 =	vld [tilespmem:s21+$0xFFFFFF30]  }
0x299: {  	v25 =	vld [tilespmem:s21+$0xFFFFFEB0]  }
0x29a: {  	v26 =	vld [tilespmem:s21+$0xFFFFFE20]  }
0x29b: {  	v27 =	vld [tilespmem:s21+$0xFFFFFDA0]  }
0x29c: {  	v28 =	vld [tilespmem:s21+$0xFFFFFDB0]  }
0x29d: {  	v29 =	vld [tilespmem:s21+$0xFFFFFCA0]  }
0x29e: {  	v30 =	vld [tilespmem:s21+$0xFFFFFD30]  }
0x29f: {  	v31 =	vld [tilespmem:s21+$0xFFFFFCB0]  }
0x2a0: {  	v32 =	vld [tilespmem:s21+$0xFFFFFC30]  }
0x2a1: {  	v33 =	vld [tilespmem:s21+$0xFFFFFBB0]  }
0x2a2: {  	v34 =	vld [tilespmem:s21+$0xFFFFFB30]  }
0x2a3: {  	v35 =	vld [tilespmem:s21+$0xFFFFFD20]  }
0x2a4: {  	v36 =	vld [tilespmem:s21+$0xFFFFFC20]  }
0x2a5: {  	v37 =	vld [tilespmem:s21+$0xFFFFFBA0]  }
0x2a6: {  	v38 =	vld [tilespmem:s21+$0xFFFFFB20]  }
0x2a7: {  	v39 =	vld [tilespmem:s21+$0xFFFFFB00]  }
0x2a8: {  	v40 =	vld [tilespmem:s21+$0xFFFFFB90]  }
0x2a9: {  	v41 =	vld [tilespmem:s21+$0xFFFFFB10]  }
0x2aa: {  	v42 =	vld [tilespmem:s21+$0xFFFFFB80]  }
0x2ab: {  	v43 =	vld [tilespmem:s21+$0xFFFFFC10]  }
0x2ac: {  	v44 =	vld [tilespmem:s21+$0xFFFFFC00]  }
0x2ad: {  	v45 =	vld [tilespmem:s21+$0xFFFFFC90]  }
0x2ae: {  	v46 =	vld [tilespmem:s21+$0xFFFFFC80]  }
0x2af: {  	v60 =	vld [tilespmem:s21+$0xFFFFFD10];
	v40 =	vadd.f32 v40, v41;
	v39 =	vadd.f32 v42, v39  }
0x2b0: {  	v61 =	vld [tilespmem:s21+$0xFFFFFD00];
	v37 =	vadd.f32 v37, v38  }
0x2b1: {  	v62 =	vld [tilespmem:s21+$0xFFFFFD90];
	v40 =	vadd.f32 v43, v40;
	v39 =	vadd.f32 v44, v39  }
0x2b2: {  	v33 =	vadd.f32 v33, v34;
	v63 =	vadd.f32 v36, v37;
	v44 =	vld [tilespmem:s21+$0xFFFFFD80]  }
0x2b3: {  	v47 =	vld [tilespmem:s21+$0xFFFFFE10];
	v45 =	vadd.f32 v45, v40;
	v39 =	vadd.f32 v46, v39  }
0x2b4: {  	v48 =	vld [tilespmem:s21+$0xFFFFFE00];
	v32 =	vadd.f32 v32, v33;
	v29 =	vadd.f32 v29, v63  }
0x2b5: {  	v51 =	vld [tilespmem:s21+$0xFFFFFE90];
	v49 =	vadd.f32 v60, v45;
	v50 =	vadd.f32 v61, v39  }
0x2b6: {  	v52 =	vld [tilespmem:s21+$0xFFFFFE80];
	v31 =	vadd.f32 v31, v32;
	v29 =	vadd.f32 v35, v29  }
0x2b7: {  	v54 =	vld [tilespmem:s21+$0xFFFFFF10];
	v34 =	vadd.f32 v62, v49;
	v53 =	vadd.f32 v44, v50  }
0x2b8: {  	v55 =	vld [tilespmem:s21+$0xFFFFFF00];
	v30 =	vadd.f32 v30, v31;
	v27 =	vadd.f32 v27, v29  }
0x2b9: {  	v57 =	vld [tilespmem:s21+$0xFFFFFF90];
	v56 =	vadd.f32 v47, v34;
	v33 =	vadd.f32 v48, v53  }
0x2ba: {  	v58 =	vld [tilespmem:s21+$0xFFFFFF80];
	v28 =	vadd.f32 v28, v30;
	v26 =	vadd.f32 v26, v27  }
0x2bb: {  	v61 =	vld [tilespmem:s21+$0x10];
	v59 =	vadd.f32 v51, v56;
	v60 =	vadd.f32 v52, v33  }
0x2bc: {  	v62 =	vld [tilespmem:s21+$0x0];
	v22 =	vadd.f32 v22, v28;
	v23 =	vadd.f32 v23, v26  }
0x2bd: {  	v35 =	vld [tilespmem:s21+$0x80];
	v63 =	vadd.f32 v54, v59;
	v29 =	vadd.f32 v55, v60  }
0x2be: {  	v33 =	vld [tilespmem:s21+$0x90];
	v22 =	vadd.f32 v25, v22;
	v19 =	vadd.f32 v19, v23  }
0x2bf: {  	v38 =	vld [tilespmem:s21+$0x100];
	v36 =	vadd.f32 v57, v63;
	v27 =	vadd.f32 v58, v29  }
0x2c0: {  	v37 =	vld [tilespmem:s21+$0x110];
	v22 =	vadd.f32 v24, v22;
	v16 =	vadd.f32 v16, v19  }
0x2c1: {  	v41 =	vld [tilespmem:s21+$0x190];
	v39 =	vadd.f32 v61, v36;
	v40 =	vadd.f32 v62, v27  }
0x2c2: {  	v42 =	vld [tilespmem:s21+$0x180];
	v12 =	vadd.f32 v12, v22;
	v15 =	vadd.f32 v15, v16  }
0x2c3: {  	v45 =	vld [tilespmem:s21+$0x200];
	v43 =	vadd.f32 v33, v39;
	v23 =	vadd.f32 v35, v40  }
0x2c4: {  	v44 =	vld [tilespmem:s21+$0x210];
	v12 =	vadd.f32 v21, v12;
	v15 =	vadd.f32 v17, v15  }
0x2c5: {  	v47 =	vld [tilespmem:s21+$0x290];
	v46 =	vadd.f32 v37, v43;
	v19 =	vadd.f32 v38, v23  }
0x2c6: {  	v48 =	vld [tilespmem:s21+$0x280];
	v12 =	vadd.f32 v20, v12;
	v13 =	vadd.f32 v13, v15  }
0x2c7: {  	v50 =	vld [tilespmem:s21+$0x310];
	v49 =	vadd.f32 v41, v46;
	v16 =	vadd.f32 v42, v19  }
0x2c8: {  	v51 =	vld [tilespmem:s21+$0x300];
	v12 =	vadd.f32 v18, v12;
	v10 =	vadd.f32 v10, v13  }
0x2c9: {  	v53 =	vld [tilespmem:s21+$0x390];
	v52 =	vadd.f32 v44, v49;
	v16 =	vadd.f32 v45, v16  }
0x2ca: {  	v54 =	vld [tilespmem:s21+$0x380];
	v12 =	vadd.f32 v14, v12;
	v9 =	vadd.f32 v9, v10  }
0x2cb: {  	v56 =	vld [tilespmem:s21+$0x410];
	v55 =	vadd.f32 v47, v52;
	v15 =	vadd.f32 v48, v16  }
0x2cc: {  	v57 =	vld [tilespmem:s21+$0x400];
	v11 =	vadd.f32 v11, v12;
	v8 =	vadd.f32 v8, v9  }
0x2cd: {  	v59 =	vld [tilespmem:s21+$0x490];
	v58 =	vadd.f32 v50, v55;
	v13 =	vadd.f32 v51, v15  }
0x2ce: {  	v7 =	vadd.f32 v7, v11;
	v6 =	vadd.f32 v6, v8;
	v8 =	vld [tilespmem:s21+$0x480]  }
0x2cf: {  	v61 =	vld [tilespmem:s21+$0x430];
	v60 =	vadd.f32 v53, v58;
	v10 =	vadd.f32 v54, v13  }
0x2d0: {  	v5 =	vadd.f32 v5, v7;
	v2 =	vadd.f32 v2, v6;
	v6 =	vld [tilespmem:s21+$0x4A0]  }
0x2d1: {  	v63 =	vld [tilespmem:s21+$0x4B0];
	v7 =	vadd.f32 v56, v60;
	v9 =	vadd.f32 v57, v10  }
0x2d2: {  	v62 =	vld [tilespmem:s19+$0xFFFFFB20];
	v5 =	vadd.f32 v1, v5;
	v2 =	vadd.f32 v0, v2  }
0x2d3: {  	v1 =	vadd.f32 v8, v9;
	v0 =	vadd.f32 v59, v7  }
0x2d4: {  	v5 =	vadd.f32 v61, v5;
	v7 =	vld [tilespmem:s19+$0xFFFFFB30]  }
0x2d5: {  	v2 =	vadd.f32 v6, v2;
	v4 =	vmul.f32 v4, v1;
	v6 =	vmul.f32 v3, v0;
	_ =	sdelay $0x1  }
0x2d6: {  	v3 =	vadd.f32 v63, v5;
	v5 =	vmul.f32 v62, v2;
	v4 =	vadd.f32 v6, v4;
	_ =	sdelay $0x1  }
0x2d7: {  	v4 =	vadd.f32 v5, v4;
	v5 =	vmul.f32 v7, v3;
	_ =	sdelay $0x1  }
0x2d8: {  	v4 =	vadd.f32 v5, v4  }
0x2d9: {  	s23 =	simm.s32 $0x19AA0  }
0x2da: {  	[tilespmem:s23+$0xFFFFFF60] =	vst v4  }
0x2db: {  	v4 =	vld [tilespmem:s19+$0xFFFFFB80]  }
0x2dc: {  	v5 =	vld [tilespmem:s19+$0xFFFFFB90];
	_ =	sdelay $0x1  }
0x2dd: {  	v6 =	vld [tilespmem:s19+$0xFFFFFBA0];
	_ =	sdelay $0x1  }
0x2de: {  	v7 =	vld [tilespmem:s19+$0xFFFFFBB0]  }
0x2df: {  	v4 =	vmul.f32 v4, v1;
	v5 =	vmul.f32 v5, v0;
	_ =	sdelay $0x1  }
0x2e0: {  	v6 =	vmul.f32 v6, v2;
	v4 =	vadd.f32 v5, v4;
	_ =	sdelay $0x1  }
0x2e1: {  	v5 =	vmul.f32 v7, v3;
	v4 =	vadd.f32 v6, v4;
	_ =	sdelay $0x1  }
0x2e2: {  	v4 =	vadd.f32 v5, v4;
	_ =	sdelay $0x1  }
0x2e3: {  	[tilespmem:s23+$0xFFFFFF70] =	vst v4  }
0x2e4: {  	v4 =	vld [tilespmem:s19+$0xFFFFFC00]  }
0x2e5: {  	v5 =	vld [tilespmem:s19+$0xFFFFFC10];
	_ =	sdelay $0x1  }
0x2e6: {  	v6 =	vld [tilespmem:s19+$0xFFFFFC20];
	_ =	sdelay $0x1  }
0x2e7: {  	v7 =	vld [tilespmem:s19+$0xFFFFFC30]  }
0x2e8: {  	v4 =	vmul.f32 v4, v1;
	v5 =	vmul.f32 v5, v0;
	_ =	sdelay $0x1  }
0x2e9: {  	v6 =	vmul.f32 v6, v2;
	v4 =	vadd.f32 v5, v4;
	_ =	sdelay $0x1  }
0x2ea: {  	v5 =	vmul.f32 v7, v3;
	v4 =	vadd.f32 v6, v4;
	_ =	sdelay $0x1  }
0x2eb: {  	v4 =	vadd.f32 v5, v4;
	_ =	sdelay $0x1  }
0x2ec: {  	[tilespmem:s23+$0xFFFFFF80] =	vst v4  }
0x2ed: {  	v4 =	vld [tilespmem:s19+$0xFFFFFC80]  }
0x2ee: {  	v5 =	vld [tilespmem:s19+$0xFFFFFC90];
	_ =	sdelay $0x1  }
0x2ef: {  	v6 =	vld [tilespmem:s19+$0xFFFFFCA0];
	_ =	sdelay $0x1  }
0x2f0: {  	v7 =	vld [tilespmem:s19+$0xFFFFFCB0]  }
0x2f1: {  	v4 =	vmul.f32 v4, v1;
	v5 =	vmul.f32 v5, v0;
	_ =	sdelay $0x1  }
0x2f2: {  	v4 =	vadd.f32 v5, v4;
	v5 =	vmul.f32 v6, v2;
	_ =	sdelay $0x1  }
0x2f3: {  	v4 =	vadd.f32 v5, v4;
	v5 =	vmul.f32 v7, v3;
	_ =	sdelay $0x1  }
0x2f4: {  	v4 =	vadd.f32 v5, v4;
	_ =	sdelay $0x1  }
0x2f5: {  	[tilespmem:s23+$0xFFFFFF90] =	vst v4  }
0x2f6: {  	v4 =	vld [tilespmem:s19+$0xFFFFFD00]  }
0x2f7: {  	v5 =	vld [tilespmem:s19+$0xFFFFFD10];
	_ =	sdelay $0x1  }
0x2f8: {  	v6 =	vld [tilespmem:s19+$0xFFFFFD20];
	_ =	sdelay $0x1  }
0x2f9: {  	v7 =	vld [tilespmem:s19+$0xFFFFFD30]  }
0x2fa: {  	v4 =	vmul.f32 v4, v1;
	v5 =	vmul.f32 v5, v0;
	_ =	sdelay $0x1  }
0x2fb: {  	v4 =	vadd.f32 v5, v4;
	v5 =	vmul.f32 v6, v2;
	_ =	sdelay $0x1  }
0x2fc: {  	v4 =	vadd.f32 v5, v4;
	v5 =	vmul.f32 v7, v3;
	_ =	sdelay $0x1  }
0x2fd: {  	v4 =	vadd.f32 v5, v4;
	_ =	sdelay $0x1  }
0x2fe: {  	[tilespmem:s23+$0xFFFFFFA0] =	vst v4  }
0x2ff: {  	v4 =	vld [tilespmem:s19+$0xFFFFFD80]  }
0x300: {  	v5 =	vld [tilespmem:s19+$0xFFFFFD90];
	_ =	sdelay $0x1  }
0x301: {  	v6 =	vld [tilespmem:s19+$0xFFFFFDA0];
	_ =	sdelay $0x1  }
0x302: {  	v7 =	vld [tilespmem:s19+$0xFFFFFDB0]  }
0x303: {  	v4 =	vmul.f32 v4, v1;
	v5 =	vmul.f32 v5, v0;
	_ =	sdelay $0x1  }
0x304: {  	v6 =	vmul.f32 v6, v2;
	v4 =	vadd.f32 v5, v4;
	_ =	sdelay $0x1  }
0x305: {  	v5 =	vmul.f32 v7, v3;
	v4 =	vadd.f32 v6, v4;
	_ =	sdelay $0x1  }
0x306: {  	v4 =	vadd.f32 v5, v4;
	_ =	sdelay $0x1  }
0x307: {  	[tilespmem:s23+$0xFFFFFFB0] =	vst v4  }
0x308: {  	v4 =	vld [tilespmem:s19+$0xFFFFFE00]  }
0x309: {  	v5 =	vld [tilespmem:s19+$0xFFFFFE10];
	_ =	sdelay $0x1  }
0x30a: {  	v6 =	vld [tilespmem:s19+$0xFFFFFE20];
	_ =	sdelay $0x1  }
0x30b: {  	v7 =	vld [tilespmem:s19+$0xFFFFFE30]  }
0x30c: {  	v4 =	vmul.f32 v4, v1;
	v5 =	vmul.f32 v5, v0;
	_ =	sdelay $0x1  }
0x30d: {  	v4 =	vadd.f32 v5, v4;
	v5 =	vmul.f32 v6, v2;
	_ =	sdelay $0x1  }
0x30e: {  	v6 =	vmul.f32 v7, v3;
	v4 =	vadd.f32 v5, v4;
	_ =	sdelay $0x1  }
0x30f: {  	v4 =	vadd.f32 v6, v4;
	_ =	sdelay $0x1  }
0x310: {  	[tilespmem:s23+$0xFFFFFFC0] =	vst v4  }
0x311: {  	v4 =	vld [tilespmem:s19+$0xFFFFFE80]  }
0x312: {  	v5 =	vld [tilespmem:s19+$0xFFFFFE90];
	_ =	sdelay $0x1  }
0x313: {  	v6 =	vld [tilespmem:s19+$0xFFFFFEA0];
	_ =	sdelay $0x1  }
0x314: {  	v7 =	vld [tilespmem:s19+$0xFFFFFEB0]  }
0x315: {  	v4 =	vmul.f32 v4, v1;
	v5 =	vmul.f32 v5, v0;
	_ =	sdelay $0x1  }
0x316: {  	v4 =	vadd.f32 v5, v4;
	v5 =	vmul.f32 v6, v2;
	_ =	sdelay $0x1  }
0x317: {  	v4 =	vadd.f32 v5, v4;
	v5 =	vmul.f32 v7, v3;
	_ =	sdelay $0x1  }
0x318: {  	v4 =	vadd.f32 v5, v4;
	_ =	sdelay $0x1  }
0x319: {  	[tilespmem:s23+$0xFFFFFFD0] =	vst v4  }
0x31a: {  	v4 =	vld [tilespmem:s19+$0xFFFFFF00]  }
0x31b: {  	v5 =	vld [tilespmem:s19+$0xFFFFFF10];
	_ =	sdelay $0x1  }
0x31c: {  	v6 =	vld [tilespmem:s19+$0xFFFFFF20];
	_ =	sdelay $0x1  }
0x31d: {  	v7 =	vld [tilespmem:s19+$0xFFFFFF30]  }
0x31e: {  	v4 =	vmul.f32 v4, v1;
	v5 =	vmul.f32 v5, v0;
	_ =	sdelay $0x1  }
0x31f: {  	v4 =	vadd.f32 v5, v4;
	v5 =	vmul.f32 v6, v2;
	_ =	sdelay $0x1  }
0x320: {  	v4 =	vadd.f32 v5, v4;
	v5 =	vmul.f32 v7, v3;
	_ =	sdelay $0x1  }
0x321: {  	s25 =	simm.s32 $0x0;
	v4 =	vadd.f32 v5, v4  }
0x322: {  	s6 =	sand.u32 $0xFC0, s25  }
0x323: {  	[tilespmem:s6+$0x19A80] =	vst v4  }
0x324: {  	v4 =	vld [tilespmem:s19+$0xFFFFFF80]  }
0x325: {  	v5 =	vld [tilespmem:s19+$0xFFFFFF90];
	_ =	sdelay $0x1  }
0x326: {  	v6 =	vld [tilespmem:s19+$0xFFFFFFA0];
	_ =	sdelay $0x1  }
0x327: {  	v7 =	vld [tilespmem:s19+$0xFFFFFFB0]  }
0x328: {  	v4 =	vmul.f32 v4, v1;
	v5 =	vmul.f32 v5, v0;
	_ =	sdelay $0x1  }
0x329: {  	v4 =	vadd.f32 v5, v4;
	v5 =	vmul.f32 v6, v2;
	_ =	sdelay $0x1  }
0x32a: {  	v4 =	vadd.f32 v5, v4;
	v5 =	vmul.f32 v7, v3;
	_ =	sdelay $0x1  }
0x32b: {  	v4 =	vadd.f32 v5, v4;
	_ =	sdelay $0x1  }
0x32c: {  	[tilespmem:s23+$0xFFFFFFF0] =	vst v4  }
0x32d: {  	v4 =	vld [tilespmem:s19+$0x0]  }
0x32e: {  	v5 =	vld [tilespmem:s19+$0x10];
	_ =	sdelay $0x1  }
0x32f: {  	v6 =	vld [tilespmem:s19+$0x20];
	_ =	sdelay $0x1  }
0x330: {  	v7 =	vld [tilespmem:s19+$0x30]  }
0x331: {  	v4 =	vmul.f32 v4, v1;
	v5 =	vmul.f32 v5, v0;
	_ =	sdelay $0x1  }
0x332: {  	v4 =	vadd.f32 v5, v4;
	v5 =	vmul.f32 v6, v2;
	_ =	sdelay $0x1  }
0x333: {  	v4 =	vadd.f32 v5, v4;
	v5 =	vmul.f32 v7, v3;
	_ =	sdelay $0x1  }
0x334: {  	v4 =	vadd.f32 v5, v4;
	_ =	sdelay $0x1  }
0x335: {  	[tilespmem:s23+$0x0] =	vst v4  }
0x336: {  	v4 =	vld [tilespmem:s19+$0x80]  }
0x337: {  	v5 =	vld [tilespmem:s19+$0x90];
	_ =	sdelay $0x1  }
0x338: {  	v6 =	vld [tilespmem:s19+$0xA0];
	_ =	sdelay $0x1  }
0x339: {  	v7 =	vld [tilespmem:s19+$0xB0]  }
0x33a: {  	v4 =	vmul.f32 v4, v1;
	v5 =	vmul.f32 v5, v0;
	_ =	sdelay $0x1  }
0x33b: {  	v4 =	vadd.f32 v5, v4;
	v5 =	vmul.f32 v6, v2;
	_ =	sdelay $0x1  }
0x33c: {  	v4 =	vadd.f32 v5, v4;
	v5 =	vmul.f32 v7, v3;
	_ =	sdelay $0x1  }
0x33d: {  	v4 =	vadd.f32 v5, v4;
	_ =	sdelay $0x1  }
0x33e: {  	[tilespmem:s23+$0x10] =	vst v4  }
0x33f: {  	v4 =	vld [tilespmem:s19+$0x100]  }
0x340: {  	v5 =	vld [tilespmem:s19+$0x110];
	_ =	sdelay $0x1  }
0x341: {  	v6 =	vld [tilespmem:s19+$0x120];
	_ =	sdelay $0x1  }
0x342: {  	v7 =	vld [tilespmem:s19+$0x130]  }
0x343: {  	v4 =	vmul.f32 v4, v1;
	v5 =	vmul.f32 v5, v0;
	_ =	sdelay $0x1  }
0x344: {  	v4 =	vadd.f32 v5, v4;
	v5 =	vmul.f32 v6, v2;
	_ =	sdelay $0x1  }
0x345: {  	v4 =	vadd.f32 v5, v4;
	v5 =	vmul.f32 v7, v3;
	_ =	sdelay $0x1  }
0x346: {  	v4 =	vadd.f32 v5, v4;
	_ =	sdelay $0x1  }
0x347: {  	[tilespmem:s23+$0x20] =	vst v4  }
0x348: {  	v4 =	vld [tilespmem:s19+$0x180]  }
0x349: {  	v5 =	vld [tilespmem:s19+$0x190];
	_ =	sdelay $0x1  }
0x34a: {  	v6 =	vld [tilespmem:s19+$0x1A0];
	_ =	sdelay $0x1  }
0x34b: {  	v7 =	vld [tilespmem:s19+$0x1B0]  }
0x34c: {  	v4 =	vmul.f32 v4, v1;
	v5 =	vmul.f32 v5, v0;
	_ =	sdelay $0x1  }
0x34d: {  	v4 =	vadd.f32 v5, v4;
	v5 =	vmul.f32 v6, v2;
	_ =	sdelay $0x1  }
0x34e: {  	v4 =	vadd.f32 v5, v4;
	v5 =	vmul.f32 v7, v3;
	_ =	sdelay $0x1  }
0x34f: {  	v4 =	vadd.f32 v5, v4;
	_ =	sdelay $0x1  }
0x350: {  	[tilespmem:s23+$0x30] =	vst v4  }
0x351: {  	v4 =	vld [tilespmem:s19+$0x200]  }
0x352: {  	v5 =	vld [tilespmem:s19+$0x210];
	_ =	sdelay $0x1  }
0x353: {  	v6 =	vld [tilespmem:s19+$0x220];
	_ =	sdelay $0x1  }
0x354: {  	v7 =	vld [tilespmem:s19+$0x230]  }
0x355: {  	v4 =	vmul.f32 v4, v1;
	v5 =	vmul.f32 v5, v0;
	_ =	sdelay $0x1  }
0x356: {  	v4 =	vadd.f32 v5, v4;
	v5 =	vmul.f32 v6, v2;
	_ =	sdelay $0x1  }
0x357: {  	v4 =	vadd.f32 v5, v4;
	v5 =	vmul.f32 v7, v3;
	_ =	sdelay $0x1  }
0x358: {  	v4 =	vadd.f32 v5, v4;
	_ =	sdelay $0x1  }
0x359: {  	[tilespmem:s23+$0x40] =	vst v4  }
0x35a: {  	v4 =	vld [tilespmem:s19+$0x280]  }
0x35b: {  	v5 =	vld [tilespmem:s19+$0x290];
	_ =	sdelay $0x1  }
0x35c: {  	v6 =	vld [tilespmem:s19+$0x2A0];
	_ =	sdelay $0x1  }
0x35d: {  	v7 =	vld [tilespmem:s19+$0x2B0]  }
0x35e: {  	v4 =	vmul.f32 v4, v1;
	v5 =	vmul.f32 v5, v0;
	_ =	sdelay $0x1  }
0x35f: {  	v4 =	vadd.f32 v5, v4;
	v5 =	vmul.f32 v6, v2;
	_ =	sdelay $0x1  }
0x360: {  	v4 =	vadd.f32 v5, v4;
	v5 =	vmul.f32 v7, v3;
	_ =	sdelay $0x1  }
0x361: {  	v4 =	vadd.f32 v5, v4;
	_ =	sdelay $0x1  }
0x362: {  	[tilespmem:s23+$0x50] =	vst v4  }
0x363: {  	v4 =	vld [tilespmem:s19+$0x300]  }
0x364: {  	v5 =	vld [tilespmem:s19+$0x310];
	_ =	sdelay $0x1  }
0x365: {  	v6 =	vld [tilespmem:s19+$0x320];
	_ =	sdelay $0x1  }
0x366: {  	v7 =	vld [tilespmem:s19+$0x330]  }
0x367: {  	v4 =	vmul.f32 v4, v1;
	v5 =	vmul.f32 v5, v0;
	_ =	sdelay $0x1  }
0x368: {  	v4 =	vadd.f32 v5, v4;
	v5 =	vmul.f32 v6, v2;
	_ =	sdelay $0x1  }
0x369: {  	v4 =	vadd.f32 v5, v4;
	v5 =	vmul.f32 v7, v3;
	_ =	sdelay $0x1  }
0x36a: {  	v4 =	vadd.f32 v5, v4;
	_ =	sdelay $0x1  }
0x36b: {  	[tilespmem:s6+$0x19B00] =	vst v4  }
0x36c: {  	v4 =	vld [tilespmem:s19+$0x380]  }
0x36d: {  	v5 =	vld [tilespmem:s19+$0x390];
	_ =	sdelay $0x1  }
0x36e: {  	v6 =	vld [tilespmem:s19+$0x3A0];
	_ =	sdelay $0x1  }
0x36f: {  	v7 =	vld [tilespmem:s19+$0x3B0]  }
0x370: {  	v4 =	vmul.f32 v4, v1;
	v5 =	vmul.f32 v5, v0;
	_ =	sdelay $0x1  }
0x371: {  	v4 =	vadd.f32 v5, v4;
	v5 =	vmul.f32 v6, v2;
	_ =	sdelay $0x1  }
0x372: {  	v4 =	vadd.f32 v5, v4;
	v5 =	vmul.f32 v7, v3;
	_ =	sdelay $0x1  }
0x373: {  	v4 =	vadd.f32 v5, v4;
	_ =	sdelay $0x1  }
0x374: {  	[tilespmem:s23+$0x70] =	vst v4  }
0x375: {  	v4 =	vld [tilespmem:s19+$0x400]  }
0x376: {  	v5 =	vld [tilespmem:s19+$0x410]  }
0x377: {  	v8 =	vld [tilespmem:s19+$0x420];
	_ =	sdelay $0x2  }
0x378: {  	v6 =	vmul.f32 v4, v1;
	v4 =	vld [tilespmem:s19+$0x430]  }
0x379: {  	v7 =	vmul.f32 v5, v0  }
0x37a: {  	s11 =	simm.s32 $0x14500;
	s25 =	simm.s32 $0x19AA0;
	s6 =	simm.s32 $0x140;
	v5 =	vmul.f32 v8, v2  }
.LBB2_5:
0x37b: {  	v6 =	vadd.f32 v7, v6;
	s21 =	sadd.s32 $0xA00, s21;
	s19 =	sadd.s32 $0xA00, s19;
	s23 =	sadd.s32 $0x140, s23  }
0x37c: {  	p0 =	sne.s32 s6, $0x8C0;
	s7 =	smov.u32 s6;
	s6 =	sadd.s32 $0x140, s6  }
0x37d: {  	v4 =	vmul.f32 v4, v3;
	v5 =	vadd.f32 v5, v6;
	_ =	sdelay $0x1  }
0x37e: {  	v4 =	vadd.f32 v4, v5;
	_ =	sdelay $0x1  }
0x37f: {  	[tilespmem:s25+$0x80] =	vst v4  }
0x380: {  	v4 =	vld [tilespmem:s11+$0x480]  }
0x381: {  	v5 =	vld [tilespmem:s11+$0x490]  }
0x382: {  	v6 =	vld [tilespmem:s11+$0x4A0]  }
0x383: {  	v7 =	vld [tilespmem:s11+$0x4B0];
	s11 =	smov.u32 s19;
	_ =	sdelay $0x1  }
0x384: {  	v1 =	vmul.f32 v4, v1  }
0x385: {  	v0 =	vmul.f32 v5, v0  }
0x386: {  	v2 =	vmul.f32 v6, v2  }
0x387: {  	v0 =	vadd.f32 v0, v1  }
0x388: {  	v1 =	vmul.f32 v7, v3  }
0x389: {  	v0 =	vadd.f32 v2, v0;
	_ =	sdelay $0x1  }
0x38a: {  	v0 =	vadd.f32 v1, v0;
	_ =	sdelay $0x1  }
0x38b: {  	[tilespmem:s25+$0x90] =	vst v0;
	s25 =	smov.u32 s23  }
0x38c: {  	v3 =	vld [tilespmem:s19+$0xFFFFFB10]  }
0x38d: {  	v4 =	vld [tilespmem:s19+$0xFFFFFB00]  }
0x38e: {  	v0 =	vld [tilespmem:s21+$0x420]  }
0x38f: {  	v1 =	vld [tilespmem:s21+$0x3A0]  }
0x390: {  	v2 =	vld [tilespmem:s21+$0x320]  }
0x391: {  	v5 =	vld [tilespmem:s21+$0x3B0]  }
0x392: {  	v6 =	vld [tilespmem:s21+$0x2A0]  }
0x393: {  	v7 =	vld [tilespmem:s21+$0x330]  }
0x394: {  	v8 =	vld [tilespmem:s21+$0x220]  }
0x395: {  	v9 =	vld [tilespmem:s21+$0x2B0]  }
0x396: {  	v10 =	vld [tilespmem:s21+$0x1A0]  }
0x397: {  	v11 =	vld [tilespmem:s21+$0x230]  }
0x398: {  	v16 =	vld [tilespmem:s21+$0xFFFFFFB0]  }
0x399: {  	v12 =	vld [tilespmem:s21+$0x120]  }
0x39a: {  	v13 =	vld [tilespmem:s21+$0x1B0]  }
0x39b: {  	v15 =	vld [tilespmem:s21+$0x20]  }
0x39c: {  	v17 =	vld [tilespmem:s21+$0xFFFFFFA0]  }
0x39d: {  	v14 =	vld [tilespmem:s21+$0xA0]  }
0x39e: {  	v18 =	vld [tilespmem:s21+$0x130]  }
0x39f: {  	v19 =	vld [tilespmem:s21+$0xFFFFFF20]  }
0x3a0: {  	v20 =	vld [tilespmem:s21+$0xB0]  }
0x3a1: {  	v21 =	vld [tilespmem:s21+$0x30]  }
0x3a2: {  	v22 =	vld [tilespmem:s21+$0xFFFFFE30]  }
0x3a3: {  	v23 =	vld [tilespmem:s21+$0xFFFFFEA0]  }
0x3a4: {  	v24 =	vld [tilespmem:s21+$0xFFFFFF30]  }
0x3a5: {  	v25 =	vld [tilespmem:s21+$0xFFFFFEB0]  }
0x3a6: {  	v26 =	vld [tilespmem:s21+$0xFFFFFE20]  }
0x3a7: {  	v27 =	vld [tilespmem:s21+$0xFFFFFDA0]  }
0x3a8: {  	v28 =	vld [tilespmem:s21+$0xFFFFFDB0]  }
0x3a9: {  	v29 =	vld [tilespmem:s21+$0xFFFFFCA0]  }
0x3aa: {  	v30 =	vld [tilespmem:s21+$0xFFFFFD30]  }
0x3ab: {  	v31 =	vld [tilespmem:s21+$0xFFFFFCB0]  }
0x3ac: {  	v32 =	vld [tilespmem:s21+$0xFFFFFC30]  }
0x3ad: {  	v33 =	vld [tilespmem:s21+$0xFFFFFBB0]  }
0x3ae: {  	v34 =	vld [tilespmem:s21+$0xFFFFFB30]  }
0x3af: {  	v35 =	vld [tilespmem:s21+$0xFFFFFD20]  }
0x3b0: {  	v36 =	vld [tilespmem:s21+$0xFFFFFC20]  }
0x3b1: {  	v37 =	vld [tilespmem:s21+$0xFFFFFBA0]  }
0x3b2: {  	v38 =	vld [tilespmem:s21+$0xFFFFFB20]  }
0x3b3: {  	v39 =	vld [tilespmem:s21+$0xFFFFFB00];
	v33 =	vadd.f32 v33, v34  }
0x3b4: {  	v34 =	vld [tilespmem:s21+$0xFFFFFB90]  }
0x3b5: {  	v40 =	vld [tilespmem:s21+$0xFFFFFB10];
	v32 =	vadd.f32 v32, v33  }
0x3b6: {  	v33 =	vld [tilespmem:s21+$0xFFFFFB80]  }
0x3b7: {  	v41 =	vld [tilespmem:s21+$0xFFFFFC10];
	v37 =	vadd.f32 v37, v38;
	v31 =	vadd.f32 v31, v32  }
0x3b8: {  	v32 =	vld [tilespmem:s21+$0xFFFFFC00]  }
0x3b9: {  	v38 =	vld [tilespmem:s21+$0xFFFFFC90];
	v36 =	vadd.f32 v36, v37;
	v30 =	vadd.f32 v30, v31  }
0x3ba: {  	v31 =	vld [tilespmem:s21+$0xFFFFFC80];
	v34 =	vadd.f32 v34, v40  }
0x3bb: {  	v33 =	vadd.f32 v33, v39;
	v37 =	vld [tilespmem:s21+$0xFFFFFD10];
	v29 =	vadd.f32 v29, v36  }
0x3bc: {  	v28 =	vadd.f32 v28, v30;
	v36 =	vld [tilespmem:s21+$0xFFFFFD00];
	v34 =	vadd.f32 v41, v34  }
0x3bd: {  	v30 =	vadd.f32 v32, v33;
	v32 =	vld [tilespmem:s21+$0xFFFFFD90];
	v29 =	vadd.f32 v35, v29  }
0x3be: {  	v22 =	vadd.f32 v22, v28;
	v33 =	vld [tilespmem:s21+$0xFFFFFD80];
	v34 =	vadd.f32 v38, v34  }
0x3bf: {  	v28 =	vadd.f32 v31, v30;
	v30 =	vld [tilespmem:s21+$0xFFFFFE10];
	v27 =	vadd.f32 v27, v29  }
0x3c0: {  	v22 =	vadd.f32 v25, v22;
	v29 =	vld [tilespmem:s21+$0xFFFFFE00];
	v31 =	vadd.f32 v37, v34  }
0x3c1: {  	v25 =	vadd.f32 v36, v28;
	v28 =	vld [tilespmem:s21+$0xFFFFFE90];
	v26 =	vadd.f32 v26, v27  }
0x3c2: {  	v22 =	vadd.f32 v24, v22;
	v27 =	vld [tilespmem:s21+$0xFFFFFE80];
	v31 =	vadd.f32 v32, v31  }
0x3c3: {  	v24 =	vadd.f32 v33, v25;
	v25 =	vld [tilespmem:s21+$0xFFFFFF10];
	v23 =	vadd.f32 v23, v26  }
0x3c4: {  	v16 =	vadd.f32 v16, v22;
	v26 =	vld [tilespmem:s21+$0xFFFFFF00];
	v30 =	vadd.f32 v30, v31  }
0x3c5: {  	v22 =	vadd.f32 v29, v24;
	v24 =	vld [tilespmem:s21+$0xFFFFFF90];
	v19 =	vadd.f32 v19, v23  }
0x3c6: {  	v16 =	vadd.f32 v21, v16;
	v23 =	vld [tilespmem:s21+$0xFFFFFF80];
	v28 =	vadd.f32 v28, v30  }
0x3c7: {  	v21 =	vadd.f32 v27, v22;
	v22 =	vld [tilespmem:s21+$0x10];
	v17 =	vadd.f32 v17, v19  }
0x3c8: {  	v16 =	vadd.f32 v20, v16;
	v19 =	vld [tilespmem:s21+$0x0];
	v25 =	vadd.f32 v25, v28  }
0x3c9: {  	v20 =	vadd.f32 v26, v21;
	v21 =	vld [tilespmem:s21+$0x90];
	v15 =	vadd.f32 v15, v17  }
0x3ca: {  	v16 =	vadd.f32 v18, v16;
	v17 =	vld [tilespmem:s21+$0x80];
	v24 =	vadd.f32 v24, v25  }
0x3cb: {  	v18 =	vadd.f32 v23, v20;
	v20 =	vld [tilespmem:s21+$0x110];
	v14 =	vadd.f32 v14, v15  }
0x3cc: {  	v13 =	vadd.f32 v13, v16;
	v15 =	vld [tilespmem:s21+$0x100];
	v22 =	vadd.f32 v22, v24  }
0x3cd: {  	v16 =	vadd.f32 v19, v18;
	v18 =	vld [tilespmem:s21+$0x190];
	v12 =	vadd.f32 v12, v14  }
0x3ce: {  	v11 =	vadd.f32 v11, v13;
	v14 =	vld [tilespmem:s21+$0x180];
	v19 =	vadd.f32 v21, v22  }
0x3cf: {  	v13 =	vadd.f32 v17, v16;
	v16 =	vld [tilespmem:s21+$0x210];
	v10 =	vadd.f32 v10, v12  }
0x3d0: {  	v9 =	vadd.f32 v9, v11;
	v12 =	vld [tilespmem:s21+$0x200];
	v17 =	vadd.f32 v20, v19  }
0x3d1: {  	v11 =	vadd.f32 v15, v13;
	v13 =	vld [tilespmem:s21+$0x290];
	v8 =	vadd.f32 v8, v10  }
0x3d2: {  	v7 =	vadd.f32 v7, v9;
	v10 =	vld [tilespmem:s21+$0x280];
	v15 =	vadd.f32 v18, v17  }
0x3d3: {  	v9 =	vadd.f32 v14, v11;
	v11 =	vld [tilespmem:s21+$0x310];
	v6 =	vadd.f32 v6, v8  }
0x3d4: {  	v5 =	vadd.f32 v5, v7;
	v8 =	vld [tilespmem:s21+$0x300];
	v14 =	vadd.f32 v16, v15  }
0x3d5: {  	v7 =	vadd.f32 v12, v9;
	v9 =	vld [tilespmem:s21+$0x390];
	v2 =	vadd.f32 v2, v6  }
0x3d6: {  	v6 =	vld [tilespmem:s21+$0x380];
	v12 =	vadd.f32 v13, v14  }
0x3d7: {  	v7 =	vadd.f32 v10, v7;
	v10 =	vld [tilespmem:s21+$0x410];
	v1 =	vadd.f32 v1, v2  }
0x3d8: {  	v2 =	vld [tilespmem:s21+$0x400];
	v11 =	vadd.f32 v11, v12  }
0x3d9: {  	v7 =	vadd.f32 v8, v7;
	v8 =	vld [tilespmem:s21+$0x490];
	v12 =	vadd.f32 v0, v1  }
0x3da: {  	v0 =	vld [tilespmem:s21+$0x480];
	v1 =	vadd.f32 v9, v11  }
0x3db: {  	v6 =	vadd.f32 v6, v7;
	v7 =	vld [tilespmem:s21+$0x430]  }
0x3dc: {  	v9 =	vadd.f32 v10, v1;
	v10 =	vld [tilespmem:s21+$0x4A0]  }
0x3dd: {  	v1 =	vadd.f32 v2, v6;
	v6 =	vld [tilespmem:s19+$0xFFFFFB20]  }
0x3de: {  	v11 =	vld [tilespmem:s21+$0x4B0]  }
0x3df: {  	v1 =	vadd.f32 v0, v1;
	v0 =	vadd.f32 v8, v9  }
0x3e0: {  	v5 =	vadd.f32 v7, v5;
	v7 =	vld [tilespmem:s19+$0xFFFFFB30]  }
0x3e1: {  	v2 =	vadd.f32 v10, v12;
	v4 =	vmul.f32 v4, v1;
	v8 =	vmul.f32 v3, v0;
	_ =	sdelay $0x1  }
0x3e2: {  	v3 =	vadd.f32 v11, v5;
	v4 =	vadd.f32 v8, v4;
	v5 =	vmul.f32 v6, v2;
	_ =	sdelay $0x1  }
0x3e3: {  	v4 =	vadd.f32 v5, v4;
	v5 =	vmul.f32 v7, v3;
	_ =	sdelay $0x1  }
0x3e4: {  	v4 =	vadd.f32 v5, v4;
	_ =	sdelay $0x1  }
0x3e5: {  	[tilespmem:s23+$0xFFFFFF60] =	vst v4  }
0x3e6: {  	v4 =	vld [tilespmem:s19+$0xFFFFFB80]  }
0x3e7: {  	v5 =	vld [tilespmem:s19+$0xFFFFFB90]  }
0x3e8: {  	v6 =	vld [tilespmem:s19+$0xFFFFFBA0];
	_ =	sdelay $0x1  }
0x3e9: {  	v7 =	vld [tilespmem:s19+$0xFFFFFBB0]  }
0x3ea: {  	v4 =	vmul.f32 v4, v1  }
0x3eb: {  	v5 =	vmul.f32 v5, v0  }
0x3ec: {  	v6 =	vmul.f32 v6, v2  }
0x3ed: {  	v4 =	vadd.f32 v5, v4  }
0x3ee: {  	v5 =	vmul.f32 v7, v3  }
0x3ef: {  	v4 =	vadd.f32 v6, v4;
	_ =	sdelay $0x1  }
0x3f0: {  	v4 =	vadd.f32 v5, v4;
	_ =	sdelay $0x1  }
0x3f1: {  	[tilespmem:s23+$0xFFFFFF70] =	vst v4  }
0x3f2: {  	v4 =	vld [tilespmem:s19+$0xFFFFFC20]  }
0x3f3: {  	v5 =	vld [tilespmem:s19+$0xFFFFFC00]  }
0x3f4: {  	v6 =	vld [tilespmem:s19+$0xFFFFFC10];
	_ =	sdelay $0x3  }
0x3f5: {  	v4 =	vmul.f32 v4, v2;
	v5 =	vmul.f32 v5, v1;
	v7 =	vld [tilespmem:s19+$0xFFFFFC30]  }
0x3f6: {  	v6 =	vmul.f32 v6, v0;
	_ =	sdelay $0x1  }
0x3f7: {  	v5 =	vadd.f32 v6, v5;
	_ =	sdelay $0x1  }
0x3f8: {  	v4 =	vadd.f32 v4, v5;
	v5 =	vmul.f32 v7, v3;
	_ =	sdelay $0x1  }
0x3f9: {  	v4 =	vadd.f32 v5, v4;
	_ =	sdelay $0x1  }
0x3fa: {  	[tilespmem:s23+$0xFFFFFF80] =	vst v4  }
0x3fb: {  	v4 =	vld [tilespmem:s19+$0xFFFFFC80]  }
0x3fc: {  	v5 =	vld [tilespmem:s19+$0xFFFFFC90];
	_ =	sdelay $0x1  }
0x3fd: {  	v6 =	vld [tilespmem:s19+$0xFFFFFCA0];
	_ =	sdelay $0x1  }
0x3fe: {  	v4 =	vmul.f32 v4, v1;
	v7 =	vld [tilespmem:s19+$0xFFFFFCB0]  }
0x3ff: {  	v5 =	vmul.f32 v5, v0;
	_ =	sdelay $0x1  }
0x400: {  	v4 =	vadd.f32 v5, v4;
	v5 =	vmul.f32 v6, v2;
	_ =	sdelay $0x1  }
0x401: {  	v4 =	vadd.f32 v5, v4;
	v5 =	vmul.f32 v7, v3;
	_ =	sdelay $0x1  }
0x402: {  	v4 =	vadd.f32 v5, v4;
	_ =	sdelay $0x1  }
0x403: {  	[tilespmem:s23+$0xFFFFFF90] =	vst v4  }
0x404: {  	v4 =	vld [tilespmem:s19+$0xFFFFFD00]  }
0x405: {  	v5 =	vld [tilespmem:s19+$0xFFFFFD10]  }
0x406: {  	v6 =	vld [tilespmem:s19+$0xFFFFFD20]  }
0x407: {  	v7 =	vld [tilespmem:s19+$0xFFFFFD30];
	_ =	sdelay $0x1  }
0x408: {  	v4 =	vmul.f32 v4, v1  }
0x409: {  	v5 =	vmul.f32 v5, v0;
	_ =	sdelay $0x1  }
0x40a: {  	v4 =	vadd.f32 v5, v4;
	v5 =	vmul.f32 v6, v2;
	_ =	sdelay $0x1  }
0x40b: {  	v4 =	vadd.f32 v5, v4;
	v5 =	vmul.f32 v7, v3;
	_ =	sdelay $0x1  }
0x40c: {  	v4 =	vadd.f32 v5, v4;
	_ =	sdelay $0x1  }
0x40d: {  	[tilespmem:s23+$0xFFFFFFA0] =	vst v4  }
0x40e: {  	v4 =	vld [tilespmem:s19+$0xFFFFFD80]  }
0x40f: {  	v5 =	vld [tilespmem:s19+$0xFFFFFD90]  }
0x410: {  	v6 =	vld [tilespmem:s19+$0xFFFFFDA0]  }
0x411: {  	v7 =	vld [tilespmem:s19+$0xFFFFFDB0];
	_ =	sdelay $0x1  }
0x412: {  	v4 =	vmul.f32 v4, v1  }
0x413: {  	v5 =	vmul.f32 v5, v0  }
0x414: {  	v6 =	vmul.f32 v6, v2  }
0x415: {  	v4 =	vadd.f32 v5, v4  }
0x416: {  	v5 =	vmul.f32 v7, v3  }
0x417: {  	v4 =	vadd.f32 v6, v4;
	_ =	sdelay $0x1  }
0x418: {  	v4 =	vadd.f32 v5, v4;
	_ =	sdelay $0x1  }
0x419: {  	[tilespmem:s23+$0xFFFFFFB0] =	vst v4  }
0x41a: {  	v4 =	vld [tilespmem:s19+$0xFFFFFE30]  }
0x41b: {  	v5 =	vld [tilespmem:s19+$0xFFFFFE00]  }
0x41c: {  	v6 =	vld [tilespmem:s19+$0xFFFFFE10]  }
0x41d: {  	v7 =	vld [tilespmem:s19+$0xFFFFFE20];
	_ =	sdelay $0x1  }
0x41e: {  	v4 =	vmul.f32 v4, v3  }
0x41f: {  	v5 =	vmul.f32 v5, v1  }
0x420: {  	v6 =	vmul.f32 v6, v0;
	_ =	sdelay $0x1  }
0x421: {  	v5 =	vadd.f32 v6, v5;
	v6 =	vmul.f32 v7, v2;
	_ =	sdelay $0x1  }
0x422: {  	v5 =	vadd.f32 v6, v5;
	_ =	sdelay $0x1  }
0x423: {  	v4 =	vadd.f32 v4, v5;
	_ =	sdelay $0x1  }
0x424: {  	[tilespmem:s23+$0xFFFFFFC0] =	vst v4  }
0x425: {  	v4 =	vld [tilespmem:s19+$0xFFFFFE80]  }
0x426: {  	v5 =	vld [tilespmem:s19+$0xFFFFFE90]  }
0x427: {  	v6 =	vld [tilespmem:s19+$0xFFFFFEA0]  }
0x428: {  	v7 =	vld [tilespmem:s19+$0xFFFFFEB0];
	_ =	sdelay $0x1  }
0x429: {  	v4 =	vmul.f32 v4, v1  }
0x42a: {  	v5 =	vmul.f32 v5, v0;
	_ =	sdelay $0x1  }
0x42b: {  	v4 =	vadd.f32 v5, v4;
	v5 =	vmul.f32 v6, v2;
	_ =	sdelay $0x1  }
0x42c: {  	v4 =	vadd.f32 v5, v4;
	v5 =	vmul.f32 v7, v3;
	_ =	sdelay $0x1  }
0x42d: {  	v4 =	vadd.f32 v5, v4;
	_ =	sdelay $0x1  }
0x42e: {  	[tilespmem:s23+$0xFFFFFFD0] =	vst v4  }
0x42f: {  	v4 =	vld [tilespmem:s19+$0xFFFFFF00]  }
0x430: {  	v5 =	vld [tilespmem:s19+$0xFFFFFF10]  }
0x431: {  	v6 =	vld [tilespmem:s19+$0xFFFFFF20]  }
0x432: {  	v7 =	vld [tilespmem:s19+$0xFFFFFF30];
	_ =	sdelay $0x1  }
0x433: {  	v4 =	vmul.f32 v4, v1  }
0x434: {  	v5 =	vmul.f32 v5, v0;
	_ =	sdelay $0x1  }
0x435: {  	v4 =	vadd.f32 v5, v4;
	v5 =	vmul.f32 v6, v2;
	_ =	sdelay $0x1  }
0x436: {  	v4 =	vadd.f32 v5, v4;
	v5 =	vmul.f32 v7, v3;
	_ =	sdelay $0x1  }
0x437: {  	v4 =	vadd.f32 v5, v4  }
0x438: {  	s7 =	sand.u32 $0xFC0, s7  }
0x439: {  	[tilespmem:s7+$0x19A80] =	vst v4  }
0x43a: {  	v4 =	vld [tilespmem:s19+$0xFFFFFF80]  }
0x43b: {  	v5 =	vld [tilespmem:s19+$0xFFFFFF90]  }
0x43c: {  	v6 =	vld [tilespmem:s19+$0xFFFFFFA0]  }
0x43d: {  	v7 =	vld [tilespmem:s19+$0xFFFFFFB0];
	_ =	sdelay $0x1  }
0x43e: {  	v4 =	vmul.f32 v4, v1  }
0x43f: {  	v5 =	vmul.f32 v5, v0;
	_ =	sdelay $0x1  }
0x440: {  	v4 =	vadd.f32 v5, v4;
	v5 =	vmul.f32 v6, v2;
	_ =	sdelay $0x1  }
0x441: {  	v4 =	vadd.f32 v5, v4;
	v5 =	vmul.f32 v7, v3;
	_ =	sdelay $0x1  }
0x442: {  	v4 =	vadd.f32 v5, v4;
	_ =	sdelay $0x1  }
0x443: {  	[tilespmem:s23+$0xFFFFFFF0] =	vst v4  }
0x444: {  	v4 =	vld [tilespmem:s19+$0x0]  }
0x445: {  	v5 =	vld [tilespmem:s19+$0x10]  }
0x446: {  	v6 =	vld [tilespmem:s19+$0x20]  }
0x447: {  	v7 =	vld [tilespmem:s19+$0x30];
	_ =	sdelay $0x1  }
0x448: {  	v4 =	vmul.f32 v4, v1  }
0x449: {  	v5 =	vmul.f32 v5, v0;
	_ =	sdelay $0x1  }
0x44a: {  	v4 =	vadd.f32 v5, v4;
	v5 =	vmul.f32 v6, v2;
	_ =	sdelay $0x1  }
0x44b: {  	v4 =	vadd.f32 v5, v4;
	v5 =	vmul.f32 v7, v3;
	_ =	sdelay $0x1  }
0x44c: {  	v4 =	vadd.f32 v5, v4;
	_ =	sdelay $0x1  }
0x44d: {  	[tilespmem:s23+$0x0] =	vst v4  }
0x44e: {  	v4 =	vld [tilespmem:s19+$0x80]  }
0x44f: {  	v5 =	vld [tilespmem:s19+$0x90]  }
0x450: {  	v6 =	vld [tilespmem:s19+$0xA0]  }
0x451: {  	v7 =	vld [tilespmem:s19+$0xB0];
	_ =	sdelay $0x1  }
0x452: {  	v4 =	vmul.f32 v4, v1  }
0x453: {  	v5 =	vmul.f32 v5, v0;
	_ =	sdelay $0x1  }
0x454: {  	v4 =	vadd.f32 v5, v4;
	v5 =	vmul.f32 v6, v2;
	_ =	sdelay $0x1  }
0x455: {  	v4 =	vadd.f32 v5, v4;
	v5 =	vmul.f32 v7, v3;
	_ =	sdelay $0x1  }
0x456: {  	v4 =	vadd.f32 v5, v4;
	_ =	sdelay $0x1  }
0x457: {  	[tilespmem:s23+$0x10] =	vst v4  }
0x458: {  	v4 =	vld [tilespmem:s19+$0x100]  }
0x459: {  	v5 =	vld [tilespmem:s19+$0x110]  }
0x45a: {  	v6 =	vld [tilespmem:s19+$0x120]  }
0x45b: {  	v7 =	vld [tilespmem:s19+$0x130];
	_ =	sdelay $0x1  }
0x45c: {  	v4 =	vmul.f32 v4, v1  }
0x45d: {  	v5 =	vmul.f32 v5, v0;
	_ =	sdelay $0x1  }
0x45e: {  	v4 =	vadd.f32 v5, v4;
	v5 =	vmul.f32 v6, v2;
	_ =	sdelay $0x1  }
0x45f: {  	v4 =	vadd.f32 v5, v4;
	v5 =	vmul.f32 v7, v3;
	_ =	sdelay $0x1  }
0x460: {  	v4 =	vadd.f32 v5, v4;
	_ =	sdelay $0x1  }
0x461: {  	[tilespmem:s23+$0x20] =	vst v4  }
0x462: {  	v4 =	vld [tilespmem:s19+$0x180]  }
0x463: {  	v5 =	vld [tilespmem:s19+$0x190]  }
0x464: {  	v6 =	vld [tilespmem:s19+$0x1A0]  }
0x465: {  	v7 =	vld [tilespmem:s19+$0x1B0];
	_ =	sdelay $0x1  }
0x466: {  	v4 =	vmul.f32 v4, v1  }
0x467: {  	v5 =	vmul.f32 v5, v0;
	_ =	sdelay $0x1  }
0x468: {  	v4 =	vadd.f32 v5, v4;
	v5 =	vmul.f32 v6, v2;
	_ =	sdelay $0x1  }
0x469: {  	v4 =	vadd.f32 v5, v4;
	v5 =	vmul.f32 v7, v3;
	_ =	sdelay $0x1  }
0x46a: {  	v4 =	vadd.f32 v5, v4;
	_ =	sdelay $0x1  }
0x46b: {  	[tilespmem:s23+$0x30] =	vst v4  }
0x46c: {  	v4 =	vld [tilespmem:s19+$0x200]  }
0x46d: {  	v5 =	vld [tilespmem:s19+$0x210]  }
0x46e: {  	v6 =	vld [tilespmem:s19+$0x220]  }
0x46f: {  	v7 =	vld [tilespmem:s19+$0x230];
	_ =	sdelay $0x1  }
0x470: {  	v4 =	vmul.f32 v4, v1  }
0x471: {  	v5 =	vmul.f32 v5, v0;
	_ =	sdelay $0x1  }
0x472: {  	v4 =	vadd.f32 v5, v4;
	v5 =	vmul.f32 v6, v2;
	_ =	sdelay $0x1  }
0x473: {  	v4 =	vadd.f32 v5, v4;
	v5 =	vmul.f32 v7, v3;
	_ =	sdelay $0x1  }
0x474: {  	v4 =	vadd.f32 v5, v4;
	_ =	sdelay $0x1  }
0x475: {  	[tilespmem:s23+$0x40] =	vst v4  }
0x476: {  	v4 =	vld [tilespmem:s19+$0x280]  }
0x477: {  	v5 =	vld [tilespmem:s19+$0x290]  }
0x478: {  	v6 =	vld [tilespmem:s19+$0x2A0]  }
0x479: {  	v7 =	vld [tilespmem:s19+$0x2B0];
	_ =	sdelay $0x1  }
0x47a: {  	v4 =	vmul.f32 v4, v1  }
0x47b: {  	v5 =	vmul.f32 v5, v0;
	_ =	sdelay $0x1  }
0x47c: {  	v4 =	vadd.f32 v5, v4;
	v5 =	vmul.f32 v6, v2;
	_ =	sdelay $0x1  }
0x47d: {  	v4 =	vadd.f32 v5, v4;
	v5 =	vmul.f32 v7, v3;
	_ =	sdelay $0x1  }
0x47e: {  	v4 =	vadd.f32 v5, v4;
	_ =	sdelay $0x1  }
0x47f: {  	[tilespmem:s23+$0x50] =	vst v4  }
0x480: {  	v4 =	vld [tilespmem:s19+$0x300]  }
0x481: {  	v5 =	vld [tilespmem:s19+$0x310]  }
0x482: {  	v6 =	vld [tilespmem:s19+$0x320]  }
0x483: {  	v7 =	vld [tilespmem:s19+$0x330];
	_ =	sdelay $0x1  }
0x484: {  	v4 =	vmul.f32 v4, v1  }
0x485: {  	v5 =	vmul.f32 v5, v0;
	_ =	sdelay $0x1  }
0x486: {  	v4 =	vadd.f32 v5, v4;
	v5 =	vmul.f32 v6, v2;
	_ =	sdelay $0x1  }
0x487: {  	v4 =	vadd.f32 v5, v4;
	v5 =	vmul.f32 v7, v3;
	_ =	sdelay $0x1  }
0x488: {  	v4 =	vadd.f32 v5, v4;
	_ =	sdelay $0x1  }
0x489: {  	[tilespmem:s7+$0x19B00] =	vst v4  }
0x48a: {  	v4 =	vld [tilespmem:s19+$0x380]  }
0x48b: {  	v5 =	vld [tilespmem:s19+$0x390]  }
0x48c: {  	v6 =	vld [tilespmem:s19+$0x3A0]  }
0x48d: {  	v7 =	vld [tilespmem:s19+$0x3B0];
	_ =	sdelay $0x1  }
0x48e: {  	v4 =	vmul.f32 v4, v1  }
0x48f: {  	v5 =	vmul.f32 v5, v0;
	_ =	sdelay $0x1  }
0x490: {  	v4 =	vadd.f32 v5, v4;
	v5 =	vmul.f32 v6, v2;
	_ =	sdelay $0x1  }
0x491: {  	v4 =	vadd.f32 v5, v4;
	v5 =	vmul.f32 v7, v3;
	_ =	sdelay $0x1  }
0x492: {  	v4 =	vadd.f32 v5, v4;
	_ =	sdelay $0x1  }
0x493: {  	[tilespmem:s23+$0x70] =	vst v4  }
0x494: {  	v5 =	vld [tilespmem:s19+$0x400]  }
0x495: {  	v7 =	vld [tilespmem:s19+$0x410]  }
0x496: {  	v8 =	vld [tilespmem:s19+$0x420]  }
.Ltmp3:
0x497: {  	v4 =	vld [tilespmem:s19+$0x430];
	(pc) =	sbr.rel @p0 .LBB2_5-.Ltmp3, $4  }
0x498: {  	_ = 	snop  }
0x499: {  	v6 =	vmul.f32 v5, v1  }
0x49a: {  	v7 =	vmul.f32 v7, v0  }
0x49b: {  	v5 =	vmul.f32 v8, v2  }
0x49c: {  	v6 =	vadd.f32 v7, v6;
	_ =	sdelay $0x1  }
0x49d: {  	v4 =	vmul.f32 v4, v3;
	v5 =	vadd.f32 v5, v6;
	_ =	sdelay $0x1  }
0x49e: {  	v4 =	vadd.f32 v4, v5;
	_ =	sdelay $0x1  }
0x49f: {  	[tilespmem:s25+$0x80] =	vst v4  }
0x4a0: {  	v4 =	vld [tilespmem:s11+$0x480]  }
0x4a1: {  	v60 =	vld [tilespmem:s11+$0x490];
	_ =	sdelay $0x1  }
0x4a2: {  	v61 =	vld [tilespmem:s11+$0x4A0];
	_ =	sdelay $0x1  }
0x4a3: {  	v62 =	vld [tilespmem:s11+$0x4B0]  }
0x4a4: {  	v1 =	vmul.f32 v4, v1;
	v0 =	vmul.f32 v60, v0;
	_ =	sdelay $0x1  }
0x4a5: {  	v2 =	vmul.f32 v61, v2;
	v0 =	vadd.f32 v0, v1  }
0x4a6: {  	s6 =	sadd.s32 s18, s8  }
0x4a7: {  	s6 =	smul.u32 $0x28, s6;
	v63 =	vmul.f32 v62, v3;
	v0 =	vadd.f32 v2, v0  }
.Ltmp4:
0x4a8: {  	_ = 	snop;
	(pc) =	sbr.rel @p1 .LBB2_8-.Ltmp4, $4  }
0x4a9: {  	v0 =	vadd.f32 v63, v0  }
0x4aa: {  	s6 =	sadd.s32 s5, s6  }
0x4ab: {  	s6 =	sadd.s32 $0x140, s6;
	[tilespmem:s25+$0x90] =	vst v0  }
0x4ac: {  	[hbm4b:s6+s2] =	stream.linear.scatter [tilespmem:s0], [sflag:$0x6], $0xA00, $0x38;
	[tilespmem:$0x1A400] =	vst v63  }
0x4ad: {  	s6 =	smul.u32 $0x140, s17;
	_ =	sdelay $0x1  }
0x4ae: {  	s7 =	sadd.s32 $0x1E0, s6  }
0x4af: {  	[tilespmem:s20], [sflag:$0x2] =	stream.indirect.gather [hbm4b:s3+s12], $0x80, s7, s12, $0xb8;
	[tilespmem:$0x1A400] =	vst v63  }
0x4b0: {  	s23 =	sadd.s32 $0x29E0, s6  }
0x4b1: {  	[tilespmem:s22], [sflag:$0x4] =	stream.indirect.gather [hbm4b:s4+s12], $0x80, s23, s12, $0xb8;
	[tilespmem:$0x1A400] =	vst v63  }
.Ltmp5:
0x4b2: {  	_ = 	snop;
	(pc) =	sbr.rel .LBB2_2-.Ltmp5, $4  }
0x4b3: {  	s25 =	sadd.s32 $0x260, s6  }
0x4b4: {  	[tilespmem:s24], [sflag:$0x2] =	stream.indirect.gather [hbm4b:s3+s15], $0x80, s25, s15, $0xb8;
	[tilespmem:$0x1A400] =	vst v63  }
0x4b5: {  	s17 =	sadd.s32 $0x1, s17;
	s6 =	sadd.s32 $0x2A60, s6  }
0x4b6: {  	[tilespmem:s26], [sflag:$0x4] =	stream.indirect.gather [hbm4b:s4+s15], $0x80, s6, s15, $0xb8;
	[tilespmem:$0x1A400] =	vst v63  }
.LBB2_9:
0x4b7: {  	_ =	sfence.sel $0x180000  }
0x4b8: {  	[bflag:$0x0] =	sbarrier.arrive $0xFFFF  }
0x4b9: {  	_ =	strace $0x90000047  }
0x4ba: {  	s0 =	stileid.u32;
	[bflag:$0x2] =	sbarrier.arrive $0xFFFF  }
0x4bb: {  	p0 =	sne.s32 s0, $0x0;
	s0 =	rddreg [dreg:$0x2]  }
0x4bc: {  	s0 =	sadd.s32 @!p0 $0x100000, s0  }
0x4bd: {  	[sflag:s0] =	ssyncadd.tile.s32 @!p0 $0x1;
	_ =	shalt  }
.Lfunc_end2:
_tile_overlayer_lowered:
.L_overlay_start_2:
0x4be: {  	(tag) =	ssettag $0x2  }
0x4bf: {  	s0 =	rddreg [dreg:$0x0];
	s2 =	stileid.u32  }
0x4c0: {  	s1 =	rddreg [dreg:$0x1];
	p0 =	sne.s32 s2, $0x0  }
0x4c1: {  	s3 =	rddreg [dreg:$0x2];
	[bflag:$0x3] =	sbarrier.arrive $0xFFFF;
	s2 =	simm.s32 @!p0 $0x1C07  }
0x4c2: {  	[timem:s3], [sflag:s2] =	dma.local @!p0 [hbm:s0], s1  }
0x4c3: {  	s0 =	simm.s32 @!p0 $0x7  }
0x4c4: {  	_ =	swait.ge @!p0 [sflag:s0], s1  }
0x4c5: {  	s1 =	ssub.s32 @!p0 $0x0, s1;
	[sflag:s0] =	ssyncset.done @!p0 $0x0  }
0x4c6: {  	[sflag:s0] =	ssyncadd.s32 @!p0 s1  }
0x4c7: {  	[bflag:$0x3] =	sbarrier.arrive $0xFFFF  }
0x4c8: {  	_ =	shalt  }

</sc_bundles>
